<compile_context>
chip_gen: v7x
topology: tpu7x:2x2x1
jax: 0.10.2.dev20260603
libtpu: 0.0.44.dev20260713+nightly
codegen_flags: <defaults>
</compile_context>

<pallas_src>
import functools

import jax
import jax.numpy as jnp
import numpy as np
from jax import lax
from jax.experimental import pallas as pl
from jax.experimental.pallas import tpu as pltpu
from jax.experimental.pallas import tpu_sc as plsc

N_NODES = 10000
N_EDGES = 320000
D = 128
S_DIM = 64
HID = 128
SH_DIM = 9
NUM_BESSEL = 8
R_MAX = 10.0
LAMBDA_ATTN = 0.5
MASTER_RATE = 0.1
KV = 8
DK = 32

_M = int(np.ceil(MASTER_RATE * N_NODES))
_MP = 1024


def _lin_body(x_ref, w_ref, b_ref, o_ref, *, act):
    y = jnp.dot(x_ref[...], w_ref[...], preferred_element_type=jnp.float32)
    y = y + b_ref[...]
    if act == "tanh":
        y = jnp.tanh(y)
    elif act == "relu":
        y = jnp.maximum(y, 0.0)
    o_ref[...] = y


def _lin(x, w, b=None, act=None, block_rows=512):
    n, k = x.shape
    c = w.shape[1]
    if b is None:
        b = jnp.zeros((c,), jnp.float32)
    npad = ((n + block_rows - 1) // block_rows) * block_rows
    if npad != n:
        x = jnp.pad(x, ((0, npad - n), (0, 0)))
    out = pl.pallas_call(
        functools.partial(_lin_body, act=act),
        grid=(npad // block_rows,),
        in_specs=[
            pl.BlockSpec((block_rows, k), lambda i: (i, 0)),
            pl.BlockSpec((k, c), lambda i: (0, 0)),
            pl.BlockSpec((1, c), lambda i: (0, 0)),
        ],
        out_specs=pl.BlockSpec((block_rows, c), lambda i: (i, 0)),
        out_shape=jax.ShapeDtypeStruct((npad, c), jnp.float32),
    )(x, w, b.reshape(1, c))
    return out[:n]


def _geom_terms(vx, vy, vz, wsh_ref, wf1_ref, bf1_ref, wf2_ref, bf2_ref):
    n2 = vx * vx + vy * vy + vz * vz
    n = jnp.sqrt(n2)
    inv = 1.0 / (n + 1e-8)
    x = vx * inv
    y = vy * inv
    z = vz * inv
    sh = jnp.concatenate([
        0.28209479 * jnp.ones_like(x),
        0.48860251 * y, 0.48860251 * z, 0.48860251 * x,
        1.09254843 * (x * y), 1.09254843 * (y * z),
        0.31539157 * (3.0 * z * z - 1.0),
        1.09254843 * (x * z), 0.54627422 * (x * x - y * y)], axis=1)
    shW = jnp.dot(sh, wsh_ref[...], preferred_element_type=jnp.float32)
    u = jnp.clip(n / R_MAX, 0.0, 1.0)
    u2 = u * u
    u3 = u2 * u
    u6 = u3 * u3
    u7 = u6 * u
    u8 = u7 * u
    f = 1.0 - 28.0 * u6 + 48.0 * u7 - 21.0 * u8
    nv = (jax.lax.broadcasted_iota(jnp.int32, (1, NUM_BESSEL), 1) + 1
          ).astype(jnp.float32)
    arg = (nv * np.float32(np.pi)) * n / R_MAX
    two_pi = 2.0 * np.pi
    tp_hi = np.float32(two_pi)
    tp_lo = np.float32(two_pi - np.float64(tp_hi))
    nn = jnp.round(arg * np.float32(1.0 / two_pi))
    red = (arg - nn * tp_hi) - nn * tp_lo
    bess = np.float32(np.sqrt(2.0 / R_MAX)) * jnp.sin(red) / (n + 1e-8)
    feats = bess * f
    hid = jnp.dot(feats, wf1_ref[...], preferred_element_type=jnp.float32)
    hid = jnp.maximum(hid + bf1_ref[...], 0.0)
    w = jnp.dot(hid, wf2_ref[...], preferred_element_type=jnp.float32)
    w = w + bf2_ref[...]
    return shW, w


def _edge_body(ps_ref, pd_ref, hws_ref, wsh_ref, wf1_ref, bf1_ref, wf2_ref,
               bf2_ref, msg_ref):
    vx = ps_ref[:, 0:1] - pd_ref[:, 0:1]
    vy = ps_ref[:, 1:2] - pd_ref[:, 1:2]
    vz = ps_ref[:, 2:3] - pd_ref[:, 2:3]
    shW, w = _geom_terms(vx, vy, vz, wsh_ref, wf1_ref, bf1_ref, wf2_ref,
                         bf2_ref)
    msg_ref[...] = hws_ref[...] * shW * w


def _edge_msgs(ps, pd, hws, Wsh, Wf1, bf1, Wf2, bf2, block=3200):
    e = ps.shape[0]
    assert e % block == 0
    return pl.pallas_call(
        _edge_body,
        grid=(e // block,),
        in_specs=[
            pl.BlockSpec((block, 3), lambda i: (i, 0)),
            pl.BlockSpec((block, 3), lambda i: (i, 0)),
            pl.BlockSpec((block, D), lambda i: (i, 0)),
            pl.BlockSpec((SH_DIM, D), lambda i: (0, 0)),
            pl.BlockSpec((NUM_BESSEL, 64), lambda i: (0, 0)),
            pl.BlockSpec((1, 64), lambda i: (0, 0)),
            pl.BlockSpec((64, D), lambda i: (0, 0)),
            pl.BlockSpec((1, D), lambda i: (0, 0)),
        ],
        out_specs=pl.BlockSpec((block, D), lambda i: (i, 0)),
        out_shape=jax.ShapeDtypeStruct((e, D), jnp.float32),
    )(ps, pd, hws, Wsh, Wf1, bf1.reshape(1, 64), Wf2, bf2.reshape(1, D))


def _pair_body(posj_ref, posi_ref, hw_ref, wt_ref, wsh_ref, wf1_ref, bf1_ref,
               wf2_ref, bf2_ref, out_ref, *, ichunk):
    @pl.when(pl.program_id(0) == 0)
    def _init():
        out_ref[...] = jnp.zeros_like(out_ref)

    acc = out_ref[...]
    pjx = posj_ref[:, 0:1]
    pjy = posj_ref[:, 1:2]
    pjz = posj_ref[:, 2:3]
    for c in range(ichunk):
        vx = posi_ref[c:c + 1, 0:1] - pjx
        vy = posi_ref[c:c + 1, 1:2] - pjy
        vz = posi_ref[c:c + 1, 2:3] - pjz
        shW, w = _geom_terms(vx, vy, vz, wsh_ref, wf1_ref, bf1_ref, wf2_ref,
                             bf2_ref)
        msg = (hw_ref[c:c + 1, :] * shW) * w
        acc = acc + wt_ref[0, :, c:c + 1] * msg
    out_ref[...] = acc


def _pair_conv(pos_m, hw2m, wmask_t, Wsh, Wf1, bf1, Wf2, bf2, ichunk=8):
    return pl.pallas_call(
        functools.partial(_pair_body, ichunk=ichunk),
        grid=(_MP // ichunk,),
        in_specs=[
            pl.BlockSpec((_MP, 3), lambda i: (0, 0)),
            pl.BlockSpec((ichunk, 3), lambda i: (i, 0)),
            pl.BlockSpec((ichunk, D), lambda i: (i, 0)),
            pl.BlockSpec((1, _MP, ichunk), lambda i: (i, 0, 0)),
            pl.BlockSpec((SH_DIM, D), lambda i: (0, 0)),
            pl.BlockSpec((NUM_BESSEL, 64), lambda i: (0, 0)),
            pl.BlockSpec((1, 64), lambda i: (0, 0)),
            pl.BlockSpec((64, D), lambda i: (0, 0)),
            pl.BlockSpec((1, D), lambda i: (0, 0)),
        ],
        out_specs=pl.BlockSpec((_MP, D), lambda i: (0, 0)),
        out_shape=jax.ShapeDtypeStruct((_MP, D), jnp.float32),
    )(pos_m, pos_m, hw2m, wmask_t, Wsh, Wf1, bf1.reshape(1, 64), Wf2,
      bf2.reshape(1, D))


_NW = 32
_ROWS_W = 80
_ACC = _M * _M + 1024


def _adj_sc(src3, dst3, nm_ext, zeros_acc, ones128):
    mesh = plsc.VectorSubcoreMesh(core_axis_name="c", subcore_axis_name="s")

    @functools.partial(
        pl.kernel, mesh=mesh,
        out_type=jax.ShapeDtypeStruct((2, _ACC), jnp.float32),
        scratch_types=[
            pltpu.VMEM((_ROWS_W, 128), jnp.int32),
            pltpu.VMEM((_ROWS_W, 128), jnp.int32),
            pltpu.VMEM((128,), jnp.int32),
            pltpu.VMEM((128,), jnp.int32),
            pltpu.VMEM((128,), jnp.int32),
            pltpu.VMEM((128,), jnp.float32),
            pltpu.VMEM_SHARED((_ACC,), jnp.float32),
        ],
    )
    def k(src_hbm, dst_hbm, nm_hbm, zero_hbm, one_hbm, out_hbm,
          src_v, dst_v, nms_r, nmd_r, f_r, ones_v, acc_sh):
        cid = lax.axis_index("c")
        sid = lax.axis_index("s")
        wid = sid * 2 + cid
        pltpu.sync_copy(src_hbm.at[wid], src_v)
        pltpu.sync_copy(dst_hbm.at[wid], dst_v)
        pltpu.sync_copy(one_hbm, ones_v)

        @pl.when(sid == 0)
        def _zero():
            pltpu.sync_copy(zero_hbm, acc_sh)

        plsc.subcore_barrier()

        def body(j, carry):
            pltpu.sync_copy(nm_hbm.at[src_v.at[j]], nms_r)
            pltpu.sync_copy(nm_hbm.at[dst_v.at[j]], nmd_r)
            for c in range(8):
                s16 = nms_r[pl.ds(c * 16, 16)]
                d16 = nmd_r[pl.ds(c * 16, 16)]
                valid = (s16 >= 0) & (d16 >= 0)
                tr = (_M * _M
                      + ((j * 128 + c * 16 + lax.iota(jnp.int32, 16)) & 1023))
                f_r[pl.ds(c * 16, 16)] = jnp.where(
                    valid, s16 * _M + d16, tr)
            pltpu.sync_copy(ones_v, acc_sh.at[f_r], add=True)
            return carry

        lax.fori_loop(0, _ROWS_W, body, 0)
        plsc.subcore_barrier()

        @pl.when(sid == 0)
        def _out():
            pltpu.sync_copy(acc_sh, out_hbm.at[cid])

    return k(src3, dst3, nm_ext, zeros_acc, ones128)


def _thresh_body(a_ref, t_ref):
    a = a_ref[...]
    bits = jax.lax.bitcast_convert_type(a, jnp.int32)
    rows = a.shape[0]
    lo = jnp.zeros((rows, 1), jnp.int32)
    hi = jnp.full((rows, 1), 0x3F800001, jnp.int32)

    def body(_, carry):
        lo, hi = carry
        mid = (lo + hi + 1) >> 1
        cnt = jnp.sum((bits >= mid).astype(jnp.float32), axis=1,
                      keepdims=True)
        ok = cnt >= float(KV)
        lo = jnp.where(ok, mid, lo)
        hi = jnp.where(ok, hi, mid - 1)
        return lo, hi

    lo, hi = jax.lax.fori_loop(0, 31, body, (lo, hi))
    t_ref[...] = jax.lax.bitcast_convert_type(lo, jnp.float32)


def _row_thresh(attn, rows=200):
    ap = jnp.pad(attn, ((0, 0), (0, _MP - _M)), constant_values=-1.0)
    return pl.pallas_call(
        _thresh_body,
        grid=(_M // rows,),
        in_specs=[pl.BlockSpec((rows, _MP), lambda i: (i, 0))],
        out_specs=pl.BlockSpec((rows, 1), lambda i: (i, 0)),
        out_shape=jax.ShapeDtypeStruct((_M, 1), jnp.float32),
    )(ap)


def kernel(h, pos, edge_index, Wh, Wsh, Wf1, bf1, Wf2, bf2, Wm1, bm1, Wm2,
           bm2, Wq, Wk):
    N = h.shape[0]
    src, dst = edge_index[0], edge_index[1]

    hW = _lin(h, Wh)
    ps = jnp.take(pos, src, axis=0)
    pd = jnp.take(pos, dst, axis=0)
    hws = jnp.take(hW, src, axis=0)
    msg = _edge_msgs(ps, pd, hws, Wsh, Wf1, bf1, Wf2, bf2)
    out = jax.ops.segment_sum(msg, dst, num_segments=N)
    deg = jax.ops.segment_sum(jnp.ones((N_EDGES,), jnp.float32), dst,
                              num_segments=N)
    h_local = out / (deg[:, None] + 1.0) + h

    h_scalar = h_local[:, :S_DIM]
    t1 = _lin(h_scalar, Wm1, bm1, act="tanh")
    wm2p = jnp.pad(Wm2, ((0, 0), (0, 127)))
    s = _lin(t1, wm2p, jnp.pad(bm2, (0, 127)))[:, 0]
    k = _M
    _, idx = jax.lax.top_k(s, k)
    mask = jnp.zeros((N,), s.dtype).at[idx].set(1.0)
    m = 0.5 * jax.nn.sigmoid(s) + 0.5 * mask
    master_mask = m > 0.5
    master_indices = jnp.where(master_mask, size=_M)[0]

    nm_ext = jnp.full((N + 8,), -1, jnp.int32).at[master_indices].set(
        jnp.arange(_M, dtype=jnp.int32))
    ep = _NW * _ROWS_W * 128
    src3 = jnp.pad(src.astype(jnp.int32), (0, ep - N_EDGES),
                   constant_values=N).reshape(_NW, _ROWS_W, 128)
    dst3 = jnp.pad(dst.astype(jnp.int32), (0, ep - N_EDGES),
                   constant_values=N).reshape(_NW, _ROWS_W, 128)
    acc = _adj_sc(src3, dst3, nm_ext, jnp.zeros((_ACC,), jnp.float32),
                  jnp.ones((128,), jnp.float32))
    adj = (acc[0] + acc[1])[:_M * _M].reshape(_M, _M)

    h_master = h_local[master_indices]
    pos_master = pos[master_indices]

    hs_m = h_master[:, :S_DIM]
    q = _lin(hs_m, Wq, block_rows=256)
    kk = _lin(hs_m, Wk, block_rows=256)
    att_logits = _lin(q, kk.T, block_rows=256)
    attn = jax.nn.sigmoid(att_logits / jnp.sqrt(float(DK)))
    thresh = _row_thresh(attn)
    amask = (attn >= thresh).astype(attn.dtype)
    A_virtual = LAMBDA_ATTN * attn * amask + (1.0 - LAMBDA_ATTN) * adj

    ii = jnp.arange(_M, dtype=jnp.int32)
    B = ((A_virtual != 0) | (A_virtual.T != 0)) & (ii[:, None] != ii[None, :])
    wmask = adj + B.astype(h.dtype)

    pos_mp = jnp.pad(pos_master, ((0, _MP - _M), (0, 0)))
    hw2m = _lin(h_master, Wh, block_rows=256)
    hw2mp = jnp.pad(hw2m, ((0, _MP - _M), (0, 0)))
    wmask_p = jnp.pad(wmask, ((0, _MP - _M), (0, _MP - _M)))
    wmask_tp = wmask_p.reshape(_MP // 8, 8, _MP).transpose(0, 2, 1)
    out_m = _pair_conv(pos_mp, hw2mp, wmask_tp, Wsh, Wf1, bf1, Wf2, bf2)[:_M]
    deg_m = wmask.sum(axis=0)
    h_hier = out_m / (deg_m[:, None] + 1.0) + h_master

    h_exp = jnp.zeros_like(h_local).at[master_indices].set(h_hier)
    mh = m[:, None]
    h_final = (1.0 - mh) * h_local + mh * h_exp
    return (h_final, pos, A_virtual, m)

# --- scband reference (transcript-rebuilt; emitter-appended) ---
"""Pipeline reference for scband-hmplayer-2826088481279 (READ-ONLY COPY).

The authoritative reference and input builder live on the scoring server;
editing this copy changes nothing except your own understanding.
"""

import jax, jax.numpy as jnp
import numpy as np

N_NODES = 10000
N_EDGES = 320000
D = 128
S_DIM = 64
HID = 128
SH_DIM = 9
NUM_BESSEL = 8
R_MAX = 10.0
LAMBDA_ATTN = 0.5
MASTER_RATE = 0.1
KV = 8
DK = 32

def _sph(v):
    n = jnp.linalg.norm(v, axis=-1, keepdims=True)
    u = v / (n + 1e-8)
    x, y, z = u[:, 0], u[:, 1], u[:, 2]
    return jnp.stack([
        0.28209479 * jnp.ones_like(x),
        0.48860251 * y, 0.48860251 * z, 0.48860251 * x,
        1.09254843 * x * y, 1.09254843 * y * z,
        0.31539157 * (3.0 * z * z - 1.0),
        1.09254843 * x * z, 0.54627422 * (x * x - y * y)], axis=-1)

def _radial(lengths):
    r = lengths
    nv = jnp.arange(1, NUM_BESSEL + 1, dtype=jnp.float32)
    bess = jnp.sqrt(2.0 / R_MAX) * jnp.sin(nv * jnp.pi * r / R_MAX) / (r + 1e-8)
    u = jnp.clip(r / R_MAX, 0.0, 1.0)
    p = 6.0
    f = 1.0 - ((p + 1) * (p + 2) / 2.0) * u ** p + p * (p + 2) * u ** (p + 1) - (p * (p + 1) / 2.0) * u ** (p + 2)
    return bess * f

def _conv(h, edge_index, edge_sh, edge_feats, Wh, Wsh, Wf1, bf1, Wf2, bf2, num_nodes):
    src, dst = edge_index[0], edge_index[1]
    w = jax.nn.relu(edge_feats @ Wf1 + bf1) @ Wf2 + bf2
    msg = (h[src] @ Wh) * (edge_sh @ Wsh) * w
    out = jax.ops.segment_sum(msg, dst, num_segments=num_nodes)
    deg = jax.ops.segment_sum(jnp.ones(src.shape[0], dtype=jnp.float32), dst, num_segments=num_nodes)
    return out / (deg[:, None] + 1.0)

def _conv_masked(h, src, dst, edge_sh, edge_feats, Wh, Wsh, Wf1, bf1, Wf2, bf2, edge_w, num_nodes):
    w = jax.nn.relu(edge_feats @ Wf1 + bf1) @ Wf2 + bf2
    msg = (h[src] @ Wh) * (edge_sh @ Wsh) * w * edge_w[:, None]
    out = jax.ops.segment_sum(msg, dst, num_segments=num_nodes)
    deg = jax.ops.segment_sum(edge_w, dst, num_segments=num_nodes)
    return out / (deg[:, None] + 1.0)

def _master_select(hs, Wm1, bm1, Wm2, bm2):
    s = (jnp.tanh(hs @ Wm1 + bm1) @ Wm2 + bm2)[:, 0]
    k = int(np.ceil(MASTER_RATE * hs.shape[0]))
    _, idx = jax.lax.top_k(s, k)
    mask = jnp.zeros(hs.shape[0], dtype=s.dtype).at[idx].set(1.0)
    return 0.5 * jax.nn.sigmoid(s) + 0.5 * mask

def _virtual(hm, adj, Wq, Wk):
    q = hm @ Wq
    kk = hm @ Wk
    attn = jax.nn.sigmoid(q @ kk.T / jnp.sqrt(float(DK)))
    kv_vals, _ = jax.lax.top_k(attn, KV)
    thresh = kv_vals[:, -1:]
    mask = (attn >= thresh).astype(attn.dtype)
    return LAMBDA_ATTN * attn * mask + (1.0 - LAMBDA_ATTN) * adj

def setup_inputs(seed: int = 0):
    key = jax.random.key(seed)
    ks = jax.random.split(key, 16)
    h = jax.random.normal(ks[0], (N_NODES, D), dtype=jnp.float32)
    pos = jax.random.normal(ks[1], (N_NODES, 3), dtype=jnp.float32) * 3.0
    edge_index = jax.random.randint(ks[2], (2, N_EDGES), 0, N_NODES)
    Wh = jax.random.normal(ks[3], (D, D), dtype=jnp.float32) / np.sqrt(D)
    Wsh = jax.random.normal(ks[4], (SH_DIM, D), dtype=jnp.float32) / np.sqrt(SH_DIM)
    Wf1 = jax.random.normal(ks[5], (NUM_BESSEL, 64), dtype=jnp.float32) / np.sqrt(NUM_BESSEL)
    bf1 = jnp.zeros((64,), dtype=jnp.float32)
    Wf2 = jax.random.normal(ks[6], (64, D), dtype=jnp.float32) / np.sqrt(64.0)
    bf2 = jnp.zeros((D,), dtype=jnp.float32)
    Wm1 = jax.random.normal(ks[7], (S_DIM, HID), dtype=jnp.float32) / np.sqrt(S_DIM)
    bm1 = jnp.zeros((HID,), dtype=jnp.float32)
    Wm2 = jax.random.normal(ks[8], (HID, 1), dtype=jnp.float32) / np.sqrt(HID)
    bm2 = jnp.zeros((1,), dtype=jnp.float32)
    Wq = jax.random.normal(ks[9], (S_DIM, DK), dtype=jnp.float32) / np.sqrt(S_DIM)
    Wk = jax.random.normal(ks[10], (S_DIM, DK), dtype=jnp.float32) / np.sqrt(S_DIM)
    return {"h": h, "pos": pos, "edge_index": edge_index, "Wh": Wh, "Wsh": Wsh, "Wf1": Wf1, "bf1": bf1, "Wf2": Wf2, "bf2": bf2, "Wm1": Wm1, "bm1": bm1, "Wm2": Wm2, "bm2": bm2, "Wq": Wq, "Wk": Wk}

def reference(h, pos, edge_index, Wh, Wsh, Wf1, bf1, Wf2, bf2, Wm1, bm1, Wm2, bm2, Wq, Wk):
    N = h.shape[0]
    vectors = pos[edge_index[0]] - pos[edge_index[1]]
    lengths = jnp.linalg.norm(vectors, axis=-1, keepdims=True)
    edge_sh = _sph(vectors)
    edge_feats = _radial(lengths)
    h_update = _conv(h, edge_index, edge_sh, edge_feats, Wh, Wsh, Wf1, bf1, Wf2, bf2, N)
    h_local = h_update + h
    h_scalar = h_local[:, :S_DIM]
    m = _master_select(h_scalar, Wm1, bm1, Wm2, bm2)
    master_mask = m > 0.5
    M = int(np.ceil(MASTER_RATE * N))
    master_indices = jnp.where(master_mask, size=M)[0]
    if M <= 1:
        return (h_local, pos, jnp.zeros((0, 0), dtype=h.dtype), m)
    node_map = jnp.full((N,), -1, dtype=jnp.int32).at[master_indices].set(jnp.arange(M, dtype=jnp.int32))
    emask = master_mask[edge_index[0]] & master_mask[edge_index[1]]
    ew = emask.astype(h.dtype)
    src_i = jnp.where(emask, node_map[edge_index[0]], 0)
    dst_i = jnp.where(emask, node_map[edge_index[1]], 0)
    adj = jnp.zeros((M, M), dtype=h.dtype).at[src_i, dst_i].add(ew)
    h_master = h_local[master_indices]
    pos_master = pos[master_indices]
    A_virtual = _virtual(h_master[:, :S_DIM], adj, Wq, Wk)
    ii = jnp.arange(M, dtype=jnp.int32)
    B = ((A_virtual != 0) | (A_virtual.T != 0)) & (ii[:, None] != ii[None, :])
    src_v = jnp.repeat(ii, M)
    dst_v = jnp.tile(ii, M)
    wv = B.reshape(-1).astype(h.dtype)
    src_m = jnp.concatenate([src_i, src_v])
    dst_m = jnp.concatenate([dst_i, dst_v])
    w_m = jnp.concatenate([ew, wv])
    vectors_m = pos_master[src_m] - pos_master[dst_m]
    lengths_m = jnp.linalg.norm(vectors_m, axis=-1, keepdims=True)
    sh_m = _sph(vectors_m)
    feats_m = _radial(lengths_m)
    h_mu = _conv_masked(h_master, src_m, dst_m, sh_m, feats_m, Wh, Wsh, Wf1, bf1, Wf2, bf2, w_m, M)
    h_hier = h_mu + h_master
    h_exp = jnp.zeros_like(h_local).at[master_indices].set(h_hier)
    mh = m[:, None]
    h_final = (1.0 - mh) * h_local + mh * h_exp
    return (h_final, pos, A_virtual, m)

if __name__ == "__main__":
    import jax
    _d = setup_inputs()
    print(jax.jit(kernel)(*tuple(_d.values())))

</pallas_src>

<mosaic_0001>
#map = affine_map<(d0, d1) -> (0, 0, 0)>
#map1 = affine_map<(d0, d1) -> (0)>
#map2 = affine_map<(d0, d1) -> (0, 0)>
module attributes {stable_mosaic.version = 14 : i64} {
  func.func @k(%arg0: i32, %arg1: i32, %arg2: memref<32x80x128xi32, #tpu.memory_space<hbm>>, %arg3: memref<32x80x128xi32, #tpu.memory_space<hbm>>, %arg4: memref<10008xi32, #tpu.memory_space<hbm>>, %arg5: memref<1001024xf32, #tpu.memory_space<hbm>>, %arg6: memref<128xf32, #tpu.memory_space<hbm>>, %arg7: memref<2x1001024xf32, #tpu.memory_space<hbm>>, %arg8: memref<80x128xi32, #tpu.memory_space<vmem>>, %arg9: memref<80x128xi32, #tpu.memory_space<vmem>>, %arg10: memref<128xi32, #tpu.memory_space<vmem>>, %arg11: memref<128xi32, #tpu.memory_space<vmem>>, %arg12: memref<128xi32, #tpu.memory_space<vmem>>, %arg13: memref<128xf32, #tpu.memory_space<vmem>>, %arg14: memref<1001024xf32, #tpu.memory_space<vmem_shared>>) attributes {dimension_semantics = [#tpu.dimension_semantics<core_parallel>, #tpu.dimension_semantics<subcore_parallel>], iteration_bounds = array<i64: 2, 16>, scalar_prefetch = 0 : i64, scratch_operands = 7 : i64, tpu.core_type = #tpu.core_type<sc_vector_subcore>, window_params = [{transform_indices = #map}, {transform_indices = #map}, {transform_indices = #map1}, {transform_indices = #map1}, {transform_indices = #map1}, {transform_indices = #map2}]} {
    %mul3A = arith.constant 2 : i32
    %mul3A_0 = arith.muli %arg1, %mul3A : i32
    %add3A = arith.addi %mul3A_0, %arg0 : i32
    "tpu.region"() ({
      %run_scoped3A = tpu.sem_alloc : memref<!tpu.dma_semaphore, #tpu.memory_space<semaphore_mem>>
      %dma_start3A = arith.constant 0 : i32
      %dma_start3A_14 = arith.constant 0 : i32
      %dma_start3A_15 = tpu.memref_slice %arg2[%add3A, %dma_start3A, %dma_start3A_14] : memref<32x80x128xi32, #tpu.memory_space<hbm>> -> memref<1x80x128xi32, #tpu.memory_space<hbm>>
      %dma_start3A_16 = tpu.memref_squeeze %dma_start3A_15 : memref<1x80x128xi32, #tpu.memory_space<hbm>> -> memref<80x128xi32, #tpu.memory_space<hbm>>
      %dma_start3A_17 = arith.constant 0 : i32
      %dma_start3A_18 = arith.constant 0 : i32
      %dma_start3A_19 = tpu.memref_slice %arg2[%add3A, %dma_start3A_17, %dma_start3A_18] : memref<32x80x128xi32, #tpu.memory_space<hbm>> -> memref<1x80x128xi32, #tpu.memory_space<hbm>>
      %dma_start3A_20 = tpu.memref_squeeze %dma_start3A_19 : memref<1x80x128xi32, #tpu.memory_space<hbm>> -> memref<80x128xi32, #tpu.memory_space<hbm>>
      tpu.enqueue_dma source(%dma_start3A_20 : memref<80x128xi32, #tpu.memory_space<hbm>>) target(%arg8 : memref<80x128xi32, #tpu.memory_space<vmem>>) target_semaphore(%run_scoped3A : memref<!tpu.dma_semaphore, #tpu.memory_space<semaphore_mem>>)
      %dma_wait3A = arith.constant 0 : i32
      %dma_wait3A_21 = arith.constant 0 : i32
      %dma_wait3A_22 = tpu.memref_slice %arg2[%add3A, %dma_wait3A, %dma_wait3A_21] : memref<32x80x128xi32, #tpu.memory_space<hbm>> -> memref<1x80x128xi32, #tpu.memory_space<hbm>>
      %dma_wait3A_23 = tpu.memref_squeeze %dma_wait3A_22 : memref<1x80x128xi32, #tpu.memory_space<hbm>> -> memref<80x128xi32, #tpu.memory_space<hbm>>
      %dma_wait3A_24 = arith.constant 0 : i32
      %dma_wait3A_25 = arith.constant 0 : i32
      %dma_wait3A_26 = tpu.memref_slice %arg2[%add3A, %dma_wait3A_24, %dma_wait3A_25] : memref<32x80x128xi32, #tpu.memory_space<hbm>> -> memref<1x80x128xi32, #tpu.memory_space<hbm>>
      %dma_wait3A_27 = tpu.memref_squeeze %dma_wait3A_26 : memref<1x80x128xi32, #tpu.memory_space<hbm>> -> memref<80x128xi32, #tpu.memory_space<hbm>>
      tpu.wait_dma2 semaphore(%run_scoped3A : memref<!tpu.dma_semaphore, #tpu.memory_space<semaphore_mem>>) src(%dma_wait3A_27 : memref<80x128xi32, #tpu.memory_space<hbm>>) dst(%arg8 : memref<80x128xi32, #tpu.memory_space<vmem>>)
      tpu.yield
    }) : () -> ()
    "tpu.region"() ({
      %run_scoped3A = tpu.sem_alloc : memref<!tpu.dma_semaphore, #tpu.memory_space<semaphore_mem>>
      %dma_start3A = arith.constant 0 : i32
      %dma_start3A_14 = arith.constant 0 : i32
      %dma_start3A_15 = tpu.memref_slice %arg3[%add3A, %dma_start3A, %dma_start3A_14] : memref<32x80x128xi32, #tpu.memory_space<hbm>> -> memref<1x80x128xi32, #tpu.memory_space<hbm>>
      %dma_start3A_16 = tpu.memref_squeeze %dma_start3A_15 : memref<1x80x128xi32, #tpu.memory_space<hbm>> -> memref<80x128xi32, #tpu.memory_space<hbm>>
      %dma_start3A_17 = arith.constant 0 : i32
      %dma_start3A_18 = arith.constant 0 : i32
      %dma_start3A_19 = tpu.memref_slice %arg3[%add3A, %dma_start3A_17, %dma_start3A_18] : memref<32x80x128xi32, #tpu.memory_space<hbm>> -> memref<1x80x128xi32, #tpu.memory_space<hbm>>
      %dma_start3A_20 = tpu.memref_squeeze %dma_start3A_19 : memref<1x80x128xi32, #tpu.memory_space<hbm>> -> memref<80x128xi32, #tpu.memory_space<hbm>>
      tpu.enqueue_dma source(%dma_start3A_20 : memref<80x128xi32, #tpu.memory_space<hbm>>) target(%arg9 : memref<80x128xi32, #tpu.memory_space<vmem>>) target_semaphore(%run_scoped3A : memref<!tpu.dma_semaphore, #tpu.memory_space<semaphore_mem>>)
      %dma_wait3A = arith.constant 0 : i32
      %dma_wait3A_21 = arith.constant 0 : i32
      %dma_wait3A_22 = tpu.memref_slice %arg3[%add3A, %dma_wait3A, %dma_wait3A_21] : memref<32x80x128xi32, #tpu.memory_space<hbm>> -> memref<1x80x128xi32, #tpu.memory_space<hbm>>
      %dma_wait3A_23 = tpu.memref_squeeze %dma_wait3A_22 : memref<1x80x128xi32, #tpu.memory_space<hbm>> -> memref<80x128xi32, #tpu.memory_space<hbm>>
      %dma_wait3A_24 = arith.constant 0 : i32
      %dma_wait3A_25 = arith.constant 0 : i32
      %dma_wait3A_26 = tpu.memref_slice %arg3[%add3A, %dma_wait3A_24, %dma_wait3A_25] : memref<32x80x128xi32, #tpu.memory_space<hbm>> -> memref<1x80x128xi32, #tpu.memory_space<hbm>>
      %dma_wait3A_27 = tpu.memref_squeeze %dma_wait3A_26 : memref<1x80x128xi32, #tpu.memory_space<hbm>> -> memref<80x128xi32, #tpu.memory_space<hbm>>
      tpu.wait_dma2 semaphore(%run_scoped3A : memref<!tpu.dma_semaphore, #tpu.memory_space<semaphore_mem>>) src(%dma_wait3A_27 : memref<80x128xi32, #tpu.memory_space<hbm>>) dst(%arg9 : memref<80x128xi32, #tpu.memory_space<vmem>>)
      tpu.yield
    }) : () -> ()
    "tpu.region"() ({
      %run_scoped3A = tpu.sem_alloc : memref<!tpu.dma_semaphore, #tpu.memory_space<semaphore_mem>>
      tpu.enqueue_dma source(%arg6 : memref<128xf32, #tpu.memory_space<hbm>>) target(%arg13 : memref<128xf32, #tpu.memory_space<vmem>>) target_semaphore(%run_scoped3A : memref<!tpu.dma_semaphore, #tpu.memory_space<semaphore_mem>>)
      tpu.wait_dma2 semaphore(%run_scoped3A : memref<!tpu.dma_semaphore, #tpu.memory_space<semaphore_mem>>) src(%arg6 : memref<128xf32, #tpu.memory_space<hbm>>) dst(%arg13 : memref<128xf32, #tpu.memory_space<vmem>>)
      tpu.yield
    }) : () -> ()
    %eq3A = arith.constant 0 : i32
    %eq3A_1 = arith.cmpi eq, %arg1, %eq3A : i32
    %convert_element_type3A = arith.extui %eq3A_1 : i1 to i32
    %cond3A = arith.constant 0 : i32
    %cond3A_2 = arith.cmpi ne, %convert_element_type3A, %cond3A : i32
    scf.if %cond3A_2 {
      "tpu.region"() ({
        %run_scoped3A = tpu.sem_alloc : memref<!tpu.dma_semaphore, #tpu.memory_space<semaphore_mem>>
        tpu.enqueue_dma source(%arg5 : memref<1001024xf32, #tpu.memory_space<hbm>>) target(%arg14 : memref<1001024xf32, #tpu.memory_space<vmem_shared>>) target_semaphore(%run_scoped3A : memref<!tpu.dma_semaphore, #tpu.memory_space<semaphore_mem>>)
        tpu.wait_dma2 semaphore(%run_scoped3A : memref<!tpu.dma_semaphore, #tpu.memory_space<semaphore_mem>>) src(%arg5 : memref<1001024xf32, #tpu.memory_space<hbm>>) dst(%arg14 : memref<1001024xf32, #tpu.memory_space<vmem_shared>>)
        tpu.yield
      }) : () -> ()
    } else {
    }
    %barrier3A = arith.constant 0 : index
    tpu.barrier barrier_id(%barrier3A)
    %scan3A = arith.constant 0 : i32
    %scan3A_3 = arith.constant 0 : i32
    %scan3A_4 = arith.constant 80 : i32
    %scan3A_5 = arith.addi %scan3A_3, %scan3A_4 : i32
    %scan3A_6 = arith.constant 1 : i32
    scf.for %scan3A_14 = %scan3A_3 to %scan3A_5 step %scan3A_6  : i32 {
      "tpu.region"() ({
        %run_scoped3A = tpu.sem_alloc : memref<!tpu.dma_semaphore, #tpu.memory_space<semaphore_mem>>
        %dma_start3A = arith.constant 0 : i32
        %dma_start3A_289 = tpu.memref_slice %arg8[%scan3A_14, %dma_start3A] : memref<80x128xi32, #tpu.memory_space<vmem>> -> memref<1x128xi32, #tpu.memory_space<vmem>>
        %dma_start3A_290 = tpu.memref_squeeze %dma_start3A_289 : memref<1x128xi32, #tpu.memory_space<vmem>> -> memref<128xi32, #tpu.memory_space<vmem>>
        %dma_start3A_291 = arith.constant 0 : i32
        %dma_start3A_292 = tpu.memref_slice %arg4[%dma_start3A_291] : memref<10008xi32, #tpu.memory_space<hbm>> -> memref<10008xi32, #tpu.memory_space<hbm>>
        tpu.enqueue_indirect_dma source(%dma_start3A_292 : memref<10008xi32, #tpu.memory_space<hbm>>) target(%arg10 : memref<128xi32, #tpu.memory_space<vmem>>) offsets(%dma_start3A_290 : memref<128xi32, #tpu.memory_space<vmem>>) semaphore(%run_scoped3A : memref<!tpu.dma_semaphore, #tpu.memory_space<semaphore_mem>>)
        %dma_wait3A = arith.constant 0 : i32
        %dma_wait3A_293 = tpu.memref_slice %arg8[%scan3A_14, %dma_wait3A] : memref<80x128xi32, #tpu.memory_space<vmem>> -> memref<1x128xi32, #tpu.memory_space<vmem>>
        %dma_wait3A_294 = tpu.memref_squeeze %dma_wait3A_293 : memref<1x128xi32, #tpu.memory_space<vmem>> -> memref<128xi32, #tpu.memory_space<vmem>>
        %dma_wait3A_295 = arith.constant 0 : i32
        %dma_wait3A_296 = tpu.memref_slice %arg4[%dma_wait3A_295] : memref<10008xi32, #tpu.memory_space<hbm>> -> memref<10008xi32, #tpu.memory_space<hbm>>
        tpu.wait_indirect_dma semaphore(%run_scoped3A : memref<!tpu.dma_semaphore, #tpu.memory_space<semaphore_mem>>) src(%dma_wait3A_296 : memref<10008xi32, #tpu.memory_space<hbm>>) dst(%arg10 : memref<128xi32, #tpu.memory_space<vmem>>)
        tpu.yield
      }) : () -> ()
      "tpu.region"() ({
        %run_scoped3A = tpu.sem_alloc : memref<!tpu.dma_semaphore, #tpu.memory_space<semaphore_mem>>
        %dma_start3A = arith.constant 0 : i32
        %dma_start3A_289 = tpu.memref_slice %arg9[%scan3A_14, %dma_start3A] : memref<80x128xi32, #tpu.memory_space<vmem>> -> memref<1x128xi32, #tpu.memory_space<vmem>>
        %dma_start3A_290 = tpu.memref_squeeze %dma_start3A_289 : memref<1x128xi32, #tpu.memory_space<vmem>> -> memref<128xi32, #tpu.memory_space<vmem>>
        %dma_start3A_291 = arith.constant 0 : i32
        %dma_start3A_292 = tpu.memref_slice %arg4[%dma_start3A_291] : memref<10008xi32, #tpu.memory_space<hbm>> -> memref<10008xi32, #tpu.memory_space<hbm>>
        tpu.enqueue_indirect_dma source(%dma_start3A_292 : memref<10008xi32, #tpu.memory_space<hbm>>) target(%arg11 : memref<128xi32, #tpu.memory_space<vmem>>) offsets(%dma_start3A_290 : memref<128xi32, #tpu.memory_space<vmem>>) semaphore(%run_scoped3A : memref<!tpu.dma_semaphore, #tpu.memory_space<semaphore_mem>>)
        %dma_wait3A = arith.constant 0 : i32
        %dma_wait3A_293 = tpu.memref_slice %arg9[%scan3A_14, %dma_wait3A] : memref<80x128xi32, #tpu.memory_space<vmem>> -> memref<1x128xi32, #tpu.memory_space<vmem>>
        %dma_wait3A_294 = tpu.memref_squeeze %dma_wait3A_293 : memref<1x128xi32, #tpu.memory_space<vmem>> -> memref<128xi32, #tpu.memory_space<vmem>>
        %dma_wait3A_295 = arith.constant 0 : i32
        %dma_wait3A_296 = tpu.memref_slice %arg4[%dma_wait3A_295] : memref<10008xi32, #tpu.memory_space<hbm>> -> memref<10008xi32, #tpu.memory_space<hbm>>
        tpu.wait_indirect_dma semaphore(%run_scoped3A : memref<!tpu.dma_semaphore, #tpu.memory_space<semaphore_mem>>) src(%dma_wait3A_296 : memref<10008xi32, #tpu.memory_space<hbm>>) dst(%arg11 : memref<128xi32, #tpu.memory_space<vmem>>)
        tpu.yield
      }) : () -> ()
      %get3A = arith.constant 0 : index
      %get3A_15 = tpu.vector_load %arg10[%get3A] {strides = array<i32>} : memref<128xi32, #tpu.memory_space<vmem>>, vector<16xi32>,
      %get3A_16 = vector.shape_cast %get3A_15 : vector<16xi32> to vector<16xi32>
      %get3A_17 = arith.constant 0 : index
      %get3A_18 = tpu.vector_load %arg11[%get3A_17] {strides = array<i32>} : memref<128xi32, #tpu.memory_space<vmem>>, vector<16xi32>,
      %get3A_19 = vector.shape_cast %get3A_18 : vector<16xi32> to vector<16xi32>
      %ge3A = arith.constant 0 : i32
      %ge3A_20 = vector.broadcast %ge3A : i32 to vector<16xi32>
      %ge3A_21 = arith.cmpi sge, %get3A_16, %ge3A_20 : vector<16xi32>
      %ge3A_22 = arith.constant 0 : i32
      %ge3A_23 = vector.broadcast %ge3A_22 : i32 to vector<16xi32>
      %ge3A_24 = arith.cmpi sge, %get3A_19, %ge3A_23 : vector<16xi32>
      %and3A = arith.andi %ge3A_21, %ge3A_24 : vector<16xi1>
      %mul3A_25 = arith.constant 128 : i32
      %mul3A_26 = arith.muli %scan3A_14, %mul3A_25 : i32
      %add3A_27 = arith.constant 0 : i32
      %add3A_28 = arith.addi %mul3A_26, %add3A_27 : i32
      %iota3A = tpu.iota {dimensions = array<i32: 0>} : vector<16xi32>
      %add3A_29 = vector.broadcast %add3A_28 : i32 to vector<16xi32>
      %add3A_30 = arith.addi %add3A_29, %iota3A : vector<16xi32>
      %and3A_31 = arith.constant 1023 : i32
      %and3A_32 = vector.broadcast %and3A_31 : i32 to vector<16xi32>
      %and3A_33 = arith.andi %add3A_30, %and3A_32 : vector<16xi32>
      %add3A_34 = arith.constant 1000000 : i32
      %add3A_35 = vector.broadcast %add3A_34 : i32 to vector<16xi32>
      %add3A_36 = arith.addi %add3A_35, %and3A_33 : vector<16xi32>
      %mul3A_37 = arith.constant 1000 : i32
      %mul3A_38 = vector.broadcast %mul3A_37 : i32 to vector<16xi32>
      %mul3A_39 = arith.muli %get3A_16, %mul3A_38 : vector<16xi32>
      %add3A_40 = arith.addi %mul3A_39, %get3A_19 : vector<16xi32>
      %select_n3A = arith.select %and3A, %add3A_40, %add3A_36 : vector<16xi1>, vector<16xi32>
      %swap3A = arith.constant 0 : index
      %swap3A_41 = tpu.vector_load %arg12[%swap3A] {strides = array<i32>} : memref<128xi32, #tpu.memory_space<vmem>>, vector<16xi32>,
      %swap3A_42 = vector.shape_cast %swap3A_41 : vector<16xi32> to vector<16xi32>
      %swap3A_43 = vector.shape_cast %select_n3A : vector<16xi32> to vector<16xi32>
      tpu.vector_store %arg12[%swap3A], %swap3A_43 {strides = array<i32>} : memref<128xi32, #tpu.memory_space<vmem>>, vector<16xi32>,
      %get3A_44 = arith.constant 16 : index
      %get3A_45 = tpu.vector_load %arg10[%get3A_44] {strides = array<i32>} : memref<128xi32, #tpu.memory_space<vmem>>, vector<16xi32>,
      %get3A_46 = vector.shape_cast %get3A_45 : vector<16xi32> to vector<16xi32>
      %get3A_47 = arith.constant 16 : index
      %get3A_48 = tpu.vector_load %arg11[%get3A_47] {strides = array<i32>} : memref<128xi32, #tpu.memory_space<vmem>>, vector<16xi32>,
      %get3A_49 = vector.shape_cast %get3A_48 : vector<16xi32> to vector<16xi32>
      %ge3A_50 = arith.constant 0 : i32
      %ge3A_51 = vector.broadcast %ge3A_50 : i32 to vector<16xi32>
      %ge3A_52 = arith.cmpi sge, %get3A_46, %ge3A_51 : vector<16xi32>
      %ge3A_53 = arith.constant 0 : i32
      %ge3A_54 = vector.broadcast %ge3A_53 : i32 to vector<16xi32>
      %ge3A_55 = arith.cmpi sge, %get3A_49, %ge3A_54 : vector<16xi32>
      %and3A_56 = arith.andi %ge3A_52, %ge3A_55 : vector<16xi1>
      %mul3A_57 = arith.constant 128 : i32
      %mul3A_58 = arith.muli %scan3A_14, %mul3A_57 : i32
      %add3A_59 = arith.constant 16 : i32
      %add3A_60 = arith.addi %mul3A_58, %add3A_59 : i32
      %iota3A_61 = tpu.iota {dimensions = array<i32: 0>} : vector<16xi32>
      %add3A_62 = vector.broadcast %add3A_60 : i32 to vector<16xi32>
      %add3A_63 = arith.addi %add3A_62, %iota3A_61 : vector<16xi32>
      %and3A_64 = arith.constant 1023 : i32
      %and3A_65 = vector.broadcast %and3A_64 : i32 to vector<16xi32>
      %and3A_66 = arith.andi %add3A_63, %and3A_65 : vector<16xi32>
      %add3A_67 = arith.constant 1000000 : i32
      %add3A_68 = vector.broadcast %add3A_67 : i32 to vector<16xi32>
      %add3A_69 = arith.addi %add3A_68, %and3A_66 : vector<16xi32>
      %mul3A_70 = arith.constant 1000 : i32
      %mul3A_71 = vector.broadcast %mul3A_70 : i32 to vector<16xi32>
      %mul3A_72 = arith.muli %get3A_46, %mul3A_71 : vector<16xi32>
      %add3A_73 = arith.addi %mul3A_72, %get3A_49 : vector<16xi32>
      %select_n3A_74 = arith.select %and3A_56, %add3A_73, %add3A_69 : vector<16xi1>, vector<16xi32>
      %swap3A_75 = arith.constant 16 : index
      %swap3A_76 = tpu.vector_load %arg12[%swap3A_75] {strides = array<i32>} : memref<128xi32, #tpu.memory_space<vmem>>, vector<16xi32>,
      %swap3A_77 = vector.shape_cast %swap3A_76 : vector<16xi32> to vector<16xi32>
      %swap3A_78 = vector.shape_cast %select_n3A_74 : vector<16xi32> to vector<16xi32>
      tpu.vector_store %arg12[%swap3A_75], %swap3A_78 {strides = array<i32>} : memref<128xi32, #tpu.memory_space<vmem>>, vector<16xi32>,
      %get3A_79 = arith.constant 32 : index
      %get3A_80 = tpu.vector_load %arg10[%get3A_79] {strides = array<i32>} : memref<128xi32, #tpu.memory_space<vmem>>, vector<16xi32>,
      %get3A_81 = vector.shape_cast %get3A_80 : vector<16xi32> to vector<16xi32>
      %get3A_82 = arith.constant 32 : index
      %get3A_83 = tpu.vector_load %arg11[%get3A_82] {strides = array<i32>} : memref<128xi32, #tpu.memory_space<vmem>>, vector<16xi32>,
      %get3A_84 = vector.shape_cast %get3A_83 : vector<16xi32> to vector<16xi32>
      %ge3A_85 = arith.constant 0 : i32
      %ge3A_86 = vector.broadcast %ge3A_85 : i32 to vector<16xi32>
      %ge3A_87 = arith.cmpi sge, %get3A_81, %ge3A_86 : vector<16xi32>
      %ge3A_88 = arith.constant 0 : i32
      %ge3A_89 = vector.broadcast %ge3A_88 : i32 to vector<16xi32>
      %ge3A_90 = arith.cmpi sge, %get3A_84, %ge3A_89 : vector<16xi32>
      %and3A_91 = arith.andi %ge3A_87, %ge3A_90 : vector<16xi1>
      %mul3A_92 = arith.constant 128 : i32
      %mul3A_93 = arith.muli %scan3A_14, %mul3A_92 : i32
      %add3A_94 = arith.constant 32 : i32
      %add3A_95 = arith.addi %mul3A_93, %add3A_94 : i32
      %iota3A_96 = tpu.iota {dimensions = array<i32: 0>} : vector<16xi32>
      %add3A_97 = vector.broadcast %add3A_95 : i32 to vector<16xi32>
      %add3A_98 = arith.addi %add3A_97, %iota3A_96 : vector<16xi32>
      %and3A_99 = arith.constant 1023 : i32
      %and3A_100 = vector.broadcast %and3A_99 : i32 to vector<16xi32>
      %and3A_101 = arith.andi %add3A_98, %and3A_100 : vector<16xi32>
      %add3A_102 = arith.constant 1000000 : i32
      %add3A_103 = vector.broadcast %add3A_102 : i32 to vector<16xi32>
      %add3A_104 = arith.addi %add3A_103, %and3A_101 : vector<16xi32>
      %mul3A_105 = arith.constant 1000 : i32
      %mul3A_106 = vector.broadcast %mul3A_105 : i32 to vector<16xi32>
      %mul3A_107 = arith.muli %get3A_81, %mul3A_106 : vector<16xi32>
      %add3A_108 = arith.addi %mul3A_107, %get3A_84 : vector<16xi32>
      %select_n3A_109 = arith.select %and3A_91, %add3A_108, %add3A_104 : vector<16xi1>, vector<16xi32>
      %swap3A_110 = arith.constant 32 : index
      %swap3A_111 = tpu.vector_load %arg12[%swap3A_110] {strides = array<i32>} : memref<128xi32, #tpu.memory_space<vmem>>, vector<16xi32>,
      %swap3A_112 = vector.shape_cast %swap3A_111 : vector<16xi32> to vector<16xi32>
      %swap3A_113 = vector.shape_cast %select_n3A_109 : vector<16xi32> to vector<16xi32>
      tpu.vector_store %arg12[%swap3A_110], %swap3A_113 {strides = array<i32>} : memref<128xi32, #tpu.memory_space<vmem>>, vector<16xi32>,
      %get3A_114 = arith.constant 48 : index
      %get3A_115 = tpu.vector_load %arg10[%get3A_114] {strides = array<i32>} : memref<128xi32, #tpu.memory_space<vmem>>, vector<16xi32>,
      %get3A_116 = vector.shape_cast %get3A_115 : vector<16xi32> to vector<16xi32>
      %get3A_117 = arith.constant 48 : index
      %get3A_118 = tpu.vector_load %arg11[%get3A_117] {strides = array<i32>} : memref<128xi32, #tpu.memory_space<vmem>>, vector<16xi32>,
      %get3A_119 = vector.shape_cast %get3A_118 : vector<16xi32> to vector<16xi32>
      %ge3A_120 = arith.constant 0 : i32
      %ge3A_121 = vector.broadcast %ge3A_120 : i32 to vector<16xi32>
      %ge3A_122 = arith.cmpi sge, %get3A_116, %ge3A_121 : vector<16xi32>
      %ge3A_123 = arith.constant 0 : i32
      %ge3A_124 = vector.broadcast %ge3A_123 : i32 to vector<16xi32>
      %ge3A_125 = arith.cmpi sge, %get3A_119, %ge3A_124 : vector<16xi32>
      %and3A_126 = arith.andi %ge3A_122, %ge3A_125 : vector<16xi1>
      %mul3A_127 = arith.constant 128 : i32
      %mul3A_128 = arith.muli %scan3A_14, %mul3A_127 : i32
      %add3A_129 = arith.constant 48 : i32
      %add3A_130 = arith.addi %mul3A_128, %add3A_129 : i32
      %iota3A_131 = tpu.iota {dimensions = array<i32: 0>} : vector<16xi32>
      %add3A_132 = vector.broadcast %add3A_130 : i32 to vector<16xi32>
      %add3A_133 = arith.addi %add3A_132, %iota3A_131 : vector<16xi32>
      %and3A_134 = arith.constant 1023 : i32
      %and3A_135 = vector.broadcast %and3A_134 : i32 to vector<16xi32>
      %and3A_136 = arith.andi %add3A_133, %and3A_135 : vector<16xi32>
      %add3A_137 = arith.constant 1000000 : i32
      %add3A_138 = vector.broadcast %add3A_137 : i32 to vector<16xi32>
      %add3A_139 = arith.addi %add3A_138, %and3A_136 : vector<16xi32>
      %mul3A_140 = arith.constant 1000 : i32
      %mul3A_141 = vector.broadcast %mul3A_140 : i32 to vector<16xi32>
      %mul3A_142 = arith.muli %get3A_116, %mul3A_141 : vector<16xi32>
      %add3A_143 = arith.addi %mul3A_142, %get3A_119 : vector<16xi32>
      %select_n3A_144 = arith.select %and3A_126, %add3A_143, %add3A_139 : vector<16xi1>, vector<16xi32>
      %swap3A_145 = arith.constant 48 : index
      %swap3A_146 = tpu.vector_load %arg12[%swap3A_145] {strides = array<i32>} : memref<128xi32, #tpu.memory_space<vmem>>, vector<16xi32>,
      %swap3A_147 = vector.shape_cast %swap3A_146 : vector<16xi32> to vector<16xi32>
      %swap3A_148 = vector.shape_cast %select_n3A_144 : vector<16xi32> to vector<16xi32>
      tpu.vector_store %arg12[%swap3A_145], %swap3A_148 {strides = array<i32>} : memref<128xi32, #tpu.memory_space<vmem>>, vector<16xi32>,
      %get3A_149 = arith.constant 64 : index
      %get3A_150 = tpu.vector_load %arg10[%get3A_149] {strides = array<i32>} : memref<128xi32, #tpu.memory_space<vmem>>, vector<16xi32>,
      %get3A_151 = vector.shape_cast %get3A_150 : vector<16xi32> to vector<16xi32>
      %get3A_152 = arith.constant 64 : index
      %get3A_153 = tpu.vector_load %arg11[%get3A_152] {strides = array<i32>} : memref<128xi32, #tpu.memory_space<vmem>>, vector<16xi32>,
      %get3A_154 = vector.shape_cast %get3A_153 : vector<16xi32> to vector<16xi32>
      %ge3A_155 = arith.constant 0 : i32
      %ge3A_156 = vector.broadcast %ge3A_155 : i32 to vector<16xi32>
      %ge3A_157 = arith.cmpi sge, %get3A_151, %ge3A_156 : vector<16xi32>
      %ge3A_158 = arith.constant 0 : i32
      %ge3A_159 = vector.broadcast %ge3A_158 : i32 to vector<16xi32>
      %ge3A_160 = arith.cmpi sge, %get3A_154, %ge3A_159 : vector<16xi32>
      %and3A_161 = arith.andi %ge3A_157, %ge3A_160 : vector<16xi1>
      %mul3A_162 = arith.constant 128 : i32
      %mul3A_163 = arith.muli %scan3A_14, %mul3A_162 : i32
      %add3A_164 = arith.constant 64 : i32
      %add3A_165 = arith.addi %mul3A_163, %add3A_164 : i32
      %iota3A_166 = tpu.iota {dimensions = array<i32: 0>} : vector<16xi32>
      %add3A_167 = vector.broadcast %add3A_165 : i32 to vector<16xi32>
      %add3A_168 = arith.addi %add3A_167, %iota3A_166 : vector<16xi32>
      %and3A_169 = arith.constant 1023 : i32
      %and3A_170 = vector.broadcast %and3A_169 : i32 to vector<16xi32>
      %and3A_171 = arith.andi %add3A_168, %and3A_170 : vector<16xi32>
      %add3A_172 = arith.constant 1000000 : i32
      %add3A_173 = vector.broadcast %add3A_172 : i32 to vector<16xi32>
      %add3A_174 = arith.addi %add3A_173, %and3A_171 : vector<16xi32>
      %mul3A_175 = arith.constant 1000 : i32
      %mul3A_176 = vector.broadcast %mul3A_175 : i32 to vector<16xi32>
      %mul3A_177 = arith.muli %get3A_151, %mul3A_176 : vector<16xi32>
      %add3A_178 = arith.addi %mul3A_177, %get3A_154 : vector<16xi32>
      %select_n3A_179 = arith.select %and3A_161, %add3A_178, %add3A_174 : vector<16xi1>, vector<16xi32>
      %swap3A_180 = arith.constant 64 : index
      %swap3A_181 = tpu.vector_load %arg12[%swap3A_180] {strides = array<i32>} : memref<128xi32, #tpu.memory_space<vmem>>, vector<16xi32>,
      %swap3A_182 = vector.shape_cast %swap3A_181 : vector<16xi32> to vector<16xi32>
      %swap3A_183 = vector.shape_cast %select_n3A_179 : vector<16xi32> to vector<16xi32>
      tpu.vector_store %arg12[%swap3A_180], %swap3A_183 {strides = array<i32>} : memref<128xi32, #tpu.memory_space<vmem>>, vector<16xi32>,
      %get3A_184 = arith.constant 80 : index
      %get3A_185 = tpu.vector_load %arg10[%get3A_184] {strides = array<i32>} : memref<128xi32, #tpu.memory_space<vmem>>, vector<16xi32>,
      %get3A_186 = vector.shape_cast %get3A_185 : vector<16xi32> to vector<16xi32>
      %get3A_187 = arith.constant 80 : index
      %get3A_188 = tpu.vector_load %arg11[%get3A_187] {strides = array<i32>} : memref<128xi32, #tpu.memory_space<vmem>>, vector<16xi32>,
      %get3A_189 = vector.shape_cast %get3A_188 : vector<16xi32> to vector<16xi32>
      %ge3A_190 = arith.constant 0 : i32
      %ge3A_191 = vector.broadcast %ge3A_190 : i32 to vector<16xi32>
      %ge3A_192 = arith.cmpi sge, %get3A_186, %ge3A_191 : vector<16xi32>
      %ge3A_193 = arith.constant 0 : i32
      %ge3A_194 = vector.broadcast %ge3A_193 : i32 to vector<16xi32>
      %ge3A_195 = arith.cmpi sge, %get3A_189, %ge3A_194 : vector<16xi32>
      %and3A_196 = arith.andi %ge3A_192, %ge3A_195 : vector<16xi1>
      %mul3A_197 = arith.constant 128 : i32
      %mul3A_198 = arith.muli %scan3A_14, %mul3A_197 : i32
      %add3A_199 = arith.constant 80 : i32
      %add3A_200 = arith.addi %mul3A_198, %add3A_199 : i32
      %iota3A_201 = tpu.iota {dimensions = array<i32: 0>} : vector<16xi32>
      %add3A_202 = vector.broadcast %add3A_200 : i32 to vector<16xi32>
      %add3A_203 = arith.addi %add3A_202, %iota3A_201 : vector<16xi32>
      %and3A_204 = arith.constant 1023 : i32
      %and3A_205 = vector.broadcast %and3A_204 : i32 to vector<16xi32>
      %and3A_206 = arith.andi %add3A_203, %and3A_205 : vector<16xi32>
      %add3A_207 = arith.constant 1000000 : i32
      %add3A_208 = vector.broadcast %add3A_207 : i32 to vector<16xi32>
      %add3A_209 = arith.addi %add3A_208, %and3A_206 : vector<16xi32>
      %mul3A_210 = arith.constant 1000 : i32
      %mul3A_211 = vector.broadcast %mul3A_210 : i32 to vector<16xi32>
      %mul3A_212 = arith.muli %get3A_186, %mul3A_211 : vector<16xi32>
      %add3A_213 = arith.addi %mul3A_212, %get3A_189 : vector<16xi32>
      %select_n3A_214 = arith.select %and3A_196, %add3A_213, %add3A_209 : vector<16xi1>, vector<16xi32>
      %swap3A_215 = arith.constant 80 : index
      %swap3A_216 = tpu.vector_load %arg12[%swap3A_215] {strides = array<i32>} : memref<128xi32, #tpu.memory_space<vmem>>, vector<16xi32>,
      %swap3A_217 = vector.shape_cast %swap3A_216 : vector<16xi32> to vector<16xi32>
      %swap3A_218 = vector.shape_cast %select_n3A_214 : vector<16xi32> to vector<16xi32>
      tpu.vector_store %arg12[%swap3A_215], %swap3A_218 {strides = array<i32>} : memref<128xi32, #tpu.memory_space<vmem>>, vector<16xi32>,
      %get3A_219 = arith.constant 96 : index
      %get3A_220 = tpu.vector_load %arg10[%get3A_219] {strides = array<i32>} : memref<128xi32, #tpu.memory_space<vmem>>, vector<16xi32>,
      %get3A_221 = vector.shape_cast %get3A_220 : vector<16xi32> to vector<16xi32>
      %get3A_222 = arith.constant 96 : index
      %get3A_223 = tpu.vector_load %arg11[%get3A_222] {strides = array<i32>} : memref<128xi32, #tpu.memory_space<vmem>>, vector<16xi32>,
      %get3A_224 = vector.shape_cast %get3A_223 : vector<16xi32> to vector<16xi32>
      %ge3A_225 = arith.constant 0 : i32
      %ge3A_226 = vector.broadcast %ge3A_225 : i32 to vector<16xi32>
      %ge3A_227 = arith.cmpi sge, %get3A_221, %ge3A_226 : vector<16xi32>
      %ge3A_228 = arith.constant 0 : i32
      %ge3A_229 = vector.broadcast %ge3A_228 : i32 to vector<16xi32>
      %ge3A_230 = arith.cmpi sge, %get3A_224, %ge3A_229 : vector<16xi32>
      %and3A_231 = arith.andi %ge3A_227, %ge3A_230 : vector<16xi1>
      %mul3A_232 = arith.constant 128 : i32
      %mul3A_233 = arith.muli %scan3A_14, %mul3A_232 : i32
      %add3A_234 = arith.constant 96 : i32
      %add3A_235 = arith.addi %mul3A_233, %add3A_234 : i32
      %iota3A_236 = tpu.iota {dimensions = array<i32: 0>} : vector<16xi32>
      %add3A_237 = vector.broadcast %add3A_235 : i32 to vector<16xi32>
      %add3A_238 = arith.addi %add3A_237, %iota3A_236 : vector<16xi32>
      %and3A_239 = arith.constant 1023 : i32
      %and3A_240 = vector.broadcast %and3A_239 : i32 to vector<16xi32>
      %and3A_241 = arith.andi %add3A_238, %and3A_240 : vector<16xi32>
      %add3A_242 = arith.constant 1000000 : i32
      %add3A_243 = vector.broadcast %add3A_242 : i32 to vector<16xi32>
      %add3A_244 = arith.addi %add3A_243, %and3A_241 : vector<16xi32>
      %mul3A_245 = arith.constant 1000 : i32
      %mul3A_246 = vector.broadcast %mul3A_245 : i32 to vector<16xi32>
      %mul3A_247 = arith.muli %get3A_221, %mul3A_246 : vector<16xi32>
      %add3A_248 = arith.addi %mul3A_247, %get3A_224 : vector<16xi32>
      %select_n3A_249 = arith.select %and3A_231, %add3A_248, %add3A_244 : vector<16xi1>, vector<16xi32>
      %swap3A_250 = arith.constant 96 : index
      %swap3A_251 = tpu.vector_load %arg12[%swap3A_250] {strides = array<i32>} : memref<128xi32, #tpu.memory_space<vmem>>, vector<16xi32>,
      %swap3A_252 = vector.shape_cast %swap3A_251 : vector<16xi32> to vector<16xi32>
      %swap3A_253 = vector.shape_cast %select_n3A_249 : vector<16xi32> to vector<16xi32>
      tpu.vector_store %arg12[%swap3A_250], %swap3A_253 {strides = array<i32>} : memref<128xi32, #tpu.memory_space<vmem>>, vector<16xi32>,
      %get3A_254 = arith.constant 112 : index
      %get3A_255 = tpu.vector_load %arg10[%get3A_254] {strides = array<i32>} : memref<128xi32, #tpu.memory_space<vmem>>, vector<16xi32>,
      %get3A_256 = vector.shape_cast %get3A_255 : vector<16xi32> to vector<16xi32>
      %get3A_257 = arith.constant 112 : index
      %get3A_258 = tpu.vector_load %arg11[%get3A_257] {strides = array<i32>} : memref<128xi32, #tpu.memory_space<vmem>>, vector<16xi32>,
      %get3A_259 = vector.shape_cast %get3A_258 : vector<16xi32> to vector<16xi32>
      %ge3A_260 = arith.constant 0 : i32
      %ge3A_261 = vector.broadcast %ge3A_260 : i32 to vector<16xi32>
      %ge3A_262 = arith.cmpi sge, %get3A_256, %ge3A_261 : vector<16xi32>
      %ge3A_263 = arith.constant 0 : i32
      %ge3A_264 = vector.broadcast %ge3A_263 : i32 to vector<16xi32>
      %ge3A_265 = arith.cmpi sge, %get3A_259, %ge3A_264 : vector<16xi32>
      %and3A_266 = arith.andi %ge3A_262, %ge3A_265 : vector<16xi1>
      %mul3A_267 = arith.constant 128 : i32
      %mul3A_268 = arith.muli %scan3A_14, %mul3A_267 : i32
      %add3A_269 = arith.constant 112 : i32
      %add3A_270 = arith.addi %mul3A_268, %add3A_269 : i32
      %iota3A_271 = tpu.iota {dimensions = array<i32: 0>} : vector<16xi32>
      %add3A_272 = vector.broadcast %add3A_270 : i32 to vector<16xi32>
      %add3A_273 = arith.addi %add3A_272, %iota3A_271 : vector<16xi32>
      %and3A_274 = arith.constant 1023 : i32
      %and3A_275 = vector.broadcast %and3A_274 : i32 to vector<16xi32>
      %and3A_276 = arith.andi %add3A_273, %and3A_275 : vector<16xi32>
      %add3A_277 = arith.constant 1000000 : i32
      %add3A_278 = vector.broadcast %add3A_277 : i32 to vector<16xi32>
      %add3A_279 = arith.addi %add3A_278, %and3A_276 : vector<16xi32>
      %mul3A_280 = arith.constant 1000 : i32
      %mul3A_281 = vector.broadcast %mul3A_280 : i32 to vector<16xi32>
      %mul3A_282 = arith.muli %get3A_256, %mul3A_281 : vector<16xi32>
      %add3A_283 = arith.addi %mul3A_282, %get3A_259 : vector<16xi32>
      %select_n3A_284 = arith.select %and3A_266, %add3A_283, %add3A_279 : vector<16xi1>, vector<16xi32>
      %swap3A_285 = arith.constant 112 : index
      %swap3A_286 = tpu.vector_load %arg12[%swap3A_285] {strides = array<i32>} : memref<128xi32, #tpu.memory_space<vmem>>, vector<16xi32>,
      %swap3A_287 = vector.shape_cast %swap3A_286 : vector<16xi32> to vector<16xi32>
      %swap3A_288 = vector.shape_cast %select_n3A_284 : vector<16xi32> to vector<16xi32>
      tpu.vector_store %arg12[%swap3A_285], %swap3A_288 {strides = array<i32>} : memref<128xi32, #tpu.memory_space<vmem>>, vector<16xi32>,
      "tpu.region"() ({
        %run_scoped3A = tpu.sem_alloc : memref<!tpu.dma_semaphore, #tpu.memory_space<semaphore_mem>>
        %dma_start3A = arith.constant 0 : i32
        %dma_start3A_289 = tpu.memref_slice %arg14[%dma_start3A] : memref<1001024xf32, #tpu.memory_space<vmem_shared>> -> memref<1001024xf32, #tpu.memory_space<vmem_shared>>
        tpu.enqueue_indirect_dma source(%arg13 : memref<128xf32, #tpu.memory_space<vmem>>) target(%dma_start3A_289 : memref<1001024xf32, #tpu.memory_space<vmem_shared>>) offsets(%arg12 : memref<128xi32, #tpu.memory_space<vmem>>) semaphore(%run_scoped3A : memref<!tpu.dma_semaphore, #tpu.memory_space<semaphore_mem>>) {add = true}
        %dma_wait3A = arith.constant 0 : i32
        %dma_wait3A_290 = tpu.memref_slice %arg14[%dma_wait3A] : memref<1001024xf32, #tpu.memory_space<vmem_shared>> -> memref<1001024xf32, #tpu.memory_space<vmem_shared>>
        tpu.wait_indirect_dma semaphore(%run_scoped3A : memref<!tpu.dma_semaphore, #tpu.memory_space<semaphore_mem>>) src(%arg13 : memref<128xf32, #tpu.memory_space<vmem>>) dst(%dma_wait3A_290 : memref<1001024xf32, #tpu.memory_space<vmem_shared>>)
        tpu.yield
      }) : () -> ()
    }
    %scan3A_7 = arith.constant 80 : i32
    %barrier3A_8 = arith.constant 0 : index
    tpu.barrier barrier_id(%barrier3A_8)
    %eq3A_9 = arith.constant 0 : i32
    %eq3A_10 = arith.cmpi eq, %arg1, %eq3A_9 : i32
    %convert_element_type3A_11 = arith.extui %eq3A_10 : i1 to i32
    %cond3A_12 = arith.constant 0 : i32
    %cond3A_13 = arith.cmpi ne, %convert_element_type3A_11, %cond3A_12 : i32
    scf.if %cond3A_13 {
      "tpu.region"() ({
        %run_scoped3A = tpu.sem_alloc : memref<!tpu.dma_semaphore, #tpu.memory_space<semaphore_mem>>
        %dma_start3A = arith.constant 0 : i32
        %dma_start3A_14 = tpu.memref_slice %arg7[%arg0, %dma_start3A] : memref<2x1001024xf32, #tpu.memory_space<hbm>> -> memref<1x1001024xf32, #tpu.memory_space<hbm>>
        %dma_start3A_15 = tpu.memref_squeeze %dma_start3A_14 : memref<1x1001024xf32, #tpu.memory_space<hbm>> -> memref<1001024xf32, #tpu.memory_space<hbm>>
        tpu.enqueue_dma source(%arg14 : memref<1001024xf32, #tpu.memory_space<vmem_shared>>) target(%dma_start3A_15 : memref<1001024xf32, #tpu.memory_space<hbm>>) target_semaphore(%run_scoped3A : memref<!tpu.dma_semaphore, #tpu.memory_space<semaphore_mem>>)
        %dma_wait3A = arith.constant 0 : i32
        %dma_wait3A_16 = tpu.memref_slice %arg7[%arg0, %dma_wait3A] : memref<2x1001024xf32, #tpu.memory_space<hbm>> -> memref<1x1001024xf32, #tpu.memory_space<hbm>>
        %dma_wait3A_17 = tpu.memref_squeeze %dma_wait3A_16 : memref<1x1001024xf32, #tpu.memory_space<hbm>> -> memref<1001024xf32, #tpu.memory_space<hbm>>
        tpu.wait_dma2 semaphore(%run_scoped3A : memref<!tpu.dma_semaphore, #tpu.memory_space<semaphore_mem>>) src(%arg14 : memref<1001024xf32, #tpu.memory_space<vmem_shared>>) dst(%dma_wait3A_17 : memref<1001024xf32, #tpu.memory_space<hbm>>)
        tpu.yield
      }) : () -> ()
    } else {
    }
    return
  }
}

module attributes {stable_mosaic.version = 14 : i64} {
  func.func @_lin_body(%arg0: i32, %arg1: memref<512x128xf32, #tpu.memory_space<vmem>>, %arg2: memref<128x128xf32, #tpu.memory_space<vmem>>, %arg3: memref<1x128xf32, #tpu.memory_space<vmem>>, %arg4: memref<512x128xf32, #tpu.memory_space<vmem>>) attributes {dimension_semantics = [#tpu.dimension_semantics<arbitrary>], iteration_bounds = array<i64: 20>, scalar_prefetch = 0 : i64, scratch_operands = 0 : i64, tpu.core_type = #tpu.core_type<tc>, window_params = [{transform_indices = @transform_0, window_bounds = array<i64: 512, 128>}, {pipeline_mode = #tpu.pipeline_mode<synchronous>, transform_indices = @transform_1, window_bounds = array<i64: 128, 128>}, {pipeline_mode = #tpu.pipeline_mode<synchronous>, transform_indices = @transform_2, window_bounds = array<i64: 1, 128>}, {transform_indices = @transform_3, window_bounds = array<i64: 512, 128>}]} {
    %get3A = arith.constant 0 : index
    %get3A_0 = arith.constant 0 : index
    %get3A_1 = vector.load %arg1[%get3A, %get3A_0] : memref<512x128xf32, #tpu.memory_space<vmem>>, vector<512x128xf32>
    %get3A_2 = arith.constant 0 : index
    %get3A_3 = arith.constant 0 : index
    %get3A_4 = vector.load %arg2[%get3A_2, %get3A_3] : memref<128x128xf32, #tpu.memory_space<vmem>>, vector<128x128xf32>
    %dot_general3A = arith.constant dense<0.000000e+00> : vector<512x128xf32>
    %dot_general3A_5 = tpu.matmul %get3A_1, %get3A_4, %dot_general3A {dimension_numbers = #tpu.dot_dimension_numbers<[1], [0], [0], [1], [0, 0, 1, 1], [], []>, transpose_lhs_hint = false} : vector<512x128xf32>, vector<128x128xf32>, vector<512x128xf32> -> vector<512x128xf32>
    %get3A_6 = arith.constant 0 : index
    %get3A_7 = arith.constant 0 : index
    %get3A_8 = vector.load %arg3[%get3A_6, %get3A_7] : memref<1x128xf32, #tpu.memory_space<vmem>>, vector<1x128xf32>
    %add3A = vector.broadcast %get3A_8 : vector<1x128xf32> to vector<512x128xf32>
    %add3A_9 = arith.addf %dot_general3A_5, %add3A : vector<512x128xf32>
    %swap3A = arith.constant 0 : index
    %swap3A_10 = arith.constant 0 : index
    %swap3A_11 = vector.load %arg4[%swap3A, %swap3A_10] : memref<512x128xf32, #tpu.memory_space<vmem>>, vector<512x128xf32>
    tpu.vector_store %arg4[%swap3A, %swap3A_10], %add3A_9 {strides = array<i32>} : memref<512x128xf32, #tpu.memory_space<vmem>>, vector<512x128xf32>,
    return
  }
  func.func @transform_0(%arg0: i32) -> (i32, i32) {
    %c0_i32 = arith.constant 0 : i32
    %c0_i32_0 = arith.constant 0 : i32
    return %arg0, %c0_i32 : i32, i32
  }
  func.func @transform_1(%arg0: i32) -> (i32, i32) {
    %c0_i32 = arith.constant 0 : i32
    %c0_i32_0 = arith.constant 0 : i32
    %c0_i32_1 = arith.constant 0 : i32
    return %c0_i32, %c0_i32_0 : i32, i32
  }
  func.func @transform_2(%arg0: i32) -> (i32, i32) {
    %c0_i32 = arith.constant 0 : i32
    %c0_i32_0 = arith.constant 0 : i32
    %c0_i32_1 = arith.constant 0 : i32
    return %c0_i32, %c0_i32_0 : i32, i32
  }
  func.func @transform_3(%arg0: i32) -> (i32, i32) {
    %c0_i32 = arith.constant 0 : i32
    %c0_i32_0 = arith.constant 0 : i32
    return %arg0, %c0_i32 : i32, i32
  }
}

module attributes {stable_mosaic.version = 14 : i64} {
  func.func @_edge_body(%arg0: i32, %arg1: memref<3200x3xf32, #tpu.memory_space<vmem>>, %arg2: memref<3200x3xf32, #tpu.memory_space<vmem>>, %arg3: memref<3200x128xf32, #tpu.memory_space<vmem>>, %arg4: memref<9x128xf32, #tpu.memory_space<vmem>>, %arg5: memref<8x64xf32, #tpu.memory_space<vmem>>, %arg6: memref<1x64xf32, #tpu.memory_space<vmem>>, %arg7: memref<64x128xf32, #tpu.memory_space<vmem>>, %arg8: memref<1x128xf32, #tpu.memory_space<vmem>>, %arg9: memref<3200x128xf32, #tpu.memory_space<vmem>>) attributes {dimension_semantics = [#tpu.dimension_semantics<arbitrary>], iteration_bounds = array<i64: 100>, scalar_prefetch = 0 : i64, scratch_operands = 0 : i64, tpu.core_type = #tpu.core_type<tc>, window_params = [{transform_indices = @transform_0, window_bounds = array<i64: 3200, 3>}, {transform_indices = @transform_1, window_bounds = array<i64: 3200, 3>}, {transform_indices = @transform_2, window_bounds = array<i64: 3200, 128>}, {pipeline_mode = #tpu.pipeline_mode<synchronous>, transform_indices = @transform_3, window_bounds = array<i64: 9, 128>}, {pipeline_mode = #tpu.pipeline_mode<synchronous>, transform_indices = @transform_4, window_bounds = array<i64: 8, 64>}, {pipeline_mode = #tpu.pipeline_mode<synchronous>, transform_indices = @transform_5, window_bounds = array<i64: 1, 64>}, {pipeline_mode = #tpu.pipeline_mode<synchronous>, transform_indices = @transform_6, window_bounds = array<i64: 64, 128>}, {pipeline_mode = #tpu.pipeline_mode<synchronous>, transform_indices = @transform_7, window_bounds = array<i64: 1, 128>}, {transform_indices = @transform_8, window_bounds = array<i64: 3200, 128>}]} {
    %get3A = arith.constant 0 : index
    %get3A_0 = arith.constant 0 : index
    %get3A_1 = vector.load %arg1[%get3A, %get3A_0] : memref<3200x3xf32, #tpu.memory_space<vmem>>, vector<3200x1xf32>
    %get3A_2 = arith.constant 0 : index
    %get3A_3 = arith.constant 0 : index
    %get3A_4 = vector.load %arg2[%get3A_2, %get3A_3] : memref<3200x3xf32, #tpu.memory_space<vmem>>, vector<3200x1xf32>
    %sub3A = arith.subf %get3A_1, %get3A_4 : vector<3200x1xf32>
    %get3A_5 = arith.constant 0 : index
    %get3A_6 = arith.constant 1 : index
    %get3A_7 = vector.load %arg1[%get3A_5, %get3A_6] : memref<3200x3xf32, #tpu.memory_space<vmem>>, vector<3200x1xf32>
    %get3A_8 = arith.constant 0 : index
    %get3A_9 = arith.constant 1 : index
    %get3A_10 = vector.load %arg2[%get3A_8, %get3A_9] : memref<3200x3xf32, #tpu.memory_space<vmem>>, vector<3200x1xf32>
    %sub3A_11 = arith.subf %get3A_7, %get3A_10 : vector<3200x1xf32>
    %get3A_12 = arith.constant 0 : index
    %get3A_13 = arith.constant 2 : index
    %get3A_14 = vector.load %arg1[%get3A_12, %get3A_13] : memref<3200x3xf32, #tpu.memory_space<vmem>>, vector<3200x1xf32>
    %get3A_15 = arith.constant 0 : index
    %get3A_16 = arith.constant 2 : index
    %get3A_17 = vector.load %arg2[%get3A_15, %get3A_16] : memref<3200x3xf32, #tpu.memory_space<vmem>>, vector<3200x1xf32>
    %sub3A_18 = arith.subf %get3A_14, %get3A_17 : vector<3200x1xf32>
    %mul3A = arith.mulf %sub3A, %sub3A : vector<3200x1xf32>
    %mul3A_19 = arith.mulf %sub3A_11, %sub3A_11 : vector<3200x1xf32>
    %add3A = arith.addf %mul3A, %mul3A_19 : vector<3200x1xf32>
    %mul3A_20 = arith.mulf %sub3A_18, %sub3A_18 : vector<3200x1xf32>
    %add3A_21 = arith.addf %add3A, %mul3A_20 : vector<3200x1xf32>
    %sqrt3A = math.sqrt %add3A_21 : vector<3200x1xf32>
    %add3A_22 = arith.constant 9.99999993E-9 : f32
    %add3A_23 = vector.broadcast %add3A_22 : f32 to vector<3200x1xf32>
    %add3A_24 = arith.addf %sqrt3A, %add3A_23 : vector<3200x1xf32>
    %div3A = arith.constant 1.000000e+00 : f32
    %div3A_25 = vector.broadcast %div3A : f32 to vector<3200x1xf32>
    %div3A_26 = arith.divf %div3A_25, %add3A_24 : vector<3200x1xf32>
    %mul3A_27 = arith.mulf %sub3A, %div3A_26 : vector<3200x1xf32>
    %mul3A_28 = arith.mulf %sub3A_11, %div3A_26 : vector<3200x1xf32>
    %mul3A_29 = arith.mulf %sub3A_18, %div3A_26 : vector<3200x1xf32>
    %broadcast_in_dim3A = arith.constant 1.000000e+00 : f32
    %broadcast_in_dim3A_30 = vector.broadcast %broadcast_in_dim3A : f32 to vector<3200x1xf32>
    %mul3A_31 = arith.constant 0.282094777 : f32
    %mul3A_32 = vector.broadcast %mul3A_31 : f32 to vector<3200x1xf32>
    %mul3A_33 = arith.mulf %mul3A_32, %broadcast_in_dim3A_30 : vector<3200x1xf32>
    %mul3A_34 = arith.constant 0.488602519 : f32
    %mul3A_35 = vector.broadcast %mul3A_34 : f32 to vector<3200x1xf32>
    %mul3A_36 = arith.mulf %mul3A_35, %mul3A_28 : vector<3200x1xf32>
    %mul3A_37 = arith.constant 0.488602519 : f32
    %mul3A_38 = vector.broadcast %mul3A_37 : f32 to vector<3200x1xf32>
    %mul3A_39 = arith.mulf %mul3A_38, %mul3A_29 : vector<3200x1xf32>
    %mul3A_40 = arith.constant 0.488602519 : f32
    %mul3A_41 = vector.broadcast %mul3A_40 : f32 to vector<3200x1xf32>
    %mul3A_42 = arith.mulf %mul3A_41, %mul3A_27 : vector<3200x1xf32>
    %mul3A_43 = arith.mulf %mul3A_27, %mul3A_28 : vector<3200x1xf32>
    %mul3A_44 = arith.constant 1.09254849 : f32
    %mul3A_45 = vector.broadcast %mul3A_44 : f32 to vector<3200x1xf32>
    %mul3A_46 = arith.mulf %mul3A_45, %mul3A_43 : vector<3200x1xf32>
    %mul3A_47 = arith.mulf %mul3A_28, %mul3A_29 : vector<3200x1xf32>
    %mul3A_48 = arith.constant 1.09254849 : f32
    %mul3A_49 = vector.broadcast %mul3A_48 : f32 to vector<3200x1xf32>
    %mul3A_50 = arith.mulf %mul3A_49, %mul3A_47 : vector<3200x1xf32>
    %mul3A_51 = arith.constant 3.000000e+00 : f32
    %mul3A_52 = vector.broadcast %mul3A_51 : f32 to vector<3200x1xf32>
    %mul3A_53 = arith.mulf %mul3A_52, %mul3A_29 : vector<3200x1xf32>
    %mul3A_54 = arith.mulf %mul3A_53, %mul3A_29 : vector<3200x1xf32>
    %sub3A_55 = arith.constant 1.000000e+00 : f32
    %sub3A_56 = vector.broadcast %sub3A_55 : f32 to vector<3200x1xf32>
    %sub3A_57 = arith.subf %mul3A_54, %sub3A_56 : vector<3200x1xf32>
    %mul3A_58 = arith.constant 0.31539157 : f32
    %mul3A_59 = vector.broadcast %mul3A_58 : f32 to vector<3200x1xf32>
    %mul3A_60 = arith.mulf %mul3A_59, %sub3A_57 : vector<3200x1xf32>
    %mul3A_61 = arith.mulf %mul3A_27, %mul3A_29 : vector<3200x1xf32>
    %mul3A_62 = arith.constant 1.09254849 : f32
    %mul3A_63 = vector.broadcast %mul3A_62 : f32 to vector<3200x1xf32>
    %mul3A_64 = arith.mulf %mul3A_63, %mul3A_61 : vector<3200x1xf32>
    %mul3A_65 = arith.mulf %mul3A_27, %mul3A_27 : vector<3200x1xf32>
    %mul3A_66 = arith.mulf %mul3A_28, %mul3A_28 : vector<3200x1xf32>
    %sub3A_67 = arith.subf %mul3A_65, %mul3A_66 : vector<3200x1xf32>
    %mul3A_68 = arith.constant 0.546274245 : f32
    %mul3A_69 = vector.broadcast %mul3A_68 : f32 to vector<3200x1xf32>
    %mul3A_70 = arith.mulf %mul3A_69, %sub3A_67 : vector<3200x1xf32>
    %concatenate3A = tpu.concatenate %mul3A_33, %mul3A_36, %mul3A_39, %mul3A_42, %mul3A_46, %mul3A_50, %mul3A_60, %mul3A_64, %mul3A_70 in 1 : vector<3200x1xf32>, vector<3200x1xf32>, vector<3200x1xf32>, vector<3200x1xf32>, vector<3200x1xf32>, vector<3200x1xf32>, vector<3200x1xf32>, vector<3200x1xf32>, vector<3200x1xf32> -> vector<3200x9xf32>
    %get3A_71 = arith.constant 0 : index
    %get3A_72 = arith.constant 0 : index
    %get3A_73 = vector.load %arg4[%get3A_71, %get3A_72] : memref<9x128xf32, #tpu.memory_space<vmem>>, vector<9x128xf32>
    %dot_general3A = arith.constant dense<0.000000e+00> : vector<3200x128xf32>
    %dot_general3A_74 = tpu.matmul %concatenate3A, %get3A_73, %dot_general3A {dimension_numbers = #tpu.dot_dimension_numbers<[1], [0], [0], [1], [0, 0, 1, 1], [], []>, transpose_lhs_hint = false} : vector<3200x9xf32>, vector<9x128xf32>, vector<3200x128xf32> -> vector<3200x128xf32>
    %div3A_75 = arith.constant 1.000000e+01 : f32
    %div3A_76 = vector.broadcast %div3A_75 : f32 to vector<3200x1xf32>
    %div3A_77 = arith.divf %sqrt3A, %div3A_76 : vector<3200x1xf32>
    %jit3A = arith.constant 0.000000e+00 : f32
    %jit3A_78 = arith.constant 1.000000e+00 : f32
    %max3A = vector.broadcast %jit3A : f32 to vector<3200x1xf32>
    %max3A_79 = arith.maximumf %max3A, %div3A_77 : vector<3200x1xf32>
    %min3A = vector.broadcast %jit3A_78 : f32 to vector<3200x1xf32>
    %min3A_80 = arith.minimumf %min3A, %max3A_79 : vector<3200x1xf32>
    %mul3A_81 = arith.mulf %min3A_80, %min3A_80 : vector<3200x1xf32>
    %mul3A_82 = arith.mulf %mul3A_81, %min3A_80 : vector<3200x1xf32>
    %mul3A_83 = arith.mulf %mul3A_82, %mul3A_82 : vector<3200x1xf32>
    %mul3A_84 = arith.mulf %mul3A_83, %min3A_80 : vector<3200x1xf32>
    %mul3A_85 = arith.mulf %mul3A_84, %min3A_80 : vector<3200x1xf32>
    %mul3A_86 = arith.constant 2.800000e+01 : f32
    %mul3A_87 = vector.broadcast %mul3A_86 : f32 to vector<3200x1xf32>
    %mul3A_88 = arith.mulf %mul3A_87, %mul3A_83 : vector<3200x1xf32>
    %sub3A_89 = arith.constant 1.000000e+00 : f32
    %sub3A_90 = vector.broadcast %sub3A_89 : f32 to vector<3200x1xf32>
    %sub3A_91 = arith.subf %sub3A_90, %mul3A_88 : vector<3200x1xf32>
    %mul3A_92 = arith.constant 4.800000e+01 : f32
    %mul3A_93 = vector.broadcast %mul3A_92 : f32 to vector<3200x1xf32>
    %mul3A_94 = arith.mulf %mul3A_93, %mul3A_84 : vector<3200x1xf32>
    %add3A_95 = arith.addf %sub3A_91, %mul3A_94 : vector<3200x1xf32>
    %mul3A_96 = arith.constant 2.100000e+01 : f32
    %mul3A_97 = vector.broadcast %mul3A_96 : f32 to vector<3200x1xf32>
    %mul3A_98 = arith.mulf %mul3A_97, %mul3A_85 : vector<3200x1xf32>
    %sub3A_99 = arith.subf %add3A_95, %mul3A_98 : vector<3200x1xf32>
    %iota3A = tpu.iota {dimensions = array<i32: 1>} : vector<1x8xi32>
    %add3A_100 = arith.constant 1 : i32
    %add3A_101 = vector.broadcast %add3A_100 : i32 to vector<1x8xi32>
    %add3A_102 = arith.addi %iota3A, %add3A_101 : vector<1x8xi32>
    %convert_element_type3A = arith.sitofp %add3A_102 : vector<1x8xi32> to vector<1x8xf32>
    %mul3A_103 = arith.constant 3.14159274 : f32
    %mul3A_104 = vector.broadcast %mul3A_103 : f32 to vector<1x8xf32>
    %mul3A_105 = arith.mulf %convert_element_type3A, %mul3A_104 : vector<1x8xf32>
    %mul3A_106 = vector.broadcast %mul3A_105 : vector<1x8xf32> to vector<3200x8xf32>
    %mul3A_107 = vector.broadcast %sqrt3A : vector<3200x1xf32> to vector<3200x8xf32>
    %mul3A_108 = arith.mulf %mul3A_106, %mul3A_107 : vector<3200x8xf32>
    %div3A_109 = arith.constant 1.000000e+01 : f32
    %div3A_110 = vector.broadcast %div3A_109 : f32 to vector<3200x8xf32>
    %div3A_111 = arith.divf %mul3A_108, %div3A_110 : vector<3200x8xf32>
    %mul3A_112 = arith.constant 0.159154937 : f32
    %mul3A_113 = vector.broadcast %mul3A_112 : f32 to vector<3200x8xf32>
    %mul3A_114 = arith.mulf %div3A_111, %mul3A_113 : vector<3200x8xf32>
    %round3A = math.roundeven %mul3A_114 : vector<3200x8xf32>
    %mul3A_115 = arith.constant 6.28318548 : f32
    %mul3A_116 = vector.broadcast %mul3A_115 : f32 to vector<3200x8xf32>
    %mul3A_117 = arith.mulf %round3A, %mul3A_116 : vector<3200x8xf32>
    %sub3A_118 = arith.subf %div3A_111, %mul3A_117 : vector<3200x8xf32>
    %mul3A_119 = arith.constant -1.74845553E-7 : f32
    %mul3A_120 = vector.broadcast %mul3A_119 : f32 to vector<3200x8xf32>
    %mul3A_121 = arith.mulf %round3A, %mul3A_120 : vector<3200x8xf32>
    %sub3A_122 = arith.subf %sub3A_118, %mul3A_121 : vector<3200x8xf32>
    %sin3A = math.sin %sub3A_122 : vector<3200x8xf32>
    %mul3A_123 = arith.constant 0.44721359 : f32
    %mul3A_124 = vector.broadcast %mul3A_123 : f32 to vector<3200x8xf32>
    %mul3A_125 = arith.mulf %mul3A_124, %sin3A : vector<3200x8xf32>
    %add3A_126 = arith.constant 9.99999993E-9 : f32
    %add3A_127 = vector.broadcast %add3A_126 : f32 to vector<3200x1xf32>
    %add3A_128 = arith.addf %sqrt3A, %add3A_127 : vector<3200x1xf32>
    %div3A_129 = vector.broadcast %add3A_128 : vector<3200x1xf32> to vector<3200x8xf32>
    %div3A_130 = arith.divf %mul3A_125, %div3A_129 : vector<3200x8xf32>
    %mul3A_131 = vector.broadcast %sub3A_99 : vector<3200x1xf32> to vector<3200x8xf32>
    %mul3A_132 = arith.mulf %div3A_130, %mul3A_131 : vector<3200x8xf32>
    %get3A_133 = arith.constant 0 : index
    %get3A_134 = arith.constant 0 : index
    %get3A_135 = vector.load %arg5[%get3A_133, %get3A_134] : memref<8x64xf32, #tpu.memory_space<vmem>>, vector<8x64xf32>
    %dot_general3A_136 = arith.constant dense<0.000000e+00> : vector<3200x64xf32>
    %dot_general3A_137 = tpu.matmul %mul3A_132, %get3A_135, %dot_general3A_136 {dimension_numbers = #tpu.dot_dimension_numbers<[1], [0], [0], [1], [0, 0, 1, 1], [], []>, transpose_lhs_hint = false} : vector<3200x8xf32>, vector<8x64xf32>, vector<3200x64xf32> -> vector<3200x64xf32>
    %get3A_138 = arith.constant 0 : index
    %get3A_139 = arith.constant 0 : index
    %get3A_140 = vector.load %arg6[%get3A_138, %get3A_139] : memref<1x64xf32, #tpu.memory_space<vmem>>, vector<1x64xf32>
    %add3A_141 = vector.broadcast %get3A_140 : vector<1x64xf32> to vector<3200x64xf32>
    %add3A_142 = arith.addf %dot_general3A_137, %add3A_141 : vector<3200x64xf32>
    %max3A_143 = arith.constant 0.000000e+00 : f32
    %max3A_144 = vector.broadcast %max3A_143 : f32 to vector<3200x64xf32>
    %max3A_145 = arith.maximumf %add3A_142, %max3A_144 : vector<3200x64xf32>
    %get3A_146 = arith.constant 0 : index
    %get3A_147 = arith.constant 0 : index
    %get3A_148 = vector.load %arg7[%get3A_146, %get3A_147] : memref<64x128xf32, #tpu.memory_space<vmem>>, vector<64x128xf32>
    %dot_general3A_149 = arith.constant dense<0.000000e+00> : vector<3200x128xf32>
    %dot_general3A_150 = tpu.matmul %max3A_145, %get3A_148, %dot_general3A_149 {dimension_numbers = #tpu.dot_dimension_numbers<[1], [0], [0], [1], [0, 0, 1, 1], [], []>, transpose_lhs_hint = false} : vector<3200x64xf32>, vector<64x128xf32>, vector<3200x128xf32> -> vector<3200x128xf32>
    %get3A_151 = arith.constant 0 : index
    %get3A_152 = arith.constant 0 : index
    %get3A_153 = vector.load %arg8[%get3A_151, %get3A_152] : memref<1x128xf32, #tpu.memory_space<vmem>>, vector<1x128xf32>
    %add3A_154 = vector.broadcast %get3A_153 : vector<1x128xf32> to vector<3200x128xf32>
    %add3A_155 = arith.addf %dot_general3A_150, %add3A_154 : vector<3200x128xf32>
    %get3A_156 = arith.constant 0 : index
    %get3A_157 = arith.constant 0 : index
    %get3A_158 = vector.load %arg3[%get3A_156, %get3A_157] : memref<3200x128xf32, #tpu.memory_space<vmem>>, vector<3200x128xf32>
    %mul3A_159 = arith.mulf %get3A_158, %dot_general3A_74 : vector<3200x128xf32>
    %mul3A_160 = arith.mulf %mul3A_159, %add3A_155 : vector<3200x128xf32>
    %swap3A = arith.constant 0 : index
    %swap3A_161 = arith.constant 0 : index
    %swap3A_162 = vector.load %arg9[%swap3A, %swap3A_161] : memref<3200x128xf32, #tpu.memory_space<vmem>>, vector<3200x128xf32>
    tpu.vector_store %arg9[%swap3A, %swap3A_161], %mul3A_160 {strides = array<i32>} : memref<3200x128xf32, #tpu.memory_space<vmem>>, vector<3200x128xf32>,
    return
  }
  func.func @transform_0(%arg0: i32) -> (i32, i32) {
    %c0_i32 = arith.constant 0 : i32
    %c0_i32_0 = arith.constant 0 : i32
    return %arg0, %c0_i32 : i32, i32
  }
  func.func @transform_1(%arg0: i32) -> (i32, i32) {
    %c0_i32 = arith.constant 0 : i32
    %c0_i32_0 = arith.constant 0 : i32
    return %arg0, %c0_i32 : i32, i32
  }
  func.func @transform_2(%arg0: i32) -> (i32, i32) {
    %c0_i32 = arith.constant 0 : i32
    %c0_i32_0 = arith.constant 0 : i32
    return %arg0, %c0_i32 : i32, i32
  }
  func.func @transform_3(%arg0: i32) -> (i32, i32) {
    %c0_i32 = arith.constant 0 : i32
    %c0_i32_0 = arith.constant 0 : i32
    %c0_i32_1 = arith.constant 0 : i32
    return %c0_i32, %c0_i32_0 : i32, i32
  }
  func.func @transform_4(%arg0: i32) -> (i32, i32) {
    %c0_i32 = arith.constant 0 : i32
    %c0_i32_0 = arith.constant 0 : i32
    %c0_i32_1 = arith.constant 0 : i32
    return %c0_i32, %c0_i32_0 : i32, i32
  }
  func.func @transform_5(%arg0: i32) -> (i32, i32) {
    %c0_i32 = arith.constant 0 : i32
    %c0_i32_0 = arith.constant 0 : i32
    %c0_i32_1 = arith.constant 0 : i32
    return %c0_i32, %c0_i32_0 : i32, i32
  }
  func.func @transform_6(%arg0: i32) -> (i32, i32) {
    %c0_i32 = arith.constant 0 : i32
    %c0_i32_0 = arith.constant 0 : i32
    %c0_i32_1 = arith.constant 0 : i32
    return %c0_i32, %c0_i32_0 : i32, i32
  }
  func.func @transform_7(%arg0: i32) -> (i32, i32) {
    %c0_i32 = arith.constant 0 : i32
    %c0_i32_0 = arith.constant 0 : i32
    %c0_i32_1 = arith.constant 0 : i32
    return %c0_i32, %c0_i32_0 : i32, i32
  }
  func.func @transform_8(%arg0: i32) -> (i32, i32) {
    %c0_i32 = arith.constant 0 : i32
    %c0_i32_0 = arith.constant 0 : i32
    return %arg0, %c0_i32 : i32, i32
  }
}

module attributes {stable_mosaic.version = 14 : i64} {
  func.func @_lin_body(%arg0: i32, %arg1: memref<512x64xf32, #tpu.memory_space<vmem>>, %arg2: memref<64x128xf32, #tpu.memory_space<vmem>>, %arg3: memref<1x128xf32, #tpu.memory_space<vmem>>, %arg4: memref<512x128xf32, #tpu.memory_space<vmem>>) attributes {dimension_semantics = [#tpu.dimension_semantics<arbitrary>], iteration_bounds = array<i64: 20>, scalar_prefetch = 0 : i64, scratch_operands = 0 : i64, tpu.core_type = #tpu.core_type<tc>, window_params = [{transform_indices = @transform_0, window_bounds = array<i64: 512, 64>}, {pipeline_mode = #tpu.pipeline_mode<synchronous>, transform_indices = @transform_1, window_bounds = array<i64: 64, 128>}, {pipeline_mode = #tpu.pipeline_mode<synchronous>, transform_indices = @transform_2, window_bounds = array<i64: 1, 128>}, {transform_indices = @transform_3, window_bounds = array<i64: 512, 128>}]} {
    %get3A = arith.constant 0 : index
    %get3A_0 = arith.constant 0 : index
    %get3A_1 = vector.load %arg1[%get3A, %get3A_0] : memref<512x64xf32, #tpu.memory_space<vmem>>, vector<512x64xf32>
    %get3A_2 = arith.constant 0 : index
    %get3A_3 = arith.constant 0 : index
    %get3A_4 = vector.load %arg2[%get3A_2, %get3A_3] : memref<64x128xf32, #tpu.memory_space<vmem>>, vector<64x128xf32>
    %dot_general3A = arith.constant dense<0.000000e+00> : vector<512x128xf32>
    %dot_general3A_5 = tpu.matmul %get3A_1, %get3A_4, %dot_general3A {dimension_numbers = #tpu.dot_dimension_numbers<[1], [0], [0], [1], [0, 0, 1, 1], [], []>, transpose_lhs_hint = false} : vector<512x64xf32>, vector<64x128xf32>, vector<512x128xf32> -> vector<512x128xf32>
    %get3A_6 = arith.constant 0 : index
    %get3A_7 = arith.constant 0 : index
    %get3A_8 = vector.load %arg3[%get3A_6, %get3A_7] : memref<1x128xf32, #tpu.memory_space<vmem>>, vector<1x128xf32>
    %add3A = vector.broadcast %get3A_8 : vector<1x128xf32> to vector<512x128xf32>
    %add3A_9 = arith.addf %dot_general3A_5, %add3A : vector<512x128xf32>
    %tanh3A = math.tanh %add3A_9 : vector<512x128xf32>
    %swap3A = arith.constant 0 : index
    %swap3A_10 = arith.constant 0 : index
    %swap3A_11 = vector.load %arg4[%swap3A, %swap3A_10] : memref<512x128xf32, #tpu.memory_space<vmem>>, vector<512x128xf32>
    tpu.vector_store %arg4[%swap3A, %swap3A_10], %tanh3A {strides = array<i32>} : memref<512x128xf32, #tpu.memory_space<vmem>>, vector<512x128xf32>,
    return
  }
  func.func @transform_0(%arg0: i32) -> (i32, i32) {
    %c0_i32 = arith.constant 0 : i32
    %c0_i32_0 = arith.constant 0 : i32
    return %arg0, %c0_i32 : i32, i32
  }
  func.func @transform_1(%arg0: i32) -> (i32, i32) {
    %c0_i32 = arith.constant 0 : i32
    %c0_i32_0 = arith.constant 0 : i32
    %c0_i32_1 = arith.constant 0 : i32
    return %c0_i32, %c0_i32_0 : i32, i32
  }
  func.func @transform_2(%arg0: i32) -> (i32, i32) {
    %c0_i32 = arith.constant 0 : i32
    %c0_i32_0 = arith.constant 0 : i32
    %c0_i32_1 = arith.constant 0 : i32
    return %c0_i32, %c0_i32_0 : i32, i32
  }
  func.func @transform_3(%arg0: i32) -> (i32, i32) {
    %c0_i32 = arith.constant 0 : i32
    %c0_i32_0 = arith.constant 0 : i32
    return %arg0, %c0_i32 : i32, i32
  }
}

module attributes {stable_mosaic.version = 14 : i64} {
  func.func @_lin_body(%arg0: i32, %arg1: memref<256x64xf32, #tpu.memory_space<vmem>>, %arg2: memref<64x32xf32, #tpu.memory_space<vmem>>, %arg3: memref<1x32xf32, #tpu.memory_space<vmem>>, %arg4: memref<256x32xf32, #tpu.memory_space<vmem>>) attributes {dimension_semantics = [#tpu.dimension_semantics<arbitrary>], iteration_bounds = array<i64: 4>, scalar_prefetch = 0 : i64, scratch_operands = 0 : i64, tpu.core_type = #tpu.core_type<tc>, window_params = [{transform_indices = @transform_0, window_bounds = array<i64: 256, 64>}, {pipeline_mode = #tpu.pipeline_mode<synchronous>, transform_indices = @transform_1, window_bounds = array<i64: 64, 32>}, {pipeline_mode = #tpu.pipeline_mode<synchronous>, transform_indices = @transform_2, window_bounds = array<i64: 1, 32>}, {transform_indices = @transform_3, window_bounds = array<i64: 256, 32>}]} {
    %get3A = arith.constant 0 : index
    %get3A_0 = arith.constant 0 : index
    %get3A_1 = vector.load %arg1[%get3A, %get3A_0] : memref<256x64xf32, #tpu.memory_space<vmem>>, vector<256x64xf32>
    %get3A_2 = arith.constant 0 : index
    %get3A_3 = arith.constant 0 : index
    %get3A_4 = vector.load %arg2[%get3A_2, %get3A_3] : memref<64x32xf32, #tpu.memory_space<vmem>>, vector<64x32xf32>
    %dot_general3A = arith.constant dense<0.000000e+00> : vector<256x32xf32>
    %dot_general3A_5 = tpu.matmul %get3A_1, %get3A_4, %dot_general3A {dimension_numbers = #tpu.dot_dimension_numbers<[1], [0], [0], [1], [0, 0, 1, 1], [], []>, transpose_lhs_hint = false} : vector<256x64xf32>, vector<64x32xf32>, vector<256x32xf32> -> vector<256x32xf32>
    %get3A_6 = arith.constant 0 : index
    %get3A_7 = arith.constant 0 : index
    %get3A_8 = vector.load %arg3[%get3A_6, %get3A_7] : memref<1x32xf32, #tpu.memory_space<vmem>>, vector<1x32xf32>
    %add3A = vector.broadcast %get3A_8 : vector<1x32xf32> to vector<256x32xf32>
    %add3A_9 = arith.addf %dot_general3A_5, %add3A : vector<256x32xf32>
    %swap3A = arith.constant 0 : index
    %swap3A_10 = arith.constant 0 : index
    %swap3A_11 = vector.load %arg4[%swap3A, %swap3A_10] : memref<256x32xf32, #tpu.memory_space<vmem>>, vector<256x32xf32>
    tpu.vector_store %arg4[%swap3A, %swap3A_10], %add3A_9 {strides = array<i32>} : memref<256x32xf32, #tpu.memory_space<vmem>>, vector<256x32xf32>,
    return
  }
  func.func @transform_0(%arg0: i32) -> (i32, i32) {
    %c0_i32 = arith.constant 0 : i32
    %c0_i32_0 = arith.constant 0 : i32
    return %arg0, %c0_i32 : i32, i32
  }
  func.func @transform_1(%arg0: i32) -> (i32, i32) {
    %c0_i32 = arith.constant 0 : i32
    %c0_i32_0 = arith.constant 0 : i32
    %c0_i32_1 = arith.constant 0 : i32
    return %c0_i32, %c0_i32_0 : i32, i32
  }
  func.func @transform_2(%arg0: i32) -> (i32, i32) {
    %c0_i32 = arith.constant 0 : i32
    %c0_i32_0 = arith.constant 0 : i32
    %c0_i32_1 = arith.constant 0 : i32
    return %c0_i32, %c0_i32_0 : i32, i32
  }
  func.func @transform_3(%arg0: i32) -> (i32, i32) {
    %c0_i32 = arith.constant 0 : i32
    %c0_i32_0 = arith.constant 0 : i32
    return %arg0, %c0_i32 : i32, i32
  }
}

module attributes {stable_mosaic.version = 14 : i64} {
  func.func @_lin_body(%arg0: i32, %arg1: memref<256x32xf32, #tpu.memory_space<vmem>>, %arg2: memref<32x1000xf32, #tpu.memory_space<vmem>>, %arg3: memref<1x1000xf32, #tpu.memory_space<vmem>>, %arg4: memref<256x1000xf32, #tpu.memory_space<vmem>>) attributes {dimension_semantics = [#tpu.dimension_semantics<arbitrary>], iteration_bounds = array<i64: 4>, scalar_prefetch = 0 : i64, scratch_operands = 0 : i64, tpu.core_type = #tpu.core_type<tc>, window_params = [{transform_indices = @transform_0, window_bounds = array<i64: 256, 32>}, {pipeline_mode = #tpu.pipeline_mode<synchronous>, transform_indices = @transform_1, window_bounds = array<i64: 32, 1000>}, {pipeline_mode = #tpu.pipeline_mode<synchronous>, transform_indices = @transform_2, window_bounds = array<i64: 1, 1000>}, {transform_indices = @transform_3, window_bounds = array<i64: 256, 1000>}]} {
    %get3A = arith.constant 0 : index
    %get3A_0 = arith.constant 0 : index
    %get3A_1 = vector.load %arg1[%get3A, %get3A_0] : memref<256x32xf32, #tpu.memory_space<vmem>>, vector<256x32xf32>
    %get3A_2 = arith.constant 0 : index
    %get3A_3 = arith.constant 0 : index
    %get3A_4 = vector.load %arg2[%get3A_2, %get3A_3] : memref<32x1000xf32, #tpu.memory_space<vmem>>, vector<32x1000xf32>
    %dot_general3A = arith.constant dense<0.000000e+00> : vector<256x1000xf32>
    %dot_general3A_5 = tpu.matmul %get3A_1, %get3A_4, %dot_general3A {dimension_numbers = #tpu.dot_dimension_numbers<[1], [0], [0], [1], [0, 0, 1, 1], [], []>, transpose_lhs_hint = false} : vector<256x32xf32>, vector<32x1000xf32>, vector<256x1000xf32> -> vector<256x1000xf32>
    %get3A_6 = arith.constant 0 : index
    %get3A_7 = arith.constant 0 : index
    %get3A_8 = vector.load %arg3[%get3A_6, %get3A_7] : memref<1x1000xf32, #tpu.memory_space<vmem>>, vector<1x1000xf32>
    %add3A = vector.broadcast %get3A_8 : vector<1x1000xf32> to vector<256x1000xf32>
    %add3A_9 = arith.addf %dot_general3A_5, %add3A : vector<256x1000xf32>
    %swap3A = arith.constant 0 : index
    %swap3A_10 = arith.constant 0 : index
    %swap3A_11 = vector.load %arg4[%swap3A, %swap3A_10] : memref<256x1000xf32, #tpu.memory_space<vmem>>, vector<256x1000xf32>
    tpu.vector_store %arg4[%swap3A, %swap3A_10], %add3A_9 {strides = array<i32>} : memref<256x1000xf32, #tpu.memory_space<vmem>>, vector<256x1000xf32>,
    return
  }
  func.func @transform_0(%arg0: i32) -> (i32, i32) {
    %c0_i32 = arith.constant 0 : i32
    %c0_i32_0 = arith.constant 0 : i32
    return %arg0, %c0_i32 : i32, i32
  }
  func.func @transform_1(%arg0: i32) -> (i32, i32) {
    %c0_i32 = arith.constant 0 : i32
    %c0_i32_0 = arith.constant 0 : i32
    %c0_i32_1 = arith.constant 0 : i32
    return %c0_i32, %c0_i32_0 : i32, i32
  }
  func.func @transform_2(%arg0: i32) -> (i32, i32) {
    %c0_i32 = arith.constant 0 : i32
    %c0_i32_0 = arith.constant 0 : i32
    %c0_i32_1 = arith.constant 0 : i32
    return %c0_i32, %c0_i32_0 : i32, i32
  }
  func.func @transform_3(%arg0: i32) -> (i32, i32) {
    %c0_i32 = arith.constant 0 : i32
    %c0_i32_0 = arith.constant 0 : i32
    return %arg0, %c0_i32 : i32, i32
  }
}

module attributes {stable_mosaic.version = 14 : i64} {
  func.func @_thresh_body(%arg0: i32, %arg1: memref<200x1024xf32, #tpu.memory_space<vmem>>, %arg2: memref<200x1xf32, #tpu.memory_space<vmem>>) attributes {dimension_semantics = [#tpu.dimension_semantics<arbitrary>], iteration_bounds = array<i64: 5>, scalar_prefetch = 0 : i64, scratch_operands = 0 : i64, tpu.core_type = #tpu.core_type<tc>, window_params = [{transform_indices = @transform_0, window_bounds = array<i64: 200, 1024>}, {transform_indices = @transform_1, window_bounds = array<i64: 200, 1>}]} {
    %get3A = arith.constant 0 : index
    %get3A_0 = arith.constant 0 : index
    %get3A_1 = vector.load %arg1[%get3A, %get3A_0] : memref<200x1024xf32, #tpu.memory_space<vmem>>, vector<200x1024xf32>
    %bitcast_convert_type3A = tpu.bitcast %get3A_1 : vector<200x1024xf32> -> vector<200x1024xi32>
    %broadcast_in_dim3A = arith.constant 0 : i32
    %broadcast_in_dim3A_2 = vector.broadcast %broadcast_in_dim3A : i32 to vector<200x1xi32>
    %broadcast_in_dim3A_3 = arith.constant 1065353217 : i32
    %broadcast_in_dim3A_4 = vector.broadcast %broadcast_in_dim3A_3 : i32 to vector<200x1xi32>
    %scan3A = arith.constant 0 : i32
    %scan3A_5 = arith.constant 31 : i32
    %scan3A_6 = arith.addi %scan3A, %scan3A_5 : i32
    %scan3A_7 = arith.constant 1 : i32
    %scan3A_8:2 = scf.for %scan3A_12 = %scan3A to %scan3A_6 step %scan3A_7 iter_args(%scan3A_13 = %broadcast_in_dim3A_2, %scan3A_14 = %broadcast_in_dim3A_4) -> (vector<200x1xi32>, vector<200x1xi32>)  : i32 {
      %add3A = arith.addi %scan3A_13, %scan3A_14 : vector<200x1xi32>
      %add3A_15 = arith.constant 1 : i32
      %add3A_16 = vector.broadcast %add3A_15 : i32 to vector<200x1xi32>
      %add3A_17 = arith.addi %add3A, %add3A_16 : vector<200x1xi32>
      %shift_right_arithmetic3A = arith.constant 1 : i32
      %shift_right_arithmetic3A_18 = vector.broadcast %shift_right_arithmetic3A : i32 to vector<200x1xi32>
      %shift_right_arithmetic3A_19 = arith.shrsi %add3A_17, %shift_right_arithmetic3A_18 : vector<200x1xi32>
      %ge3A = vector.broadcast %shift_right_arithmetic3A_19 : vector<200x1xi32> to vector<200x1024xi32>
      %ge3A_20 = arith.cmpi sge, %bitcast_convert_type3A, %ge3A : vector<200x1024xi32>
      %convert_element_type3A = arith.extui %ge3A_20 : vector<200x1024xi1> to vector<200x1024xi32>
      %convert_element_type3A_21 = arith.sitofp %convert_element_type3A : vector<200x1024xi32> to vector<200x1024xf32>
      %reduce_sum3A = arith.constant dense<0.000000e+00> : vector<200xf32>
      %reduce_sum3A_22 = vector.multi_reduction <add>, %convert_element_type3A_21, %reduce_sum3A [1] : vector<200x1024xf32> to vector<200xf32>
      %broadcast_in_dim3A_23 = vector.shape_cast %reduce_sum3A_22 : vector<200xf32> to vector<200x1xf32>
      %ge3A_24 = arith.constant 8.000000e+00 : f32
      %ge3A_25 = vector.broadcast %ge3A_24 : f32 to vector<200x1xf32>
      %ge3A_26 = arith.cmpf oge, %broadcast_in_dim3A_23, %ge3A_25 : vector<200x1xf32>
      %select_n3A = arith.select %ge3A_26, %shift_right_arithmetic3A_19, %scan3A_13 : vector<200x1xi1>, vector<200x1xi32>
      %sub3A = arith.constant 1 : i32
      %sub3A_27 = vector.broadcast %sub3A : i32 to vector<200x1xi32>
      %sub3A_28 = arith.subi %shift_right_arithmetic3A_19, %sub3A_27 : vector<200x1xi32>
      %select_n3A_29 = arith.select %ge3A_26, %scan3A_14, %sub3A_28 : vector<200x1xi1>, vector<200x1xi32>
      scf.yield %select_n3A, %select_n3A_29 : vector<200x1xi32>, vector<200x1xi32>
    }
    %bitcast_convert_type3A_9 = tpu.bitcast %scan3A_8#0 : vector<200x1xi32> -> vector<200x1xf32>
    %swap3A = arith.constant 0 : index
    %swap3A_10 = arith.constant 0 : index
    %swap3A_11 = vector.load %arg2[%swap3A, %swap3A_10] : memref<200x1xf32, #tpu.memory_space<vmem>>, vector<200x1xf32>
    tpu.vector_store %arg2[%swap3A, %swap3A_10], %bitcast_convert_type3A_9 {strides = array<i32>} : memref<200x1xf32, #tpu.memory_space<vmem>>, vector<200x1xf32>,
    return
  }
  func.func @transform_0(%arg0: i32) -> (i32, i32) {
    %c0_i32 = arith.constant 0 : i32
    %c0_i32_0 = arith.constant 0 : i32
    return %arg0, %c0_i32 : i32, i32
  }
  func.func @transform_1(%arg0: i32) -> (i32, i32) {
    %c0_i32 = arith.constant 0 : i32
    %c0_i32_0 = arith.constant 0 : i32
    return %arg0, %c0_i32 : i32, i32
  }
}

module attributes {stable_mosaic.version = 14 : i64} {
  func.func @_lin_body(%arg0: i32, %arg1: memref<256x128xf32, #tpu.memory_space<vmem>>, %arg2: memref<128x128xf32, #tpu.memory_space<vmem>>, %arg3: memref<1x128xf32, #tpu.memory_space<vmem>>, %arg4: memref<256x128xf32, #tpu.memory_space<vmem>>) attributes {dimension_semantics = [#tpu.dimension_semantics<arbitrary>], iteration_bounds = array<i64: 4>, scalar_prefetch = 0 : i64, scratch_operands = 0 : i64, tpu.core_type = #tpu.core_type<tc>, window_params = [{transform_indices = @transform_0, window_bounds = array<i64: 256, 128>}, {pipeline_mode = #tpu.pipeline_mode<synchronous>, transform_indices = @transform_1, window_bounds = array<i64: 128, 128>}, {pipeline_mode = #tpu.pipeline_mode<synchronous>, transform_indices = @transform_2, window_bounds = array<i64: 1, 128>}, {transform_indices = @transform_3, window_bounds = array<i64: 256, 128>}]} {
    %get3A = arith.constant 0 : index
    %get3A_0 = arith.constant 0 : index
    %get3A_1 = vector.load %arg1[%get3A, %get3A_0] : memref<256x128xf32, #tpu.memory_space<vmem>>, vector<256x128xf32>
    %get3A_2 = arith.constant 0 : index
    %get3A_3 = arith.constant 0 : index
    %get3A_4 = vector.load %arg2[%get3A_2, %get3A_3] : memref<128x128xf32, #tpu.memory_space<vmem>>, vector<128x128xf32>
    %dot_general3A = arith.constant dense<0.000000e+00> : vector<256x128xf32>
    %dot_general3A_5 = tpu.matmul %get3A_1, %get3A_4, %dot_general3A {dimension_numbers = #tpu.dot_dimension_numbers<[1], [0], [0], [1], [0, 0, 1, 1], [], []>, transpose_lhs_hint = false} : vector<256x128xf32>, vector<128x128xf32>, vector<256x128xf32> -> vector<256x128xf32>
    %get3A_6 = arith.constant 0 : index
    %get3A_7 = arith.constant 0 : index
    %get3A_8 = vector.load %arg3[%get3A_6, %get3A_7] : memref<1x128xf32, #tpu.memory_space<vmem>>, vector<1x128xf32>
    %add3A = vector.broadcast %get3A_8 : vector<1x128xf32> to vector<256x128xf32>
    %add3A_9 = arith.addf %dot_general3A_5, %add3A : vector<256x128xf32>
    %swap3A = arith.constant 0 : index
    %swap3A_10 = arith.constant 0 : index
    %swap3A_11 = vector.load %arg4[%swap3A, %swap3A_10] : memref<256x128xf32, #tpu.memory_space<vmem>>, vector<256x128xf32>
    tpu.vector_store %arg4[%swap3A, %swap3A_10], %add3A_9 {strides = array<i32>} : memref<256x128xf32, #tpu.memory_space<vmem>>, vector<256x128xf32>,
    return
  }
  func.func @transform_0(%arg0: i32) -> (i32, i32) {
    %c0_i32 = arith.constant 0 : i32
    %c0_i32_0 = arith.constant 0 : i32
    return %arg0, %c0_i32 : i32, i32
  }
  func.func @transform_1(%arg0: i32) -> (i32, i32) {
    %c0_i32 = arith.constant 0 : i32
    %c0_i32_0 = arith.constant 0 : i32
    %c0_i32_1 = arith.constant 0 : i32
    return %c0_i32, %c0_i32_0 : i32, i32
  }
  func.func @transform_2(%arg0: i32) -> (i32, i32) {
    %c0_i32 = arith.constant 0 : i32
    %c0_i32_0 = arith.constant 0 : i32
    %c0_i32_1 = arith.constant 0 : i32
    return %c0_i32, %c0_i32_0 : i32, i32
  }
  func.func @transform_3(%arg0: i32) -> (i32, i32) {
    %c0_i32 = arith.constant 0 : i32
    %c0_i32_0 = arith.constant 0 : i32
    return %arg0, %c0_i32 : i32, i32
  }
}

module attributes {stable_mosaic.version = 14 : i64} {
  func.func @_pair_body(%arg0: i32, %arg1: memref<1024x3xf32, #tpu.memory_space<vmem>>, %arg2: memref<8x3xf32, #tpu.memory_space<vmem>>, %arg3: memref<8x128xf32, #tpu.memory_space<vmem>>, %arg4: memref<1x1024x8xf32, #tpu.memory_space<vmem>>, %arg5: memref<9x128xf32, #tpu.memory_space<vmem>>, %arg6: memref<8x64xf32, #tpu.memory_space<vmem>>, %arg7: memref<1x64xf32, #tpu.memory_space<vmem>>, %arg8: memref<64x128xf32, #tpu.memory_space<vmem>>, %arg9: memref<1x128xf32, #tpu.memory_space<vmem>>, %arg10: memref<1024x128xf32, #tpu.memory_space<vmem>>) attributes {dimension_semantics = [#tpu.dimension_semantics<arbitrary>], iteration_bounds = array<i64: 128>, scalar_prefetch = 0 : i64, scratch_operands = 0 : i64, tpu.core_type = #tpu.core_type<tc>, window_params = [{pipeline_mode = #tpu.pipeline_mode<synchronous>, transform_indices = @transform_0, window_bounds = array<i64: 1024, 3>}, {transform_indices = @transform_1, window_bounds = array<i64: 8, 3>}, {transform_indices = @transform_2, window_bounds = array<i64: 8, 128>}, {transform_indices = @transform_3, window_bounds = array<i64: 1, 1024, 8>}, {pipeline_mode = #tpu.pipeline_mode<synchronous>, transform_indices = @transform_4, window_bounds = array<i64: 9, 128>}, {pipeline_mode = #tpu.pipeline_mode<synchronous>, transform_indices = @transform_5, window_bounds = array<i64: 8, 64>}, {pipeline_mode = #tpu.pipeline_mode<synchronous>, transform_indices = @transform_6, window_bounds = array<i64: 1, 64>}, {pipeline_mode = #tpu.pipeline_mode<synchronous>, transform_indices = @transform_7, window_bounds = array<i64: 64, 128>}, {pipeline_mode = #tpu.pipeline_mode<synchronous>, transform_indices = @transform_8, window_bounds = array<i64: 1, 128>}, {pipeline_mode = #tpu.pipeline_mode<synchronous>, transform_indices = @transform_9, window_bounds = array<i64: 1024, 128>}]} {
    %eq3A = arith.constant 0 : i32
    %eq3A_0 = arith.cmpi eq, %arg0, %eq3A : i32
    %convert_element_type3A = arith.extui %eq3A_0 : i1 to i32
    %cond3A = arith.constant 0 : i32
    %cond3A_1 = arith.cmpi ne, %convert_element_type3A, %cond3A : i32
    scf.if %cond3A_1 {
      %broadcast_in_dim3A_1441 = arith.constant 0.000000e+00 : f32
      %broadcast_in_dim3A_1442 = vector.broadcast %broadcast_in_dim3A_1441 : f32 to vector<1024x128xf32>
      %swap3A_1443 = arith.constant 0 : index
      %swap3A_1444 = arith.constant 0 : index
      %swap3A_1445 = vector.load %arg10[%swap3A_1443, %swap3A_1444] : memref<1024x128xf32, #tpu.memory_space<vmem>>, vector<1024x128xf32>
      tpu.vector_store %arg10[%swap3A_1443, %swap3A_1444], %broadcast_in_dim3A_1442 {strides = array<i32>} : memref<1024x128xf32, #tpu.memory_space<vmem>>, vector<1024x128xf32>,
    } else {
    }
    %get3A = arith.constant 0 : index
    %get3A_2 = arith.constant 0 : index
    %get3A_3 = vector.load %arg10[%get3A, %get3A_2] : memref<1024x128xf32, #tpu.memory_space<vmem>>, vector<1024x128xf32>
    %get3A_4 = arith.constant 0 : index
    %get3A_5 = arith.constant 0 : index
    %get3A_6 = vector.load %arg1[%get3A_4, %get3A_5] : memref<1024x3xf32, #tpu.memory_space<vmem>>, vector<1024x1xf32>
    %get3A_7 = arith.constant 0 : index
    %get3A_8 = arith.constant 1 : index
    %get3A_9 = vector.load %arg1[%get3A_7, %get3A_8] : memref<1024x3xf32, #tpu.memory_space<vmem>>, vector<1024x1xf32>
    %get3A_10 = arith.constant 0 : index
    %get3A_11 = arith.constant 2 : index
    %get3A_12 = vector.load %arg1[%get3A_10, %get3A_11] : memref<1024x3xf32, #tpu.memory_space<vmem>>, vector<1024x1xf32>
    %get3A_13 = arith.constant 0 : index
    %get3A_14 = arith.constant 0 : index
    %get3A_15 = vector.load %arg2[%get3A_13, %get3A_14] : memref<8x3xf32, #tpu.memory_space<vmem>>, vector<1x1xf32>
    %sub3A = vector.broadcast %get3A_15 : vector<1x1xf32> to vector<1024x1xf32>
    %sub3A_16 = arith.subf %sub3A, %get3A_6 : vector<1024x1xf32>
    %get3A_17 = arith.constant 0 : index
    %get3A_18 = arith.constant 1 : index
    %get3A_19 = vector.load %arg2[%get3A_17, %get3A_18] : memref<8x3xf32, #tpu.memory_space<vmem>>, vector<1x1xf32>
    %sub3A_20 = vector.broadcast %get3A_19 : vector<1x1xf32> to vector<1024x1xf32>
    %sub3A_21 = arith.subf %sub3A_20, %get3A_9 : vector<1024x1xf32>
    %get3A_22 = arith.constant 0 : index
    %get3A_23 = arith.constant 2 : index
    %get3A_24 = vector.load %arg2[%get3A_22, %get3A_23] : memref<8x3xf32, #tpu.memory_space<vmem>>, vector<1x1xf32>
    %sub3A_25 = vector.broadcast %get3A_24 : vector<1x1xf32> to vector<1024x1xf32>
    %sub3A_26 = arith.subf %sub3A_25, %get3A_12 : vector<1024x1xf32>
    %mul3A = arith.mulf %sub3A_16, %sub3A_16 : vector<1024x1xf32>
    %mul3A_27 = arith.mulf %sub3A_21, %sub3A_21 : vector<1024x1xf32>
    %add3A = arith.addf %mul3A, %mul3A_27 : vector<1024x1xf32>
    %mul3A_28 = arith.mulf %sub3A_26, %sub3A_26 : vector<1024x1xf32>
    %add3A_29 = arith.addf %add3A, %mul3A_28 : vector<1024x1xf32>
    %sqrt3A = math.sqrt %add3A_29 : vector<1024x1xf32>
    %add3A_30 = arith.constant 9.99999993E-9 : f32
    %add3A_31 = vector.broadcast %add3A_30 : f32 to vector<1024x1xf32>
    %add3A_32 = arith.addf %sqrt3A, %add3A_31 : vector<1024x1xf32>
    %div3A = arith.constant 1.000000e+00 : f32
    %div3A_33 = vector.broadcast %div3A : f32 to vector<1024x1xf32>
    %div3A_34 = arith.divf %div3A_33, %add3A_32 : vector<1024x1xf32>
    %mul3A_35 = arith.mulf %sub3A_16, %div3A_34 : vector<1024x1xf32>
    %mul3A_36 = arith.mulf %sub3A_21, %div3A_34 : vector<1024x1xf32>
    %mul3A_37 = arith.mulf %sub3A_26, %div3A_34 : vector<1024x1xf32>
    %broadcast_in_dim3A = arith.constant 1.000000e+00 : f32
    %broadcast_in_dim3A_38 = vector.broadcast %broadcast_in_dim3A : f32 to vector<1024x1xf32>
    %mul3A_39 = arith.constant 0.282094777 : f32
    %mul3A_40 = vector.broadcast %mul3A_39 : f32 to vector<1024x1xf32>
    %mul3A_41 = arith.mulf %mul3A_40, %broadcast_in_dim3A_38 : vector<1024x1xf32>
    %mul3A_42 = arith.constant 0.488602519 : f32
    %mul3A_43 = vector.broadcast %mul3A_42 : f32 to vector<1024x1xf32>
    %mul3A_44 = arith.mulf %mul3A_43, %mul3A_36 : vector<1024x1xf32>
    %mul3A_45 = arith.constant 0.488602519 : f32
    %mul3A_46 = vector.broadcast %mul3A_45 : f32 to vector<1024x1xf32>
    %mul3A_47 = arith.mulf %mul3A_46, %mul3A_37 : vector<1024x1xf32>
    %mul3A_48 = arith.constant 0.488602519 : f32
    %mul3A_49 = vector.broadcast %mul3A_48 : f32 to vector<1024x1xf32>
    %mul3A_50 = arith.mulf %mul3A_49, %mul3A_35 : vector<1024x1xf32>
    %mul3A_51 = arith.mulf %mul3A_35, %mul3A_36 : vector<1024x1xf32>
    %mul3A_52 = arith.constant 1.09254849 : f32
    %mul3A_53 = vector.broadcast %mul3A_52 : f32 to vector<1024x1xf32>
    %mul3A_54 = arith.mulf %mul3A_53, %mul3A_51 : vector<1024x1xf32>
    %mul3A_55 = arith.mulf %mul3A_36, %mul3A_37 : vector<1024x1xf32>
    %mul3A_56 = arith.constant 1.09254849 : f32
    %mul3A_57 = vector.broadcast %mul3A_56 : f32 to vector<1024x1xf32>
    %mul3A_58 = arith.mulf %mul3A_57, %mul3A_55 : vector<1024x1xf32>
    %mul3A_59 = arith.constant 3.000000e+00 : f32
    %mul3A_60 = vector.broadcast %mul3A_59 : f32 to vector<1024x1xf32>
    %mul3A_61 = arith.mulf %mul3A_60, %mul3A_37 : vector<1024x1xf32>
    %mul3A_62 = arith.mulf %mul3A_61, %mul3A_37 : vector<1024x1xf32>
    %sub3A_63 = arith.constant 1.000000e+00 : f32
    %sub3A_64 = vector.broadcast %sub3A_63 : f32 to vector<1024x1xf32>
    %sub3A_65 = arith.subf %mul3A_62, %sub3A_64 : vector<1024x1xf32>
    %mul3A_66 = arith.constant 0.31539157 : f32
    %mul3A_67 = vector.broadcast %mul3A_66 : f32 to vector<1024x1xf32>
    %mul3A_68 = arith.mulf %mul3A_67, %sub3A_65 : vector<1024x1xf32>
    %mul3A_69 = arith.mulf %mul3A_35, %mul3A_37 : vector<1024x1xf32>
    %mul3A_70 = arith.constant 1.09254849 : f32
    %mul3A_71 = vector.broadcast %mul3A_70 : f32 to vector<1024x1xf32>
    %mul3A_72 = arith.mulf %mul3A_71, %mul3A_69 : vector<1024x1xf32>
    %mul3A_73 = arith.mulf %mul3A_35, %mul3A_35 : vector<1024x1xf32>
    %mul3A_74 = arith.mulf %mul3A_36, %mul3A_36 : vector<1024x1xf32>
    %sub3A_75 = arith.subf %mul3A_73, %mul3A_74 : vector<1024x1xf32>
    %mul3A_76 = arith.constant 0.546274245 : f32
    %mul3A_77 = vector.broadcast %mul3A_76 : f32 to vector<1024x1xf32>
    %mul3A_78 = arith.mulf %mul3A_77, %sub3A_75 : vector<1024x1xf32>
    %concatenate3A = tpu.concatenate %mul3A_41, %mul3A_44, %mul3A_47, %mul3A_50, %mul3A_54, %mul3A_58, %mul3A_68, %mul3A_72, %mul3A_78 in 1 : vector<1024x1xf32>, vector<1024x1xf32>, vector<1024x1xf32>, vector<1024x1xf32>, vector<1024x1xf32>, vector<1024x1xf32>, vector<1024x1xf32>, vector<1024x1xf32>, vector<1024x1xf32> -> vector<1024x9xf32>
    %get3A_79 = arith.constant 0 : index
    %get3A_80 = arith.constant 0 : index
    %get3A_81 = vector.load %arg5[%get3A_79, %get3A_80] : memref<9x128xf32, #tpu.memory_space<vmem>>, vector<9x128xf32>
    %dot_general3A = arith.constant dense<0.000000e+00> : vector<1024x128xf32>
    %dot_general3A_82 = tpu.matmul %concatenate3A, %get3A_81, %dot_general3A {dimension_numbers = #tpu.dot_dimension_numbers<[1], [0], [0], [1], [0, 0, 1, 1], [], []>, transpose_lhs_hint = false} : vector<1024x9xf32>, vector<9x128xf32>, vector<1024x128xf32> -> vector<1024x128xf32>
    %div3A_83 = arith.constant 1.000000e+01 : f32
    %div3A_84 = vector.broadcast %div3A_83 : f32 to vector<1024x1xf32>
    %div3A_85 = arith.divf %sqrt3A, %div3A_84 : vector<1024x1xf32>
    %jit3A = arith.constant 0.000000e+00 : f32
    %jit3A_86 = arith.constant 1.000000e+00 : f32
    %max3A = vector.broadcast %jit3A : f32 to vector<1024x1xf32>
    %max3A_87 = arith.maximumf %max3A, %div3A_85 : vector<1024x1xf32>
    %min3A = vector.broadcast %jit3A_86 : f32 to vector<1024x1xf32>
    %min3A_88 = arith.minimumf %min3A, %max3A_87 : vector<1024x1xf32>
    %mul3A_89 = arith.mulf %min3A_88, %min3A_88 : vector<1024x1xf32>
    %mul3A_90 = arith.mulf %mul3A_89, %min3A_88 : vector<1024x1xf32>
    %mul3A_91 = arith.mulf %mul3A_90, %mul3A_90 : vector<1024x1xf32>
    %mul3A_92 = arith.mulf %mul3A_91, %min3A_88 : vector<1024x1xf32>
    %mul3A_93 = arith.mulf %mul3A_92, %min3A_88 : vector<1024x1xf32>
    %mul3A_94 = arith.constant 2.800000e+01 : f32
    %mul3A_95 = vector.broadcast %mul3A_94 : f32 to vector<1024x1xf32>
    %mul3A_96 = arith.mulf %mul3A_95, %mul3A_91 : vector<1024x1xf32>
    %sub3A_97 = arith.constant 1.000000e+00 : f32
    %sub3A_98 = vector.broadcast %sub3A_97 : f32 to vector<1024x1xf32>
    %sub3A_99 = arith.subf %sub3A_98, %mul3A_96 : vector<1024x1xf32>
    %mul3A_100 = arith.constant 4.800000e+01 : f32
    %mul3A_101 = vector.broadcast %mul3A_100 : f32 to vector<1024x1xf32>
    %mul3A_102 = arith.mulf %mul3A_101, %mul3A_92 : vector<1024x1xf32>
    %add3A_103 = arith.addf %sub3A_99, %mul3A_102 : vector<1024x1xf32>
    %mul3A_104 = arith.constant 2.100000e+01 : f32
    %mul3A_105 = vector.broadcast %mul3A_104 : f32 to vector<1024x1xf32>
    %mul3A_106 = arith.mulf %mul3A_105, %mul3A_93 : vector<1024x1xf32>
    %sub3A_107 = arith.subf %add3A_103, %mul3A_106 : vector<1024x1xf32>
    %iota3A = tpu.iota {dimensions = array<i32: 1>} : vector<1x8xi32>
    %add3A_108 = arith.constant 1 : i32
    %add3A_109 = vector.broadcast %add3A_108 : i32 to vector<1x8xi32>
    %add3A_110 = arith.addi %iota3A, %add3A_109 : vector<1x8xi32>
    %convert_element_type3A_111 = arith.sitofp %add3A_110 : vector<1x8xi32> to vector<1x8xf32>
    %mul3A_112 = arith.constant 3.14159274 : f32
    %mul3A_113 = vector.broadcast %mul3A_112 : f32 to vector<1x8xf32>
    %mul3A_114 = arith.mulf %convert_element_type3A_111, %mul3A_113 : vector<1x8xf32>
    %mul3A_115 = vector.broadcast %mul3A_114 : vector<1x8xf32> to vector<1024x8xf32>
    %mul3A_116 = vector.broadcast %sqrt3A : vector<1024x1xf32> to vector<1024x8xf32>
    %mul3A_117 = arith.mulf %mul3A_115, %mul3A_116 : vector<1024x8xf32>
    %div3A_118 = arith.constant 1.000000e+01 : f32
    %div3A_119 = vector.broadcast %div3A_118 : f32 to vector<1024x8xf32>
    %div3A_120 = arith.divf %mul3A_117, %div3A_119 : vector<1024x8xf32>
    %mul3A_121 = arith.constant 0.159154937 : f32
    %mul3A_122 = vector.broadcast %mul3A_121 : f32 to vector<1024x8xf32>
    %mul3A_123 = arith.mulf %div3A_120, %mul3A_122 : vector<1024x8xf32>
    %round3A = math.roundeven %mul3A_123 : vector<1024x8xf32>
    %mul3A_124 = arith.constant 6.28318548 : f32
    %mul3A_125 = vector.broadcast %mul3A_124 : f32 to vector<1024x8xf32>
    %mul3A_126 = arith.mulf %round3A, %mul3A_125 : vector<1024x8xf32>
    %sub3A_127 = arith.subf %div3A_120, %mul3A_126 : vector<1024x8xf32>
    %mul3A_128 = arith.constant -1.74845553E-7 : f32
    %mul3A_129 = vector.broadcast %mul3A_128 : f32 to vector<1024x8xf32>
    %mul3A_130 = arith.mulf %round3A, %mul3A_129 : vector<1024x8xf32>
    %sub3A_131 = arith.subf %sub3A_127, %mul3A_130 : vector<1024x8xf32>
    %sin3A = math.sin %sub3A_131 : vector<1024x8xf32>
    %mul3A_132 = arith.constant 0.44721359 : f32
    %mul3A_133 = vector.broadcast %mul3A_132 : f32 to vector<1024x8xf32>
    %mul3A_134 = arith.mulf %mul3A_133, %sin3A : vector<1024x8xf32>
    %add3A_135 = arith.constant 9.99999993E-9 : f32
    %add3A_136 = vector.broadcast %add3A_135 : f32 to vector<1024x1xf32>
    %add3A_137 = arith.addf %sqrt3A, %add3A_136 : vector<1024x1xf32>
    %div3A_138 = vector.broadcast %add3A_137 : vector<1024x1xf32> to vector<1024x8xf32>
    %div3A_139 = arith.divf %mul3A_134, %div3A_138 : vector<1024x8xf32>
    %mul3A_140 = vector.broadcast %sub3A_107 : vector<1024x1xf32> to vector<1024x8xf32>
    %mul3A_141 = arith.mulf %div3A_139, %mul3A_140 : vector<1024x8xf32>
    %get3A_142 = arith.constant 0 : index
    %get3A_143 = arith.constant 0 : index
    %get3A_144 = vector.load %arg6[%get3A_142, %get3A_143] : memref<8x64xf32, #tpu.memory_space<vmem>>, vector<8x64xf32>
    %dot_general3A_145 = arith.constant dense<0.000000e+00> : vector<1024x64xf32>
    %dot_general3A_146 = tpu.matmul %mul3A_141, %get3A_144, %dot_general3A_145 {dimension_numbers = #tpu.dot_dimension_numbers<[1], [0], [0], [1], [0, 0, 1, 1], [], []>, transpose_lhs_hint = false} : vector<1024x8xf32>, vector<8x64xf32>, vector<1024x64xf32> -> vector<1024x64xf32>
    %get3A_147 = arith.constant 0 : index
    %get3A_148 = arith.constant 0 : index
    %get3A_149 = vector.load %arg7[%get3A_147, %get3A_148] : memref<1x64xf32, #tpu.memory_space<vmem>>, vector<1x64xf32>
    %add3A_150 = vector.broadcast %get3A_149 : vector<1x64xf32> to vector<1024x64xf32>
    %add3A_151 = arith.addf %dot_general3A_146, %add3A_150 : vector<1024x64xf32>
    %max3A_152 = arith.constant 0.000000e+00 : f32
    %max3A_153 = vector.broadcast %max3A_152 : f32 to vector<1024x64xf32>
    %max3A_154 = arith.maximumf %add3A_151, %max3A_153 : vector<1024x64xf32>
    %get3A_155 = arith.constant 0 : index
    %get3A_156 = arith.constant 0 : index
    %get3A_157 = vector.load %arg8[%get3A_155, %get3A_156] : memref<64x128xf32, #tpu.memory_space<vmem>>, vector<64x128xf32>
    %dot_general3A_158 = arith.constant dense<0.000000e+00> : vector<1024x128xf32>
    %dot_general3A_159 = tpu.matmul %max3A_154, %get3A_157, %dot_general3A_158 {dimension_numbers = #tpu.dot_dimension_numbers<[1], [0], [0], [1], [0, 0, 1, 1], [], []>, transpose_lhs_hint = false} : vector<1024x64xf32>, vector<64x128xf32>, vector<1024x128xf32> -> vector<1024x128xf32>
    %get3A_160 = arith.constant 0 : index
    %get3A_161 = arith.constant 0 : index
    %get3A_162 = vector.load %arg9[%get3A_160, %get3A_161] : memref<1x128xf32, #tpu.memory_space<vmem>>, vector<1x128xf32>
    %add3A_163 = vector.broadcast %get3A_162 : vector<1x128xf32> to vector<1024x128xf32>
    %add3A_164 = arith.addf %dot_general3A_159, %add3A_163 : vector<1024x128xf32>
    %get3A_165 = arith.constant 0 : index
    %get3A_166 = arith.constant 0 : index
    %get3A_167 = vector.load %arg3[%get3A_165, %get3A_166] : memref<8x128xf32, #tpu.memory_space<vmem>>, vector<1x128xf32>
    %mul3A_168 = vector.broadcast %get3A_167 : vector<1x128xf32> to vector<1024x128xf32>
    %mul3A_169 = arith.mulf %mul3A_168, %dot_general3A_82 : vector<1024x128xf32>
    %mul3A_170 = arith.mulf %mul3A_169, %add3A_164 : vector<1024x128xf32>
    %get3A_171 = arith.constant 0 : index
    %get3A_172 = arith.constant 0 : index
    %get3A_173 = arith.constant 0 : index
    %get3A_174 = vector.load %arg4[%get3A_171, %get3A_172, %get3A_173] : memref<1x1024x8xf32, #tpu.memory_space<vmem>>, vector<1x1024x1xf32>
    %get3A_175 = vector.shape_cast %get3A_174 : vector<1x1024x1xf32> to vector<1024x1xf32>
    %mul3A_176 = vector.broadcast %get3A_175 : vector<1024x1xf32> to vector<1024x128xf32>
    %mul3A_177 = arith.mulf %mul3A_176, %mul3A_170 : vector<1024x128xf32>
    %add3A_178 = arith.addf %get3A_3, %mul3A_177 : vector<1024x128xf32>
    %get3A_179 = arith.constant 1 : index
    %get3A_180 = arith.constant 0 : index
    %get3A_181 = vector.load %arg2[%get3A_179, %get3A_180] : memref<8x3xf32, #tpu.memory_space<vmem>>, vector<1x1xf32>
    %sub3A_182 = vector.broadcast %get3A_181 : vector<1x1xf32> to vector<1024x1xf32>
    %sub3A_183 = arith.subf %sub3A_182, %get3A_6 : vector<1024x1xf32>
    %get3A_184 = arith.constant 1 : index
    %get3A_185 = arith.constant 1 : index
    %get3A_186 = vector.load %arg2[%get3A_184, %get3A_185] : memref<8x3xf32, #tpu.memory_space<vmem>>, vector<1x1xf32>
    %sub3A_187 = vector.broadcast %get3A_186 : vector<1x1xf32> to vector<1024x1xf32>
    %sub3A_188 = arith.subf %sub3A_187, %get3A_9 : vector<1024x1xf32>
    %get3A_189 = arith.constant 1 : index
    %get3A_190 = arith.constant 2 : index
    %get3A_191 = vector.load %arg2[%get3A_189, %get3A_190] : memref<8x3xf32, #tpu.memory_space<vmem>>, vector<1x1xf32>
    %sub3A_192 = vector.broadcast %get3A_191 : vector<1x1xf32> to vector<1024x1xf32>
    %sub3A_193 = arith.subf %sub3A_192, %get3A_12 : vector<1024x1xf32>
    %mul3A_194 = arith.mulf %sub3A_183, %sub3A_183 : vector<1024x1xf32>
    %mul3A_195 = arith.mulf %sub3A_188, %sub3A_188 : vector<1024x1xf32>
    %add3A_196 = arith.addf %mul3A_194, %mul3A_195 : vector<1024x1xf32>
    %mul3A_197 = arith.mulf %sub3A_193, %sub3A_193 : vector<1024x1xf32>
    %add3A_198 = arith.addf %add3A_196, %mul3A_197 : vector<1024x1xf32>
    %sqrt3A_199 = math.sqrt %add3A_198 : vector<1024x1xf32>
    %add3A_200 = arith.constant 9.99999993E-9 : f32
    %add3A_201 = vector.broadcast %add3A_200 : f32 to vector<1024x1xf32>
    %add3A_202 = arith.addf %sqrt3A_199, %add3A_201 : vector<1024x1xf32>
    %div3A_203 = arith.constant 1.000000e+00 : f32
    %div3A_204 = vector.broadcast %div3A_203 : f32 to vector<1024x1xf32>
    %div3A_205 = arith.divf %div3A_204, %add3A_202 : vector<1024x1xf32>
    %mul3A_206 = arith.mulf %sub3A_183, %div3A_205 : vector<1024x1xf32>
    %mul3A_207 = arith.mulf %sub3A_188, %div3A_205 : vector<1024x1xf32>
    %mul3A_208 = arith.mulf %sub3A_193, %div3A_205 : vector<1024x1xf32>
    %broadcast_in_dim3A_209 = arith.constant 1.000000e+00 : f32
    %broadcast_in_dim3A_210 = vector.broadcast %broadcast_in_dim3A_209 : f32 to vector<1024x1xf32>
    %mul3A_211 = arith.constant 0.282094777 : f32
    %mul3A_212 = vector.broadcast %mul3A_211 : f32 to vector<1024x1xf32>
    %mul3A_213 = arith.mulf %mul3A_212, %broadcast_in_dim3A_210 : vector<1024x1xf32>
    %mul3A_214 = arith.constant 0.488602519 : f32
    %mul3A_215 = vector.broadcast %mul3A_214 : f32 to vector<1024x1xf32>
    %mul3A_216 = arith.mulf %mul3A_215, %mul3A_207 : vector<1024x1xf32>
    %mul3A_217 = arith.constant 0.488602519 : f32
    %mul3A_218 = vector.broadcast %mul3A_217 : f32 to vector<1024x1xf32>
    %mul3A_219 = arith.mulf %mul3A_218, %mul3A_208 : vector<1024x1xf32>
    %mul3A_220 = arith.constant 0.488602519 : f32
    %mul3A_221 = vector.broadcast %mul3A_220 : f32 to vector<1024x1xf32>
    %mul3A_222 = arith.mulf %mul3A_221, %mul3A_206 : vector<1024x1xf32>
    %mul3A_223 = arith.mulf %mul3A_206, %mul3A_207 : vector<1024x1xf32>
    %mul3A_224 = arith.constant 1.09254849 : f32
    %mul3A_225 = vector.broadcast %mul3A_224 : f32 to vector<1024x1xf32>
    %mul3A_226 = arith.mulf %mul3A_225, %mul3A_223 : vector<1024x1xf32>
    %mul3A_227 = arith.mulf %mul3A_207, %mul3A_208 : vector<1024x1xf32>
    %mul3A_228 = arith.constant 1.09254849 : f32
    %mul3A_229 = vector.broadcast %mul3A_228 : f32 to vector<1024x1xf32>
    %mul3A_230 = arith.mulf %mul3A_229, %mul3A_227 : vector<1024x1xf32>
    %mul3A_231 = arith.constant 3.000000e+00 : f32
    %mul3A_232 = vector.broadcast %mul3A_231 : f32 to vector<1024x1xf32>
    %mul3A_233 = arith.mulf %mul3A_232, %mul3A_208 : vector<1024x1xf32>
    %mul3A_234 = arith.mulf %mul3A_233, %mul3A_208 : vector<1024x1xf32>
    %sub3A_235 = arith.constant 1.000000e+00 : f32
    %sub3A_236 = vector.broadcast %sub3A_235 : f32 to vector<1024x1xf32>
    %sub3A_237 = arith.subf %mul3A_234, %sub3A_236 : vector<1024x1xf32>
    %mul3A_238 = arith.constant 0.31539157 : f32
    %mul3A_239 = vector.broadcast %mul3A_238 : f32 to vector<1024x1xf32>
    %mul3A_240 = arith.mulf %mul3A_239, %sub3A_237 : vector<1024x1xf32>
    %mul3A_241 = arith.mulf %mul3A_206, %mul3A_208 : vector<1024x1xf32>
    %mul3A_242 = arith.constant 1.09254849 : f32
    %mul3A_243 = vector.broadcast %mul3A_242 : f32 to vector<1024x1xf32>
    %mul3A_244 = arith.mulf %mul3A_243, %mul3A_241 : vector<1024x1xf32>
    %mul3A_245 = arith.mulf %mul3A_206, %mul3A_206 : vector<1024x1xf32>
    %mul3A_246 = arith.mulf %mul3A_207, %mul3A_207 : vector<1024x1xf32>
    %sub3A_247 = arith.subf %mul3A_245, %mul3A_246 : vector<1024x1xf32>
    %mul3A_248 = arith.constant 0.546274245 : f32
    %mul3A_249 = vector.broadcast %mul3A_248 : f32 to vector<1024x1xf32>
    %mul3A_250 = arith.mulf %mul3A_249, %sub3A_247 : vector<1024x1xf32>
    %concatenate3A_251 = tpu.concatenate %mul3A_213, %mul3A_216, %mul3A_219, %mul3A_222, %mul3A_226, %mul3A_230, %mul3A_240, %mul3A_244, %mul3A_250 in 1 : vector<1024x1xf32>, vector<1024x1xf32>, vector<1024x1xf32>, vector<1024x1xf32>, vector<1024x1xf32>, vector<1024x1xf32>, vector<1024x1xf32>, vector<1024x1xf32>, vector<1024x1xf32> -> vector<1024x9xf32>
    %get3A_252 = arith.constant 0 : index
    %get3A_253 = arith.constant 0 : index
    %get3A_254 = vector.load %arg5[%get3A_252, %get3A_253] : memref<9x128xf32, #tpu.memory_space<vmem>>, vector<9x128xf32>
    %dot_general3A_255 = arith.constant dense<0.000000e+00> : vector<1024x128xf32>
    %dot_general3A_256 = tpu.matmul %concatenate3A_251, %get3A_254, %dot_general3A_255 {dimension_numbers = #tpu.dot_dimension_numbers<[1], [0], [0], [1], [0, 0, 1, 1], [], []>, transpose_lhs_hint = false} : vector<1024x9xf32>, vector<9x128xf32>, vector<1024x128xf32> -> vector<1024x128xf32>
    %div3A_257 = arith.constant 1.000000e+01 : f32
    %div3A_258 = vector.broadcast %div3A_257 : f32 to vector<1024x1xf32>
    %div3A_259 = arith.divf %sqrt3A_199, %div3A_258 : vector<1024x1xf32>
    %jit3A_260 = arith.constant 0.000000e+00 : f32
    %jit3A_261 = arith.constant 1.000000e+00 : f32
    %max3A_262 = vector.broadcast %jit3A_260 : f32 to vector<1024x1xf32>
    %max3A_263 = arith.maximumf %max3A_262, %div3A_259 : vector<1024x1xf32>
    %min3A_264 = vector.broadcast %jit3A_261 : f32 to vector<1024x1xf32>
    %min3A_265 = arith.minimumf %min3A_264, %max3A_263 : vector<1024x1xf32>
    %mul3A_266 = arith.mulf %min3A_265, %min3A_265 : vector<1024x1xf32>
    %mul3A_267 = arith.mulf %mul3A_266, %min3A_265 : vector<1024x1xf32>
    %mul3A_268 = arith.mulf %mul3A_267, %mul3A_267 : vector<1024x1xf32>
    %mul3A_269 = arith.mulf %mul3A_268, %min3A_265 : vector<1024x1xf32>
    %mul3A_270 = arith.mulf %mul3A_269, %min3A_265 : vector<1024x1xf32>
    %mul3A_271 = arith.constant 2.800000e+01 : f32
    %mul3A_272 = vector.broadcast %mul3A_271 : f32 to vector<1024x1xf32>
    %mul3A_273 = arith.mulf %mul3A_272, %mul3A_268 : vector<1024x1xf32>
    %sub3A_274 = arith.constant 1.000000e+00 : f32
    %sub3A_275 = vector.broadcast %sub3A_274 : f32 to vector<1024x1xf32>
    %sub3A_276 = arith.subf %sub3A_275, %mul3A_273 : vector<1024x1xf32>
    %mul3A_277 = arith.constant 4.800000e+01 : f32
    %mul3A_278 = vector.broadcast %mul3A_277 : f32 to vector<1024x1xf32>
    %mul3A_279 = arith.mulf %mul3A_278, %mul3A_269 : vector<1024x1xf32>
    %add3A_280 = arith.addf %sub3A_276, %mul3A_279 : vector<1024x1xf32>
    %mul3A_281 = arith.constant 2.100000e+01 : f32
    %mul3A_282 = vector.broadcast %mul3A_281 : f32 to vector<1024x1xf32>
    %mul3A_283 = arith.mulf %mul3A_282, %mul3A_270 : vector<1024x1xf32>
    %sub3A_284 = arith.subf %add3A_280, %mul3A_283 : vector<1024x1xf32>
    %iota3A_285 = tpu.iota {dimensions = array<i32: 1>} : vector<1x8xi32>
    %add3A_286 = arith.constant 1 : i32
    %add3A_287 = vector.broadcast %add3A_286 : i32 to vector<1x8xi32>
    %add3A_288 = arith.addi %iota3A_285, %add3A_287 : vector<1x8xi32>
    %convert_element_type3A_289 = arith.sitofp %add3A_288 : vector<1x8xi32> to vector<1x8xf32>
    %mul3A_290 = arith.constant 3.14159274 : f32
    %mul3A_291 = vector.broadcast %mul3A_290 : f32 to vector<1x8xf32>
    %mul3A_292 = arith.mulf %convert_element_type3A_289, %mul3A_291 : vector<1x8xf32>
    %mul3A_293 = vector.broadcast %mul3A_292 : vector<1x8xf32> to vector<1024x8xf32>
    %mul3A_294 = vector.broadcast %sqrt3A_199 : vector<1024x1xf32> to vector<1024x8xf32>
    %mul3A_295 = arith.mulf %mul3A_293, %mul3A_294 : vector<1024x8xf32>
    %div3A_296 = arith.constant 1.000000e+01 : f32
    %div3A_297 = vector.broadcast %div3A_296 : f32 to vector<1024x8xf32>
    %div3A_298 = arith.divf %mul3A_295, %div3A_297 : vector<1024x8xf32>
    %mul3A_299 = arith.constant 0.159154937 : f32
    %mul3A_300 = vector.broadcast %mul3A_299 : f32 to vector<1024x8xf32>
    %mul3A_301 = arith.mulf %div3A_298, %mul3A_300 : vector<1024x8xf32>
    %round3A_302 = math.roundeven %mul3A_301 : vector<1024x8xf32>
    %mul3A_303 = arith.constant 6.28318548 : f32
    %mul3A_304 = vector.broadcast %mul3A_303 : f32 to vector<1024x8xf32>
    %mul3A_305 = arith.mulf %round3A_302, %mul3A_304 : vector<1024x8xf32>
    %sub3A_306 = arith.subf %div3A_298, %mul3A_305 : vector<1024x8xf32>
    %mul3A_307 = arith.constant -1.74845553E-7 : f32
    %mul3A_308 = vector.broadcast %mul3A_307 : f32 to vector<1024x8xf32>
    %mul3A_309 = arith.mulf %round3A_302, %mul3A_308 : vector<1024x8xf32>
    %sub3A_310 = arith.subf %sub3A_306, %mul3A_309 : vector<1024x8xf32>
    %sin3A_311 = math.sin %sub3A_310 : vector<1024x8xf32>
    %mul3A_312 = arith.constant 0.44721359 : f32
    %mul3A_313 = vector.broadcast %mul3A_312 : f32 to vector<1024x8xf32>
    %mul3A_314 = arith.mulf %mul3A_313, %sin3A_311 : vector<1024x8xf32>
    %add3A_315 = arith.constant 9.99999993E-9 : f32
    %add3A_316 = vector.broadcast %add3A_315 : f32 to vector<1024x1xf32>
    %add3A_317 = arith.addf %sqrt3A_199, %add3A_316 : vector<1024x1xf32>
    %div3A_318 = vector.broadcast %add3A_317 : vector<1024x1xf32> to vector<1024x8xf32>
    %div3A_319 = arith.divf %mul3A_314, %div3A_318 : vector<1024x8xf32>
    %mul3A_320 = vector.broadcast %sub3A_284 : vector<1024x1xf32> to vector<1024x8xf32>
    %mul3A_321 = arith.mulf %div3A_319, %mul3A_320 : vector<1024x8xf32>
    %get3A_322 = arith.constant 0 : index
    %get3A_323 = arith.constant 0 : index
    %get3A_324 = vector.load %arg6[%get3A_322, %get3A_323] : memref<8x64xf32, #tpu.memory_space<vmem>>, vector<8x64xf32>
    %dot_general3A_325 = arith.constant dense<0.000000e+00> : vector<1024x64xf32>
    %dot_general3A_326 = tpu.matmul %mul3A_321, %get3A_324, %dot_general3A_325 {dimension_numbers = #tpu.dot_dimension_numbers<[1], [0], [0], [1], [0, 0, 1, 1], [], []>, transpose_lhs_hint = false} : vector<1024x8xf32>, vector<8x64xf32>, vector<1024x64xf32> -> vector<1024x64xf32>
    %get3A_327 = arith.constant 0 : index
    %get3A_328 = arith.constant 0 : index
    %get3A_329 = vector.load %arg7[%get3A_327, %get3A_328] : memref<1x64xf32, #tpu.memory_space<vmem>>, vector<1x64xf32>
    %add3A_330 = vector.broadcast %get3A_329 : vector<1x64xf32> to vector<1024x64xf32>
    %add3A_331 = arith.addf %dot_general3A_326, %add3A_330 : vector<1024x64xf32>
    %max3A_332 = arith.constant 0.000000e+00 : f32
    %max3A_333 = vector.broadcast %max3A_332 : f32 to vector<1024x64xf32>
    %max3A_334 = arith.maximumf %add3A_331, %max3A_333 : vector<1024x64xf32>
    %get3A_335 = arith.constant 0 : index
    %get3A_336 = arith.constant 0 : index
    %get3A_337 = vector.load %arg8[%get3A_335, %get3A_336] : memref<64x128xf32, #tpu.memory_space<vmem>>, vector<64x128xf32>
    %dot_general3A_338 = arith.constant dense<0.000000e+00> : vector<1024x128xf32>
    %dot_general3A_339 = tpu.matmul %max3A_334, %get3A_337, %dot_general3A_338 {dimension_numbers = #tpu.dot_dimension_numbers<[1], [0], [0], [1], [0, 0, 1, 1], [], []>, transpose_lhs_hint = false} : vector<1024x64xf32>, vector<64x128xf32>, vector<1024x128xf32> -> vector<1024x128xf32>
    %get3A_340 = arith.constant 0 : index
    %get3A_341 = arith.constant 0 : index
    %get3A_342 = vector.load %arg9[%get3A_340, %get3A_341] : memref<1x128xf32, #tpu.memory_space<vmem>>, vector<1x128xf32>
    %add3A_343 = vector.broadcast %get3A_342 : vector<1x128xf32> to vector<1024x128xf32>
    %add3A_344 = arith.addf %dot_general3A_339, %add3A_343 : vector<1024x128xf32>
    %get3A_345 = arith.constant 1 : index
    %get3A_346 = arith.constant 0 : index
    %get3A_347 = vector.load %arg3[%get3A_345, %get3A_346] : memref<8x128xf32, #tpu.memory_space<vmem>>, vector<1x128xf32>
    %mul3A_348 = vector.broadcast %get3A_347 : vector<1x128xf32> to vector<1024x128xf32>
    %mul3A_349 = arith.mulf %mul3A_348, %dot_general3A_256 : vector<1024x128xf32>
    %mul3A_350 = arith.mulf %mul3A_349, %add3A_344 : vector<1024x128xf32>
    %get3A_351 = arith.constant 0 : index
    %get3A_352 = arith.constant 0 : index
    %get3A_353 = arith.constant 1 : index
    %get3A_354 = vector.load %arg4[%get3A_351, %get3A_352, %get3A_353] : memref<1x1024x8xf32, #tpu.memory_space<vmem>>, vector<1x1024x1xf32>
    %get3A_355 = vector.shape_cast %get3A_354 : vector<1x1024x1xf32> to vector<1024x1xf32>
    %mul3A_356 = vector.broadcast %get3A_355 : vector<1024x1xf32> to vector<1024x128xf32>
    %mul3A_357 = arith.mulf %mul3A_356, %mul3A_350 : vector<1024x128xf32>
    %add3A_358 = arith.addf %add3A_178, %mul3A_357 : vector<1024x128xf32>
    %get3A_359 = arith.constant 2 : index
    %get3A_360 = arith.constant 0 : index
    %get3A_361 = vector.load %arg2[%get3A_359, %get3A_360] : memref<8x3xf32, #tpu.memory_space<vmem>>, vector<1x1xf32>
    %sub3A_362 = vector.broadcast %get3A_361 : vector<1x1xf32> to vector<1024x1xf32>
    %sub3A_363 = arith.subf %sub3A_362, %get3A_6 : vector<1024x1xf32>
    %get3A_364 = arith.constant 2 : index
    %get3A_365 = arith.constant 1 : index
    %get3A_366 = vector.load %arg2[%get3A_364, %get3A_365] : memref<8x3xf32, #tpu.memory_space<vmem>>, vector<1x1xf32>
    %sub3A_367 = vector.broadcast %get3A_366 : vector<1x1xf32> to vector<1024x1xf32>
    %sub3A_368 = arith.subf %sub3A_367, %get3A_9 : vector<1024x1xf32>
    %get3A_369 = arith.constant 2 : index
    %get3A_370 = arith.constant 2 : index
    %get3A_371 = vector.load %arg2[%get3A_369, %get3A_370] : memref<8x3xf32, #tpu.memory_space<vmem>>, vector<1x1xf32>
    %sub3A_372 = vector.broadcast %get3A_371 : vector<1x1xf32> to vector<1024x1xf32>
    %sub3A_373 = arith.subf %sub3A_372, %get3A_12 : vector<1024x1xf32>
    %mul3A_374 = arith.mulf %sub3A_363, %sub3A_363 : vector<1024x1xf32>
    %mul3A_375 = arith.mulf %sub3A_368, %sub3A_368 : vector<1024x1xf32>
    %add3A_376 = arith.addf %mul3A_374, %mul3A_375 : vector<1024x1xf32>
    %mul3A_377 = arith.mulf %sub3A_373, %sub3A_373 : vector<1024x1xf32>
    %add3A_378 = arith.addf %add3A_376, %mul3A_377 : vector<1024x1xf32>
    %sqrt3A_379 = math.sqrt %add3A_378 : vector<1024x1xf32>
    %add3A_380 = arith.constant 9.99999993E-9 : f32
    %add3A_381 = vector.broadcast %add3A_380 : f32 to vector<1024x1xf32>
    %add3A_382 = arith.addf %sqrt3A_379, %add3A_381 : vector<1024x1xf32>
    %div3A_383 = arith.constant 1.000000e+00 : f32
    %div3A_384 = vector.broadcast %div3A_383 : f32 to vector<1024x1xf32>
    %div3A_385 = arith.divf %div3A_384, %add3A_382 : vector<1024x1xf32>
    %mul3A_386 = arith.mulf %sub3A_363, %div3A_385 : vector<1024x1xf32>
    %mul3A_387 = arith.mulf %sub3A_368, %div3A_385 : vector<1024x1xf32>
    %mul3A_388 = arith.mulf %sub3A_373, %div3A_385 : vector<1024x1xf32>
    %broadcast_in_dim3A_389 = arith.constant 1.000000e+00 : f32
    %broadcast_in_dim3A_390 = vector.broadcast %broadcast_in_dim3A_389 : f32 to vector<1024x1xf32>
    %mul3A_391 = arith.constant 0.282094777 : f32
    %mul3A_392 = vector.broadcast %mul3A_391 : f32 to vector<1024x1xf32>
    %mul3A_393 = arith.mulf %mul3A_392, %broadcast_in_dim3A_390 : vector<1024x1xf32>
    %mul3A_394 = arith.constant 0.488602519 : f32
    %mul3A_395 = vector.broadcast %mul3A_394 : f32 to vector<1024x1xf32>
    %mul3A_396 = arith.mulf %mul3A_395, %mul3A_387 : vector<1024x1xf32>
    %mul3A_397 = arith.constant 0.488602519 : f32
    %mul3A_398 = vector.broadcast %mul3A_397 : f32 to vector<1024x1xf32>
    %mul3A_399 = arith.mulf %mul3A_398, %mul3A_388 : vector<1024x1xf32>
    %mul3A_400 = arith.constant 0.488602519 : f32
    %mul3A_401 = vector.broadcast %mul3A_400 : f32 to vector<1024x1xf32>
    %mul3A_402 = arith.mulf %mul3A_401, %mul3A_386 : vector<1024x1xf32>
    %mul3A_403 = arith.mulf %mul3A_386, %mul3A_387 : vector<1024x1xf32>
    %mul3A_404 = arith.constant 1.09254849 : f32
    %mul3A_405 = vector.broadcast %mul3A_404 : f32 to vector<1024x1xf32>
    %mul3A_406 = arith.mulf %mul3A_405, %mul3A_403 : vector<1024x1xf32>
    %mul3A_407 = arith.mulf %mul3A_387, %mul3A_388 : vector<1024x1xf32>
    %mul3A_408 = arith.constant 1.09254849 : f32
    %mul3A_409 = vector.broadcast %mul3A_408 : f32 to vector<1024x1xf32>
    %mul3A_410 = arith.mulf %mul3A_409, %mul3A_407 : vector<1024x1xf32>
    %mul3A_411 = arith.constant 3.000000e+00 : f32
    %mul3A_412 = vector.broadcast %mul3A_411 : f32 to vector<1024x1xf32>
    %mul3A_413 = arith.mulf %mul3A_412, %mul3A_388 : vector<1024x1xf32>
    %mul3A_414 = arith.mulf %mul3A_413, %mul3A_388 : vector<1024x1xf32>
    %sub3A_415 = arith.constant 1.000000e+00 : f32
    %sub3A_416 = vector.broadcast %sub3A_415 : f32 to vector<1024x1xf32>
    %sub3A_417 = arith.subf %mul3A_414, %sub3A_416 : vector<1024x1xf32>
    %mul3A_418 = arith.constant 0.31539157 : f32
    %mul3A_419 = vector.broadcast %mul3A_418 : f32 to vector<1024x1xf32>
    %mul3A_420 = arith.mulf %mul3A_419, %sub3A_417 : vector<1024x1xf32>
    %mul3A_421 = arith.mulf %mul3A_386, %mul3A_388 : vector<1024x1xf32>
    %mul3A_422 = arith.constant 1.09254849 : f32
    %mul3A_423 = vector.broadcast %mul3A_422 : f32 to vector<1024x1xf32>
    %mul3A_424 = arith.mulf %mul3A_423, %mul3A_421 : vector<1024x1xf32>
    %mul3A_425 = arith.mulf %mul3A_386, %mul3A_386 : vector<1024x1xf32>
    %mul3A_426 = arith.mulf %mul3A_387, %mul3A_387 : vector<1024x1xf32>
    %sub3A_427 = arith.subf %mul3A_425, %mul3A_426 : vector<1024x1xf32>
    %mul3A_428 = arith.constant 0.546274245 : f32
    %mul3A_429 = vector.broadcast %mul3A_428 : f32 to vector<1024x1xf32>
    %mul3A_430 = arith.mulf %mul3A_429, %sub3A_427 : vector<1024x1xf32>
    %concatenate3A_431 = tpu.concatenate %mul3A_393, %mul3A_396, %mul3A_399, %mul3A_402, %mul3A_406, %mul3A_410, %mul3A_420, %mul3A_424, %mul3A_430 in 1 : vector<1024x1xf32>, vector<1024x1xf32>, vector<1024x1xf32>, vector<1024x1xf32>, vector<1024x1xf32>, vector<1024x1xf32>, vector<1024x1xf32>, vector<1024x1xf32>, vector<1024x1xf32> -> vector<1024x9xf32>
    %get3A_432 = arith.constant 0 : index
    %get3A_433 = arith.constant 0 : index
    %get3A_434 = vector.load %arg5[%get3A_432, %get3A_433] : memref<9x128xf32, #tpu.memory_space<vmem>>, vector<9x128xf32>
    %dot_general3A_435 = arith.constant dense<0.000000e+00> : vector<1024x128xf32>
    %dot_general3A_436 = tpu.matmul %concatenate3A_431, %get3A_434, %dot_general3A_435 {dimension_numbers = #tpu.dot_dimension_numbers<[1], [0], [0], [1], [0, 0, 1, 1], [], []>, transpose_lhs_hint = false} : vector<1024x9xf32>, vector<9x128xf32>, vector<1024x128xf32> -> vector<1024x128xf32>
    %div3A_437 = arith.constant 1.000000e+01 : f32
    %div3A_438 = vector.broadcast %div3A_437 : f32 to vector<1024x1xf32>
    %div3A_439 = arith.divf %sqrt3A_379, %div3A_438 : vector<1024x1xf32>
    %jit3A_440 = arith.constant 0.000000e+00 : f32
    %jit3A_441 = arith.constant 1.000000e+00 : f32
    %max3A_442 = vector.broadcast %jit3A_440 : f32 to vector<1024x1xf32>
    %max3A_443 = arith.maximumf %max3A_442, %div3A_439 : vector<1024x1xf32>
    %min3A_444 = vector.broadcast %jit3A_441 : f32 to vector<1024x1xf32>
    %min3A_445 = arith.minimumf %min3A_444, %max3A_443 : vector<1024x1xf32>
    %mul3A_446 = arith.mulf %min3A_445, %min3A_445 : vector<1024x1xf32>
    %mul3A_447 = arith.mulf %mul3A_446, %min3A_445 : vector<1024x1xf32>
    %mul3A_448 = arith.mulf %mul3A_447, %mul3A_447 : vector<1024x1xf32>
    %mul3A_449 = arith.mulf %mul3A_448, %min3A_445 : vector<1024x1xf32>
    %mul3A_450 = arith.mulf %mul3A_449, %min3A_445 : vector<1024x1xf32>
    %mul3A_451 = arith.constant 2.800000e+01 : f32
    %mul3A_452 = vector.broadcast %mul3A_451 : f32 to vector<1024x1xf32>
    %mul3A_453 = arith.mulf %mul3A_452, %mul3A_448 : vector<1024x1xf32>
    %sub3A_454 = arith.constant 1.000000e+00 : f32
    %sub3A_455 = vector.broadcast %sub3A_454 : f32 to vector<1024x1xf32>
    %sub3A_456 = arith.subf %sub3A_455, %mul3A_453 : vector<1024x1xf32>
    %mul3A_457 = arith.constant 4.800000e+01 : f32
    %mul3A_458 = vector.broadcast %mul3A_457 : f32 to vector<1024x1xf32>
    %mul3A_459 = arith.mulf %mul3A_458, %mul3A_449 : vector<1024x1xf32>
    %add3A_460 = arith.addf %sub3A_456, %mul3A_459 : vector<1024x1xf32>
    %mul3A_461 = arith.constant 2.100000e+01 : f32
    %mul3A_462 = vector.broadcast %mul3A_461 : f32 to vector<1024x1xf32>
    %mul3A_463 = arith.mulf %mul3A_462, %mul3A_450 : vector<1024x1xf32>
    %sub3A_464 = arith.subf %add3A_460, %mul3A_463 : vector<1024x1xf32>
    %iota3A_465 = tpu.iota {dimensions = array<i32: 1>} : vector<1x8xi32>
    %add3A_466 = arith.constant 1 : i32
    %add3A_467 = vector.broadcast %add3A_466 : i32 to vector<1x8xi32>
    %add3A_468 = arith.addi %iota3A_465, %add3A_467 : vector<1x8xi32>
    %convert_element_type3A_469 = arith.sitofp %add3A_468 : vector<1x8xi32> to vector<1x8xf32>
    %mul3A_470 = arith.constant 3.14159274 : f32
    %mul3A_471 = vector.broadcast %mul3A_470 : f32 to vector<1x8xf32>
    %mul3A_472 = arith.mulf %convert_element_type3A_469, %mul3A_471 : vector<1x8xf32>
    %mul3A_473 = vector.broadcast %mul3A_472 : vector<1x8xf32> to vector<1024x8xf32>
    %mul3A_474 = vector.broadcast %sqrt3A_379 : vector<1024x1xf32> to vector<1024x8xf32>
    %mul3A_475 = arith.mulf %mul3A_473, %mul3A_474 : vector<1024x8xf32>
    %div3A_476 = arith.constant 1.000000e+01 : f32
    %div3A_477 = vector.broadcast %div3A_476 : f32 to vector<1024x8xf32>
    %div3A_478 = arith.divf %mul3A_475, %div3A_477 : vector<1024x8xf32>
    %mul3A_479 = arith.constant 0.159154937 : f32
    %mul3A_480 = vector.broadcast %mul3A_479 : f32 to vector<1024x8xf32>
    %mul3A_481 = arith.mulf %div3A_478, %mul3A_480 : vector<1024x8xf32>
    %round3A_482 = math.roundeven %mul3A_481 : vector<1024x8xf32>
    %mul3A_483 = arith.constant 6.28318548 : f32
    %mul3A_484 = vector.broadcast %mul3A_483 : f32 to vector<1024x8xf32>
    %mul3A_485 = arith.mulf %round3A_482, %mul3A_484 : vector<1024x8xf32>
    %sub3A_486 = arith.subf %div3A_478, %mul3A_485 : vector<1024x8xf32>
    %mul3A_487 = arith.constant -1.74845553E-7 : f32
    %mul3A_488 = vector.broadcast %mul3A_487 : f32 to vector<1024x8xf32>
    %mul3A_489 = arith.mulf %round3A_482, %mul3A_488 : vector<1024x8xf32>
    %sub3A_490 = arith.subf %sub3A_486, %mul3A_489 : vector<1024x8xf32>
    %sin3A_491 = math.sin %sub3A_490 : vector<1024x8xf32>
    %mul3A_492 = arith.constant 0.44721359 : f32
    %mul3A_493 = vector.broadcast %mul3A_492 : f32 to vector<1024x8xf32>
    %mul3A_494 = arith.mulf %mul3A_493, %sin3A_491 : vector<1024x8xf32>
    %add3A_495 = arith.constant 9.99999993E-9 : f32
    %add3A_496 = vector.broadcast %add3A_495 : f32 to vector<1024x1xf32>
    %add3A_497 = arith.addf %sqrt3A_379, %add3A_496 : vector<1024x1xf32>
    %div3A_498 = vector.broadcast %add3A_497 : vector<1024x1xf32> to vector<1024x8xf32>
    %div3A_499 = arith.divf %mul3A_494, %div3A_498 : vector<1024x8xf32>
    %mul3A_500 = vector.broadcast %sub3A_464 : vector<1024x1xf32> to vector<1024x8xf32>
    %mul3A_501 = arith.mulf %div3A_499, %mul3A_500 : vector<1024x8xf32>
    %get3A_502 = arith.constant 0 : index
    %get3A_503 = arith.constant 0 : index
    %get3A_504 = vector.load %arg6[%get3A_502, %get3A_503] : memref<8x64xf32, #tpu.memory_space<vmem>>, vector<8x64xf32>
    %dot_general3A_505 = arith.constant dense<0.000000e+00> : vector<1024x64xf32>
    %dot_general3A_506 = tpu.matmul %mul3A_501, %get3A_504, %dot_general3A_505 {dimension_numbers = #tpu.dot_dimension_numbers<[1], [0], [0], [1], [0, 0, 1, 1], [], []>, transpose_lhs_hint = false} : vector<1024x8xf32>, vector<8x64xf32>, vector<1024x64xf32> -> vector<1024x64xf32>
    %get3A_507 = arith.constant 0 : index
    %get3A_508 = arith.constant 0 : index
    %get3A_509 = vector.load %arg7[%get3A_507, %get3A_508] : memref<1x64xf32, #tpu.memory_space<vmem>>, vector<1x64xf32>
    %add3A_510 = vector.broadcast %get3A_509 : vector<1x64xf32> to vector<1024x64xf32>
    %add3A_511 = arith.addf %dot_general3A_506, %add3A_510 : vector<1024x64xf32>
    %max3A_512 = arith.constant 0.000000e+00 : f32
    %max3A_513 = vector.broadcast %max3A_512 : f32 to vector<1024x64xf32>
    %max3A_514 = arith.maximumf %add3A_511, %max3A_513 : vector<1024x64xf32>
    %get3A_515 = arith.constant 0 : index
    %get3A_516 = arith.constant 0 : index
    %get3A_517 = vector.load %arg8[%get3A_515, %get3A_516] : memref<64x128xf32, #tpu.memory_space<vmem>>, vector<64x128xf32>
    %dot_general3A_518 = arith.constant dense<0.000000e+00> : vector<1024x128xf32>
    %dot_general3A_519 = tpu.matmul %max3A_514, %get3A_517, %dot_general3A_518 {dimension_numbers = #tpu.dot_dimension_numbers<[1], [0], [0], [1], [0, 0, 1, 1], [], []>, transpose_lhs_hint = false} : vector<1024x64xf32>, vector<64x128xf32>, vector<1024x128xf32> -> vector<1024x128xf32>
    %get3A_520 = arith.constant 0 : index
    %get3A_521 = arith.constant 0 : index
    %get3A_522 = vector.load %arg9[%get3A_520, %get3A_521] : memref<1x128xf32, #tpu.memory_space<vmem>>, vector<1x128xf32>
    %add3A_523 = vector.broadcast %get3A_522 : vector<1x128xf32> to vector<1024x128xf32>
    %add3A_524 = arith.addf %dot_general3A_519, %add3A_523 : vector<1024x128xf32>
    %get3A_525 = arith.constant 2 : index
    %get3A_526 = arith.constant 0 : index
    %get3A_527 = vector.load %arg3[%get3A_525, %get3A_526] : memref<8x128xf32, #tpu.memory_space<vmem>>, vector<1x128xf32>
    %mul3A_528 = vector.broadcast %get3A_527 : vector<1x128xf32> to vector<1024x128xf32>
    %mul3A_529 = arith.mulf %mul3A_528, %dot_general3A_436 : vector<1024x128xf32>
    %mul3A_530 = arith.mulf %mul3A_529, %add3A_524 : vector<1024x128xf32>
    %get3A_531 = arith.constant 0 : index
    %get3A_532 = arith.constant 0 : index
    %get3A_533 = arith.constant 2 : index
    %get3A_534 = vector.load %arg4[%get3A_531, %get3A_532, %get3A_533] : memref<1x1024x8xf32, #tpu.memory_space<vmem>>, vector<1x1024x1xf32>
    %get3A_535 = vector.shape_cast %get3A_534 : vector<1x1024x1xf32> to vector<1024x1xf32>
    %mul3A_536 = vector.broadcast %get3A_535 : vector<1024x1xf32> to vector<1024x128xf32>
    %mul3A_537 = arith.mulf %mul3A_536, %mul3A_530 : vector<1024x128xf32>
    %add3A_538 = arith.addf %add3A_358, %mul3A_537 : vector<1024x128xf32>
    %get3A_539 = arith.constant 3 : index
    %get3A_540 = arith.constant 0 : index
    %get3A_541 = vector.load %arg2[%get3A_539, %get3A_540] : memref<8x3xf32, #tpu.memory_space<vmem>>, vector<1x1xf32>
    %sub3A_542 = vector.broadcast %get3A_541 : vector<1x1xf32> to vector<1024x1xf32>
    %sub3A_543 = arith.subf %sub3A_542, %get3A_6 : vector<1024x1xf32>
    %get3A_544 = arith.constant 3 : index
    %get3A_545 = arith.constant 1 : index
    %get3A_546 = vector.load %arg2[%get3A_544, %get3A_545] : memref<8x3xf32, #tpu.memory_space<vmem>>, vector<1x1xf32>
    %sub3A_547 = vector.broadcast %get3A_546 : vector<1x1xf32> to vector<1024x1xf32>
    %sub3A_548 = arith.subf %sub3A_547, %get3A_9 : vector<1024x1xf32>
    %get3A_549 = arith.constant 3 : index
    %get3A_550 = arith.constant 2 : index
    %get3A_551 = vector.load %arg2[%get3A_549, %get3A_550] : memref<8x3xf32, #tpu.memory_space<vmem>>, vector<1x1xf32>
    %sub3A_552 = vector.broadcast %get3A_551 : vector<1x1xf32> to vector<1024x1xf32>
    %sub3A_553 = arith.subf %sub3A_552, %get3A_12 : vector<1024x1xf32>
    %mul3A_554 = arith.mulf %sub3A_543, %sub3A_543 : vector<1024x1xf32>
    %mul3A_555 = arith.mulf %sub3A_548, %sub3A_548 : vector<1024x1xf32>
    %add3A_556 = arith.addf %mul3A_554, %mul3A_555 : vector<1024x1xf32>
    %mul3A_557 = arith.mulf %sub3A_553, %sub3A_553 : vector<1024x1xf32>
    %add3A_558 = arith.addf %add3A_556, %mul3A_557 : vector<1024x1xf32>
    %sqrt3A_559 = math.sqrt %add3A_558 : vector<1024x1xf32>
    %add3A_560 = arith.constant 9.99999993E-9 : f32
    %add3A_561 = vector.broadcast %add3A_560 : f32 to vector<1024x1xf32>
    %add3A_562 = arith.addf %sqrt3A_559, %add3A_561 : vector<1024x1xf32>
    %div3A_563 = arith.constant 1.000000e+00 : f32
    %div3A_564 = vector.broadcast %div3A_563 : f32 to vector<1024x1xf32>
    %div3A_565 = arith.divf %div3A_564, %add3A_562 : vector<1024x1xf32>
    %mul3A_566 = arith.mulf %sub3A_543, %div3A_565 : vector<1024x1xf32>
    %mul3A_567 = arith.mulf %sub3A_548, %div3A_565 : vector<1024x1xf32>
    %mul3A_568 = arith.mulf %sub3A_553, %div3A_565 : vector<1024x1xf32>
    %broadcast_in_dim3A_569 = arith.constant 1.000000e+00 : f32
    %broadcast_in_dim3A_570 = vector.broadcast %broadcast_in_dim3A_569 : f32 to vector<1024x1xf32>
    %mul3A_571 = arith.constant 0.282094777 : f32
    %mul3A_572 = vector.broadcast %mul3A_571 : f32 to vector<1024x1xf32>
    %mul3A_573 = arith.mulf %mul3A_572, %broadcast_in_dim3A_570 : vector<1024x1xf32>
    %mul3A_574 = arith.constant 0.488602519 : f32
    %mul3A_575 = vector.broadcast %mul3A_574 : f32 to vector<1024x1xf32>
    %mul3A_576 = arith.mulf %mul3A_575, %mul3A_567 : vector<1024x1xf32>
    %mul3A_577 = arith.constant 0.488602519 : f32
    %mul3A_578 = vector.broadcast %mul3A_577 : f32 to vector<1024x1xf32>
    %mul3A_579 = arith.mulf %mul3A_578, %mul3A_568 : vector<1024x1xf32>
    %mul3A_580 = arith.constant 0.488602519 : f32
    %mul3A_581 = vector.broadcast %mul3A_580 : f32 to vector<1024x1xf32>
    %mul3A_582 = arith.mulf %mul3A_581, %mul3A_566 : vector<1024x1xf32>
    %mul3A_583 = arith.mulf %mul3A_566, %mul3A_567 : vector<1024x1xf32>
    %mul3A_584 = arith.constant 1.09254849 : f32
    %mul3A_585 = vector.broadcast %mul3A_584 : f32 to vector<1024x1xf32>
    %mul3A_586 = arith.mulf %mul3A_585, %mul3A_583 : vector<1024x1xf32>
    %mul3A_587 = arith.mulf %mul3A_567, %mul3A_568 : vector<1024x1xf32>
    %mul3A_588 = arith.constant 1.09254849 : f32
    %mul3A_589 = vector.broadcast %mul3A_588 : f32 to vector<1024x1xf32>
    %mul3A_590 = arith.mulf %mul3A_589, %mul3A_587 : vector<1024x1xf32>
    %mul3A_591 = arith.constant 3.000000e+00 : f32
    %mul3A_592 = vector.broadcast %mul3A_591 : f32 to vector<1024x1xf32>
    %mul3A_593 = arith.mulf %mul3A_592, %mul3A_568 : vector<1024x1xf32>
    %mul3A_594 = arith.mulf %mul3A_593, %mul3A_568 : vector<1024x1xf32>
    %sub3A_595 = arith.constant 1.000000e+00 : f32
    %sub3A_596 = vector.broadcast %sub3A_595 : f32 to vector<1024x1xf32>
    %sub3A_597 = arith.subf %mul3A_594, %sub3A_596 : vector<1024x1xf32>
    %mul3A_598 = arith.constant 0.31539157 : f32
    %mul3A_599 = vector.broadcast %mul3A_598 : f32 to vector<1024x1xf32>
    %mul3A_600 = arith.mulf %mul3A_599, %sub3A_597 : vector<1024x1xf32>
    %mul3A_601 = arith.mulf %mul3A_566, %mul3A_568 : vector<1024x1xf32>
    %mul3A_602 = arith.constant 1.09254849 : f32
    %mul3A_603 = vector.broadcast %mul3A_602 : f32 to vector<1024x1xf32>
    %mul3A_604 = arith.mulf %mul3A_603, %mul3A_601 : vector<1024x1xf32>
    %mul3A_605 = arith.mulf %mul3A_566, %mul3A_566 : vector<1024x1xf32>
    %mul3A_606 = arith.mulf %mul3A_567, %mul3A_567 : vector<1024x1xf32>
    %sub3A_607 = arith.subf %mul3A_605, %mul3A_606 : vector<1024x1xf32>
    %mul3A_608 = arith.constant 0.546274245 : f32
    %mul3A_609 = vector.broadcast %mul3A_608 : f32 to vector<1024x1xf32>
    %mul3A_610 = arith.mulf %mul3A_609, %sub3A_607 : vector<1024x1xf32>
    %concatenate3A_611 = tpu.concatenate %mul3A_573, %mul3A_576, %mul3A_579, %mul3A_582, %mul3A_586, %mul3A_590, %mul3A_600, %mul3A_604, %mul3A_610 in 1 : vector<1024x1xf32>, vector<1024x1xf32>, vector<1024x1xf32>, vector<1024x1xf32>, vector<1024x1xf32>, vector<1024x1xf32>, vector<1024x1xf32>, vector<1024x1xf32>, vector<1024x1xf32> -> vector<1024x9xf32>
    %get3A_612 = arith.constant 0 : index
    %get3A_613 = arith.constant 0 : index
    %get3A_614 = vector.load %arg5[%get3A_612, %get3A_613] : memref<9x128xf32, #tpu.memory_space<vmem>>, vector<9x128xf32>
    %dot_general3A_615 = arith.constant dense<0.000000e+00> : vector<1024x128xf32>
    %dot_general3A_616 = tpu.matmul %concatenate3A_611, %get3A_614, %dot_general3A_615 {dimension_numbers = #tpu.dot_dimension_numbers<[1], [0], [0], [1], [0, 0, 1, 1], [], []>, transpose_lhs_hint = false} : vector<1024x9xf32>, vector<9x128xf32>, vector<1024x128xf32> -> vector<1024x128xf32>
    %div3A_617 = arith.constant 1.000000e+01 : f32
    %div3A_618 = vector.broadcast %div3A_617 : f32 to vector<1024x1xf32>
    %div3A_619 = arith.divf %sqrt3A_559, %div3A_618 : vector<1024x1xf32>
    %jit3A_620 = arith.constant 0.000000e+00 : f32
    %jit3A_621 = arith.constant 1.000000e+00 : f32
    %max3A_622 = vector.broadcast %jit3A_620 : f32 to vector<1024x1xf32>
    %max3A_623 = arith.maximumf %max3A_622, %div3A_619 : vector<1024x1xf32>
    %min3A_624 = vector.broadcast %jit3A_621 : f32 to vector<1024x1xf32>
    %min3A_625 = arith.minimumf %min3A_624, %max3A_623 : vector<1024x1xf32>
    %mul3A_626 = arith.mulf %min3A_625, %min3A_625 : vector<1024x1xf32>
    %mul3A_627 = arith.mulf %mul3A_626, %min3A_625 : vector<1024x1xf32>
    %mul3A_628 = arith.mulf %mul3A_627, %mul3A_627 : vector<1024x1xf32>
    %mul3A_629 = arith.mulf %mul3A_628, %min3A_625 : vector<1024x1xf32>
    %mul3A_630 = arith.mulf %mul3A_629, %min3A_625 : vector<1024x1xf32>
    %mul3A_631 = arith.constant 2.800000e+01 : f32
    %mul3A_632 = vector.broadcast %mul3A_631 : f32 to vector<1024x1xf32>
    %mul3A_633 = arith.mulf %mul3A_632, %mul3A_628 : vector<1024x1xf32>
    %sub3A_634 = arith.constant 1.000000e+00 : f32
    %sub3A_635 = vector.broadcast %sub3A_634 : f32 to vector<1024x1xf32>
    %sub3A_636 = arith.subf %sub3A_635, %mul3A_633 : vector<1024x1xf32>
    %mul3A_637 = arith.constant 4.800000e+01 : f32
    %mul3A_638 = vector.broadcast %mul3A_637 : f32 to vector<1024x1xf32>
    %mul3A_639 = arith.mulf %mul3A_638, %mul3A_629 : vector<1024x1xf32>
    %add3A_640 = arith.addf %sub3A_636, %mul3A_639 : vector<1024x1xf32>
    %mul3A_641 = arith.constant 2.100000e+01 : f32
    %mul3A_642 = vector.broadcast %mul3A_641 : f32 to vector<1024x1xf32>
    %mul3A_643 = arith.mulf %mul3A_642, %mul3A_630 : vector<1024x1xf32>
    %sub3A_644 = arith.subf %add3A_640, %mul3A_643 : vector<1024x1xf32>
    %iota3A_645 = tpu.iota {dimensions = array<i32: 1>} : vector<1x8xi32>
    %add3A_646 = arith.constant 1 : i32
    %add3A_647 = vector.broadcast %add3A_646 : i32 to vector<1x8xi32>
    %add3A_648 = arith.addi %iota3A_645, %add3A_647 : vector<1x8xi32>
    %convert_element_type3A_649 = arith.sitofp %add3A_648 : vector<1x8xi32> to vector<1x8xf32>
    %mul3A_650 = arith.constant 3.14159274 : f32
    %mul3A_651 = vector.broadcast %mul3A_650 : f32 to vector<1x8xf32>
    %mul3A_652 = arith.mulf %convert_element_type3A_649, %mul3A_651 : vector<1x8xf32>
    %mul3A_653 = vector.broadcast %mul3A_652 : vector<1x8xf32> to vector<1024x8xf32>
    %mul3A_654 = vector.broadcast %sqrt3A_559 : vector<1024x1xf32> to vector<1024x8xf32>
    %mul3A_655 = arith.mulf %mul3A_653, %mul3A_654 : vector<1024x8xf32>
    %div3A_656 = arith.constant 1.000000e+01 : f32
    %div3A_657 = vector.broadcast %div3A_656 : f32 to vector<1024x8xf32>
    %div3A_658 = arith.divf %mul3A_655, %div3A_657 : vector<1024x8xf32>
    %mul3A_659 = arith.constant 0.159154937 : f32
    %mul3A_660 = vector.broadcast %mul3A_659 : f32 to vector<1024x8xf32>
    %mul3A_661 = arith.mulf %div3A_658, %mul3A_660 : vector<1024x8xf32>
    %round3A_662 = math.roundeven %mul3A_661 : vector<1024x8xf32>
    %mul3A_663 = arith.constant 6.28318548 : f32
    %mul3A_664 = vector.broadcast %mul3A_663 : f32 to vector<1024x8xf32>
    %mul3A_665 = arith.mulf %round3A_662, %mul3A_664 : vector<1024x8xf32>
    %sub3A_666 = arith.subf %div3A_658, %mul3A_665 : vector<1024x8xf32>
    %mul3A_667 = arith.constant -1.74845553E-7 : f32
    %mul3A_668 = vector.broadcast %mul3A_667 : f32 to vector<1024x8xf32>
    %mul3A_669 = arith.mulf %round3A_662, %mul3A_668 : vector<1024x8xf32>
    %sub3A_670 = arith.subf %sub3A_666, %mul3A_669 : vector<1024x8xf32>
    %sin3A_671 = math.sin %sub3A_670 : vector<1024x8xf32>
    %mul3A_672 = arith.constant 0.44721359 : f32
    %mul3A_673 = vector.broadcast %mul3A_672 : f32 to vector<1024x8xf32>
    %mul3A_674 = arith.mulf %mul3A_673, %sin3A_671 : vector<1024x8xf32>
    %add3A_675 = arith.constant 9.99999993E-9 : f32
    %add3A_676 = vector.broadcast %add3A_675 : f32 to vector<1024x1xf32>
    %add3A_677 = arith.addf %sqrt3A_559, %add3A_676 : vector<1024x1xf32>
    %div3A_678 = vector.broadcast %add3A_677 : vector<1024x1xf32> to vector<1024x8xf32>
    %div3A_679 = arith.divf %mul3A_674, %div3A_678 : vector<1024x8xf32>
    %mul3A_680 = vector.broadcast %sub3A_644 : vector<1024x1xf32> to vector<1024x8xf32>
    %mul3A_681 = arith.mulf %div3A_679, %mul3A_680 : vector<1024x8xf32>
    %get3A_682 = arith.constant 0 : index
    %get3A_683 = arith.constant 0 : index
    %get3A_684 = vector.load %arg6[%get3A_682, %get3A_683] : memref<8x64xf32, #tpu.memory_space<vmem>>, vector<8x64xf32>
    %dot_general3A_685 = arith.constant dense<0.000000e+00> : vector<1024x64xf32>
    %dot_general3A_686 = tpu.matmul %mul3A_681, %get3A_684, %dot_general3A_685 {dimension_numbers = #tpu.dot_dimension_numbers<[1], [0], [0], [1], [0, 0, 1, 1], [], []>, transpose_lhs_hint = false} : vector<1024x8xf32>, vector<8x64xf32>, vector<1024x64xf32> -> vector<1024x64xf32>
    %get3A_687 = arith.constant 0 : index
    %get3A_688 = arith.constant 0 : index
    %get3A_689 = vector.load %arg7[%get3A_687, %get3A_688] : memref<1x64xf32, #tpu.memory_space<vmem>>, vector<1x64xf32>
    %add3A_690 = vector.broadcast %get3A_689 : vector<1x64xf32> to vector<1024x64xf32>
    %add3A_691 = arith.addf %dot_general3A_686, %add3A_690 : vector<1024x64xf32>
    %max3A_692 = arith.constant 0.000000e+00 : f32
    %max3A_693 = vector.broadcast %max3A_692 : f32 to vector<1024x64xf32>
    %max3A_694 = arith.maximumf %add3A_691, %max3A_693 : vector<1024x64xf32>
    %get3A_695 = arith.constant 0 : index
    %get3A_696 = arith.constant 0 : index
    %get3A_697 = vector.load %arg8[%get3A_695, %get3A_696] : memref<64x128xf32, #tpu.memory_space<vmem>>, vector<64x128xf32>
    %dot_general3A_698 = arith.constant dense<0.000000e+00> : vector<1024x128xf32>
    %dot_general3A_699 = tpu.matmul %max3A_694, %get3A_697, %dot_general3A_698 {dimension_numbers = #tpu.dot_dimension_numbers<[1], [0], [0], [1], [0, 0, 1, 1], [], []>, transpose_lhs_hint = false} : vector<1024x64xf32>, vector<64x128xf32>, vector<1024x128xf32> -> vector<1024x128xf32>
    %get3A_700 = arith.constant 0 : index
    %get3A_701 = arith.constant 0 : index
    %get3A_702 = vector.load %arg9[%get3A_700, %get3A_701] : memref<1x128xf32, #tpu.memory_space<vmem>>, vector<1x128xf32>
    %add3A_703 = vector.broadcast %get3A_702 : vector<1x128xf32> to vector<1024x128xf32>
    %add3A_704 = arith.addf %dot_general3A_699, %add3A_703 : vector<1024x128xf32>
    %get3A_705 = arith.constant 3 : index
    %get3A_706 = arith.constant 0 : index
    %get3A_707 = vector.load %arg3[%get3A_705, %get3A_706] : memref<8x128xf32, #tpu.memory_space<vmem>>, vector<1x128xf32>
    %mul3A_708 = vector.broadcast %get3A_707 : vector<1x128xf32> to vector<1024x128xf32>
    %mul3A_709 = arith.mulf %mul3A_708, %dot_general3A_616 : vector<1024x128xf32>
    %mul3A_710 = arith.mulf %mul3A_709, %add3A_704 : vector<1024x128xf32>
    %get3A_711 = arith.constant 0 : index
    %get3A_712 = arith.constant 0 : index
    %get3A_713 = arith.constant 3 : index
    %get3A_714 = vector.load %arg4[%get3A_711, %get3A_712, %get3A_713] : memref<1x1024x8xf32, #tpu.memory_space<vmem>>, vector<1x1024x1xf32>
    %get3A_715 = vector.shape_cast %get3A_714 : vector<1x1024x1xf32> to vector<1024x1xf32>
    %mul3A_716 = vector.broadcast %get3A_715 : vector<1024x1xf32> to vector<1024x128xf32>
    %mul3A_717 = arith.mulf %mul3A_716, %mul3A_710 : vector<1024x128xf32>
    %add3A_718 = arith.addf %add3A_538, %mul3A_717 : vector<1024x128xf32>
    %get3A_719 = arith.constant 4 : index
    %get3A_720 = arith.constant 0 : index
    %get3A_721 = vector.load %arg2[%get3A_719, %get3A_720] : memref<8x3xf32, #tpu.memory_space<vmem>>, vector<1x1xf32>
    %sub3A_722 = vector.broadcast %get3A_721 : vector<1x1xf32> to vector<1024x1xf32>
    %sub3A_723 = arith.subf %sub3A_722, %get3A_6 : vector<1024x1xf32>
    %get3A_724 = arith.constant 4 : index
    %get3A_725 = arith.constant 1 : index
    %get3A_726 = vector.load %arg2[%get3A_724, %get3A_725] : memref<8x3xf32, #tpu.memory_space<vmem>>, vector<1x1xf32>
    %sub3A_727 = vector.broadcast %get3A_726 : vector<1x1xf32> to vector<1024x1xf32>
    %sub3A_728 = arith.subf %sub3A_727, %get3A_9 : vector<1024x1xf32>
    %get3A_729 = arith.constant 4 : index
    %get3A_730 = arith.constant 2 : index
    %get3A_731 = vector.load %arg2[%get3A_729, %get3A_730] : memref<8x3xf32, #tpu.memory_space<vmem>>, vector<1x1xf32>
    %sub3A_732 = vector.broadcast %get3A_731 : vector<1x1xf32> to vector<1024x1xf32>
    %sub3A_733 = arith.subf %sub3A_732, %get3A_12 : vector<1024x1xf32>
    %mul3A_734 = arith.mulf %sub3A_723, %sub3A_723 : vector<1024x1xf32>
    %mul3A_735 = arith.mulf %sub3A_728, %sub3A_728 : vector<1024x1xf32>
    %add3A_736 = arith.addf %mul3A_734, %mul3A_735 : vector<1024x1xf32>
    %mul3A_737 = arith.mulf %sub3A_733, %sub3A_733 : vector<1024x1xf32>
    %add3A_738 = arith.addf %add3A_736, %mul3A_737 : vector<1024x1xf32>
    %sqrt3A_739 = math.sqrt %add3A_738 : vector<1024x1xf32>
    %add3A_740 = arith.constant 9.99999993E-9 : f32
    %add3A_741 = vector.broadcast %add3A_740 : f32 to vector<1024x1xf32>
    %add3A_742 = arith.addf %sqrt3A_739, %add3A_741 : vector<1024x1xf32>
    %div3A_743 = arith.constant 1.000000e+00 : f32
    %div3A_744 = vector.broadcast %div3A_743 : f32 to vector<1024x1xf32>
    %div3A_745 = arith.divf %div3A_744, %add3A_742 : vector<1024x1xf32>
    %mul3A_746 = arith.mulf %sub3A_723, %div3A_745 : vector<1024x1xf32>
    %mul3A_747 = arith.mulf %sub3A_728, %div3A_745 : vector<1024x1xf32>
    %mul3A_748 = arith.mulf %sub3A_733, %div3A_745 : vector<1024x1xf32>
    %broadcast_in_dim3A_749 = arith.constant 1.000000e+00 : f32
    %broadcast_in_dim3A_750 = vector.broadcast %broadcast_in_dim3A_749 : f32 to vector<1024x1xf32>
    %mul3A_751 = arith.constant 0.282094777 : f32
    %mul3A_752 = vector.broadcast %mul3A_751 : f32 to vector<1024x1xf32>
    %mul3A_753 = arith.mulf %mul3A_752, %broadcast_in_dim3A_750 : vector<1024x1xf32>
    %mul3A_754 = arith.constant 0.488602519 : f32
    %mul3A_755 = vector.broadcast %mul3A_754 : f32 to vector<1024x1xf32>
    %mul3A_756 = arith.mulf %mul3A_755, %mul3A_747 : vector<1024x1xf32>
    %mul3A_757 = arith.constant 0.488602519 : f32
    %mul3A_758 = vector.broadcast %mul3A_757 : f32 to vector<1024x1xf32>
    %mul3A_759 = arith.mulf %mul3A_758, %mul3A_748 : vector<1024x1xf32>
    %mul3A_760 = arith.constant 0.488602519 : f32
    %mul3A_761 = vector.broadcast %mul3A_760 : f32 to vector<1024x1xf32>
    %mul3A_762 = arith.mulf %mul3A_761, %mul3A_746 : vector<1024x1xf32>
    %mul3A_763 = arith.mulf %mul3A_746, %mul3A_747 : vector<1024x1xf32>
    %mul3A_764 = arith.constant 1.09254849 : f32
    %mul3A_765 = vector.broadcast %mul3A_764 : f32 to vector<1024x1xf32>
    %mul3A_766 = arith.mulf %mul3A_765, %mul3A_763 : vector<1024x1xf32>
    %mul3A_767 = arith.mulf %mul3A_747, %mul3A_748 : vector<1024x1xf32>
    %mul3A_768 = arith.constant 1.09254849 : f32
    %mul3A_769 = vector.broadcast %mul3A_768 : f32 to vector<1024x1xf32>
    %mul3A_770 = arith.mulf %mul3A_769, %mul3A_767 : vector<1024x1xf32>
    %mul3A_771 = arith.constant 3.000000e+00 : f32
    %mul3A_772 = vector.broadcast %mul3A_771 : f32 to vector<1024x1xf32>
    %mul3A_773 = arith.mulf %mul3A_772, %mul3A_748 : vector<1024x1xf32>
    %mul3A_774 = arith.mulf %mul3A_773, %mul3A_748 : vector<1024x1xf32>
    %sub3A_775 = arith.constant 1.000000e+00 : f32
    %sub3A_776 = vector.broadcast %sub3A_775 : f32 to vector<1024x1xf32>
    %sub3A_777 = arith.subf %mul3A_774, %sub3A_776 : vector<1024x1xf32>
    %mul3A_778 = arith.constant 0.31539157 : f32
    %mul3A_779 = vector.broadcast %mul3A_778 : f32 to vector<1024x1xf32>
    %mul3A_780 = arith.mulf %mul3A_779, %sub3A_777 : vector<1024x1xf32>
    %mul3A_781 = arith.mulf %mul3A_746, %mul3A_748 : vector<1024x1xf32>
    %mul3A_782 = arith.constant 1.09254849 : f32
    %mul3A_783 = vector.broadcast %mul3A_782 : f32 to vector<1024x1xf32>
    %mul3A_784 = arith.mulf %mul3A_783, %mul3A_781 : vector<1024x1xf32>
    %mul3A_785 = arith.mulf %mul3A_746, %mul3A_746 : vector<1024x1xf32>
    %mul3A_786 = arith.mulf %mul3A_747, %mul3A_747 : vector<1024x1xf32>
    %sub3A_787 = arith.subf %mul3A_785, %mul3A_786 : vector<1024x1xf32>
    %mul3A_788 = arith.constant 0.546274245 : f32
    %mul3A_789 = vector.broadcast %mul3A_788 : f32 to vector<1024x1xf32>
    %mul3A_790 = arith.mulf %mul3A_789, %sub3A_787 : vector<1024x1xf32>
    %concatenate3A_791 = tpu.concatenate %mul3A_753, %mul3A_756, %mul3A_759, %mul3A_762, %mul3A_766, %mul3A_770, %mul3A_780, %mul3A_784, %mul3A_790 in 1 : vector<1024x1xf32>, vector<1024x1xf32>, vector<1024x1xf32>, vector<1024x1xf32>, vector<1024x1xf32>, vector<1024x1xf32>, vector<1024x1xf32>, vector<1024x1xf32>, vector<1024x1xf32> -> vector<1024x9xf32>
    %get3A_792 = arith.constant 0 : index
    %get3A_793 = arith.constant 0 : index
    %get3A_794 = vector.load %arg5[%get3A_792, %get3A_793] : memref<9x128xf32, #tpu.memory_space<vmem>>, vector<9x128xf32>
    %dot_general3A_795 = arith.constant dense<0.000000e+00> : vector<1024x128xf32>
    %dot_general3A_796 = tpu.matmul %concatenate3A_791, %get3A_794, %dot_general3A_795 {dimension_numbers = #tpu.dot_dimension_numbers<[1], [0], [0], [1], [0, 0, 1, 1], [], []>, transpose_lhs_hint = false} : vector<1024x9xf32>, vector<9x128xf32>, vector<1024x128xf32> -> vector<1024x128xf32>
    %div3A_797 = arith.constant 1.000000e+01 : f32
    %div3A_798 = vector.broadcast %div3A_797 : f32 to vector<1024x1xf32>
    %div3A_799 = arith.divf %sqrt3A_739, %div3A_798 : vector<1024x1xf32>
    %jit3A_800 = arith.constant 0.000000e+00 : f32
    %jit3A_801 = arith.constant 1.000000e+00 : f32
    %max3A_802 = vector.broadcast %jit3A_800 : f32 to vector<1024x1xf32>
    %max3A_803 = arith.maximumf %max3A_802, %div3A_799 : vector<1024x1xf32>
    %min3A_804 = vector.broadcast %jit3A_801 : f32 to vector<1024x1xf32>
    %min3A_805 = arith.minimumf %min3A_804, %max3A_803 : vector<1024x1xf32>
    %mul3A_806 = arith.mulf %min3A_805, %min3A_805 : vector<1024x1xf32>
    %mul3A_807 = arith.mulf %mul3A_806, %min3A_805 : vector<1024x1xf32>
    %mul3A_808 = arith.mulf %mul3A_807, %mul3A_807 : vector<1024x1xf32>
    %mul3A_809 = arith.mulf %mul3A_808, %min3A_805 : vector<1024x1xf32>
    %mul3A_810 = arith.mulf %mul3A_809, %min3A_805 : vector<1024x1xf32>
    %mul3A_811 = arith.constant 2.800000e+01 : f32
    %mul3A_812 = vector.broadcast %mul3A_811 : f32 to vector<1024x1xf32>
    %mul3A_813 = arith.mulf %mul3A_812, %mul3A_808 : vector<1024x1xf32>
    %sub3A_814 = arith.constant 1.000000e+00 : f32
    %sub3A_815 = vector.broadcast %sub3A_814 : f32 to vector<1024x1xf32>
    %sub3A_816 = arith.subf %sub3A_815, %mul3A_813 : vector<1024x1xf32>
    %mul3A_817 = arith.constant 4.800000e+01 : f32
    %mul3A_818 = vector.broadcast %mul3A_817 : f32 to vector<1024x1xf32>
    %mul3A_819 = arith.mulf %mul3A_818, %mul3A_809 : vector<1024x1xf32>
    %add3A_820 = arith.addf %sub3A_816, %mul3A_819 : vector<1024x1xf32>
    %mul3A_821 = arith.constant 2.100000e+01 : f32
    %mul3A_822 = vector.broadcast %mul3A_821 : f32 to vector<1024x1xf32>
    %mul3A_823 = arith.mulf %mul3A_822, %mul3A_810 : vector<1024x1xf32>
    %sub3A_824 = arith.subf %add3A_820, %mul3A_823 : vector<1024x1xf32>
    %iota3A_825 = tpu.iota {dimensions = array<i32: 1>} : vector<1x8xi32>
    %add3A_826 = arith.constant 1 : i32
    %add3A_827 = vector.broadcast %add3A_826 : i32 to vector<1x8xi32>
    %add3A_828 = arith.addi %iota3A_825, %add3A_827 : vector<1x8xi32>
    %convert_element_type3A_829 = arith.sitofp %add3A_828 : vector<1x8xi32> to vector<1x8xf32>
    %mul3A_830 = arith.constant 3.14159274 : f32
    %mul3A_831 = vector.broadcast %mul3A_830 : f32 to vector<1x8xf32>
    %mul3A_832 = arith.mulf %convert_element_type3A_829, %mul3A_831 : vector<1x8xf32>
    %mul3A_833 = vector.broadcast %mul3A_832 : vector<1x8xf32> to vector<1024x8xf32>
    %mul3A_834 = vector.broadcast %sqrt3A_739 : vector<1024x1xf32> to vector<1024x8xf32>
    %mul3A_835 = arith.mulf %mul3A_833, %mul3A_834 : vector<1024x8xf32>
    %div3A_836 = arith.constant 1.000000e+01 : f32
    %div3A_837 = vector.broadcast %div3A_836 : f32 to vector<1024x8xf32>
    %div3A_838 = arith.divf %mul3A_835, %div3A_837 : vector<1024x8xf32>
    %mul3A_839 = arith.constant 0.159154937 : f32
    %mul3A_840 = vector.broadcast %mul3A_839 : f32 to vector<1024x8xf32>
    %mul3A_841 = arith.mulf %div3A_838, %mul3A_840 : vector<1024x8xf32>
    %round3A_842 = math.roundeven %mul3A_841 : vector<1024x8xf32>
    %mul3A_843 = arith.constant 6.28318548 : f32
    %mul3A_844 = vector.broadcast %mul3A_843 : f32 to vector<1024x8xf32>
    %mul3A_845 = arith.mulf %round3A_842, %mul3A_844 : vector<1024x8xf32>
    %sub3A_846 = arith.subf %div3A_838, %mul3A_845 : vector<1024x8xf32>
    %mul3A_847 = arith.constant -1.74845553E-7 : f32
    %mul3A_848 = vector.broadcast %mul3A_847 : f32 to vector<1024x8xf32>
    %mul3A_849 = arith.mulf %round3A_842, %mul3A_848 : vector<1024x8xf32>
    %sub3A_850 = arith.subf %sub3A_846, %mul3A_849 : vector<1024x8xf32>
    %sin3A_851 = math.sin %sub3A_850 : vector<1024x8xf32>
    %mul3A_852 = arith.constant 0.44721359 : f32
    %mul3A_853 = vector.broadcast %mul3A_852 : f32 to vector<1024x8xf32>
    %mul3A_854 = arith.mulf %mul3A_853, %sin3A_851 : vector<1024x8xf32>
    %add3A_855 = arith.constant 9.99999993E-9 : f32
    %add3A_856 = vector.broadcast %add3A_855 : f32 to vector<1024x1xf32>
    %add3A_857 = arith.addf %sqrt3A_739, %add3A_856 : vector<1024x1xf32>
    %div3A_858 = vector.broadcast %add3A_857 : vector<1024x1xf32> to vector<1024x8xf32>
    %div3A_859 = arith.divf %mul3A_854, %div3A_858 : vector<1024x8xf32>
    %mul3A_860 = vector.broadcast %sub3A_824 : vector<1024x1xf32> to vector<1024x8xf32>
    %mul3A_861 = arith.mulf %div3A_859, %mul3A_860 : vector<1024x8xf32>
    %get3A_862 = arith.constant 0 : index
    %get3A_863 = arith.constant 0 : index
    %get3A_864 = vector.load %arg6[%get3A_862, %get3A_863] : memref<8x64xf32, #tpu.memory_space<vmem>>, vector<8x64xf32>
    %dot_general3A_865 = arith.constant dense<0.000000e+00> : vector<1024x64xf32>
    %dot_general3A_866 = tpu.matmul %mul3A_861, %get3A_864, %dot_general3A_865 {dimension_numbers = #tpu.dot_dimension_numbers<[1], [0], [0], [1], [0, 0, 1, 1], [], []>, transpose_lhs_hint = false} : vector<1024x8xf32>, vector<8x64xf32>, vector<1024x64xf32> -> vector<1024x64xf32>
    %get3A_867 = arith.constant 0 : index
    %get3A_868 = arith.constant 0 : index
    %get3A_869 = vector.load %arg7[%get3A_867, %get3A_868] : memref<1x64xf32, #tpu.memory_space<vmem>>, vector<1x64xf32>
    %add3A_870 = vector.broadcast %get3A_869 : vector<1x64xf32> to vector<1024x64xf32>
    %add3A_871 = arith.addf %dot_general3A_866, %add3A_870 : vector<1024x64xf32>
    %max3A_872 = arith.constant 0.000000e+00 : f32
    %max3A_873 = vector.broadcast %max3A_872 : f32 to vector<1024x64xf32>
    %max3A_874 = arith.maximumf %add3A_871, %max3A_873 : vector<1024x64xf32>
    %get3A_875 = arith.constant 0 : index
    %get3A_876 = arith.constant 0 : index
    %get3A_877 = vector.load %arg8[%get3A_875, %get3A_876] : memref<64x128xf32, #tpu.memory_space<vmem>>, vector<64x128xf32>
    %dot_general3A_878 = arith.constant dense<0.000000e+00> : vector<1024x128xf32>
    %dot_general3A_879 = tpu.matmul %max3A_874, %get3A_877, %dot_general3A_878 {dimension_numbers = #tpu.dot_dimension_numbers<[1], [0], [0], [1], [0, 0, 1, 1], [], []>, transpose_lhs_hint = false} : vector<1024x64xf32>, vector<64x128xf32>, vector<1024x128xf32> -> vector<1024x128xf32>
    %get3A_880 = arith.constant 0 : index
    %get3A_881 = arith.constant 0 : index
    %get3A_882 = vector.load %arg9[%get3A_880, %get3A_881] : memref<1x128xf32, #tpu.memory_space<vmem>>, vector<1x128xf32>
    %add3A_883 = vector.broadcast %get3A_882 : vector<1x128xf32> to vector<1024x128xf32>
    %add3A_884 = arith.addf %dot_general3A_879, %add3A_883 : vector<1024x128xf32>
    %get3A_885 = arith.constant 4 : index
    %get3A_886 = arith.constant 0 : index
    %get3A_887 = vector.load %arg3[%get3A_885, %get3A_886] : memref<8x128xf32, #tpu.memory_space<vmem>>, vector<1x128xf32>
    %mul3A_888 = vector.broadcast %get3A_887 : vector<1x128xf32> to vector<1024x128xf32>
    %mul3A_889 = arith.mulf %mul3A_888, %dot_general3A_796 : vector<1024x128xf32>
    %mul3A_890 = arith.mulf %mul3A_889, %add3A_884 : vector<1024x128xf32>
    %get3A_891 = arith.constant 0 : index
    %get3A_892 = arith.constant 0 : index
    %get3A_893 = arith.constant 4 : index
    %get3A_894 = vector.load %arg4[%get3A_891, %get3A_892, %get3A_893] : memref<1x1024x8xf32, #tpu.memory_space<vmem>>, vector<1x1024x1xf32>
    %get3A_895 = vector.shape_cast %get3A_894 : vector<1x1024x1xf32> to vector<1024x1xf32>
    %mul3A_896 = vector.broadcast %get3A_895 : vector<1024x1xf32> to vector<1024x128xf32>
    %mul3A_897 = arith.mulf %mul3A_896, %mul3A_890 : vector<1024x128xf32>
    %add3A_898 = arith.addf %add3A_718, %mul3A_897 : vector<1024x128xf32>
    %get3A_899 = arith.constant 5 : index
    %get3A_900 = arith.constant 0 : index
    %get3A_901 = vector.load %arg2[%get3A_899, %get3A_900] : memref<8x3xf32, #tpu.memory_space<vmem>>, vector<1x1xf32>
    %sub3A_902 = vector.broadcast %get3A_901 : vector<1x1xf32> to vector<1024x1xf32>
    %sub3A_903 = arith.subf %sub3A_902, %get3A_6 : vector<1024x1xf32>
    %get3A_904 = arith.constant 5 : index
    %get3A_905 = arith.constant 1 : index
    %get3A_906 = vector.load %arg2[%get3A_904, %get3A_905] : memref<8x3xf32, #tpu.memory_space<vmem>>, vector<1x1xf32>
    %sub3A_907 = vector.broadcast %get3A_906 : vector<1x1xf32> to vector<1024x1xf32>
    %sub3A_908 = arith.subf %sub3A_907, %get3A_9 : vector<1024x1xf32>
    %get3A_909 = arith.constant 5 : index
    %get3A_910 = arith.constant 2 : index
    %get3A_911 = vector.load %arg2[%get3A_909, %get3A_910] : memref<8x3xf32, #tpu.memory_space<vmem>>, vector<1x1xf32>
    %sub3A_912 = vector.broadcast %get3A_911 : vector<1x1xf32> to vector<1024x1xf32>
    %sub3A_913 = arith.subf %sub3A_912, %get3A_12 : vector<1024x1xf32>
    %mul3A_914 = arith.mulf %sub3A_903, %sub3A_903 : vector<1024x1xf32>
    %mul3A_915 = arith.mulf %sub3A_908, %sub3A_908 : vector<1024x1xf32>
    %add3A_916 = arith.addf %mul3A_914, %mul3A_915 : vector<1024x1xf32>
    %mul3A_917 = arith.mulf %sub3A_913, %sub3A_913 : vector<1024x1xf32>
    %add3A_918 = arith.addf %add3A_916, %mul3A_917 : vector<1024x1xf32>
    %sqrt3A_919 = math.sqrt %add3A_918 : vector<1024x1xf32>
    %add3A_920 = arith.constant 9.99999993E-9 : f32
    %add3A_921 = vector.broadcast %add3A_920 : f32 to vector<1024x1xf32>
    %add3A_922 = arith.addf %sqrt3A_919, %add3A_921 : vector<1024x1xf32>
    %div3A_923 = arith.constant 1.000000e+00 : f32
    %div3A_924 = vector.broadcast %div3A_923 : f32 to vector<1024x1xf32>
    %div3A_925 = arith.divf %div3A_924, %add3A_922 : vector<1024x1xf32>
    %mul3A_926 = arith.mulf %sub3A_903, %div3A_925 : vector<1024x1xf32>
    %mul3A_927 = arith.mulf %sub3A_908, %div3A_925 : vector<1024x1xf32>
    %mul3A_928 = arith.mulf %sub3A_913, %div3A_925 : vector<1024x1xf32>
    %broadcast_in_dim3A_929 = arith.constant 1.000000e+00 : f32
    %broadcast_in_dim3A_930 = vector.broadcast %broadcast_in_dim3A_929 : f32 to vector<1024x1xf32>
    %mul3A_931 = arith.constant 0.282094777 : f32
    %mul3A_932 = vector.broadcast %mul3A_931 : f32 to vector<1024x1xf32>
    %mul3A_933 = arith.mulf %mul3A_932, %broadcast_in_dim3A_930 : vector<1024x1xf32>
    %mul3A_934 = arith.constant 0.488602519 : f32
    %mul3A_935 = vector.broadcast %mul3A_934 : f32 to vector<1024x1xf32>
    %mul3A_936 = arith.mulf %mul3A_935, %mul3A_927 : vector<1024x1xf32>
    %mul3A_937 = arith.constant 0.488602519 : f32
    %mul3A_938 = vector.broadcast %mul3A_937 : f32 to vector<1024x1xf32>
    %mul3A_939 = arith.mulf %mul3A_938, %mul3A_928 : vector<1024x1xf32>
    %mul3A_940 = arith.constant 0.488602519 : f32
    %mul3A_941 = vector.broadcast %mul3A_940 : f32 to vector<1024x1xf32>
    %mul3A_942 = arith.mulf %mul3A_941, %mul3A_926 : vector<1024x1xf32>
    %mul3A_943 = arith.mulf %mul3A_926, %mul3A_927 : vector<1024x1xf32>
    %mul3A_944 = arith.constant 1.09254849 : f32
    %mul3A_945 = vector.broadcast %mul3A_944 : f32 to vector<1024x1xf32>
    %mul3A_946 = arith.mulf %mul3A_945, %mul3A_943 : vector<1024x1xf32>
    %mul3A_947 = arith.mulf %mul3A_927, %mul3A_928 : vector<1024x1xf32>
    %mul3A_948 = arith.constant 1.09254849 : f32
    %mul3A_949 = vector.broadcast %mul3A_948 : f32 to vector<1024x1xf32>
    %mul3A_950 = arith.mulf %mul3A_949, %mul3A_947 : vector<1024x1xf32>
    %mul3A_951 = arith.constant 3.000000e+00 : f32
    %mul3A_952 = vector.broadcast %mul3A_951 : f32 to vector<1024x1xf32>
    %mul3A_953 = arith.mulf %mul3A_952, %mul3A_928 : vector<1024x1xf32>
    %mul3A_954 = arith.mulf %mul3A_953, %mul3A_928 : vector<1024x1xf32>
    %sub3A_955 = arith.constant 1.000000e+00 : f32
    %sub3A_956 = vector.broadcast %sub3A_955 : f32 to vector<1024x1xf32>
    %sub3A_957 = arith.subf %mul3A_954, %sub3A_956 : vector<1024x1xf32>
    %mul3A_958 = arith.constant 0.31539157 : f32
    %mul3A_959 = vector.broadcast %mul3A_958 : f32 to vector<1024x1xf32>
    %mul3A_960 = arith.mulf %mul3A_959, %sub3A_957 : vector<1024x1xf32>
    %mul3A_961 = arith.mulf %mul3A_926, %mul3A_928 : vector<1024x1xf32>
    %mul3A_962 = arith.constant 1.09254849 : f32
    %mul3A_963 = vector.broadcast %mul3A_962 : f32 to vector<1024x1xf32>
    %mul3A_964 = arith.mulf %mul3A_963, %mul3A_961 : vector<1024x1xf32>
    %mul3A_965 = arith.mulf %mul3A_926, %mul3A_926 : vector<1024x1xf32>
    %mul3A_966 = arith.mulf %mul3A_927, %mul3A_927 : vector<1024x1xf32>
    %sub3A_967 = arith.subf %mul3A_965, %mul3A_966 : vector<1024x1xf32>
    %mul3A_968 = arith.constant 0.546274245 : f32
    %mul3A_969 = vector.broadcast %mul3A_968 : f32 to vector<1024x1xf32>
    %mul3A_970 = arith.mulf %mul3A_969, %sub3A_967 : vector<1024x1xf32>
    %concatenate3A_971 = tpu.concatenate %mul3A_933, %mul3A_936, %mul3A_939, %mul3A_942, %mul3A_946, %mul3A_950, %mul3A_960, %mul3A_964, %mul3A_970 in 1 : vector<1024x1xf32>, vector<1024x1xf32>, vector<1024x1xf32>, vector<1024x1xf32>, vector<1024x1xf32>, vector<1024x1xf32>, vector<1024x1xf32>, vector<1024x1xf32>, vector<1024x1xf32> -> vector<1024x9xf32>
    %get3A_972 = arith.constant 0 : index
    %get3A_973 = arith.constant 0 : index
    %get3A_974 = vector.load %arg5[%get3A_972, %get3A_973] : memref<9x128xf32, #tpu.memory_space<vmem>>, vector<9x128xf32>
    %dot_general3A_975 = arith.constant dense<0.000000e+00> : vector<1024x128xf32>
    %dot_general3A_976 = tpu.matmul %concatenate3A_971, %get3A_974, %dot_general3A_975 {dimension_numbers = #tpu.dot_dimension_numbers<[1], [0], [0], [1], [0, 0, 1, 1], [], []>, transpose_lhs_hint = false} : vector<1024x9xf32>, vector<9x128xf32>, vector<1024x128xf32> -> vector<1024x128xf32>
    %div3A_977 = arith.constant 1.000000e+01 : f32
    %div3A_978 = vector.broadcast %div3A_977 : f32 to vector<1024x1xf32>
    %div3A_979 = arith.divf %sqrt3A_919, %div3A_978 : vector<1024x1xf32>
    %jit3A_980 = arith.constant 0.000000e+00 : f32
    %jit3A_981 = arith.constant 1.000000e+00 : f32
    %max3A_982 = vector.broadcast %jit3A_980 : f32 to vector<1024x1xf32>
    %max3A_983 = arith.maximumf %max3A_982, %div3A_979 : vector<1024x1xf32>
    %min3A_984 = vector.broadcast %jit3A_981 : f32 to vector<1024x1xf32>
    %min3A_985 = arith.minimumf %min3A_984, %max3A_983 : vector<1024x1xf32>
    %mul3A_986 = arith.mulf %min3A_985, %min3A_985 : vector<1024x1xf32>
    %mul3A_987 = arith.mulf %mul3A_986, %min3A_985 : vector<1024x1xf32>
    %mul3A_988 = arith.mulf %mul3A_987, %mul3A_987 : vector<1024x1xf32>
    %mul3A_989 = arith.mulf %mul3A_988, %min3A_985 : vector<1024x1xf32>
    %mul3A_990 = arith.mulf %mul3A_989, %min3A_985 : vector<1024x1xf32>
    %mul3A_991 = arith.constant 2.800000e+01 : f32
    %mul3A_992 = vector.broadcast %mul3A_991 : f32 to vector<1024x1xf32>
    %mul3A_993 = arith.mulf %mul3A_992, %mul3A_988 : vector<1024x1xf32>
    %sub3A_994 = arith.constant 1.000000e+00 : f32
    %sub3A_995 = vector.broadcast %sub3A_994 : f32 to vector<1024x1xf32>
    %sub3A_996 = arith.subf %sub3A_995, %mul3A_993 : vector<1024x1xf32>
    %mul3A_997 = arith.constant 4.800000e+01 : f32
    %mul3A_998 = vector.broadcast %mul3A_997 : f32 to vector<1024x1xf32>
    %mul3A_999 = arith.mulf %mul3A_998, %mul3A_989 : vector<1024x1xf32>
    %add3A_1000 = arith.addf %sub3A_996, %mul3A_999 : vector<1024x1xf32>
    %mul3A_1001 = arith.constant 2.100000e+01 : f32
    %mul3A_1002 = vector.broadcast %mul3A_1001 : f32 to vector<1024x1xf32>
    %mul3A_1003 = arith.mulf %mul3A_1002, %mul3A_990 : vector<1024x1xf32>
    %sub3A_1004 = arith.subf %add3A_1000, %mul3A_1003 : vector<1024x1xf32>
    %iota3A_1005 = tpu.iota {dimensions = array<i32: 1>} : vector<1x8xi32>
    %add3A_1006 = arith.constant 1 : i32
    %add3A_1007 = vector.broadcast %add3A_1006 : i32 to vector<1x8xi32>
    %add3A_1008 = arith.addi %iota3A_1005, %add3A_1007 : vector<1x8xi32>
    %convert_element_type3A_1009 = arith.sitofp %add3A_1008 : vector<1x8xi32> to vector<1x8xf32>
    %mul3A_1010 = arith.constant 3.14159274 : f32
    %mul3A_1011 = vector.broadcast %mul3A_1010 : f32 to vector<1x8xf32>
    %mul3A_1012 = arith.mulf %convert_element_type3A_1009, %mul3A_1011 : vector<1x8xf32>
    %mul3A_1013 = vector.broadcast %mul3A_1012 : vector<1x8xf32> to vector<1024x8xf32>
    %mul3A_1014 = vector.broadcast %sqrt3A_919 : vector<1024x1xf32> to vector<1024x8xf32>
    %mul3A_1015 = arith.mulf %mul3A_1013, %mul3A_1014 : vector<1024x8xf32>
    %div3A_1016 = arith.constant 1.000000e+01 : f32
    %div3A_1017 = vector.broadcast %div3A_1016 : f32 to vector<1024x8xf32>
    %div3A_1018 = arith.divf %mul3A_1015, %div3A_1017 : vector<1024x8xf32>
    %mul3A_1019 = arith.constant 0.159154937 : f32
    %mul3A_1020 = vector.broadcast %mul3A_1019 : f32 to vector<1024x8xf32>
    %mul3A_1021 = arith.mulf %div3A_1018, %mul3A_1020 : vector<1024x8xf32>
    %round3A_1022 = math.roundeven %mul3A_1021 : vector<1024x8xf32>
    %mul3A_1023 = arith.constant 6.28318548 : f32
    %mul3A_1024 = vector.broadcast %mul3A_1023 : f32 to vector<1024x8xf32>
    %mul3A_1025 = arith.mulf %round3A_1022, %mul3A_1024 : vector<1024x8xf32>
    %sub3A_1026 = arith.subf %div3A_1018, %mul3A_1025 : vector<1024x8xf32>
    %mul3A_1027 = arith.constant -1.74845553E-7 : f32
    %mul3A_1028 = vector.broadcast %mul3A_1027 : f32 to vector<1024x8xf32>
    %mul3A_1029 = arith.mulf %round3A_1022, %mul3A_1028 : vector<1024x8xf32>
    %sub3A_1030 = arith.subf %sub3A_1026, %mul3A_1029 : vector<1024x8xf32>
    %sin3A_1031 = math.sin %sub3A_1030 : vector<1024x8xf32>
    %mul3A_1032 = arith.constant 0.44721359 : f32
    %mul3A_1033 = vector.broadcast %mul3A_1032 : f32 to vector<1024x8xf32>
    %mul3A_1034 = arith.mulf %mul3A_1033, %sin3A_1031 : vector<1024x8xf32>
    %add3A_1035 = arith.constant 9.99999993E-9 : f32
    %add3A_1036 = vector.broadcast %add3A_1035 : f32 to vector<1024x1xf32>
    %add3A_1037 = arith.addf %sqrt3A_919, %add3A_1036 : vector<1024x1xf32>
    %div3A_1038 = vector.broadcast %add3A_1037 : vector<1024x1xf32> to vector<1024x8xf32>
    %div3A_1039 = arith.divf %mul3A_1034, %div3A_1038 : vector<1024x8xf32>
    %mul3A_1040 = vector.broadcast %sub3A_1004 : vector<1024x1xf32> to vector<1024x8xf32>
    %mul3A_1041 = arith.mulf %div3A_1039, %mul3A_1040 : vector<1024x8xf32>
    %get3A_1042 = arith.constant 0 : index
    %get3A_1043 = arith.constant 0 : index
    %get3A_1044 = vector.load %arg6[%get3A_1042, %get3A_1043] : memref<8x64xf32, #tpu.memory_space<vmem>>, vector<8x64xf32>
    %dot_general3A_1045 = arith.constant dense<0.000000e+00> : vector<1024x64xf32>
    %dot_general3A_1046 = tpu.matmul %mul3A_1041, %get3A_1044, %dot_general3A_1045 {dimension_numbers = #tpu.dot_dimension_numbers<[1], [0], [0], [1], [0, 0, 1, 1], [], []>, transpose_lhs_hint = false} : vector<1024x8xf32>, vector<8x64xf32>, vector<1024x64xf32> -> vector<1024x64xf32>
    %get3A_1047 = arith.constant 0 : index
    %get3A_1048 = arith.constant 0 : index
    %get3A_1049 = vector.load %arg7[%get3A_1047, %get3A_1048] : memref<1x64xf32, #tpu.memory_space<vmem>>, vector<1x64xf32>
    %add3A_1050 = vector.broadcast %get3A_1049 : vector<1x64xf32> to vector<1024x64xf32>
    %add3A_1051 = arith.addf %dot_general3A_1046, %add3A_1050 : vector<1024x64xf32>
    %max3A_1052 = arith.constant 0.000000e+00 : f32
    %max3A_1053 = vector.broadcast %max3A_1052 : f32 to vector<1024x64xf32>
    %max3A_1054 = arith.maximumf %add3A_1051, %max3A_1053 : vector<1024x64xf32>
    %get3A_1055 = arith.constant 0 : index
    %get3A_1056 = arith.constant 0 : index
    %get3A_1057 = vector.load %arg8[%get3A_1055, %get3A_1056] : memref<64x128xf32, #tpu.memory_space<vmem>>, vector<64x128xf32>
    %dot_general3A_1058 = arith.constant dense<0.000000e+00> : vector<1024x128xf32>
    %dot_general3A_1059 = tpu.matmul %max3A_1054, %get3A_1057, %dot_general3A_1058 {dimension_numbers = #tpu.dot_dimension_numbers<[1], [0], [0], [1], [0, 0, 1, 1], [], []>, transpose_lhs_hint = false} : vector<1024x64xf32>, vector<64x128xf32>, vector<1024x128xf32> -> vector<1024x128xf32>
    %get3A_1060 = arith.constant 0 : index
    %get3A_1061 = arith.constant 0 : index
    %get3A_1062 = vector.load %arg9[%get3A_1060, %get3A_1061] : memref<1x128xf32, #tpu.memory_space<vmem>>, vector<1x128xf32>
    %add3A_1063 = vector.broadcast %get3A_1062 : vector<1x128xf32> to vector<1024x128xf32>
    %add3A_1064 = arith.addf %dot_general3A_1059, %add3A_1063 : vector<1024x128xf32>
    %get3A_1065 = arith.constant 5 : index
    %get3A_1066 = arith.constant 0 : index
    %get3A_1067 = vector.load %arg3[%get3A_1065, %get3A_1066] : memref<8x128xf32, #tpu.memory_space<vmem>>, vector<1x128xf32>
    %mul3A_1068 = vector.broadcast %get3A_1067 : vector<1x128xf32> to vector<1024x128xf32>
    %mul3A_1069 = arith.mulf %mul3A_1068, %dot_general3A_976 : vector<1024x128xf32>
    %mul3A_1070 = arith.mulf %mul3A_1069, %add3A_1064 : vector<1024x128xf32>
    %get3A_1071 = arith.constant 0 : index
    %get3A_1072 = arith.constant 0 : index
    %get3A_1073 = arith.constant 5 : index
    %get3A_1074 = vector.load %arg4[%get3A_1071, %get3A_1072, %get3A_1073] : memref<1x1024x8xf32, #tpu.memory_space<vmem>>, vector<1x1024x1xf32>
    %get3A_1075 = vector.shape_cast %get3A_1074 : vector<1x1024x1xf32> to vector<1024x1xf32>
    %mul3A_1076 = vector.broadcast %get3A_1075 : vector<1024x1xf32> to vector<1024x128xf32>
    %mul3A_1077 = arith.mulf %mul3A_1076, %mul3A_1070 : vector<1024x128xf32>
    %add3A_1078 = arith.addf %add3A_898, %mul3A_1077 : vector<1024x128xf32>
    %get3A_1079 = arith.constant 6 : index
    %get3A_1080 = arith.constant 0 : index
    %get3A_1081 = vector.load %arg2[%get3A_1079, %get3A_1080] : memref<8x3xf32, #tpu.memory_space<vmem>>, vector<1x1xf32>
    %sub3A_1082 = vector.broadcast %get3A_1081 : vector<1x1xf32> to vector<1024x1xf32>
    %sub3A_1083 = arith.subf %sub3A_1082, %get3A_6 : vector<1024x1xf32>
    %get3A_1084 = arith.constant 6 : index
    %get3A_1085 = arith.constant 1 : index
    %get3A_1086 = vector.load %arg2[%get3A_1084, %get3A_1085] : memref<8x3xf32, #tpu.memory_space<vmem>>, vector<1x1xf32>
    %sub3A_1087 = vector.broadcast %get3A_1086 : vector<1x1xf32> to vector<1024x1xf32>
    %sub3A_1088 = arith.subf %sub3A_1087, %get3A_9 : vector<1024x1xf32>
    %get3A_1089 = arith.constant 6 : index
    %get3A_1090 = arith.constant 2 : index
    %get3A_1091 = vector.load %arg2[%get3A_1089, %get3A_1090] : memref<8x3xf32, #tpu.memory_space<vmem>>, vector<1x1xf32>
    %sub3A_1092 = vector.broadcast %get3A_1091 : vector<1x1xf32> to vector<1024x1xf32>
    %sub3A_1093 = arith.subf %sub3A_1092, %get3A_12 : vector<1024x1xf32>
    %mul3A_1094 = arith.mulf %sub3A_1083, %sub3A_1083 : vector<1024x1xf32>
    %mul3A_1095 = arith.mulf %sub3A_1088, %sub3A_1088 : vector<1024x1xf32>
    %add3A_1096 = arith.addf %mul3A_1094, %mul3A_1095 : vector<1024x1xf32>
    %mul3A_1097 = arith.mulf %sub3A_1093, %sub3A_1093 : vector<1024x1xf32>
    %add3A_1098 = arith.addf %add3A_1096, %mul3A_1097 : vector<1024x1xf32>
    %sqrt3A_1099 = math.sqrt %add3A_1098 : vector<1024x1xf32>
    %add3A_1100 = arith.constant 9.99999993E-9 : f32
    %add3A_1101 = vector.broadcast %add3A_1100 : f32 to vector<1024x1xf32>
    %add3A_1102 = arith.addf %sqrt3A_1099, %add3A_1101 : vector<1024x1xf32>
    %div3A_1103 = arith.constant 1.000000e+00 : f32
    %div3A_1104 = vector.broadcast %div3A_1103 : f32 to vector<1024x1xf32>
    %div3A_1105 = arith.divf %div3A_1104, %add3A_1102 : vector<1024x1xf32>
    %mul3A_1106 = arith.mulf %sub3A_1083, %div3A_1105 : vector<1024x1xf32>
    %mul3A_1107 = arith.mulf %sub3A_1088, %div3A_1105 : vector<1024x1xf32>
    %mul3A_1108 = arith.mulf %sub3A_1093, %div3A_1105 : vector<1024x1xf32>
    %broadcast_in_dim3A_1109 = arith.constant 1.000000e+00 : f32
    %broadcast_in_dim3A_1110 = vector.broadcast %broadcast_in_dim3A_1109 : f32 to vector<1024x1xf32>
    %mul3A_1111 = arith.constant 0.282094777 : f32
    %mul3A_1112 = vector.broadcast %mul3A_1111 : f32 to vector<1024x1xf32>
    %mul3A_1113 = arith.mulf %mul3A_1112, %broadcast_in_dim3A_1110 : vector<1024x1xf32>
    %mul3A_1114 = arith.constant 0.488602519 : f32
    %mul3A_1115 = vector.broadcast %mul3A_1114 : f32 to vector<1024x1xf32>
    %mul3A_1116 = arith.mulf %mul3A_1115, %mul3A_1107 : vector<1024x1xf32>
    %mul3A_1117 = arith.constant 0.488602519 : f32
    %mul3A_1118 = vector.broadcast %mul3A_1117 : f32 to vector<1024x1xf32>
    %mul3A_1119 = arith.mulf %mul3A_1118, %mul3A_1108 : vector<1024x1xf32>
    %mul3A_1120 = arith.constant 0.488602519 : f32
    %mul3A_1121 = vector.broadcast %mul3A_1120 : f32 to vector<1024x1xf32>
    %mul3A_1122 = arith.mulf %mul3A_1121, %mul3A_1106 : vector<1024x1xf32>
    %mul3A_1123 = arith.mulf %mul3A_1106, %mul3A_1107 : vector<1024x1xf32>
    %mul3A_1124 = arith.constant 1.09254849 : f32
    %mul3A_1125 = vector.broadcast %mul3A_1124 : f32 to vector<1024x1xf32>
    %mul3A_1126 = arith.mulf %mul3A_1125, %mul3A_1123 : vector<1024x1xf32>
    %mul3A_1127 = arith.mulf %mul3A_1107, %mul3A_1108 : vector<1024x1xf32>
    %mul3A_1128 = arith.constant 1.09254849 : f32
    %mul3A_1129 = vector.broadcast %mul3A_1128 : f32 to vector<1024x1xf32>
    %mul3A_1130 = arith.mulf %mul3A_1129, %mul3A_1127 : vector<1024x1xf32>
    %mul3A_1131 = arith.constant 3.000000e+00 : f32
    %mul3A_1132 = vector.broadcast %mul3A_1131 : f32 to vector<1024x1xf32>
    %mul3A_1133 = arith.mulf %mul3A_1132, %mul3A_1108 : vector<1024x1xf32>
    %mul3A_1134 = arith.mulf %mul3A_1133, %mul3A_1108 : vector<1024x1xf32>
    %sub3A_1135 = arith.constant 1.000000e+00 : f32
    %sub3A_1136 = vector.broadcast %sub3A_1135 : f32 to vector<1024x1xf32>
    %sub3A_1137 = arith.subf %mul3A_1134, %sub3A_1136 : vector<1024x1xf32>
    %mul3A_1138 = arith.constant 0.31539157 : f32
    %mul3A_1139 = vector.broadcast %mul3A_1138 : f32 to vector<1024x1xf32>
    %mul3A_1140 = arith.mulf %mul3A_1139, %sub3A_1137 : vector<1024x1xf32>
    %mul3A_1141 = arith.mulf %mul3A_1106, %mul3A_1108 : vector<1024x1xf32>
    %mul3A_1142 = arith.constant 1.09254849 : f32
    %mul3A_1143 = vector.broadcast %mul3A_1142 : f32 to vector<1024x1xf32>
    %mul3A_1144 = arith.mulf %mul3A_1143, %mul3A_1141 : vector<1024x1xf32>
    %mul3A_1145 = arith.mulf %mul3A_1106, %mul3A_1106 : vector<1024x1xf32>
    %mul3A_1146 = arith.mulf %mul3A_1107, %mul3A_1107 : vector<1024x1xf32>
    %sub3A_1147 = arith.subf %mul3A_1145, %mul3A_1146 : vector<1024x1xf32>
    %mul3A_1148 = arith.constant 0.546274245 : f32
    %mul3A_1149 = vector.broadcast %mul3A_1148 : f32 to vector<1024x1xf32>
    %mul3A_1150 = arith.mulf %mul3A_1149, %sub3A_1147 : vector<1024x1xf32>
    %concatenate3A_1151 = tpu.concatenate %mul3A_1113, %mul3A_1116, %mul3A_1119, %mul3A_1122, %mul3A_1126, %mul3A_1130, %mul3A_1140, %mul3A_1144, %mul3A_1150 in 1 : vector<1024x1xf32>, vector<1024x1xf32>, vector<1024x1xf32>, vector<1024x1xf32>, vector<1024x1xf32>, vector<1024x1xf32>, vector<1024x1xf32>, vector<1024x1xf32>, vector<1024x1xf32> -> vector<1024x9xf32>
    %get3A_1152 = arith.constant 0 : index
    %get3A_1153 = arith.constant 0 : index
    %get3A_1154 = vector.load %arg5[%get3A_1152, %get3A_1153] : memref<9x128xf32, #tpu.memory_space<vmem>>, vector<9x128xf32>
    %dot_general3A_1155 = arith.constant dense<0.000000e+00> : vector<1024x128xf32>
    %dot_general3A_1156 = tpu.matmul %concatenate3A_1151, %get3A_1154, %dot_general3A_1155 {dimension_numbers = #tpu.dot_dimension_numbers<[1], [0], [0], [1], [0, 0, 1, 1], [], []>, transpose_lhs_hint = false} : vector<1024x9xf32>, vector<9x128xf32>, vector<1024x128xf32> -> vector<1024x128xf32>
    %div3A_1157 = arith.constant 1.000000e+01 : f32
    %div3A_1158 = vector.broadcast %div3A_1157 : f32 to vector<1024x1xf32>
    %div3A_1159 = arith.divf %sqrt3A_1099, %div3A_1158 : vector<1024x1xf32>
    %jit3A_1160 = arith.constant 0.000000e+00 : f32
    %jit3A_1161 = arith.constant 1.000000e+00 : f32
    %max3A_1162 = vector.broadcast %jit3A_1160 : f32 to vector<1024x1xf32>
    %max3A_1163 = arith.maximumf %max3A_1162, %div3A_1159 : vector<1024x1xf32>
    %min3A_1164 = vector.broadcast %jit3A_1161 : f32 to vector<1024x1xf32>
    %min3A_1165 = arith.minimumf %min3A_1164, %max3A_1163 : vector<1024x1xf32>
    %mul3A_1166 = arith.mulf %min3A_1165, %min3A_1165 : vector<1024x1xf32>
    %mul3A_1167 = arith.mulf %mul3A_1166, %min3A_1165 : vector<1024x1xf32>
    %mul3A_1168 = arith.mulf %mul3A_1167, %mul3A_1167 : vector<1024x1xf32>
    %mul3A_1169 = arith.mulf %mul3A_1168, %min3A_1165 : vector<1024x1xf32>
    %mul3A_1170 = arith.mulf %mul3A_1169, %min3A_1165 : vector<1024x1xf32>
    %mul3A_1171 = arith.constant 2.800000e+01 : f32
    %mul3A_1172 = vector.broadcast %mul3A_1171 : f32 to vector<1024x1xf32>
    %mul3A_1173 = arith.mulf %mul3A_1172, %mul3A_1168 : vector<1024x1xf32>
    %sub3A_1174 = arith.constant 1.000000e+00 : f32
    %sub3A_1175 = vector.broadcast %sub3A_1174 : f32 to vector<1024x1xf32>
    %sub3A_1176 = arith.subf %sub3A_1175, %mul3A_1173 : vector<1024x1xf32>
    %mul3A_1177 = arith.constant 4.800000e+01 : f32
    %mul3A_1178 = vector.broadcast %mul3A_1177 : f32 to vector<1024x1xf32>
    %mul3A_1179 = arith.mulf %mul3A_1178, %mul3A_1169 : vector<1024x1xf32>
    %add3A_1180 = arith.addf %sub3A_1176, %mul3A_1179 : vector<1024x1xf32>
    %mul3A_1181 = arith.constant 2.100000e+01 : f32
    %mul3A_1182 = vector.broadcast %mul3A_1181 : f32 to vector<1024x1xf32>
    %mul3A_1183 = arith.mulf %mul3A_1182, %mul3A_1170 : vector<1024x1xf32>
    %sub3A_1184 = arith.subf %add3A_1180, %mul3A_1183 : vector<1024x1xf32>
    %iota3A_1185 = tpu.iota {dimensions = array<i32: 1>} : vector<1x8xi32>
    %add3A_1186 = arith.constant 1 : i32
    %add3A_1187 = vector.broadcast %add3A_1186 : i32 to vector<1x8xi32>
    %add3A_1188 = arith.addi %iota3A_1185, %add3A_1187 : vector<1x8xi32>
    %convert_element_type3A_1189 = arith.sitofp %add3A_1188 : vector<1x8xi32> to vector<1x8xf32>
    %mul3A_1190 = arith.constant 3.14159274 : f32
    %mul3A_1191 = vector.broadcast %mul3A_1190 : f32 to vector<1x8xf32>
    %mul3A_1192 = arith.mulf %convert_element_type3A_1189, %mul3A_1191 : vector<1x8xf32>
    %mul3A_1193 = vector.broadcast %mul3A_1192 : vector<1x8xf32> to vector<1024x8xf32>
    %mul3A_1194 = vector.broadcast %sqrt3A_1099 : vector<1024x1xf32> to vector<1024x8xf32>
    %mul3A_1195 = arith.mulf %mul3A_1193, %mul3A_1194 : vector<1024x8xf32>
    %div3A_1196 = arith.constant 1.000000e+01 : f32
    %div3A_1197 = vector.broadcast %div3A_1196 : f32 to vector<1024x8xf32>
    %div3A_1198 = arith.divf %mul3A_1195, %div3A_1197 : vector<1024x8xf32>
    %mul3A_1199 = arith.constant 0.159154937 : f32
    %mul3A_1200 = vector.broadcast %mul3A_1199 : f32 to vector<1024x8xf32>
    %mul3A_1201 = arith.mulf %div3A_1198, %mul3A_1200 : vector<1024x8xf32>
    %round3A_1202 = math.roundeven %mul3A_1201 : vector<1024x8xf32>
    %mul3A_1203 = arith.constant 6.28318548 : f32
    %mul3A_1204 = vector.broadcast %mul3A_1203 : f32 to vector<1024x8xf32>
    %mul3A_1205 = arith.mulf %round3A_1202, %mul3A_1204 : vector<1024x8xf32>
    %sub3A_1206 = arith.subf %div3A_1198, %mul3A_1205 : vector<1024x8xf32>
    %mul3A_1207 = arith.constant -1.74845553E-7 : f32
    %mul3A_1208 = vector.broadcast %mul3A_1207 : f32 to vector<1024x8xf32>
    %mul3A_1209 = arith.mulf %round3A_1202, %mul3A_1208 : vector<1024x8xf32>
    %sub3A_1210 = arith.subf %sub3A_1206, %mul3A_1209 : vector<1024x8xf32>
    %sin3A_1211 = math.sin %sub3A_1210 : vector<1024x8xf32>
    %mul3A_1212 = arith.constant 0.44721359 : f32
    %mul3A_1213 = vector.broadcast %mul3A_1212 : f32 to vector<1024x8xf32>
    %mul3A_1214 = arith.mulf %mul3A_1213, %sin3A_1211 : vector<1024x8xf32>
    %add3A_1215 = arith.constant 9.99999993E-9 : f32
    %add3A_1216 = vector.broadcast %add3A_1215 : f32 to vector<1024x1xf32>
    %add3A_1217 = arith.addf %sqrt3A_1099, %add3A_1216 : vector<1024x1xf32>
    %div3A_1218 = vector.broadcast %add3A_1217 : vector<1024x1xf32> to vector<1024x8xf32>
    %div3A_1219 = arith.divf %mul3A_1214, %div3A_1218 : vector<1024x8xf32>
    %mul3A_1220 = vector.broadcast %sub3A_1184 : vector<1024x1xf32> to vector<1024x8xf32>
    %mul3A_1221 = arith.mulf %div3A_1219, %mul3A_1220 : vector<1024x8xf32>
    %get3A_1222 = arith.constant 0 : index
    %get3A_1223 = arith.constant 0 : index
    %get3A_1224 = vector.load %arg6[%get3A_1222, %get3A_1223] : memref<8x64xf32, #tpu.memory_space<vmem>>, vector<8x64xf32>
    %dot_general3A_1225 = arith.constant dense<0.000000e+00> : vector<1024x64xf32>
    %dot_general3A_1226 = tpu.matmul %mul3A_1221, %get3A_1224, %dot_general3A_1225 {dimension_numbers = #tpu.dot_dimension_numbers<[1], [0], [0], [1], [0, 0, 1, 1], [], []>, transpose_lhs_hint = false} : vector<1024x8xf32>, vector<8x64xf32>, vector<1024x64xf32> -> vector<1024x64xf32>
    %get3A_1227 = arith.constant 0 : index
    %get3A_1228 = arith.constant 0 : index
    %get3A_1229 = vector.load %arg7[%get3A_1227, %get3A_1228] : memref<1x64xf32, #tpu.memory_space<vmem>>, vector<1x64xf32>
    %add3A_1230 = vector.broadcast %get3A_1229 : vector<1x64xf32> to vector<1024x64xf32>
    %add3A_1231 = arith.addf %dot_general3A_1226, %add3A_1230 : vector<1024x64xf32>
    %max3A_1232 = arith.constant 0.000000e+00 : f32
    %max3A_1233 = vector.broadcast %max3A_1232 : f32 to vector<1024x64xf32>
    %max3A_1234 = arith.maximumf %add3A_1231, %max3A_1233 : vector<1024x64xf32>
    %get3A_1235 = arith.constant 0 : index
    %get3A_1236 = arith.constant 0 : index
    %get3A_1237 = vector.load %arg8[%get3A_1235, %get3A_1236] : memref<64x128xf32, #tpu.memory_space<vmem>>, vector<64x128xf32>
    %dot_general3A_1238 = arith.constant dense<0.000000e+00> : vector<1024x128xf32>
    %dot_general3A_1239 = tpu.matmul %max3A_1234, %get3A_1237, %dot_general3A_1238 {dimension_numbers = #tpu.dot_dimension_numbers<[1], [0], [0], [1], [0, 0, 1, 1], [], []>, transpose_lhs_hint = false} : vector<1024x64xf32>, vector<64x128xf32>, vector<1024x128xf32> -> vector<1024x128xf32>
    %get3A_1240 = arith.constant 0 : index
    %get3A_1241 = arith.constant 0 : index
    %get3A_1242 = vector.load %arg9[%get3A_1240, %get3A_1241] : memref<1x128xf32, #tpu.memory_space<vmem>>, vector<1x128xf32>
    %add3A_1243 = vector.broadcast %get3A_1242 : vector<1x128xf32> to vector<1024x128xf32>
    %add3A_1244 = arith.addf %dot_general3A_1239, %add3A_1243 : vector<1024x128xf32>
    %get3A_1245 = arith.constant 6 : index
    %get3A_1246 = arith.constant 0 : index
    %get3A_1247 = vector.load %arg3[%get3A_1245, %get3A_1246] : memref<8x128xf32, #tpu.memory_space<vmem>>, vector<1x128xf32>
    %mul3A_1248 = vector.broadcast %get3A_1247 : vector<1x128xf32> to vector<1024x128xf32>
    %mul3A_1249 = arith.mulf %mul3A_1248, %dot_general3A_1156 : vector<1024x128xf32>
    %mul3A_1250 = arith.mulf %mul3A_1249, %add3A_1244 : vector<1024x128xf32>
    %get3A_1251 = arith.constant 0 : index
    %get3A_1252 = arith.constant 0 : index
    %get3A_1253 = arith.constant 6 : index
    %get3A_1254 = vector.load %arg4[%get3A_1251, %get3A_1252, %get3A_1253] : memref<1x1024x8xf32, #tpu.memory_space<vmem>>, vector<1x1024x1xf32>
    %get3A_1255 = vector.shape_cast %get3A_1254 : vector<1x1024x1xf32> to vector<1024x1xf32>
    %mul3A_1256 = vector.broadcast %get3A_1255 : vector<1024x1xf32> to vector<1024x128xf32>
    %mul3A_1257 = arith.mulf %mul3A_1256, %mul3A_1250 : vector<1024x128xf32>
    %add3A_1258 = arith.addf %add3A_1078, %mul3A_1257 : vector<1024x128xf32>
    %get3A_1259 = arith.constant 7 : index
    %get3A_1260 = arith.constant 0 : index
    %get3A_1261 = vector.load %arg2[%get3A_1259, %get3A_1260] : memref<8x3xf32, #tpu.memory_space<vmem>>, vector<1x1xf32>
    %sub3A_1262 = vector.broadcast %get3A_1261 : vector<1x1xf32> to vector<1024x1xf32>
    %sub3A_1263 = arith.subf %sub3A_1262, %get3A_6 : vector<1024x1xf32>
    %get3A_1264 = arith.constant 7 : index
    %get3A_1265 = arith.constant 1 : index
    %get3A_1266 = vector.load %arg2[%get3A_1264, %get3A_1265] : memref<8x3xf32, #tpu.memory_space<vmem>>, vector<1x1xf32>
    %sub3A_1267 = vector.broadcast %get3A_1266 : vector<1x1xf32> to vector<1024x1xf32>
    %sub3A_1268 = arith.subf %sub3A_1267, %get3A_9 : vector<1024x1xf32>
    %get3A_1269 = arith.constant 7 : index
    %get3A_1270 = arith.constant 2 : index
    %get3A_1271 = vector.load %arg2[%get3A_1269, %get3A_1270] : memref<8x3xf32, #tpu.memory_space<vmem>>, vector<1x1xf32>
    %sub3A_1272 = vector.broadcast %get3A_1271 : vector<1x1xf32> to vector<1024x1xf32>
    %sub3A_1273 = arith.subf %sub3A_1272, %get3A_12 : vector<1024x1xf32>
    %mul3A_1274 = arith.mulf %sub3A_1263, %sub3A_1263 : vector<1024x1xf32>
    %mul3A_1275 = arith.mulf %sub3A_1268, %sub3A_1268 : vector<1024x1xf32>
    %add3A_1276 = arith.addf %mul3A_1274, %mul3A_1275 : vector<1024x1xf32>
    %mul3A_1277 = arith.mulf %sub3A_1273, %sub3A_1273 : vector<1024x1xf32>
    %add3A_1278 = arith.addf %add3A_1276, %mul3A_1277 : vector<1024x1xf32>
    %sqrt3A_1279 = math.sqrt %add3A_1278 : vector<1024x1xf32>
    %add3A_1280 = arith.constant 9.99999993E-9 : f32
    %add3A_1281 = vector.broadcast %add3A_1280 : f32 to vector<1024x1xf32>
    %add3A_1282 = arith.addf %sqrt3A_1279, %add3A_1281 : vector<1024x1xf32>
    %div3A_1283 = arith.constant 1.000000e+00 : f32
    %div3A_1284 = vector.broadcast %div3A_1283 : f32 to vector<1024x1xf32>
    %div3A_1285 = arith.divf %div3A_1284, %add3A_1282 : vector<1024x1xf32>
    %mul3A_1286 = arith.mulf %sub3A_1263, %div3A_1285 : vector<1024x1xf32>
    %mul3A_1287 = arith.mulf %sub3A_1268, %div3A_1285 : vector<1024x1xf32>
    %mul3A_1288 = arith.mulf %sub3A_1273, %div3A_1285 : vector<1024x1xf32>
    %broadcast_in_dim3A_1289 = arith.constant 1.000000e+00 : f32
    %broadcast_in_dim3A_1290 = vector.broadcast %broadcast_in_dim3A_1289 : f32 to vector<1024x1xf32>
    %mul3A_1291 = arith.constant 0.282094777 : f32
    %mul3A_1292 = vector.broadcast %mul3A_1291 : f32 to vector<1024x1xf32>
    %mul3A_1293 = arith.mulf %mul3A_1292, %broadcast_in_dim3A_1290 : vector<1024x1xf32>
    %mul3A_1294 = arith.constant 0.488602519 : f32
    %mul3A_1295 = vector.broadcast %mul3A_1294 : f32 to vector<1024x1xf32>
    %mul3A_1296 = arith.mulf %mul3A_1295, %mul3A_1287 : vector<1024x1xf32>
    %mul3A_1297 = arith.constant 0.488602519 : f32
    %mul3A_1298 = vector.broadcast %mul3A_1297 : f32 to vector<1024x1xf32>
    %mul3A_1299 = arith.mulf %mul3A_1298, %mul3A_1288 : vector<1024x1xf32>
    %mul3A_1300 = arith.constant 0.488602519 : f32
    %mul3A_1301 = vector.broadcast %mul3A_1300 : f32 to vector<1024x1xf32>
    %mul3A_1302 = arith.mulf %mul3A_1301, %mul3A_1286 : vector<1024x1xf32>
    %mul3A_1303 = arith.mulf %mul3A_1286, %mul3A_1287 : vector<1024x1xf32>
    %mul3A_1304 = arith.constant 1.09254849 : f32
    %mul3A_1305 = vector.broadcast %mul3A_1304 : f32 to vector<1024x1xf32>
    %mul3A_1306 = arith.mulf %mul3A_1305, %mul3A_1303 : vector<1024x1xf32>
    %mul3A_1307 = arith.mulf %mul3A_1287, %mul3A_1288 : vector<1024x1xf32>
    %mul3A_1308 = arith.constant 1.09254849 : f32
    %mul3A_1309 = vector.broadcast %mul3A_1308 : f32 to vector<1024x1xf32>
    %mul3A_1310 = arith.mulf %mul3A_1309, %mul3A_1307 : vector<1024x1xf32>
    %mul3A_1311 = arith.constant 3.000000e+00 : f32
    %mul3A_1312 = vector.broadcast %mul3A_1311 : f32 to vector<1024x1xf32>
    %mul3A_1313 = arith.mulf %mul3A_1312, %mul3A_1288 : vector<1024x1xf32>
    %mul3A_1314 = arith.mulf %mul3A_1313, %mul3A_1288 : vector<1024x1xf32>
    %sub3A_1315 = arith.constant 1.000000e+00 : f32
    %sub3A_1316 = vector.broadcast %sub3A_1315 : f32 to vector<1024x1xf32>
    %sub3A_1317 = arith.subf %mul3A_1314, %sub3A_1316 : vector<1024x1xf32>
    %mul3A_1318 = arith.constant 0.31539157 : f32
    %mul3A_1319 = vector.broadcast %mul3A_1318 : f32 to vector<1024x1xf32>
    %mul3A_1320 = arith.mulf %mul3A_1319, %sub3A_1317 : vector<1024x1xf32>
    %mul3A_1321 = arith.mulf %mul3A_1286, %mul3A_1288 : vector<1024x1xf32>
    %mul3A_1322 = arith.constant 1.09254849 : f32
    %mul3A_1323 = vector.broadcast %mul3A_1322 : f32 to vector<1024x1xf32>
    %mul3A_1324 = arith.mulf %mul3A_1323, %mul3A_1321 : vector<1024x1xf32>
    %mul3A_1325 = arith.mulf %mul3A_1286, %mul3A_1286 : vector<1024x1xf32>
    %mul3A_1326 = arith.mulf %mul3A_1287, %mul3A_1287 : vector<1024x1xf32>
    %sub3A_1327 = arith.subf %mul3A_1325, %mul3A_1326 : vector<1024x1xf32>
    %mul3A_1328 = arith.constant 0.546274245 : f32
    %mul3A_1329 = vector.broadcast %mul3A_1328 : f32 to vector<1024x1xf32>
    %mul3A_1330 = arith.mulf %mul3A_1329, %sub3A_1327 : vector<1024x1xf32>
    %concatenate3A_1331 = tpu.concatenate %mul3A_1293, %mul3A_1296, %mul3A_1299, %mul3A_1302, %mul3A_1306, %mul3A_1310, %mul3A_1320, %mul3A_1324, %mul3A_1330 in 1 : vector<1024x1xf32>, vector<1024x1xf32>, vector<1024x1xf32>, vector<1024x1xf32>, vector<1024x1xf32>, vector<1024x1xf32>, vector<1024x1xf32>, vector<1024x1xf32>, vector<1024x1xf32> -> vector<1024x9xf32>
    %get3A_1332 = arith.constant 0 : index
    %get3A_1333 = arith.constant 0 : index
    %get3A_1334 = vector.load %arg5[%get3A_1332, %get3A_1333] : memref<9x128xf32, #tpu.memory_space<vmem>>, vector<9x128xf32>
    %dot_general3A_1335 = arith.constant dense<0.000000e+00> : vector<1024x128xf32>
    %dot_general3A_1336 = tpu.matmul %concatenate3A_1331, %get3A_1334, %dot_general3A_1335 {dimension_numbers = #tpu.dot_dimension_numbers<[1], [0], [0], [1], [0, 0, 1, 1], [], []>, transpose_lhs_hint = false} : vector<1024x9xf32>, vector<9x128xf32>, vector<1024x128xf32> -> vector<1024x128xf32>
    %div3A_1337 = arith.constant 1.000000e+01 : f32
    %div3A_1338 = vector.broadcast %div3A_1337 : f32 to vector<1024x1xf32>
    %div3A_1339 = arith.divf %sqrt3A_1279, %div3A_1338 : vector<1024x1xf32>
    %jit3A_1340 = arith.constant 0.000000e+00 : f32
    %jit3A_1341 = arith.constant 1.000000e+00 : f32
    %max3A_1342 = vector.broadcast %jit3A_1340 : f32 to vector<1024x1xf32>
    %max3A_1343 = arith.maximumf %max3A_1342, %div3A_1339 : vector<1024x1xf32>
    %min3A_1344 = vector.broadcast %jit3A_1341 : f32 to vector<1024x1xf32>
    %min3A_1345 = arith.minimumf %min3A_1344, %max3A_1343 : vector<1024x1xf32>
    %mul3A_1346 = arith.mulf %min3A_1345, %min3A_1345 : vector<1024x1xf32>
    %mul3A_1347 = arith.mulf %mul3A_1346, %min3A_1345 : vector<1024x1xf32>
    %mul3A_1348 = arith.mulf %mul3A_1347, %mul3A_1347 : vector<1024x1xf32>
    %mul3A_1349 = arith.mulf %mul3A_1348, %min3A_1345 : vector<1024x1xf32>
    %mul3A_1350 = arith.mulf %mul3A_1349, %min3A_1345 : vector<1024x1xf32>
    %mul3A_1351 = arith.constant 2.800000e+01 : f32
    %mul3A_1352 = vector.broadcast %mul3A_1351 : f32 to vector<1024x1xf32>
    %mul3A_1353 = arith.mulf %mul3A_1352, %mul3A_1348 : vector<1024x1xf32>
    %sub3A_1354 = arith.constant 1.000000e+00 : f32
    %sub3A_1355 = vector.broadcast %sub3A_1354 : f32 to vector<1024x1xf32>
    %sub3A_1356 = arith.subf %sub3A_1355, %mul3A_1353 : vector<1024x1xf32>
    %mul3A_1357 = arith.constant 4.800000e+01 : f32
    %mul3A_1358 = vector.broadcast %mul3A_1357 : f32 to vector<1024x1xf32>
    %mul3A_1359 = arith.mulf %mul3A_1358, %mul3A_1349 : vector<1024x1xf32>
    %add3A_1360 = arith.addf %sub3A_1356, %mul3A_1359 : vector<1024x1xf32>
    %mul3A_1361 = arith.constant 2.100000e+01 : f32
    %mul3A_1362 = vector.broadcast %mul3A_1361 : f32 to vector<1024x1xf32>
    %mul3A_1363 = arith.mulf %mul3A_1362, %mul3A_1350 : vector<1024x1xf32>
    %sub3A_1364 = arith.subf %add3A_1360, %mul3A_1363 : vector<1024x1xf32>
    %iota3A_1365 = tpu.iota {dimensions = array<i32: 1>} : vector<1x8xi32>
    %add3A_1366 = arith.constant 1 : i32
    %add3A_1367 = vector.broadcast %add3A_1366 : i32 to vector<1x8xi32>
    %add3A_1368 = arith.addi %iota3A_1365, %add3A_1367 : vector<1x8xi32>
    %convert_element_type3A_1369 = arith.sitofp %add3A_1368 : vector<1x8xi32> to vector<1x8xf32>
    %mul3A_1370 = arith.constant 3.14159274 : f32
    %mul3A_1371 = vector.broadcast %mul3A_1370 : f32 to vector<1x8xf32>
    %mul3A_1372 = arith.mulf %convert_element_type3A_1369, %mul3A_1371 : vector<1x8xf32>
    %mul3A_1373 = vector.broadcast %mul3A_1372 : vector<1x8xf32> to vector<1024x8xf32>
    %mul3A_1374 = vector.broadcast %sqrt3A_1279 : vector<1024x1xf32> to vector<1024x8xf32>
    %mul3A_1375 = arith.mulf %mul3A_1373, %mul3A_1374 : vector<1024x8xf32>
    %div3A_1376 = arith.constant 1.000000e+01 : f32
    %div3A_1377 = vector.broadcast %div3A_1376 : f32 to vector<1024x8xf32>
    %div3A_1378 = arith.divf %mul3A_1375, %div3A_1377 : vector<1024x8xf32>
    %mul3A_1379 = arith.constant 0.159154937 : f32
    %mul3A_1380 = vector.broadcast %mul3A_1379 : f32 to vector<1024x8xf32>
    %mul3A_1381 = arith.mulf %div3A_1378, %mul3A_1380 : vector<1024x8xf32>
    %round3A_1382 = math.roundeven %mul3A_1381 : vector<1024x8xf32>
    %mul3A_1383 = arith.constant 6.28318548 : f32
    %mul3A_1384 = vector.broadcast %mul3A_1383 : f32 to vector<1024x8xf32>
    %mul3A_1385 = arith.mulf %round3A_1382, %mul3A_1384 : vector<1024x8xf32>
    %sub3A_1386 = arith.subf %div3A_1378, %mul3A_1385 : vector<1024x8xf32>
    %mul3A_1387 = arith.constant -1.74845553E-7 : f32
    %mul3A_1388 = vector.broadcast %mul3A_1387 : f32 to vector<1024x8xf32>
    %mul3A_1389 = arith.mulf %round3A_1382, %mul3A_1388 : vector<1024x8xf32>
    %sub3A_1390 = arith.subf %sub3A_1386, %mul3A_1389 : vector<1024x8xf32>
    %sin3A_1391 = math.sin %sub3A_1390 : vector<1024x8xf32>
    %mul3A_1392 = arith.constant 0.44721359 : f32
    %mul3A_1393 = vector.broadcast %mul3A_1392 : f32 to vector<1024x8xf32>
    %mul3A_1394 = arith.mulf %mul3A_1393, %sin3A_1391 : vector<1024x8xf32>
    %add3A_1395 = arith.constant 9.99999993E-9 : f32
    %add3A_1396 = vector.broadcast %add3A_1395 : f32 to vector<1024x1xf32>
    %add3A_1397 = arith.addf %sqrt3A_1279, %add3A_1396 : vector<1024x1xf32>
    %div3A_1398 = vector.broadcast %add3A_1397 : vector<1024x1xf32> to vector<1024x8xf32>
    %div3A_1399 = arith.divf %mul3A_1394, %div3A_1398 : vector<1024x8xf32>
    %mul3A_1400 = vector.broadcast %sub3A_1364 : vector<1024x1xf32> to vector<1024x8xf32>
    %mul3A_1401 = arith.mulf %div3A_1399, %mul3A_1400 : vector<1024x8xf32>
    %get3A_1402 = arith.constant 0 : index
    %get3A_1403 = arith.constant 0 : index
    %get3A_1404 = vector.load %arg6[%get3A_1402, %get3A_1403] : memref<8x64xf32, #tpu.memory_space<vmem>>, vector<8x64xf32>
    %dot_general3A_1405 = arith.constant dense<0.000000e+00> : vector<1024x64xf32>
    %dot_general3A_1406 = tpu.matmul %mul3A_1401, %get3A_1404, %dot_general3A_1405 {dimension_numbers = #tpu.dot_dimension_numbers<[1], [0], [0], [1], [0, 0, 1, 1], [], []>, transpose_lhs_hint = false} : vector<1024x8xf32>, vector<8x64xf32>, vector<1024x64xf32> -> vector<1024x64xf32>
    %get3A_1407 = arith.constant 0 : index
    %get3A_1408 = arith.constant 0 : index
    %get3A_1409 = vector.load %arg7[%get3A_1407, %get3A_1408] : memref<1x64xf32, #tpu.memory_space<vmem>>, vector<1x64xf32>
    %add3A_1410 = vector.broadcast %get3A_1409 : vector<1x64xf32> to vector<1024x64xf32>
    %add3A_1411 = arith.addf %dot_general3A_1406, %add3A_1410 : vector<1024x64xf32>
    %max3A_1412 = arith.constant 0.000000e+00 : f32
    %max3A_1413 = vector.broadcast %max3A_1412 : f32 to vector<1024x64xf32>
    %max3A_1414 = arith.maximumf %add3A_1411, %max3A_1413 : vector<1024x64xf32>
    %get3A_1415 = arith.constant 0 : index
    %get3A_1416 = arith.constant 0 : index
    %get3A_1417 = vector.load %arg8[%get3A_1415, %get3A_1416] : memref<64x128xf32, #tpu.memory_space<vmem>>, vector<64x128xf32>
    %dot_general3A_1418 = arith.constant dense<0.000000e+00> : vector<1024x128xf32>
    %dot_general3A_1419 = tpu.matmul %max3A_1414, %get3A_1417, %dot_general3A_1418 {dimension_numbers = #tpu.dot_dimension_numbers<[1], [0], [0], [1], [0, 0, 1, 1], [], []>, transpose_lhs_hint = false} : vector<1024x64xf32>, vector<64x128xf32>, vector<1024x128xf32> -> vector<1024x128xf32>
    %get3A_1420 = arith.constant 0 : index
    %get3A_1421 = arith.constant 0 : index
    %get3A_1422 = vector.load %arg9[%get3A_1420, %get3A_1421] : memref<1x128xf32, #tpu.memory_space<vmem>>, vector<1x128xf32>
    %add3A_1423 = vector.broadcast %get3A_1422 : vector<1x128xf32> to vector<1024x128xf32>
    %add3A_1424 = arith.addf %dot_general3A_1419, %add3A_1423 : vector<1024x128xf32>
    %get3A_1425 = arith.constant 7 : index
    %get3A_1426 = arith.constant 0 : index
    %get3A_1427 = vector.load %arg3[%get3A_1425, %get3A_1426] : memref<8x128xf32, #tpu.memory_space<vmem>>, vector<1x128xf32>
    %mul3A_1428 = vector.broadcast %get3A_1427 : vector<1x128xf32> to vector<1024x128xf32>
    %mul3A_1429 = arith.mulf %mul3A_1428, %dot_general3A_1336 : vector<1024x128xf32>
    %mul3A_1430 = arith.mulf %mul3A_1429, %add3A_1424 : vector<1024x128xf32>
    %get3A_1431 = arith.constant 0 : index
    %get3A_1432 = arith.constant 0 : index
    %get3A_1433 = arith.constant 7 : index
    %get3A_1434 = vector.load %arg4[%get3A_1431, %get3A_1432, %get3A_1433] : memref<1x1024x8xf32, #tpu.memory_space<vmem>>, vector<1x1024x1xf32>
    %get3A_1435 = vector.shape_cast %get3A_1434 : vector<1x1024x1xf32> to vector<1024x1xf32>
    %mul3A_1436 = vector.broadcast %get3A_1435 : vector<1024x1xf32> to vector<1024x128xf32>
    %mul3A_1437 = arith.mulf %mul3A_1436, %mul3A_1430 : vector<1024x128xf32>
    %add3A_1438 = arith.addf %add3A_1258, %mul3A_1437 : vector<1024x128xf32>
    %swap3A = arith.constant 0 : index
    %swap3A_1439 = arith.constant 0 : index
    %swap3A_1440 = vector.load %arg10[%swap3A, %swap3A_1439] : memref<1024x128xf32, #tpu.memory_space<vmem>>, vector<1024x128xf32>
    tpu.vector_store %arg10[%swap3A, %swap3A_1439], %add3A_1438 {strides = array<i32>} : memref<1024x128xf32, #tpu.memory_space<vmem>>, vector<1024x128xf32>,
    return
  }
  func.func @transform_0(%arg0: i32) -> (i32, i32) {
    %c0_i32 = arith.constant 0 : i32
    %c0_i32_0 = arith.constant 0 : i32
    %c0_i32_1 = arith.constant 0 : i32
    return %c0_i32, %c0_i32_0 : i32, i32
  }
  func.func @transform_1(%arg0: i32) -> (i32, i32) {
    %c0_i32 = arith.constant 0 : i32
    %c0_i32_0 = arith.constant 0 : i32
    return %arg0, %c0_i32 : i32, i32
  }
  func.func @transform_2(%arg0: i32) -> (i32, i32) {
    %c0_i32 = arith.constant 0 : i32
    %c0_i32_0 = arith.constant 0 : i32
    return %arg0, %c0_i32 : i32, i32
  }
  func.func @transform_3(%arg0: i32) -> (i32, i32, i32) {
    %c0_i32 = arith.constant 0 : i32
    %c0_i32_0 = arith.constant 0 : i32
    %c0_i32_1 = arith.constant 0 : i32
    return %arg0, %c0_i32, %c0_i32_0 : i32, i32, i32
  }
  func.func @transform_4(%arg0: i32) -> (i32, i32) {
    %c0_i32 = arith.constant 0 : i32
    %c0_i32_0 = arith.constant 0 : i32
    %c0_i32_1 = arith.constant 0 : i32
    return %c0_i32, %c0_i32_0 : i32, i32
  }
  func.func @transform_5(%arg0: i32) -> (i32, i32) {
    %c0_i32 = arith.constant 0 : i32
    %c0_i32_0 = arith.constant 0 : i32
    %c0_i32_1 = arith.constant 0 : i32
    return %c0_i32, %c0_i32_0 : i32, i32
  }
  func.func @transform_6(%arg0: i32) -> (i32, i32) {
    %c0_i32 = arith.constant 0 : i32
    %c0_i32_0 = arith.constant 0 : i32
    %c0_i32_1 = arith.constant 0 : i32
    return %c0_i32, %c0_i32_0 : i32, i32
  }
  func.func @transform_7(%arg0: i32) -> (i32, i32) {
    %c0_i32 = arith.constant 0 : i32
    %c0_i32_0 = arith.constant 0 : i32
    %c0_i32_1 = arith.constant 0 : i32
    return %c0_i32, %c0_i32_0 : i32, i32
  }
  func.func @transform_8(%arg0: i32) -> (i32, i32) {
    %c0_i32 = arith.constant 0 : i32
    %c0_i32_0 = arith.constant 0 : i32
    %c0_i32_1 = arith.constant 0 : i32
    return %c0_i32, %c0_i32_0 : i32, i32
  }
  func.func @transform_9(%arg0: i32) -> (i32, i32) {
    %c0_i32 = arith.constant 0 : i32
    %c0_i32_0 = arith.constant 0 : i32
    %c0_i32_1 = arith.constant 0 : i32
    return %c0_i32, %c0_i32_0 : i32, i32
  }
}

</mosaic_0001>

<sc_bundles>
// kernel: kernel.13.cloned.1.call-start
scs
__scs_entry_jumppad:
0x0: {  	(pc) =	sbr.rel $0x88, $3  }
0x1: {  	(tag) =	ssettag $0x0;
	lr =	simm.s32 $0x1  }
0x2: {  	[smem:$0x3F92] =	sst lr;
	_ =	strace $0xD0000000  }
0x3: {  	_ = 	snop  }
0x4: {  	_ = 	snop  }
0x5: {  	_ = 	snop  }
0x6: {  	_ = 	snop  }
0x7: {  	_ = 	snop  }
__scs_overlays_trampoline_lowered:
0x8: {  	[smem:$0x3FA1] =	sst s0  }
0x9: {  	[smem:$0x3FA2] =	sst s1  }
0xa: {  	[smem:$0x3FA3] =	sst s2  }
0xb: {  	[smem:$0x3FA4] =	sst s3  }
0xc: {  	[smem:$0x3FA5] =	sst s4  }
0xd: {  	[smem:$0x3FA6] =	sst s5  }
0xe: {  	[smem:$0x3FA7] =	sst s6  }
0xf: {  	[smem:$0x3FA8] =	sst s7  }
0x10: {  	[smem:$0x3FA9] =	sst s8  }
0x11: {  	[smem:$0x3FAA] =	sst s9;
	s0 =	simm.s32 @!p0 $0x0  }
0x12: {  	s1 =	sld [smem:$0x3F90];
	s0 =	simm.s32 @p0 $0x1  }
0x13: {  	[smem:$0x3FAB] =	sst s0;
	s0 =	simm.s32 @!p1 $0x0  }
0x14: {  	s2 =	sld [smem:$0x3F8F];
	s0 =	simm.s32 @p1 $0x1  }
0x15: {  	[smem:$0x3FAC] =	sst s0;
	s0 =	simm.s32 @!p2 $0x0  }
0x16: {  	s3 =	sld [smem:$0x3FDB];
	s0 =	simm.s32 @p2 $0x1  }
0x17: {  	s4 =	simm.s32 $0x1BF5;
	[smem:$0x3FAE] =	sst s0  }
0x18: {  	s0 =	sld [smem:$0x3F91];
	_ =	swait.ge [sflag:s4], $0x0  }
0x19: {  	s7 =	sld [smem:$0x3F92]  }
0x1a: {  	s8 =	sadd.s32 $0xFFFFE003, lr  }
0x1b: {  	s9 =	sadd.s32 $0xFFFFFEF7, lr;
	s5 =	simm.s32 $0xFFFFFFFF;
	p2 =	slt.u32 s8, $0xFFFFF086  }
0x1c: {  	p1 =	slt.u32 s9, $0xF7A;
	s5 =	simm.s32 @!p2 $0x0  }
0x1d: {  	s5 =	simm.s32 @p1 $0x1;
	p0 =	seq.s32 s7, s2  }
0x1e: {  	s7 =	smul.u32 @!p0 $0xF7A, s2;
	p2 =	seq.s32 @!p0 s5, $0x0  }
0x1f: {  	s9 =	smul.u32 $0xF7A, s1;
	s8 =	simm.s32 @!p0 $0x1BF5;
	p2 =	por !p2, p0  }
0x20: {  	[sflag:s8] =	ssyncset.s32 @!p0 $0xFFFFF086;
	s6 =	sadd.s32 @!p0 s3, s7;
	s7 =	simm.s32 @!p0 $0x108  }
0x21: {  	s3 =	sadd.s32 s3, s9;
	s6 =	sadd.s32 @!p0 $0x88, s6;
	s7 =	simm.s32 @p2 $0x1082  }
0x22: {  	[simem:s7], [sflag:s8] =	dma.local @!p0 [hbm:s6], $0xF7A  }
0x23: {  	s9 =	sor.u32 $0xD0000000, s2;
	s6 =	simm.s32 $0x108;
	_ =	swait.ge @!p0 [sflag:s8], $0x0  }
0x24: {  	s3 =	sadd.s32 $0x88, s3;
	s6 =	simm.s32 @!p1 $0x1082;
	[sflag:s4] =	ssyncset.s32 $0xFFFFF086  }
0x25: {  	[simem:s6], [sflag:s4] =	dma.local [hbm:s3], $0xF7A  }
0x26: {  	[smem:$0x3F92] =	sst s1;
	(tag) =	ssettag s2;
	_ =	strace s9  }
0x27: {  	s1 =	sld [smem:$0x3FA2]  }
0x28: {  	s2 =	sld [smem:$0x3FA3]  }
0x29: {  	s4 =	sld [smem:$0x3FA5]  }
0x2a: {  	p0 =	seq.s32 s5, $0x0;
	s5 =	sld [smem:$0x3FA6]  }
0x2b: {  	s6 =	sld [smem:$0x3FA7]  }
0x2c: {  	s7 =	sld [smem:$0x3FA8]  }
0x2d: {  	s3 =	simm.s32 $0x108;
	s8 =	sld [smem:$0x3FA9]  }
0x2e: {  	s3 =	simm.s32 @!p0 $0x1082;
	s9 =	sld [smem:$0x3FAA]  }
0x2f: {  	lr =	sadd.s32 s0, s3;
	s0 =	sld [smem:$0x3FA1]  }
0x30: {  	s3 =	sld [smem:$0x3FA4]  }
0x31: {  	[smem:$0x3FAD] =	sst s10  }
0x32: {  	s10 =	sld [smem:$0x3FAB];
	_ =	sdelay $0x3  }
0x33: {  	p0 =	seq.s32 s10, $0x1;
	s10 =	sld [smem:$0x3FAD];
	_ =	sdelay $0x3  }
0x34: {  	[smem:$0x3FAD] =	sst s10  }
0x35: {  	s10 =	sld [smem:$0x3FAC];
	_ =	sdelay $0x3  }
0x36: {  	p1 =	seq.s32 s10, $0x1;
	s10 =	sld [smem:$0x3FAD];
	_ =	sdelay $0x3  }
0x37: {  	[smem:$0x3FAD] =	sst s10  }
0x38: {  	s10 =	sld [smem:$0x3FAE]  }
0x39: {  	_ = 	snop;
	(pc) =	sbr.ind lr, $3  }
0x3a: {  	_ = 	snop  }
0x3b: {  	_ = 	snop  }
0x3c: {  	p2 =	seq.s32 s10, $0x1;
	s10 =	sld [smem:$0x3FAD]  }
0x3d: {  	_ =	shalt  }
0x3e: {  	_ =	shalt  }
0x3f: {  	_ =	shalt  }
0x40: {  	_ =	shalt  }
0x41: {  	_ =	shalt  }
0x42: {  	_ =	shalt  }
0x43: {  	_ =	shalt  }
0x44: {  	_ =	shalt  }
0x45: {  	_ =	shalt  }
0x46: {  	_ =	shalt  }
0x47: {  	_ =	shalt  }
0x48: {  	_ =	shalt  }
0x49: {  	_ =	shalt  }
0x4a: {  	_ =	shalt  }
0x4b: {  	_ =	shalt  }
0x4c: {  	_ =	shalt  }
0x4d: {  	_ =	shalt  }
0x4e: {  	_ =	shalt  }
0x4f: {  	_ =	shalt  }
0x50: {  	_ =	shalt  }
0x51: {  	_ =	shalt  }
0x52: {  	_ =	shalt  }
0x53: {  	_ =	shalt  }
0x54: {  	_ =	shalt  }
0x55: {  	_ =	shalt  }
0x56: {  	_ =	shalt  }
0x57: {  	_ =	shalt  }
0x58: {  	_ =	shalt  }
0x59: {  	_ =	shalt  }
0x5a: {  	_ =	shalt  }
0x5b: {  	_ =	shalt  }
0x5c: {  	_ =	shalt  }
0x5d: {  	_ =	shalt  }
0x5e: {  	_ =	shalt  }
0x5f: {  	_ =	shalt  }
0x60: {  	_ =	shalt  }
0x61: {  	_ =	shalt  }
0x62: {  	_ =	shalt  }
0x63: {  	_ =	shalt  }
0x64: {  	_ =	shalt  }
0x65: {  	_ =	shalt  }
0x66: {  	_ =	shalt  }
0x67: {  	_ =	shalt  }
0x68: {  	_ =	shalt  }
0x69: {  	_ =	shalt  }
0x6a: {  	_ =	shalt  }
0x6b: {  	_ =	shalt  }
0x6c: {  	_ =	shalt  }
0x6d: {  	_ =	shalt  }
0x6e: {  	_ =	shalt  }
0x6f: {  	_ =	shalt  }
0x70: {  	_ =	shalt  }
0x71: {  	_ =	shalt  }
0x72: {  	_ =	shalt  }
0x73: {  	_ =	shalt  }
0x74: {  	_ =	shalt  }
0x75: {  	_ =	shalt  }
0x76: {  	_ =	shalt  }
0x77: {  	_ =	shalt  }
0x78: {  	_ =	shalt  }
0x79: {  	_ =	shalt  }
0x7a: {  	_ =	shalt  }
0x7b: {  	_ =	shalt  }
0x7c: {  	_ =	shalt  }
0x7d: {  	_ =	shalt  }
0x7e: {  	_ =	shalt  }
0x7f: {  	_ =	shalt  }
0x80: {  	_ =	shalt  }
0x81: {  	_ =	shalt  }
0x82: {  	_ =	shalt  }
0x83: {  	_ =	shalt  }
0x84: {  	_ =	shalt  }
0x85: {  	_ =	shalt  }
0x86: {  	_ =	shalt  }
0x87: {  	_ =	shalt  }
.Lfunc_end0:
.L_simem_size_0:
called_computation.3_lowered:
.L_overlay_start_0:
0x88: {  	s2 =	sld [smem:$0x3FD9]  }
0x89: {  	s3 =	sld [smem:$0x3FFE];
	_ =	sdelay $0x1  }
0x8a: {  	s1 =	srdreg.scid  }
0x8b: {  	s0 =	sand.u32 $0x1, s1  }
0x8c: {  	s14 =	sshll.u32 s0, $0xA;
	s2 =	sadd.s32 s3, s2  }
0x8d: {  	s2 =	sadd.s32 s2, s14  }
0x8e: {  	[smem:$0x3FB9] =	sst s2  }
0x8f: {  	_ = 	snop  }
0x90: {  	s2 =	sld [smem:$0x3FD0];
	_ =	sdelay $0x2  }
0x91: {  	s15 =	simm.s32 $0xB;
	s4 =	simm.s32 $0x10  }
0x92: {  	[smem:s4], [sflag:s15] =	dma.local [hbm:s2], $0x1  }
0x93: {  	_ =	swait.eq [sflag:s15], $0x1  }
0x94: {  	[sflag:s15] =	ssyncset.done $0x0  }
0x95: {  	s16 =	sld [smem:$0x10];
	[sflag:s15] =	ssyncadd.s32 $0xFFFFFFFF  }
0x96: {  	s17 =	sld [smem:$0x12];
	(tm) =	ssettm $0x1  }
0x97: {  	s18 =	sld [smem:$0x3FFB];
	_ =	sdelay $0x3  }
0x98: {  	_ =	strace s18  }
0x99: {  	s4 =	sld [smem:$0x3FFC];
	_ =	sdelay $0x3  }
0x9a: {  	_ =	strace s4  }
0x9b: {  	s4 =	sld [smem:$0x3FFD];
	_ =	sdelay $0x3  }
0x9c: {  	_ =	strace s4  }
0x9d: {  	_ =	strace $0x8FFFFFFF  }
0x9e: {  	s19 =	sld [smem:$0x3FDB];
	_ =	sdelay $0x1  }
0x9f: {  	s5 =	simm.s32 $_scs_section_size  }
0xa0: {  	s6 =	simm.s32 $_size__tile_overlayer_lowered;
	s7 =	simm.s32 $_tile_overlayer_lowered  }
0xa1: {  	s22 =	simm.s32 $0x1BFF;
	s21 =	sshll.u32 s7, $0x1;
	s4 =	sadd.s32 s5, s19  }
0xa2: {  	s8 =	simm.s32 $0x0;
	s20 =	sshll.u32 s6, $0x1;
	s6 =	sadd.s32 s21, s4  }
0xa3: {  	[timem:s8], [sflag:s22] =	dma.local [hbm:s6], s20  }
0xa4: {  	_ =	swait.ge [sflag:s22], s20  }
0xa5: {  	s5 =	ssub.s32 $0x0, s20;
	[sflag:s22] =	ssyncset.done $0x0  }
0xa6: {  	[sflag:s22] =	ssyncadd.s32 s5;
	_ =	sdelay $0x1  }
0xa7: {  	s23 =	simm.s32 $0x1B8B  }
0xa8: {  	_ =	swait.ge [sflag:s23], $0x1  }
0xa9: {  	[sflag:s23] =	ssyncset.done $0x0  }
0xaa: {  	s25 =	simm.s32 $0x1B8E;
	s24 =	sld [smem:$0x3FFE];
	[sflag:s23] =	ssyncadd.s32 $0xFFFFFFFF  }
0xab: {  	s26 =	simm.s32 $execute0_lowered;
	[smem:$0x3FD2] =	sst s25  }
0xac: {  	s6 =	sshll.u32 s26, $0x1;
	_ =	strace $0x8000004F;
	[dreg:$0x1] =	wrdreg $0xFFFFFFFF  }
0xad: {  	s28 =	simm.s32 $_size_execute0_lowered;
	s4 =	sadd.s32 s4, s6;
	[dreg:$0x0] =	wrdreg $0x0  }
0xae: {  	s6 =	sshll.u32 s28, $0x1;
	[dreg:$0x2] =	wrdreg s4  }
0xaf: {  	[dreg:$0x3] =	wrdreg s6  }
0xb0: {  	[dreg:$0x4] =	wrdreg $0xC0  }
0xb1: {  	_ =	task [dreg:s8], $0x5FFFF  }
0xb2: {  	[dreg:$0x1] =	wrdreg $0xFFFFFFFF  }
0xb3: {  	[dreg:$0x0] =	wrdreg $0x60  }
0xb4: {  	[dreg:$0x2] =	wrdreg s24  }
0xb5: {  	[dreg:$0x3] =	wrdreg s16  }
0xb6: {  	[dreg:$0x4] =	wrdreg s17  }
0xb7: {  	[dreg:$0x5] =	wrdreg $0x52000  }
0xb8: {  	[dreg:$0x6] =	wrdreg $0x9  }
0xb9: {  	_ =	task.clear_ibuf [dreg:s8], $0x7FFFF;
	_ =	strace $0x9000004F  }
0xba: {  	s29 =	simm.s32 $0x9;
	_ =	strace $0x80000051  }
0xbb: {  	_ =	swait.ge [sflag:s29], $0x1  }
0xbc: {  	[sflag:s29] =	ssyncadd.s32 $0xFFFFFFFF  }
0xbd: {  	_ =	strace $0x90000051  }
0xbe: {  	_ =	sfence  }
0xbf: {  	s30 =	sld [smem:$0x0];
	_ =	sdelay $0x2  }
0xc0: {  	s31 =	sshll.u32 s1, $0xD;
	s1 =	sshrl.u32 s1, $0x2  }
0xc1: {  	s3 =	sand.u32 $0x4000, s31;
	s1 =	sadd.s32 s1, s30  }
0xc2: {  	s0 =	sor.u32 s3, s0;
	s1 =	sshll.u32 s1, $0x11  }
0xc3: {  	s0 =	sor.u32 s1, s0  }
0xc4: {  	s0 =	sadd.s32 $0x8F2B, s0  }
0xc5: {  	[sflag:s0] =	ssyncadd.remote.s32 $0x1  }
0xc6: {  	_ =	sfence.sel $0xFFFF  }
0xc7: {  	[dreg:$0x0] =	wrdreg $0xFFFFFFFF;
	(pc) =	sbr.abs _section_cstart, $3  }
0xc8: {  	[dreg:$0x1] =	wrdreg $0xFFFFFFFF  }
0xc9: {  	_ =	task.clear_ibuf [dreg:s8], $0x2FFFF;
	_ =	strace $0x9FFFFFFF  }
0xca: {  	(tm) =	ssettm $0x7FFFFFFF  }
0xcb: {  	_ =	shalt  }
tec
execute0_lowered:
.L_overlay_start_1:
0x0: {  	(tag) =	ssettag $0x1  }
0x1: {  	s7 =	rddreg [dreg:$0x0]  }
0x2: {  	s0 =	rddreg [dreg:$0x1]  }
0x3: {  	s1 =	rddreg [dreg:$0x2];
	s2 =	srdreg.scid  }
0x4: {  	s10 =	stileid.u32;
	s3 =	rddreg [dreg:$0x3];
	s4 =	simm.s32 $0x0  }
0x5: {  	s14 =	simm.s32 $0x80;
	s15 =	simm.s32 $0x5000;
	s16 =	simm.s32 $0x5080  }
0x6: {  	s17 =	simm.s32 $0x5100;
	s6 =	sand.u32 $0x1, s2;
	s2 =	rddreg [dreg:$0x4]  }
0x7: {  	s18 =	simm.s32 $0x0;
	s5 =	sshll.u32 s10, $0x1;
	[smem:$0x7FF] =	sst s4  }
0x8: {  	p0 =	sne.s32 s10, $0x0;
	s10 =	simm.s32 $0x1;
	s5 =	sor.u32 s6, s5  }
0x9: {  	_ =	strace $0x80000050;
	s9 =	ssub.s32 $0x2, s6;
	s11 =	sshll.u32 s6, $0x4  }
0xa: {  	s13 =	sshrl.u32 @!p0 s3, $0x3;
	s8 =	smul.u32 $0x500, s5;
	s5 =	sadd.s32 $0xA000, s7  }
0xb: {  	s12 =	sshrl.u32 s9, $0x1;
	s31 =	sadd.s32 s11, s7;
	s11 =	simm.s32 $0x2800  }
0xc: {  	s9 =	ssub.s32 s9, s12;
	s12 =	simm.s32 $0x5180;
	s6 =	sadd.s32 s7, s8  }
0xd: {  	v0 =	vlaneseq.u32;
	s8 =	sadd.s32 $0x3FE00, s31;
	s9 =	smax.u32 s9, $0x1;
	s7 =	sadd.s32 $0xA04000, s6  }
.LBB2_1:
0xe: {  	[tilespmem:s4], [sflag:$0x1] =	stream.linear.gather [hbm4b:s6+s4], $0x2800, $0x38;
	[tilespmem:$0x14668] =	vst v63  }
0xf: {  	_ =	swait.ge [sflag:s10], $0x2800  }
0x10: {  	[sflag:s10] =	ssyncset.done $0x0  }
0x11: {  	[sflag:s10] =	ssyncadd.s32 $0xFFFFD800  }
0x12: {  	[tilespmem:s11], [sflag:$0x1] =	stream.linear.gather [hbm4b:s7+s4], $0x2800, $0x38;
	[tilespmem:$0x14668] =	vst v63  }
0x13: {  	_ =	swait.ge [sflag:s10], $0x2800  }
0x14: {  	[sflag:s10] =	ssyncset.done $0x0  }
0x15: {  	[sflag:s10] =	ssyncadd.s32 $0xFFFFD800  }
0x16: {  	[tilespmem:s12], [sflag:$0x1] =	stream.linear.gather [hbm4b:s5+s4], $0x80, $0x38;
	[tilespmem:$0x14668] =	vst v63  }
0x17: {  	_ =	swait.ge [sflag:s10], $0x80  }
0x18: {  	[sflag:s10] =	ssyncset.done $0x0  }
0x19: {  	s19 =	simm.s32 @!p0 $0x1C01;
	[sflag:s10] =	ssyncadd.s32 $0xFFFFFF80  }
0x1a: {  	[spmem:s13], [sflag:s19] =	dma.local @!p0 [hbm:s1], $0x1E8D0  }
0x1b: {  	s19 =	simm.s32 @!p0 $0x1  }
0x1c: {  	_ =	swait.ge @!p0 [sflag:s19], $0x1E8D0  }
0x1d: {  	[sflag:s19] =	ssyncset.done @!p0 $0x0  }
0x1e: {  	[sflag:s19] =	ssyncadd.s32 @!p0 $0xFFFE1730  }
0x1f: {  	[bflag:$0x0] =	sbarrier.arrive $0xFFFF  }
0x20: {  	[tilespmem:s15], [sflag:$0x1] =	stream.indirect.gather [hbm4b:s0+s14], $0x1, s4, s14, $0xb8;
	[tilespmem:$0x14668] =	vst v63  }
0x21: {  	_ =	swait.ge [sflag:s10], $0x80  }
0x22: {  	s21 =	simm.s32 $0x30;
	[sflag:s10] =	ssyncset.done $0x0  }
0x23: {  	s20 =	simm.s32 $0xF0;
	s23 =	simm.s32 $0x20;
	[sflag:s10] =	ssyncadd.s32 $0xFFFFFF80  }
0x24: {  	[tilespmem:s16], [sflag:$0x1] =	stream.indirect.gather [hbm4b:s0+s14], $0x1, s11, s14, $0xb8;
	[tilespmem:$0x14668] =	vst v63  }
0x25: {  	s24 =	simm.s32 $0x0;
	v1 =	vor.u32 s21, v0;
	s19 =	simm.s32 $0x70;
	_ =	swait.ge [sflag:s10], $0x80  }
0x26: {  	s22 =	simm.s32 $0x2800;
	s21 =	simm.s32 $0x0;
	v1 =	vand.u32 $0x3BF, v1;
	v2 =	vor.u32 s19, v0;
	[sflag:s10] =	ssyncset.done $0x0  }
.LBB2_2:
0x27: {  	p1 =	sne.s32 s20, $0x27F0  }
0x28: {  	[sflag:s10] =	ssyncadd.s32 $0xFFFFFF80;
	v3 =	vor.u32 s23, v0;
	v2 =	vand.u32 $0x3FF, v2;
	s21 =	sadd.s32 $0x80, s21;
	s23 =	smov.u32 s20  }
0x29: {  	s20 =	sadd.s32 $0x80, s20;
	v4 =	vor.u32 s24, v0;
	s24 =	sadd.s32 $0xFFFFFFF0, s19;
	s25 =	sadd.s32 $0xFFFFFFC0, s23;
	v5 =	vld [tilespmem:$0x5020]  }
0x2a: {  	v4 =	vand.u32 $0x38F, v4;
	v2 =	vadd.s32 $0xF4240, v2;
	v6 =	vor.u32 s25, v0;
	v7 =	vld [tilespmem:$0x5060]  }
0x2b: {  	v3 =	vand.u32 $0x3AF, v3;
	v9 =	vor.u32 s24, v0;
	v6 =	vand.u32 $0x3BF, v6;
	v8 =	vld [tilespmem:$0x5090]  }
0x2c: {  	s24 =	sadd.s32 $0xFFFFFFE0, s19;
	v10 =	vld [tilespmem:$0x5010]  }
0x2d: {  	v11 =	vor.u32 s24, v0;
	v12 =	vld [tilespmem:$0x50E0]  }
0x2e: {  	v13 =	vld [tilespmem:$0x50C0]  }
0x2f: {  	v14 =	vld [tilespmem:$0x5040]  }
0x30: {  	v11 =	vand.u32 $0x3DF, v11;
	v15 =	vld [tilespmem:$0x5080]  }
0x31: {  	v16 =	vld [tilespmem:$0x5000]  }
0x32: {  	s24 =	sadd.s32 $0xFFFFFFA0, s19;
	v3 =	vadd.s32 $0xF4240, v3;
	v11 =	vadd.s32 $0xF4240, v11;
	v17 =	vld [tilespmem:$0x50B0]  }
0x33: {  	v20 =	vadd.s32 $0xF4240, v1;
	v9 =	vand.u32 $0x3EF, v9;
	v1 =	vmovc v6;
	v18 =	vmul.u32 $0x3E8, v10;
	v19 =	vld [tilespmem:$0x5030]  }
0x34: {  	v9 =	vadd.s32 $0xF4240, v9;
	v6 =	vor.u32 v10, v8;
	v10 =	vld [tilespmem:$0x50A0];
	v21 =	vmul.u32 $0x3E8, v14  }
0x35: {  	vm0 =	vlt.s32 v6, $0x0;
	v8 =	vadd.s32 v8, v18;
	v6 =	vor.u32 v14, v13;
	v14 =	vld [tilespmem:$0x5050]  }
0x36: {  	v22 =	vor.u32 v7, v12;
	v18 =	vor.u32 s24, v0;
	v13 =	vadd.s32 v13, v21;
	v21 =	vld [tilespmem:$0x50D0]  }
0x37: {  	v4 =	vadd.s32 $0xF4240, v4;
	v7 =	vmul.u32 $0x3E8, v7;
	v23 =	vor.u32 v16, v15;
	v24 =	vld [tilespmem:$0x5070]  }
0x38: {  	v18 =	vand.u32 $0x39F, v18;
	v25 =	vor.u32 v19, v17;
	v19 =	vmul.u32 $0x3E8, v19  }
0x39: {  	vm1 =	vlt.s32 v6, $0x0;
	v26 =	vor.u32 v5, v10;
	v5 =	vmul.u32 $0x3E8, v5  }
0x3a: {  	vm3 =	vlt.s32 v22, $0x0;
	vm2 =	vlt.s32 v25, $0x0;
	v6 =	vadd.s32 v17, v19  }
0x3b: {  	v16 =	vmul.u32 $0x3E8, v16;
	v5 =	vadd.s32 v10, v5;
	v6 =	vsel vm2, v20, v6  }
0x3c: {  	s24 =	sadd.s32 $0xFFFFFFD0, s19;
	s19 =	smov.u32 s23;
	vm4 =	vlt.s32 v26, $0x0;
	vm2 =	vlt.s32 v23, $0x0;
	v10 =	vmul.u32 $0x3E8, v14;
	v17 =	vld [tilespmem:$0x50F0]  }
0x3d: {  	v3 =	vsel vm4, v3, v5;
	v5 =	vor.u32 v14, v21;
	[tilespmem:$0x5130] =	vst v6;
	v6 =	vadd.s32 v12, v7  }
0x3e: {  	v7 =	vadd.s32 $0xF4240, v18;
	v12 =	vor.u32 s24, v0;
	v10 =	vadd.s32 v21, v10  }
0x3f: {  	v7 =	vsel vm0, v7, v8;
	vm0 =	vlt.s32 v5, $0x0;
	[tilespmem:$0x5120] =	vst v3;
	v3 =	vsel vm3, v9, v6  }
0x40: {  	v5 =	vadd.s32 v15, v16;
	v6 =	vand.u32 $0x3CF, v12;
	[tilespmem:$0x5160] =	vst v3;
	v3 =	vmul.u32 $0x3E8, v24  }
0x41: {  	v4 =	vsel vm2, v4, v5;
	v5 =	vadd.s32 $0xF4240, v6;
	[tilespmem:$0x5110] =	vst v7;
	v6 =	vor.u32 v24, v17  }
0x42: {  	[tilespmem:$0x5100] =	vst v4;
	v4 =	vsel vm1, v5, v13;
	v3 =	vadd.s32 v17, v3;
	vm1 =	vlt.s32 v6, $0x0  }
0x43: {  	[tilespmem:$0x5140] =	vst v4;
	v4 =	vsel vm0, v11, v10;
	v2 =	vsel vm1, v2, v3  }
0x44: {  	[tilespmem:$0x5150] =	vst v4  }
0x45: {  	[tilespmem:$0x5170] =	vst v2  }
0x46: {  	[spmem:s3] =	stream.indirect.scatter.add.f32 [tilespmem:s12], [sflag:$0x1], $0x1, s17, s14, $0xb8;
	[tilespmem:$0x14668] =	vst v63  }
0x47: {  	_ =	swait.ge [sflag:s10], $0x80  }
0x48: {  	[sflag:s10] =	ssyncset.done $0x0  }
0x49: {  	s22 =	sadd.s32 $0x80, s22;
	[sflag:s10] =	ssyncadd.s32 $0xFFFFFF80  }
0x4a: {  	[tilespmem:s15], [sflag:$0x1] =	stream.indirect.gather [hbm4b:s0+s14], $0x1, s21, s14, $0xb8;
	[tilespmem:$0x14668] =	vst v63  }
0x4b: {  	_ =	swait.ge [sflag:s10], $0x80  }
.Ltmp0:
0x4c: {  	[sflag:s10] =	ssyncset.done $0x0;
	(pc) =	sbr.rel @p1 .LBB2_2-.Ltmp0, $4  }
0x4d: {  	[sflag:s10] =	ssyncadd.s32 $0xFFFFFF80  }
0x4e: {  	[tilespmem:s16], [sflag:$0x1] =	stream.indirect.gather [hbm4b:s0+s14], $0x1, s22, s14, $0xb8;
	[tilespmem:$0x14668] =	vst v63  }
0x4f: {  	s23 =	sadd.s32 $0xFFFFFFB0, s19;
	_ =	swait.ge [sflag:s10], $0x80  }
0x50: {  	s24 =	sadd.s32 $0xFFFFFF90, s19;
	v2 =	vor.u32 s19, v0;
	[sflag:s10] =	ssyncset.done $0x0  }
0x51: {  	[sflag:s10] =	ssyncadd.s32 $0xFFFFFF80  }
0x52: {  	v3 =	vld [tilespmem:$0x5020]  }
0x53: {  	v4 =	vld [tilespmem:$0x5060]  }
0x54: {  	v5 =	vld [tilespmem:$0x5090]  }
0x55: {  	v6 =	vld [tilespmem:$0x5010]  }
0x56: {  	v7 =	vld [tilespmem:$0x50E0]  }
0x57: {  	v8 =	vld [tilespmem:$0x50C0]  }
0x58: {  	v9 =	vld [tilespmem:$0x5040]  }
0x59: {  	v10 =	vor.u32 s23, v0;
	v2 =	vand.u32 $0x3FF, v2;
	v11 =	vor.u32 s24, v0;
	v12 =	vld [tilespmem:$0x5080]  }
0x5a: {  	s20 =	sadd.s32 $0xFFFFFFE0, s19;
	s21 =	sadd.s32 $0xFFFFFFF0, s19;
	v1 =	vadd.s32 $0xF4240, v1;
	v11 =	vand.u32 $0x38F, v11;
	v2 =	vadd.s32 $0xF4240, v2;
	v14 =	vld [tilespmem:$0x5000]  }
0x5b: {  	s30 =	sadd.s32 $0xFFFFFFA0, s19;
	s31 =	sadd.s32 $0xFFFFFFD0, s19;
	v13 =	vor.u32 s20, v0;
	v10 =	vand.u32 $0x3AF, v10;
	v15 =	vor.u32 s21, v0;
	v16 =	vld [tilespmem:$0x50B0]  }
0x5c: {  	v18 =	vld [tilespmem:$0x5030];
	v51 =	vor.u32 s30, v0;
	v59 =	vor.u32 s31, v0;
	v13 =	vand.u32 $0x3DF, v13  }
0x5d: {  	v19 =	vld [tilespmem:$0x50A0];
	v10 =	vadd.s32 $0xF4240, v10;
	v15 =	vand.u32 $0x3EF, v15;
	v11 =	vadd.s32 $0xF4240, v11  }
0x5e: {  	v21 =	vld [tilespmem:$0x5050];
	v62 =	vand.u32 $0x3CF, v59;
	v13 =	vadd.s32 $0xF4240, v13;
	v15 =	vadd.s32 $0xF4240, v15  }
0x5f: {  	v63 =	vadd.s32 $0xF4240, v62;
	v17 =	vmul.u32 $0x3E8, v6;
	v6 =	vor.u32 v6, v5  }
0x60: {  	v20 =	vmul.u32 $0x3E8, v9;
	v50 =	vor.u32 v9, v8;
	v52 =	vor.u32 v4, v7  }
0x61: {  	v53 =	vor.u32 v14, v12;
	v4 =	vmul.u32 $0x3E8, v4;
	v22 =	vmul.u32 $0x3E8, v18  }
0x62: {  	v9 =	vand.u32 $0x39F, v51;
	v18 =	vor.u32 v18, v16;
	v24 =	vor.u32 v3, v19  }
0x63: {  	v3 =	vmul.u32 $0x3E8, v3;
	v14 =	vmul.u32 $0x3E8, v14;
	v56 =	vmul.u32 $0x3E8, v21  }
0x64: {  	v23 =	vld [tilespmem:$0x50D0];
	vm0 =	vlt.s32 v6, $0x0;
	vm1 =	vlt.s32 v50, $0x0;
	vm2 =	vlt.s32 v18, $0x0  }
0x65: {  	v55 =	vld [tilespmem:$0x5070];
	vm3 =	vlt.s32 v52, $0x0;
	vm13 =	vlt.s32 v24, $0x0;
	v54 =	vadd.s32 v16, v22  }
0x66: {  	v57 =	vld [tilespmem:$0x50F0];
	vm4 =	vlt.s32 v53, $0x0;
	v3 =	vadd.s32 v19, v3;
	v1 =	vsel vm2, v1, v54  }
0x67: {  	v58 =	vadd.s32 $0xF4240, v9;
	v5 =	vadd.s32 v5, v17;
	v3 =	vsel vm13, v10, v3;
	[tilespmem:$0x5130] =	vst v1  }
0x68: {  	v8 =	vadd.s32 v8, v20;
	v4 =	vadd.s32 v7, v4;
	v60 =	vsel vm0, v58, v5;
	[tilespmem:$0x5120] =	vst v3  }
0x69: {  	v6 =	vadd.s32 v23, v56;
	v61 =	vadd.s32 v12, v14;
	v3 =	vsel vm3, v15, v4;
	[tilespmem:$0x5110] =	vst v60  }
0x6a: {  	v5 =	vsel vm4, v11, v61;
	v1 =	vor.u32 v21, v23;
	[tilespmem:$0x5160] =	vst v3;
	v3 =	vmul.u32 $0x3E8, v55  }
0x6b: {  	[tilespmem:$0x5100] =	vst v5;
	v4 =	vsel vm1, v63, v8;
	vm14 =	vlt.s32 v1, $0x0;
	v1 =	vor.u32 v55, v57  }
0x6c: {  	[tilespmem:$0x5140] =	vst v4;
	vm15 =	vlt.s32 v1, $0x0;
	v1 =	vsel vm14, v13, v6;
	v3 =	vadd.s32 v57, v3  }
0x6d: {  	[tilespmem:$0x5150] =	vst v1;
	v2 =	vsel vm15, v2, v3  }
0x6e: {  	[tilespmem:$0x5170] =	vst v2  }
0x6f: {  	[spmem:s3] =	stream.indirect.scatter.add.f32 [tilespmem:s12], [sflag:$0x1], $0x1, s17, s14, $0xb8;
	[tilespmem:$0x14668] =	vst v63  }
0x70: {  	s19 =	simm.s32 @!p0 $0x1;
	_ =	swait.ge [sflag:s10], $0x80  }
0x71: {  	s22 =	simm.s32 @!p0 $0x1C01;
	s18 =	sadd.s32 $0x1, s18;
	[sflag:s10] =	ssyncset.done $0x0  }
0x72: {  	s20 =	simm.s32 @!p0 $0x20;
	p1 =	sne.s32 s18, s9;
	[sflag:s10] =	ssyncadd.s32 $0xFFFFFF80  }
.Ltmp1:
0x73: {  	s21 =	simm.s32 @!p0 $0x10;
	[bflag:$0x0] =	sbarrier.arrive $0xFFFF;
	(pc) =	sbr.rel @p1 .LBB2_1-.Ltmp1, $4  }
0x74: {  	[hbm:s8@s20], [sflag:s22] =	dma.strided @!p0 [spmem:s13@s21], $0x1E8D0, s19, $0x10   }
0x75: {  	_ =	swait.ge @!p0 [sflag:s19], $0x1E8D0  }
0x76: {  	[sflag:s19] =	ssyncset.done @!p0 $0x0  }
0x77: {  	[sflag:s19] =	ssyncadd.s32 @!p0 $0xFFFE1730  }
0x78: {  	_ =	sfence.sel $0x180000  }
0x79: {  	[bflag:$0x0] =	sbarrier.arrive $0xFFFF  }
0x7a: {  	_ =	strace $0x90000050  }
0x7b: {  	s0 =	sadd.s32 @!p0 $0x100000, s2;
	[bflag:$0x2] =	sbarrier.arrive $0xFFFF  }
0x7c: {  	[sflag:s0] =	ssyncadd.tile.s32 @!p0 $0x1;
	_ =	shalt  }
.Lfunc_end2:
_tile_overlayer_lowered:
.L_overlay_start_2:
0x7d: {  	(tag) =	ssettag $0x2  }
0x7e: {  	s0 =	rddreg [dreg:$0x0];
	s2 =	stileid.u32  }
0x7f: {  	s1 =	rddreg [dreg:$0x1];
	p0 =	sne.s32 s2, $0x0  }
0x80: {  	s3 =	rddreg [dreg:$0x2];
	[bflag:$0x3] =	sbarrier.arrive $0xFFFF;
	s2 =	simm.s32 @!p0 $0x1C01  }
0x81: {  	[timem:s3], [sflag:s2] =	dma.local @!p0 [hbm:s0], s1  }
0x82: {  	s0 =	simm.s32 @!p0 $0x1  }
0x83: {  	_ =	swait.ge @!p0 [sflag:s0], s1  }
0x84: {  	s1 =	ssub.s32 @!p0 $0x0, s1;
	[sflag:s0] =	ssyncset.done @!p0 $0x0  }
0x85: {  	[sflag:s0] =	ssyncadd.s32 @!p0 s1  }
0x86: {  	[bflag:$0x3] =	sbarrier.arrive $0xFFFF  }
0x87: {  	_ =	shalt  }

// kernel: scatter_offload_async_start.1
scs
__scs_entry_jumppad:
0x0: {  	(pc) =	sbr.rel $0x88, $3  }
0x1: {  	(tag) =	ssettag $0x0;
	lr =	simm.s32 $0x1  }
0x2: {  	[smem:$0x3F92] =	sst lr;
	_ =	strace $0xD0000000  }
0x3: {  	_ = 	snop  }
0x4: {  	_ = 	snop  }
0x5: {  	_ = 	snop  }
0x6: {  	_ = 	snop  }
0x7: {  	_ = 	snop  }
__scs_overlays_trampoline_lowered:
0x8: {  	[smem:$0x3FA1] =	sst s0  }
0x9: {  	[smem:$0x3FA2] =	sst s1  }
0xa: {  	[smem:$0x3FA3] =	sst s2  }
0xb: {  	[smem:$0x3FA4] =	sst s3  }
0xc: {  	[smem:$0x3FA5] =	sst s4  }
0xd: {  	[smem:$0x3FA6] =	sst s5  }
0xe: {  	[smem:$0x3FA7] =	sst s6  }
0xf: {  	[smem:$0x3FA8] =	sst s7  }
0x10: {  	[smem:$0x3FA9] =	sst s8  }
0x11: {  	[smem:$0x3FAA] =	sst s9;
	s0 =	simm.s32 @!p0 $0x0  }
0x12: {  	s1 =	sld [smem:$0x3F90];
	s0 =	simm.s32 @p0 $0x1  }
0x13: {  	[smem:$0x3FAB] =	sst s0;
	s0 =	simm.s32 @!p1 $0x0  }
0x14: {  	s2 =	sld [smem:$0x3F8F];
	s0 =	simm.s32 @p1 $0x1  }
0x15: {  	[smem:$0x3FAC] =	sst s0;
	s0 =	simm.s32 @!p2 $0x0  }
0x16: {  	s3 =	sld [smem:$0x3FDB];
	s0 =	simm.s32 @p2 $0x1  }
0x17: {  	s4 =	simm.s32 $0x1BF5;
	[smem:$0x3FAE] =	sst s0  }
0x18: {  	s0 =	sld [smem:$0x3F91];
	_ =	swait.ge [sflag:s4], $0x0  }
0x19: {  	s7 =	sld [smem:$0x3F92]  }
0x1a: {  	s8 =	sadd.s32 $0xFFFFE003, lr  }
0x1b: {  	s9 =	sadd.s32 $0xFFFFFEF7, lr;
	s5 =	simm.s32 $0xFFFFFFFF;
	p2 =	slt.u32 s8, $0xFFFFF086  }
0x1c: {  	p1 =	slt.u32 s9, $0xF7A;
	s5 =	simm.s32 @!p2 $0x0  }
0x1d: {  	s5 =	simm.s32 @p1 $0x1;
	p0 =	seq.s32 s7, s2  }
0x1e: {  	s7 =	smul.u32 @!p0 $0xF7A, s2;
	p2 =	seq.s32 @!p0 s5, $0x0  }
0x1f: {  	s9 =	smul.u32 $0xF7A, s1;
	s8 =	simm.s32 @!p0 $0x1BF5;
	p2 =	por !p2, p0  }
0x20: {  	[sflag:s8] =	ssyncset.s32 @!p0 $0xFFFFF086;
	s6 =	sadd.s32 @!p0 s3, s7;
	s7 =	simm.s32 @!p0 $0x108  }
0x21: {  	s3 =	sadd.s32 s3, s9;
	s6 =	sadd.s32 @!p0 $0x88, s6;
	s7 =	simm.s32 @p2 $0x1082  }
0x22: {  	[simem:s7], [sflag:s8] =	dma.local @!p0 [hbm:s6], $0xF7A  }
0x23: {  	s9 =	sor.u32 $0xD0000000, s2;
	s6 =	simm.s32 $0x108;
	_ =	swait.ge @!p0 [sflag:s8], $0x0  }
0x24: {  	s3 =	sadd.s32 $0x88, s3;
	s6 =	simm.s32 @!p1 $0x1082;
	[sflag:s4] =	ssyncset.s32 $0xFFFFF086  }
0x25: {  	[simem:s6], [sflag:s4] =	dma.local [hbm:s3], $0xF7A  }
0x26: {  	[smem:$0x3F92] =	sst s1;
	(tag) =	ssettag s2;
	_ =	strace s9  }
0x27: {  	s1 =	sld [smem:$0x3FA2]  }
0x28: {  	s2 =	sld [smem:$0x3FA3]  }
0x29: {  	s4 =	sld [smem:$0x3FA5]  }
0x2a: {  	p0 =	seq.s32 s5, $0x0;
	s5 =	sld [smem:$0x3FA6]  }
0x2b: {  	s6 =	sld [smem:$0x3FA7]  }
0x2c: {  	s7 =	sld [smem:$0x3FA8]  }
0x2d: {  	s3 =	simm.s32 $0x108;
	s8 =	sld [smem:$0x3FA9]  }
0x2e: {  	s3 =	simm.s32 @!p0 $0x1082;
	s9 =	sld [smem:$0x3FAA]  }
0x2f: {  	lr =	sadd.s32 s0, s3;
	s0 =	sld [smem:$0x3FA1]  }
0x30: {  	s3 =	sld [smem:$0x3FA4]  }
0x31: {  	[smem:$0x3FAD] =	sst s10  }
0x32: {  	s10 =	sld [smem:$0x3FAB];
	_ =	sdelay $0x3  }
0x33: {  	p0 =	seq.s32 s10, $0x1;
	s10 =	sld [smem:$0x3FAD];
	_ =	sdelay $0x3  }
0x34: {  	[smem:$0x3FAD] =	sst s10  }
0x35: {  	s10 =	sld [smem:$0x3FAC];
	_ =	sdelay $0x3  }
0x36: {  	p1 =	seq.s32 s10, $0x1;
	s10 =	sld [smem:$0x3FAD];
	_ =	sdelay $0x3  }
0x37: {  	[smem:$0x3FAD] =	sst s10  }
0x38: {  	s10 =	sld [smem:$0x3FAE]  }
0x39: {  	_ = 	snop;
	(pc) =	sbr.ind lr, $3  }
0x3a: {  	_ = 	snop  }
0x3b: {  	_ = 	snop  }
0x3c: {  	p2 =	seq.s32 s10, $0x1;
	s10 =	sld [smem:$0x3FAD]  }
0x3d: {  	_ =	shalt  }
0x3e: {  	_ =	shalt  }
0x3f: {  	_ =	shalt  }
0x40: {  	_ =	shalt  }
0x41: {  	_ =	shalt  }
0x42: {  	_ =	shalt  }
0x43: {  	_ =	shalt  }
0x44: {  	_ =	shalt  }
0x45: {  	_ =	shalt  }
0x46: {  	_ =	shalt  }
0x47: {  	_ =	shalt  }
0x48: {  	_ =	shalt  }
0x49: {  	_ =	shalt  }
0x4a: {  	_ =	shalt  }
0x4b: {  	_ =	shalt  }
0x4c: {  	_ =	shalt  }
0x4d: {  	_ =	shalt  }
0x4e: {  	_ =	shalt  }
0x4f: {  	_ =	shalt  }
0x50: {  	_ =	shalt  }
0x51: {  	_ =	shalt  }
0x52: {  	_ =	shalt  }
0x53: {  	_ =	shalt  }
0x54: {  	_ =	shalt  }
0x55: {  	_ =	shalt  }
0x56: {  	_ =	shalt  }
0x57: {  	_ =	shalt  }
0x58: {  	_ =	shalt  }
0x59: {  	_ =	shalt  }
0x5a: {  	_ =	shalt  }
0x5b: {  	_ =	shalt  }
0x5c: {  	_ =	shalt  }
0x5d: {  	_ =	shalt  }
0x5e: {  	_ =	shalt  }
0x5f: {  	_ =	shalt  }
0x60: {  	_ =	shalt  }
0x61: {  	_ =	shalt  }
0x62: {  	_ =	shalt  }
0x63: {  	_ =	shalt  }
0x64: {  	_ =	shalt  }
0x65: {  	_ =	shalt  }
0x66: {  	_ =	shalt  }
0x67: {  	_ =	shalt  }
0x68: {  	_ =	shalt  }
0x69: {  	_ =	shalt  }
0x6a: {  	_ =	shalt  }
0x6b: {  	_ =	shalt  }
0x6c: {  	_ =	shalt  }
0x6d: {  	_ =	shalt  }
0x6e: {  	_ =	shalt  }
0x6f: {  	_ =	shalt  }
0x70: {  	_ =	shalt  }
0x71: {  	_ =	shalt  }
0x72: {  	_ =	shalt  }
0x73: {  	_ =	shalt  }
0x74: {  	_ =	shalt  }
0x75: {  	_ =	shalt  }
0x76: {  	_ =	shalt  }
0x77: {  	_ =	shalt  }
0x78: {  	_ =	shalt  }
0x79: {  	_ =	shalt  }
0x7a: {  	_ =	shalt  }
0x7b: {  	_ =	shalt  }
0x7c: {  	_ =	shalt  }
0x7d: {  	_ =	shalt  }
0x7e: {  	_ =	shalt  }
0x7f: {  	_ =	shalt  }
0x80: {  	_ =	shalt  }
0x81: {  	_ =	shalt  }
0x82: {  	_ =	shalt  }
0x83: {  	_ =	shalt  }
0x84: {  	_ =	shalt  }
0x85: {  	_ =	shalt  }
0x86: {  	_ =	shalt  }
0x87: {  	_ =	shalt  }
.Lfunc_end0:
.L_simem_size_0:
called_computation.1_lowered:
.L_overlay_start_0:
0x88: {  	s0 =	sld [smem:$0x3FD9]  }
0x89: {  	s1 =	sld [smem:$0x3FFE];
	_ =	sdelay $0x3  }
0x8a: {  	s0 =	sadd.s32 s1, s0  }
0x8b: {  	[smem:$0x3FB9] =	sst s0  }
0x8c: {  	_ = 	snop  }
0x8d: {  	s0 =	sld [smem:$0x3FD0];
	_ =	sdelay $0x2  }
0x8e: {  	s13 =	simm.s32 $0xB;
	s2 =	simm.s32 $0x10  }
0x8f: {  	[smem:s2], [sflag:s13] =	dma.local [hbm:s0], $0x1  }
0x90: {  	_ =	swait.eq [sflag:s13], $0x1  }
0x91: {  	[sflag:s13] =	ssyncset.done $0x0  }
0x92: {  	[sflag:s13] =	ssyncadd.s32 $0xFFFFFFFF  }
0x93: {  	s14 =	sld [smem:$0x13];
	(tm) =	ssettm $0x1  }
0x94: {  	s15 =	sld [smem:$0x3FFB];
	_ =	sdelay $0x3  }
0x95: {  	_ =	strace s15  }
0x96: {  	s1 =	sld [smem:$0x3FFC];
	_ =	sdelay $0x3  }
0x97: {  	_ =	strace s1  }
0x98: {  	s1 =	sld [smem:$0x3FFD];
	_ =	sdelay $0x3  }
0x99: {  	_ =	strace s1  }
0x9a: {  	_ =	strace $0x8FFFFFFF  }
0x9b: {  	s16 =	sld [smem:$0x3FDB];
	_ =	sdelay $0x1  }
0x9c: {  	s17 =	simm.s32 $_scs_section_size  }
0x9d: {  	s3 =	simm.s32 $_size__tile_overlayer_lowered;
	s4 =	simm.s32 $_tile_overlayer_lowered  }
0x9e: {  	s20 =	simm.s32 $0x1BFF;
	s19 =	sshll.u32 s4, $0x1;
	s1 =	sadd.s32 s17, s16  }
0x9f: {  	s5 =	simm.s32 $0x0;
	s18 =	sshll.u32 s3, $0x1;
	s3 =	sadd.s32 s19, s1  }
0xa0: {  	[timem:s5], [sflag:s20] =	dma.local [hbm:s3], s18  }
0xa1: {  	_ =	swait.ge [sflag:s20], s18  }
0xa2: {  	s2 =	ssub.s32 $0x0, s18;
	[sflag:s20] =	ssyncset.done $0x0  }
0xa3: {  	[sflag:s20] =	ssyncadd.s32 s2;
	_ =	sdelay $0x1  }
0xa4: {  	s21 =	simm.s32 $0x1B8B  }
0xa5: {  	_ =	swait.ge [sflag:s21], $0x1  }
0xa6: {  	[sflag:s21] =	ssyncset.done $0x0  }
0xa7: {  	s23 =	simm.s32 $0x1B8E;
	s22 =	sld [smem:$0x3FFE];
	[sflag:s21] =	ssyncadd.s32 $0xFFFFFFFF  }
0xa8: {  	s24 =	simm.s32 $execute0_lowered;
	[smem:$0x3FD2] =	sst s23  }
0xa9: {  	s3 =	sshll.u32 s24, $0x1;
	_ =	strace $0x80000046;
	[dreg:$0x1] =	wrdreg $0xFFFFFFFF  }
0xaa: {  	s25 =	simm.s32 $_size_execute0_lowered;
	s1 =	sadd.s32 s1, s3;
	[dreg:$0x0] =	wrdreg $0x0  }
0xab: {  	s3 =	sshll.u32 s25, $0x1;
	[dreg:$0x2] =	wrdreg s1  }
0xac: {  	[dreg:$0x3] =	wrdreg s3  }
0xad: {  	[dreg:$0x4] =	wrdreg $0xC0  }
0xae: {  	_ =	task [dreg:s5], $0x5FFFF  }
0xaf: {  	[dreg:$0x1] =	wrdreg $0xFFFFFFFF  }
0xb0: {  	[dreg:$0x0] =	wrdreg $0x60  }
0xb1: {  	[dreg:$0x2] =	wrdreg s14  }
0xb2: {  	[dreg:$0x3] =	wrdreg s22  }
0xb3: {  	[dreg:$0x4] =	wrdreg $0xA  }
0xb4: {  	_ =	task.clear_ibuf [dreg:s5], $0x5FFFF;
	_ =	strace $0x90000046  }
0xb5: {  	s26 =	simm.s32 $0xA;
	_ =	strace $0x80000048  }
0xb6: {  	_ =	swait.ge [sflag:s26], $0x1  }
0xb7: {  	[sflag:s26] =	ssyncadd.s32 $0xFFFFFFFF  }
0xb8: {  	_ =	strace $0x90000048  }
0xb9: {  	_ =	sfence  }
0xba: {  	s28 =	sld [smem:$0x0];
	_ =	sdelay $0x1  }
0xbb: {  	s29 =	srdreg.scid  }
0xbc: {  	s30 =	sshll.u32 s29, $0xD;
	s31 =	sshrl.u32 s29, $0x2  }
0xbd: {  	s2 =	sand.u32 $0x4000, s30;
	s1 =	sand.u32 $0x1, s29;
	s0 =	sadd.s32 s31, s28  }
0xbe: {  	s1 =	sor.u32 s2, s1;
	s0 =	sshll.u32 s0, $0x11  }
0xbf: {  	s0 =	sor.u32 s0, s1  }
0xc0: {  	s0 =	sadd.s32 $0x8F2B, s0  }
0xc1: {  	[sflag:s0] =	ssyncadd.remote.s32 $0x1  }
0xc2: {  	_ =	sfence.sel $0xFFFF  }
0xc3: {  	[dreg:$0x0] =	wrdreg $0xFFFFFFFF;
	(pc) =	sbr.abs _section_cstart, $3  }
0xc4: {  	[dreg:$0x1] =	wrdreg $0xFFFFFFFF  }
0xc5: {  	_ =	task.clear_ibuf [dreg:s5], $0x2FFFF;
	_ =	strace $0x9FFFFFFF  }
0xc6: {  	(tm) =	ssettm $0x7FFFFFFF  }
0xc7: {  	_ =	shalt  }
tec
execute0_lowered:
.L_overlay_start_1:
0x0: {  	(tag) =	ssettag $0x1  }
0x1: {  	s1 =	rddreg [dreg:$0x0]  }
0x2: {  	s0 =	rddreg [dreg:$0x1];
	_ =	strace $0x80000047;
	s15 =	stileid.u32  }
0x3: {  	s2 =	simm.s32 $0x1;
	s4 =	smin.u32 s15, $0x8;
	s3 =	sshll.u32 s15, $0x1  }
0x4: {  	v1 =	vimm.s32 $0xFFFFFFFF;
	[sflag:s2] =	ssyncpa.u1 $0x0;
	s4 =	sadd.s32 s4, s3  }
0x5: {  	s5 =	simm.s32 $0x5DC0;
	p0 =	slt.u32 s15, $0x8;
	[tilespmem:$0x10] =	vst v1;
	s4 =	smul.u32 $0x1F40, s4  }
0x6: {  	v0 =	vimm.f32 $0.0e+00;
	[tilespmem:$0x20] =	vst v1;
	s5 =	simm.s32 @!p0 $0x3E80  }
0x7: {  	[tilespmem:$0x30] =	vst v0;
	s5 =	sadd.s32 s5, s4  }
0x8: {  	[tilespmem:$0x40] =	vst v0;
	s5 =	smin.u32 s5, $0x4E200  }
0x9: {  	s7 =	simm.s32 $0x2;
	[tilespmem:$0x50] =	vst v0;
	s9 =	ssub.s32 s5, s4  }
0xa: {  	s8 =	simm.s32 $0x8;
	s31 =	simm.s32 $0x9;
	[tilespmem:$0x60] =	vst v1;
	p0 =	sgt.s32 s9, $0x0  }
0xb: {  	s16 =	simm.s32 $0x0;
	s17 =	simm.s32 $0xF0;
	[tilespmem:$0x70] =	vst v1;
	s9 =	simm.s32 @!p0 $0x0  }
0xc: {  	s18 =	simm.s32 $0xFFFFFFFF;
	s19 =	simm.s32 $0xFFFFC280;
	[tilespmem:$0x80] =	vst v1;
	s6 =	smulhi.u32 $0x10624DD3, s9  }
0xd: {  	s20 =	simm.s32 $0xFFFFFFFE;
	s21 =	simm.s32 $0xF;
	s25 =	simm.s32 $0x0;
	v1 =	vimm.s32 $0x0;
	[tilespmem:$0xB0] =	vst v0  }
0xe: {  	s24 =	simm.s32 $0x0;
	s15 =	sshllo.u32 s15, $0x1;
	[tilespmem:$0x90] =	vst v1;
	s10 =	sshrl.u32 s6, $0x9  }
0xf: {  	[tilespmem:$0xA0] =	vst v1;
	[sflag:s7] =	ssyncpa.u1 $0x0;
	s7 =	simm.s32 $0x7;
	s11 =	smul.u32 $0x1F40, s10  }
.Ltmp0:
0x10: {  	s13 =	sor.u32 $0x80, s3;
	[sflag:s7] =	ssyncpa.u1 $0x0;
	(pc) =	sbr.rel .LBB2_1-.Ltmp0, $4  }
0x11: {  	s14 =	sor.u32 $0x81, s3;
	[sflag:s8] =	ssyncpa.u1 $0x0;
	p0 =	sne.s32 s9, s11  }
0x12: {  	s23 =	smov.u32 s4;
	[sflag:s31] =	ssyncpa.u1 $0x0;
	s2 =	simm.s32 @!p0 $0x0  }
0x13: {  	vm0 =	vmmov $0xffff;
	v2 =	vlaneseq.u32;
	s6 =	sadd.s32 $0xEEFE00, s0;
	s9 =	sadd.s32 $0xEF9C00, s0;
	s10 =	sadd.s32 s2, s10  }
0x14: {  	vm1 =	vmxor vm1, vm1;
	vm2 =	vmmov $0x1;
	vm3 =	vcmask $0x3F3C;
	p0 =	por $0x0, $0x0;
	s11 =	sadd.s32 $0x1, s10;
	s12 =	sadd.s32 $0x2, s10  }
.LBB2_9:
0x15: {  	p1 =	slt.u32 s24, $0x3  }
0x16: {  	s0 =	simm.s32 @!p1 $0x2  }
0x17: {  	_ =	swait.ge @!p1 [sflag:s0], $0x1F40  }
0x18: {  	[sflag:s0] =	ssyncset.done @!p1 $0x0  }
0x19: {  	[sflag:s0] =	ssyncadd.s32 @!p1 $0xFFFFE0C0;
	s0 =	simm.s32 @!p1 $0x9  }
0x1a: {  	_ =	swait.ge @!p1 [sflag:s0], $0x10  }
0x1b: {  	[sflag:s0] =	ssyncset.done @!p1 $0x0  }
0x1c: {  	[sflag:s0] =	ssyncadd.s32 @!p1 $0xFFFFFFF0;
	p1 =	sne.s32 s24, s12  }
.Ltmp1:
0x1d: {  	s2 =	sadd.s32 $0x1F40, s23;
	(pc) =	sbr.rel @!p1 .LBB2_10-.Ltmp1, $4  }
0x1e: {  	s22 =	smov.u32 s4;
	s31 =	sadd.s32 $0x1, s24;
	s17 =	sadd.s32 $0x1F40, s17  }
0x1f: {  	s18 =	sadd.s32 $0x1, s18;
	s25 =	smov.u32 s23;
	p2 =	slt.s32 s2, s5  }
0x20: {  	p0 =	por !p0, !p0;
	s19 =	sadd.s32 $0x1F40, s19;
	s22 =	smov.u32 @p2 s2  }
0x21: {  	s20 =	sadd.s32 $0x1, s20;
	s23 =	smov.u32 s22;
	s24 =	smov.u32 s31  }
.LBB2_1:
0x22: {  	p1 =	sge.u32 s24, s10  }
0x23: {  	s0 =	smulhi.u32 @!p1 $0xAAAAAAAB, s24;
	_ =	sdelay $0x1  }
0x24: {  	s0 =	sshrl.u32 @!p1 s0, $0x1  }
0x25: {  	s0 =	smul.u32 @!p1 $0x3, s0;
	_ =	sdelay $0x1  }
0x26: {  	s0 =	ssub.s32 @!p1 s24, s0  }
0x27: {  	s0 =	smul.u32 @!p1 $0x7D00, s0;
	_ =	sdelay $0x1  }
0x28: {  	s2 =	sshrl.u32 @!p1 s23, $0x3;
	s0 =	sshrl.u32 @!p1 s0, $0x2  }
0x29: {  	s22 =	sand.u32 @!p1 $0x7, s23;
	s2 =	sadd.s32 @!p1 s6, s2;
	s0 =	sadd.s32 @!p1 $0x100, s0  }
0x2a: {  	[tilespmem:s0], [sflag:$0x7] =	stream.linear.gather @!p1 [hbm4b:s2+s22], $0x1F40, $0x38;
	[tilespmem:$0x11A60] =	vst v63  }
0x2b: {  	s0 =	sadd.s32 $0xFFFFFFFF, s24  }
0x2c: {  	p1 =	sge.u32 s0, s10  }
.Ltmp2:
0x2d: {  	_ = 	snop;
	(pc) =	sbr.rel @p1 .LBB2_5-.Ltmp2, $1  }
0x2e: {  	_ =	sdelay $0x3  }
0x2f: {  	s2 =	smulhi.u32 $0xAAAAAAAB, s0;
	_ =	sdelay $0x1  }
0x30: {  	s2 =	sshrl.u32 s2, $0x1  }
0x31: {  	s2 =	smul.u32 $0x3, s2;
	_ =	sdelay $0x1  }
0x32: {  	s2 =	ssub.s32 s0, s2  }
0x33: {  	s2 =	smul.u32 $0x7D00, s2  }
0x34: {  	_ =	swait.ge [sflag:s7], $0x1F40  }
0x35: {  	[sflag:s7] =	ssyncset.done $0x0;
	s2 =	sshrl.u32 s2, $0x2  }
0x36: {  	[sflag:s7] =	ssyncadd.s32 $0xFFFFE0C0;
	(ifvalue) =	ssetifvalue $0xFFFFFFFF;
	v3 =	vld.msk [tilespmem:s2+$0x100 ss:$0x1], $0xffff;
	_ =	sdelay $0x2  }
0x37: {  	s30 =	smulhi.u32 $0xAAAAAAAB, s18;
	p1 =	sne.s32 s24, $0x1  }
0x38: {  	v4 =	vimm.s32 @!p1 $0x0  }
0x39: {  	s2 =	sshrl.u32 s30, $0x1;
	v4 =	vperm.xlane @!p1 v3, v4  }
0x3a: {  	s22 =	sshll.u32 s24, $0x4;
	s2 =	smul.u32 $0xFFFE8900, s2;
	vm4 =	vlt.u32 v3, $0x2800  }
0x3b: {  	s22 =	sand.u32 $0x10, s22;
	v3 =	vnsel vm4, $0xFFFFFFFE, v3;
	vm4 =	vlt.u32 @!p1 v4, $0x2800  }
0x3c: {  	s2 =	sshra.s32 s2, $0x2;
	[tilespmem:s22+$0x60] =	vst v3;
	v3 =	vnsel @!p1 vm4, $0xFFFFFFFE, v4  }
0x3d: {  	s28 =	sadd.s32 s2, s17;
	[tilespmem:$0x80] =	vst @!p1 v3  }
0x3e: {  	v3 =	vld.msk [tilespmem:s28+$0x0 ss:$0x1], $0xffff;
	_ =	sdelay $0x4  }
0x3f: {  	(xrf1) =	vunique.msk.u32 $0xffff, v3;
	_ =	sdelay $0xd  }
0x40: {  	v4 =	vimm.s32 $0xFFFFFFFF;
	v5, _, _ =	vpop (xrf1)  }
0x41: {  	vm5 =	vne.s32 v3, v4;
	vm4 =	veq.s32 v5, v2  }
0x42: {  	vm6 =	vlt.u32 v3, $0x2800;
	vm4 =	vmand vm5, vm4  }
0x43: {  	vm4 =	vmand vm6, vm4  }
0x44: {  	v4 =	vnsel vm4, $0xFFFFFFFF, v3  }
0x45: {  	s31 =	sand.u32 $0x1, s0  }
0x46: {  	s0 =	simm.s32 $0x1F40;
	p1 =	seq.s32 s31, $0x1  }
0x47: {  	s0 =	simm.s32 @!p1 $0x0  }
0x48: {  	s26 =	sadd.s32 $0x7DF0, s0;
	(ifvalue) =	ssetifvalue $0xFFFFFFFF  }
0x49: {  	v3 =	vperm.xlane v3, v1;
	[tilespmem:s26], [sflag:$0x8] =	stream.indirect_vreg.gather [hbm4b:s1+s16], $0x1, v4, vm0, $0x4038;
	v4 =	vnsel vm6, $0xFFFFFFFE, v4;
	[tilespmem:$0x11A60] =	vst v63  }
0x4a: {  	s2 =	simm.s32 $0x0;
	s22 =	sadd.s32 $0xFFFFFFF0, s28;
	[tilespmem:s28+$0x0] =	vst v4  }
.LBB2_3:
0x4b: {  	v4 =	vld.msk [tilespmem:s22+$0x0 ss:$0x1], $0xffff;
	s2 =	sadd.s32 $0x10, s2;
	v5 =	vmov v3;
	s28 =	smov.u32 s22  }
0x4c: {  	p1 =	slt.u32 s2, $0x1F30;
	_ =	sdelay $0x4  }
0x4d: {  	v3 =	vperm.xlane v4, v1;
	(xrf1) =	vunique.msk.u32 $0xffff, v4;
	_ =	sdelay $0xd  }
0x4e: {  	v6, _, _ =	vpop (xrf1)  }
0x4f: {  	vm5 =	vne.s32 v4, v5;
	vm4 =	veq.s32 v6, v2  }
0x50: {  	vm6 =	vlt.u32 v4, $0x2800;
	vm4 =	vmand vm5, vm4  }
0x51: {  	vm4 =	vmand vm6, vm4  }
0x52: {  	v4 =	vnsel vm4, $0xFFFFFFFF, v4  }
.Ltmp3:
0x53: {  	v5 =	vnsel vm6, $0xFFFFFFFE, v4;
	(pc) =	sbr.rel @p1 .LBB2_3-.Ltmp3, $3  }
0x54: {  	_ =	sdelay $0x1  }
0x55: {  	s22 =	sadd.s32 $0xFFFFFFF0, s22;
	s26 =	sadd.s32 $0xFFFFFFF0, s26;
	(ifvalue) =	ssetifvalue $0xFFFFFFFF  }
0x56: {  	[tilespmem:s26], [sflag:$0x8] =	stream.indirect_vreg.gather [hbm4b:s1+s16], $0x1, v4, vm0, $0x4038;
	[tilespmem:s28+$0x0] =	vst v5  }
0x57: {  	s2 =	sshrl.u32 s25, $0x3  }
0x58: {  	s0 =	sadd.s32 $0x9D40, s0;
	s2 =	sadd.s32 s9, s2  }
0x59: {  	[tilespmem:s0], [sflag:$0x8] =	stream.linear.gather [hbm:s2], $0x1F40, $0x38;
	[tilespmem:$0x11A60] =	vst v63  }
.LBB2_5:
0x5a: {  	p1 =	slt.u32 s24, $0x2  }
0x5b: {  	p2 =	sge.u32 @!p1 s24, s12  }
0x5c: {  	p1 =	por p1, p2  }
.Ltmp4:
0x5d: {  	_ = 	snop;
	(pc) =	sbr.rel @p1 .LBB2_9-.Ltmp4, $1  }
0x5e: {  	_ =	sdelay $0x3  }
0x5f: {  	s0 =	sadd.s32 $0xFFFFFFFE, s24  }
0x60: {  	s2 =	smulhi.u32 $0xAAAAAAAB, s0;
	_ =	sdelay $0x1  }
0x61: {  	s2 =	sshrl.u32 s2, $0x1  }
0x62: {  	s2 =	smul.u32 $0x3, s2;
	_ =	sdelay $0x1  }
0x63: {  	s0 =	ssub.s32 s0, s2  }
0x64: {  	_ =	swait.ge [sflag:s8], $0x3E80;
	s0 =	smul.u32 $0x1F40, s0  }
0x65: {  	p1 =	sne.s32 s24, s11;
	[sflag:s8] =	ssyncset.done $0x0  }
0x66: {  	[sflag:s8] =	ssyncadd.s32 $0xFFFFC180;
	s2 =	sadd.s32 @!p1 $0x203F, s0  }
0x67: {  	[spmem:s14] =	stream.linear.scatter @!p1 [tilespmem:s2], [sflag:$0x1], $0x1, $0x38;
	[tilespmem:$0x11A60] =	vst v63  }
0x68: {  	s2 =	simm.s32 @!p1 $0x1  }
0x69: {  	_ =	swait.ge @!p1 [sflag:s2], $0x1  }
0x6a: {  	s22 =	sshll.u32 s24, $0x4;
	[sflag:s2] =	ssyncset.done @!p1 $0x0  }
0x6b: {  	s25 =	sand.u32 $0x10, s22;
	[sflag:s2] =	ssyncadd.s32 @!p1 $0xFFFFFFFF  }
0x6c: {  	s2 =	sxor.u32 $0x10, s25;
	v4 =	vld [tilespmem:s25+$0x10]  }
0x6d: {  	v5 =	vld [tilespmem:s2+$0x60]  }
0x6e: {  	v3 =	vld [tilespmem:$0x80];
	_ =	sdelay $0x2  }
0x6f: {  	(v2sf) =	vpush v4, $0x0  }
0x70: {  	(v2sf) =	vpush v5, $0x0  }
0x71: {  	(v2sf) =	vpush v3, $0x0;
	_ =	sdelay $0xc  }
0x72: {  	s22 =	spop (v2sf)  }
0x73: {  	s26 =	spop (v2sf)  }
0x74: {  	s28 =	spop (v2sf)  }
0x75: {  	p2 =	seq.s32 s22, s26;
	p3 =	seq.s32 s28, s22  }
0x76: {  	p3 =	por p2, p3  }
0x77: {  	s26 =	sand.u32 $0x1, s24;
	v4 =	vpsel p3, $0xFFFFFFFF, v4  }
0x78: {  	s29 =	smul.u32 $0x1F40, s26;
	[tilespmem:s25+$0x10] =	vst.msk $0x1, v4  }
0x79: {  	v4 =	vld [tilespmem:$0x30]  }
0x7a: {  	v5 =	vld [tilespmem:s29+$0x9D40]  }
0x7b: {  	v6 =	vld [tilespmem:s25+$0x40];
	_ =	sdelay $0x3  }
0x7c: {  	vm4 =	vmmov vm1;
	v5 =	vadd.f32 v5, v4  }
0x7d: {  	vm5 =	vmmov vm2;
	vm4 =	vmmov @p2 vm2;
	s22 =	sshll.u32 s26, $0x4;
	v4 =	vadd.f32 v6, v4  }
0x7e: {  	s26 =	sor.u32 $0x11A40, s22;
	vm5 =	vmmov @p3 vm1;
	[tilespmem:s29+$0x9D40] =	vst.msk vm4, v5  }
0x7f: {  	[tilespmem:s26+$0x0] =	vst.msk vm5, v4  }
0x80: {  	v4 =	vld [tilespmem:s29+$0x7DF0];
	_ =	sdelay $0x3  }
0x81: {  	v5 =	vimm.f32 $0.0e+00  }
0x82: {  	v4 =	vshift.insert v4, v5, s21  }
0x83: {  	s22 =	sor.u32 $0x40, s2  }
0x84: {  	[tilespmem:s22+$0x0] =	vst.msk $0x1, v4  }
0x85: {  	[tilespmem:s29+$0x7DFF] =	vst.msk $0x1, v5  }
0x86: {  	v4 =	vld [tilespmem:s0+$0x2030];
	_ =	sdelay $0x1  }
0x87: {  	s22 =	smulhi.u32 $0xAAAAAAAB, s20;
	s0 =	simm.s32 $0x1  }
0x88: {  	s0 =	simm.s32 @!p0 $0x0  }
0x89: {  	s22 =	sshrl.u32 s22, $0x1;
	s0 =	smul.u32 $0x7D00, s0  }
0x8a: {  	s22 =	smul.u32 $0xFFFE8900, s22;
	v4 =	vshift.insert v4, v1, s21  }
0x8b: {  	s0 =	sshrl.u32 s0, $0x2  }
0x8c: {  	s22 =	sshra.s32 s22, $0x2;
	s30 =	sadd.s32 $0x9D40, s0;
	[tilespmem:s2+$0x10] =	vst.msk $0x1, v4  }
0x8d: {  	s22 =	sadd.s32 s22, s19;
	v6 =	vld [tilespmem:s30+$0x0]  }
0x8e: {  	v7 =	vld [tilespmem:s22+$0x0];
	_ =	sdelay $0x3  }
0x8f: {  	v5 =	vadd.f32 v6, v5  }
0x90: {  	vm4 =	vne.s32 v7, $0xFFFFFFFF  }
0x91: {  	(xrf2) =	vadd.seg.scan.f32 vm4, v5;
	_ =	sdelay $0x3  }
0x92: {  	s31 =	sadd.s32 $0x5EC0, s0;
	v5 =	vperm.xlane v4, v1  }
0x93: {  	v6 =	vld [tilespmem:s31+$0x0]  }
0x94: {  	vm5 =	veq.s32 v7, v3;
	vm6 =	veq.s32 v7, v5  }
0x95: {  	vm7 =	vgt.u32 v7, $0xFFFFFFFD;
	vm6 =	vmor vm6, vm5  }
0x96: {  	vm6 =	vmor vm6, vm7  }
0x97: {  	v9 =	vld [tilespmem:$0xA0];
	v7 =	vsel vm6, $0xFFFFFFFF, v7  }
0x98: {  	v10 =	vld [tilespmem:$0x90];
	v6 =	vsel vm5, $0x0, v6;
	v8, _, _ =	vpop (xrf2)  }
0x99: {  	v6 =	vadd.f32 v8, v6  }
0x9a: {  	s0 =	sadd.s32 $0xDBC0, s0  }
0x9b: {  	vm4 =	vmand vm4, vm3;
	[tilespmem:s0+$0x0] =	vst v6;
	(ifvalue) =	ssetifvalue $0xFFFFFFFF  }
0x9c: {  	vm6 =	veq.s32 v9, $0x1;
	[hbm4b:s1+s16] =	stream.indirect_vreg.scatter [tilespmem:s0], [sflag:$0x2], $0x1, v7, vm0, $0x4038;
	v7 =	vsel vm4, $0x0, v8;
	[tilespmem:$0x11A60] =	vst v63  }
0x9d: {  	s2 =	simm.s32 $0x0;
	s22 =	sadd.s32 $0x10, s22;
	vm4 =	vmor vm6, vm5;
	v6 =	vsel vm5, v8, v10;
	v7 =	vshift.insert v7, v0, s21  }
.LBB2_7:
0x9e: {  	v8 =	vld [tilespmem:s22+$0x0];
	s30 =	sadd.s32 $0x10, s30  }
0x9f: {  	s31 =	sadd.s32 $0x10, s31;
	v9 =	vld [tilespmem:s30+$0x0]  }
0xa0: {  	s2 =	sadd.s32 $0x10, s2;
	v10 =	vld [tilespmem:s31+$0x0]  }
0xa1: {  	p2 =	slt.u32 s2, $0x1F30;
	_ =	sdelay $0x2  }
0xa2: {  	v7 =	vadd.f32 v9, v7  }
0xa3: {  	vm5 =	vne.s32 v8, $0xFFFFFFFF  }
0xa4: {  	vm6 =	vmand vm5, vm3;
	(xrf2) =	vadd.seg.scan.f32 vm5, v7;
	_ =	sdelay $0x5  }
0xa5: {  	vm7 =	veq.s32 v8, v5;
	vm5 =	veq.s32 v8, v3  }
0xa6: {  	vm8 =	vgt.u32 v8, $0xFFFFFFFD;
	vm4 =	vmor vm4, vm5;
	vm7 =	vmor vm7, vm5  }
0xa7: {  	vm7 =	vmor vm7, vm8  }
0xa8: {  	v8 =	vsel vm7, $0xFFFFFFFF, v8  }
.Ltmp5:
0xa9: {  	v7 =	vsel vm5, $0x0, v10;
	v9, _, _ =	vpop (xrf2);
	(pc) =	sbr.rel @p2 .LBB2_7-.Ltmp5, $4  }
0xaa: {  	v6 =	vsel vm5, v9, v6;
	v10 =	vadd.f32 v9, v7;
	v7 =	vsel vm6, $0x0, v9  }
0xab: {  	s0 =	sadd.s32 $0x10, s0;
	v7 =	vshift.insert v7, v0, s21  }
0xac: {  	s22 =	sadd.s32 $0x10, s22;
	[tilespmem:s0+$0x0] =	vst v10;
	(ifvalue) =	ssetifvalue $0xFFFFFFFF  }
0xad: {  	[hbm4b:s1+s16] =	stream.indirect_vreg.scatter [tilespmem:s0], [sflag:$0x2], $0x1, v8, vm0, $0x4038;
	[tilespmem:$0x11A60] =	vst v63  }
0xae: {  	v3 =	vld [tilespmem:s29+$0xFAF0];
	_ =	sdelay $0x4  }
0xaf: {  	v3 =	vshift.insert v3, v0, s21  }
0xb0: {  	s0 =	simm.s32 $0x30  }
0xb1: {  	[tilespmem:s0+$0x0] =	vst.msk $0x1, v3  }
0xb2: {  	v3 =	vsel vm4, $0x1, v1;
	[tilespmem:$0x90] =	vst v6  }
0xb3: {  	s0 =	sadd.s32 @!p1 $0xFAFF, s29;
	[tilespmem:$0xA0] =	vst v3  }
0xb4: {  	[spmem:s15] =	stream.linear.scatter @!p1 [tilespmem:s0], [sflag:$0x1], $0x1, $0x38;
	[tilespmem:$0x11A60] =	vst v63  }
0xb5: {  	s0 =	simm.s32 @!p1 $0x1  }
0xb6: {  	v3 =	vmctz.xlane @!p1 vm4;
	_ =	swait.ge @!p1 [sflag:s0], $0x1  }
0xb7: {  	(v2sf) =	vpush @!p1 v4, $0x0  }
0xb8: {  	(v2sf) =	vpush @!p1 v3, $0x0;
	_ =	sdelay $0xd  }
0xb9: {  	s2 =	spop @!p1 (v2sf)  }
0xba: {  	s22 =	spop @!p1 (v2sf)  }
0xbb: {  	p2 =	sne.s32 @!p1 s28, s2;
	p3 =	slt.s32 @!p1 s22, $0xF  }
0xbc: {  	[sflag:s0] =	ssyncset.done @!p1 $0x0;
	p2 =	por p2, p1;
	p3 =	por !p3, p1  }
0xbd: {  	[sflag:s0] =	ssyncadd.s32 @!p1 $0xFFFFFFFF;
	v3 =	vimm.s32 @!p2 $0xFFFFFFFF;
	s22 =	simm.s32 @p3 $0xF  }
0xbe: {  	[tilespmem:$0x80] =	vst @!p2 v3;
	s2 =	sadd.s32 @!p1 $0x90, s22  }
0xbf: {  	[spmem:s3] =	stream.linear.scatter @!p1 [tilespmem:s2], [sflag:$0x1], $0x1, $0x38;
	[tilespmem:$0x11A60] =	vst v63  }
0xc0: {  	_ =	swait.ge @!p1 [sflag:s0], $0x1  }
0xc1: {  	[sflag:s0] =	ssyncset.done @!p1 $0x0  }
0xc2: {  	s2 =	simm.s32 @!p1 $0x80;
	[sflag:s0] =	ssyncadd.s32 @!p1 $0xFFFFFFFF  }
0xc3: {  	[spmem:s13] =	stream.linear.scatter @!p1 [tilespmem:s2], [sflag:$0x1], $0x1, $0x38;
	[tilespmem:$0x11A60] =	vst v63  }
0xc4: {  	_ =	swait.ge @!p1 [sflag:s0], $0x1  }
0xc5: {  	[sflag:s0] =	ssyncset.done @!p1 $0x0  }
0xc6: {  	[sflag:s0] =	ssyncadd.s32 @!p1 $0xFFFFFFFF;
	(ifvalue) =	ssetifvalue $0xFFFFFFFF;
	v3 =	vld [tilespmem:s25+$0x10];
	_ =	sdelay $0x3  }
.Ltmp6:
0xc7: {  	_ = 	snop;
	(pc) =	sbr.rel .LBB2_9-.Ltmp6, $3  }
0xc8: {  	_ =	sdelay $0x1  }
0xc9: {  	(ifvalue) =	ssetifvalue $0xFFFFFFFF  }
0xca: {  	[hbm4b:s1+s16] =	stream.indirect_vreg.scatter [tilespmem:s26], [sflag:$0x9], $0x1, v3, vm0, $0x4038;
	[tilespmem:$0x11A60] =	vst v63  }
.LBB2_10:
0xcb: {  	_ =	sfence.sel $0x180000  }
0xcc: {  	s0 =	simm.s32 $0x7;
	[bflag:$0x0] =	sbarrier.arrive $0xFFFF  }
0xcd: {  	s26 =	simm.s32 $0x8;
	[sflag:s0] =	ssyncpa.u1 $0x1  }
0xce: {  	s28 =	simm.s32 $0x9;
	[sflag:s26] =	ssyncpa.u1 $0x1  }
0xcf: {  	[sflag:s28] =	ssyncpa.u1 $0x1  }
0xd0: {  	_ =	sfence.stream.spmem  }
0xd1: {  	s29 =	simm.s32 $0x3;
	[bflag:$0x0] =	sbarrier.arrive $0xFFFF  }
0xd2: {  	s30 =	simm.s32 $0x4;
	[sflag:s29] =	ssyncpa.u1 $0x1  }
0xd3: {  	s31 =	simm.s32 $0x3C;
	s2 =	stileid.u32;
	[sflag:s30] =	ssyncpa.u1 $0x1  }
0xd4: {  	p0 =	sne.s32 s2, $0x0;
	[sflag:s31] =	ssyncpa.u1 $0x1  }
0xd5: {  	s0 =	simm.s32 @p0 $0x1;
	_ =	sfence @p0  }
0xd6: {  	[sflag:s0] =	ssyncpa.u1 @p0 $0x1;
	s0 =	simm.s32 @p0 $0x2  }
0xd7: {  	[sflag:s0] =	ssyncpa.u1 @p0 $0x1  }
0xd8: {  	_ =	strace @p0 $0x90000047  }
0xd9: {  	[bflag:$0x2] =	sbarrier.arrive @p0 $0xFFFF  }
0xda: {  	_ =	shalt @p0  }
.LBB2_11:
0xdb: {  	_ =	sfence.stream.spmem;
	s0 =	simm.s32 $0x5  }
0xdc: {  	s2 =	simm.s32 $0x80;
	s3 =	simm.s32 $0xC0;
	[sflag:s0] =	ssyncpa.u1 $0x0  }
0xdd: {  	[tilespmem:s3], [sflag:$0x5] =	stream.linear.gather [spmem:s2], $0x20, $0x38;
	[tilespmem:$0x11A60] =	vst v63  }
0xde: {  	s2 =	simm.s32 $0x0;
	s3 =	simm.s32 $0xE0  }
0xdf: {  	[tilespmem:s3], [sflag:$0x5] =	stream.linear.gather [spmem:s2], $0x20, $0x38;
	[tilespmem:$0x11A60] =	vst v63  }
.Ltmp7:
0xe0: {  	_ = 	snop;
	(pc) =	sbr.rel .LBB2_12-.Ltmp7, $4  }
0xe1: {  	_ =	swait.ge [sflag:s0], $0x40  }
0xe2: {  	[sflag:s0] =	ssyncset.done $0x0  }
0xe3: {  	s31 =	simm.s32 $0x6;
	[sflag:s0] =	ssyncadd.s32 $0xFFFFFFC0  }
0xe4: {  	s4 =	simm.s32 $0x0;
	[sflag:s31] =	ssyncpa.u1 $0x0  }
.LBB2_17:
0xe5: {  	p0 =	sgt.u32 s5, $0x27FF  }
0xe6: {  	s0 =	sshrl.u32 @!p0 s5, $0x3  }
0xe7: {  	s5 =	sand.u32 @!p0 $0x7, s5;
	s6 =	simm.s32 @!p0 $0xB0;
	s0 =	sadd.s32 @!p0 s1, s0  }
0xe8: {  	[tilespmem:s6], [sflag:$0x6] =	stream.linear.gather @!p0 [hbm4b:s0+s5], $0x1, $0x38;
	[tilespmem:$0x11A60] =	vst v63  }
0xe9: {  	s0 =	simm.s32 @!p0 $0x6  }
0xea: {  	_ =	swait.ge @!p0 [sflag:s0], $0x1  }
0xeb: {  	[sflag:s0] =	ssyncset.done @!p0 $0x0  }
0xec: {  	[sflag:s0] =	ssyncadd.s32 @!p0 $0xFFFFFFFF  }
0xed: {  	v2 =	vmov @!p0 s4;
	v1 =	vld.msk @!p0 [tilespmem:$0xB0], $0x1;
	_ =	sdelay $0x3  }
0xee: {  	s0 =	simm.s32 @!p0 $0xE0  }
0xef: {  	[tilespmem:v2+s0+$0x0], v1 =	vst.idx.ret.add.f32.msk @!p0 $0x1, v1  }
0xf0: {  	[tilespmem:s2+$0xC0] =	vst.msk $0x1, v0  }
0xf1: {  	v0 =	vld.msk [tilespmem:s4+$0xE0], $0x1;
	_ =	sdelay $0x4  }
0xf2: {  	[tilespmem:s2+$0xE0] =	vst.msk $0x1, v0;
	s2 =	sadd.s32 $0x1, s2  }
.LBB2_19:
0xf3: {  	s4 =	sadd.s32 $0x1, s4  }
0xf4: {  	p0 =	sne.s32 s4, $0x20  }
.Ltmp8:
0xf5: {  	_ = 	snop;
	(pc) =	sbr.rel @!p0 .LBB2_20-.Ltmp8, $1  }
0xf6: {  	_ =	sdelay $0x3  }
.LBB2_12:
0xf7: {  	v0 =	vld.msk [tilespmem:s4+$0xC0], $0x1;
	_ =	sdelay $0x4  }
0xf8: {  	(v2sf) =	vpush v0, $0x0;
	_ =	sdelay $0xe  }
0xf9: {  	s5 =	spop (v2sf)  }
0xfa: {  	p0 =	seq.s32 s5, $0xFFFFFFFF  }
.Ltmp9:
0xfb: {  	_ = 	snop;
	(pc) =	sbr.rel @p0 .LBB2_19-.Ltmp9, $1  }
0xfc: {  	_ =	sdelay $0x3  }
0xfd: {  	p0 =	slt.s32 s2, $0x1  }
.Ltmp10:
0xfe: {  	_ = 	snop;
	(pc) =	sbr.rel @p0 .LBB2_17-.Ltmp10, $1  }
0xff: {  	_ =	sdelay $0x3  }
0x100: {  	s0 =	simm.s32 $0xC0;
	p0 =	por $0x0, $0x0  }
0x101: {  	v1 =	vld.msk @!p0 [tilespmem:s0+$0x0], $0x1;
	_ =	sdelay $0x4  }
0x102: {  	(v2sf) =	vpush @!p0 v1, $0x0;
	_ =	sdelay $0xd  }
0x103: {  	p2 =	sne.s32 s2, $0x1  }
.Ltmp11:
0x104: {  	s6 =	spop @!p0 (v2sf);
	(pc) =	sbr.rel @!p2 .LBB2_16-.Ltmp11, $4  }
0x105: {  	p1 =	seq.s32 @!p0 s5, s6  }
0x106: {  	s6 =	simm.s32 $0x0;
	p1 =	por !p1, p0  }
0x107: {  	s8 =	simm.s32 $0xFFFFFFFF;
	s6 =	simm.s32 @p1 $0xFFFFFFFF  }
0x108: {  	s7 =	simm.s32 $0x1;
	s6 =	smov.u32 @p0 s8  }
.LBB2_15:
0x109: {  	s8 =	smov.u32 s6;
	p0 =	sne.s32 s6, $0xFFFFFFFF  }
0x10a: {  	s0 =	sadd.s32 $0x1, s0;
	s6 =	smov.u32 s7;
	s7 =	sadd.s32 $0x1, s7  }
0x10b: {  	p1 =	sne.s32 s2, s7;
	v1 =	vld.msk @!p0 [tilespmem:s0+$0x0], $0x1;
	_ =	sdelay $0x4  }
0x10c: {  	(v2sf) =	vpush @!p0 v1, $0x0;
	_ =	sdelay $0xe  }
.Ltmp12:
0x10d: {  	s9 =	spop @!p0 (v2sf);
	(pc) =	sbr.rel @p1 .LBB2_15-.Ltmp12, $4  }
0x10e: {  	p2 =	seq.s32 @!p0 s5, s9  }
0x10f: {  	p2 =	por !p2, p0  }
0x110: {  	s6 =	simm.s32 @p2 $0xFFFFFFFF  }
0x111: {  	s6 =	smov.u32 @p0 s8  }
.LBB2_16:
0x112: {  	p0 =	sne.s32 s6, $0xFFFFFFFF  }
.Ltmp13:
0x113: {  	_ = 	snop;
	(pc) =	sbr.rel @!p0 .LBB2_17-.Ltmp13, $1  }
0x114: {  	_ =	sdelay $0x3  }
0x115: {  	v0 =	vld.msk [tilespmem:s4+$0xE0], $0x1;
	v1 =	vmov s6  }
.Ltmp14:
0x116: {  	_ = 	snop;
	(pc) =	sbr.rel .LBB2_19-.Ltmp14, $2  }
0x117: {  	_ =	sdelay $0x2  }
0x118: {  	[tilespmem:v1+s3+$0x0], v0 =	vst.idx.ret.add.f32.msk $0x1, v0  }
.LBB2_20:
0x119: {  	p0 =	slt.s32 s2, $0x1  }
.Ltmp15:
0x11a: {  	_ = 	snop;
	(pc) =	sbr.rel @p0 .LBB2_24-.Ltmp15, $3  }
0x11b: {  	_ =	sdelay $0x1  }
0x11c: {  	s0 =	simm.s32 $0x6  }
0x11d: {  	s3 =	simm.s32 $0x0;
	[sflag:s0] =	ssyncpa.u1 $0x1  }
0x11e: {  	s0 =	simm.s32 $0xC0  }
0x11f: {  	v0 =	vld.msk [tilespmem:s0+$0x0], $0x1;
	_ =	sdelay $0x4  }
0x120: {  	(v2sf) =	vpush v0, $0x0;
	_ =	sdelay $0xe  }
0x121: {  	s2 =	sadd.s32 $0xFFFFFFFF, s2;
	s4 =	spop (v2sf)  }
0x122: {  	p1 =	sne.s32 s2, $0x0;
	p0 =	sgt.u32 s4, $0x27FF  }
.Ltmp16:
0x123: {  	s5 =	sshrl.u32 @!p0 s4, $0x3;
	(pc) =	sbr.rel @!p1 .LBB2_23-.Ltmp16, $4  }
0x124: {  	s0 =	simm.s32 $0xE0;
	s4 =	sand.u32 @!p0 $0x7, s4;
	s5 =	sadd.s32 @!p0 s1, s5  }
0x125: {  	[hbm4b:s5+s4] =	stream.linear.scatter @!p0 [tilespmem:s0], [sflag:$0x5], $0x1, $0x38;
	[tilespmem:$0x11A60] =	vst v63  }
0x126: {  	s5 =	simm.s32 $0x0  }
0x127: {  	s4 =	simm.s32 $0xC1;
	s5 =	simm.s32 @!p0 $0x4  }
.LBB2_22:
0x128: {  	v0 =	vld.msk [tilespmem:s4+$0x0], $0x1;
	s2 =	sadd.s32 $0xFFFFFFFF, s2;
	s3 =	sadd.s32 s3, s5  }
0x129: {  	p0 =	sne.s32 s2, $0x0;
	_ =	sdelay $0x3  }
0x12a: {  	(v2sf) =	vpush v0, $0x0;
	_ =	sdelay $0xe  }
.Ltmp17:
0x12b: {  	s6 =	spop (v2sf);
	(pc) =	sbr.rel @p0 .LBB2_22-.Ltmp17, $4  }
0x12c: {  	s5 =	simm.s32 $0x0;
	p1 =	sgt.u32 s6, $0x27FF  }
0x12d: {  	s0 =	sadd.s32 $0x1, s0;
	s5 =	simm.s32 @!p1 $0x4;
	s7 =	sshrl.u32 @!p1 s6, $0x3  }
0x12e: {  	s4 =	sadd.s32 $0x1, s4;
	s6 =	sand.u32 @!p1 $0x7, s6;
	s7 =	sadd.s32 @!p1 s1, s7  }
0x12f: {  	[hbm4b:s7+s6] =	stream.linear.scatter @!p1 [tilespmem:s0], [sflag:$0x5], $0x1, $0x38;
	[tilespmem:$0x11A60] =	vst v63  }
.LBB2_23:
0x130: {  	s0 =	sadd.s32 s3, s5  }
0x131: {  	s3 =	sshrl.u32 s0, $0x2  }
.LBB2_24:
0x132: {  	s0 =	simm.s32 $0x5  }
0x133: {  	_ =	swait.ge [sflag:s0], s3  }
0x134: {  	s1 =	ssub.s32 $0x0, s3;
	[sflag:s0] =	ssyncset.done $0x0  }
0x135: {  	[sflag:s0] =	ssyncadd.s32 s1  }
0x136: {  	[sflag:s0] =	ssyncpa.u1 $0x1  }
0x137: {  	s29 =	simm.s32 $0x1;
	_ =	sfence  }
0x138: {  	s30 =	simm.s32 $0x2;
	[sflag:s29] =	ssyncpa.u1 $0x1  }
0x139: {  	[sflag:s30] =	ssyncpa.u1 $0x1  }
0x13a: {  	_ =	strace $0x90000047  }
0x13b: {  	[bflag:$0x2] =	sbarrier.arrive $0xFFFF  }
0x13c: {  	s31 =	rddreg [dreg:$0x2]  }
0x13d: {  	s0 =	sadd.s32 $0x100000, s31  }
0x13e: {  	[sflag:s0] =	ssyncadd.tile.s32 $0x1;
	_ =	shalt  }
.Lfunc_end2:
_tile_overlayer_lowered:
.L_overlay_start_2:
0x13f: {  	(tag) =	ssettag $0x2  }
0x140: {  	s0 =	rddreg [dreg:$0x0];
	s2 =	stileid.u32  }
0x141: {  	s1 =	rddreg [dreg:$0x1];
	p0 =	sne.s32 s2, $0x0  }
0x142: {  	s3 =	rddreg [dreg:$0x2];
	[bflag:$0x3] =	sbarrier.arrive $0xFFFF;
	s2 =	simm.s32 @!p0 $0x1C01  }
0x143: {  	[timem:s3], [sflag:s2] =	dma.local @!p0 [hbm:s0], s1  }
0x144: {  	s0 =	simm.s32 @!p0 $0x1  }
0x145: {  	_ =	swait.ge @!p0 [sflag:s0], s1  }
0x146: {  	s1 =	ssub.s32 @!p0 $0x0, s1;
	[sflag:s0] =	ssyncset.done @!p0 $0x0  }
0x147: {  	[sflag:s0] =	ssyncadd.s32 @!p0 s1  }
0x148: {  	[bflag:$0x3] =	sbarrier.arrive $0xFFFF  }
0x149: {  	_ =	shalt  }

// kernel: scatter_offload_async_start.2
scs
__scs_entry_jumppad:
0x0: {  	(pc) =	sbr.rel $0x88, $3  }
0x1: {  	(tag) =	ssettag $0x0;
	lr =	simm.s32 $0x1  }
0x2: {  	[smem:$0x3F92] =	sst lr;
	_ =	strace $0xD0000000  }
0x3: {  	_ = 	snop  }
0x4: {  	_ = 	snop  }
0x5: {  	_ = 	snop  }
0x6: {  	_ = 	snop  }
0x7: {  	_ = 	snop  }
__scs_overlays_trampoline_lowered:
0x8: {  	[smem:$0x3FA1] =	sst s0  }
0x9: {  	[smem:$0x3FA2] =	sst s1  }
0xa: {  	[smem:$0x3FA3] =	sst s2  }
0xb: {  	[smem:$0x3FA4] =	sst s3  }
0xc: {  	[smem:$0x3FA5] =	sst s4  }
0xd: {  	[smem:$0x3FA6] =	sst s5  }
0xe: {  	[smem:$0x3FA7] =	sst s6  }
0xf: {  	[smem:$0x3FA8] =	sst s7  }
0x10: {  	[smem:$0x3FA9] =	sst s8  }
0x11: {  	[smem:$0x3FAA] =	sst s9;
	s0 =	simm.s32 @!p0 $0x0  }
0x12: {  	s1 =	sld [smem:$0x3F90];
	s0 =	simm.s32 @p0 $0x1  }
0x13: {  	[smem:$0x3FAB] =	sst s0;
	s0 =	simm.s32 @!p1 $0x0  }
0x14: {  	s2 =	sld [smem:$0x3F8F];
	s0 =	simm.s32 @p1 $0x1  }
0x15: {  	[smem:$0x3FAC] =	sst s0;
	s0 =	simm.s32 @!p2 $0x0  }
0x16: {  	s3 =	sld [smem:$0x3FDB];
	s0 =	simm.s32 @p2 $0x1  }
0x17: {  	s4 =	simm.s32 $0x1BF5;
	[smem:$0x3FAE] =	sst s0  }
0x18: {  	s0 =	sld [smem:$0x3F91];
	_ =	swait.ge [sflag:s4], $0x0  }
0x19: {  	s7 =	sld [smem:$0x3F92]  }
0x1a: {  	s8 =	sadd.s32 $0xFFFFE003, lr  }
0x1b: {  	s9 =	sadd.s32 $0xFFFFFEF7, lr;
	s5 =	simm.s32 $0xFFFFFFFF;
	p2 =	slt.u32 s8, $0xFFFFF086  }
0x1c: {  	p1 =	slt.u32 s9, $0xF7A;
	s5 =	simm.s32 @!p2 $0x0  }
0x1d: {  	s5 =	simm.s32 @p1 $0x1;
	p0 =	seq.s32 s7, s2  }
0x1e: {  	s7 =	smul.u32 @!p0 $0xF7A, s2;
	p2 =	seq.s32 @!p0 s5, $0x0  }
0x1f: {  	s9 =	smul.u32 $0xF7A, s1;
	s8 =	simm.s32 @!p0 $0x1BF5;
	p2 =	por !p2, p0  }
0x20: {  	[sflag:s8] =	ssyncset.s32 @!p0 $0xFFFFF086;
	s6 =	sadd.s32 @!p0 s3, s7;
	s7 =	simm.s32 @!p0 $0x108  }
0x21: {  	s3 =	sadd.s32 s3, s9;
	s6 =	sadd.s32 @!p0 $0x88, s6;
	s7 =	simm.s32 @p2 $0x1082  }
0x22: {  	[simem:s7], [sflag:s8] =	dma.local @!p0 [hbm:s6], $0xF7A  }
0x23: {  	s9 =	sor.u32 $0xD0000000, s2;
	s6 =	simm.s32 $0x108;
	_ =	swait.ge @!p0 [sflag:s8], $0x0  }
0x24: {  	s3 =	sadd.s32 $0x88, s3;
	s6 =	simm.s32 @!p1 $0x1082;
	[sflag:s4] =	ssyncset.s32 $0xFFFFF086  }
0x25: {  	[simem:s6], [sflag:s4] =	dma.local [hbm:s3], $0xF7A  }
0x26: {  	[smem:$0x3F92] =	sst s1;
	(tag) =	ssettag s2;
	_ =	strace s9  }
0x27: {  	s1 =	sld [smem:$0x3FA2]  }
0x28: {  	s2 =	sld [smem:$0x3FA3]  }
0x29: {  	s4 =	sld [smem:$0x3FA5]  }
0x2a: {  	p0 =	seq.s32 s5, $0x0;
	s5 =	sld [smem:$0x3FA6]  }
0x2b: {  	s6 =	sld [smem:$0x3FA7]  }
0x2c: {  	s7 =	sld [smem:$0x3FA8]  }
0x2d: {  	s3 =	simm.s32 $0x108;
	s8 =	sld [smem:$0x3FA9]  }
0x2e: {  	s3 =	simm.s32 @!p0 $0x1082;
	s9 =	sld [smem:$0x3FAA]  }
0x2f: {  	lr =	sadd.s32 s0, s3;
	s0 =	sld [smem:$0x3FA1]  }
0x30: {  	s3 =	sld [smem:$0x3FA4]  }
0x31: {  	[smem:$0x3FAD] =	sst s10  }
0x32: {  	s10 =	sld [smem:$0x3FAB];
	_ =	sdelay $0x3  }
0x33: {  	p0 =	seq.s32 s10, $0x1;
	s10 =	sld [smem:$0x3FAD];
	_ =	sdelay $0x3  }
0x34: {  	[smem:$0x3FAD] =	sst s10  }
0x35: {  	s10 =	sld [smem:$0x3FAC];
	_ =	sdelay $0x3  }
0x36: {  	p1 =	seq.s32 s10, $0x1;
	s10 =	sld [smem:$0x3FAD];
	_ =	sdelay $0x3  }
0x37: {  	[smem:$0x3FAD] =	sst s10  }
0x38: {  	s10 =	sld [smem:$0x3FAE]  }
0x39: {  	_ = 	snop;
	(pc) =	sbr.ind lr, $3  }
0x3a: {  	_ = 	snop  }
0x3b: {  	_ = 	snop  }
0x3c: {  	p2 =	seq.s32 s10, $0x1;
	s10 =	sld [smem:$0x3FAD]  }
0x3d: {  	_ =	shalt  }
0x3e: {  	_ =	shalt  }
0x3f: {  	_ =	shalt  }
0x40: {  	_ =	shalt  }
0x41: {  	_ =	shalt  }
0x42: {  	_ =	shalt  }
0x43: {  	_ =	shalt  }
0x44: {  	_ =	shalt  }
0x45: {  	_ =	shalt  }
0x46: {  	_ =	shalt  }
0x47: {  	_ =	shalt  }
0x48: {  	_ =	shalt  }
0x49: {  	_ =	shalt  }
0x4a: {  	_ =	shalt  }
0x4b: {  	_ =	shalt  }
0x4c: {  	_ =	shalt  }
0x4d: {  	_ =	shalt  }
0x4e: {  	_ =	shalt  }
0x4f: {  	_ =	shalt  }
0x50: {  	_ =	shalt  }
0x51: {  	_ =	shalt  }
0x52: {  	_ =	shalt  }
0x53: {  	_ =	shalt  }
0x54: {  	_ =	shalt  }
0x55: {  	_ =	shalt  }
0x56: {  	_ =	shalt  }
0x57: {  	_ =	shalt  }
0x58: {  	_ =	shalt  }
0x59: {  	_ =	shalt  }
0x5a: {  	_ =	shalt  }
0x5b: {  	_ =	shalt  }
0x5c: {  	_ =	shalt  }
0x5d: {  	_ =	shalt  }
0x5e: {  	_ =	shalt  }
0x5f: {  	_ =	shalt  }
0x60: {  	_ =	shalt  }
0x61: {  	_ =	shalt  }
0x62: {  	_ =	shalt  }
0x63: {  	_ =	shalt  }
0x64: {  	_ =	shalt  }
0x65: {  	_ =	shalt  }
0x66: {  	_ =	shalt  }
0x67: {  	_ =	shalt  }
0x68: {  	_ =	shalt  }
0x69: {  	_ =	shalt  }
0x6a: {  	_ =	shalt  }
0x6b: {  	_ =	shalt  }
0x6c: {  	_ =	shalt  }
0x6d: {  	_ =	shalt  }
0x6e: {  	_ =	shalt  }
0x6f: {  	_ =	shalt  }
0x70: {  	_ =	shalt  }
0x71: {  	_ =	shalt  }
0x72: {  	_ =	shalt  }
0x73: {  	_ =	shalt  }
0x74: {  	_ =	shalt  }
0x75: {  	_ =	shalt  }
0x76: {  	_ =	shalt  }
0x77: {  	_ =	shalt  }
0x78: {  	_ =	shalt  }
0x79: {  	_ =	shalt  }
0x7a: {  	_ =	shalt  }
0x7b: {  	_ =	shalt  }
0x7c: {  	_ =	shalt  }
0x7d: {  	_ =	shalt  }
0x7e: {  	_ =	shalt  }
0x7f: {  	_ =	shalt  }
0x80: {  	_ =	shalt  }
0x81: {  	_ =	shalt  }
0x82: {  	_ =	shalt  }
0x83: {  	_ =	shalt  }
0x84: {  	_ =	shalt  }
0x85: {  	_ =	shalt  }
0x86: {  	_ =	shalt  }
0x87: {  	_ =	shalt  }
.Lfunc_end0:
.L_simem_size_0:
called_computation.2_lowered:
.L_overlay_start_0:
0x88: {  	s0 =	sld [smem:$0x3FD9]  }
0x89: {  	s1 =	sld [smem:$0x3FFE];
	_ =	sdelay $0x3  }
0x8a: {  	s0 =	sadd.s32 s1, s0  }
0x8b: {  	[smem:$0x3FB9] =	sst s0  }
0x8c: {  	_ = 	snop  }
0x8d: {  	s0 =	sld [smem:$0x3FD0];
	_ =	sdelay $0x2  }
0x8e: {  	s13 =	simm.s32 $0xB;
	s2 =	simm.s32 $0x10  }
0x8f: {  	[smem:s2], [sflag:s13] =	dma.local [hbm:s0], $0x1  }
0x90: {  	_ =	swait.eq [sflag:s13], $0x1  }
0x91: {  	[sflag:s13] =	ssyncset.done $0x0  }
0x92: {  	s14 =	sld [smem:$0x10];
	[sflag:s13] =	ssyncadd.s32 $0xFFFFFFFF  }
0x93: {  	s15 =	sld [smem:$0x12];
	(tm) =	ssettm $0x1  }
0x94: {  	s16 =	sld [smem:$0x3FFB];
	_ =	sdelay $0x3  }
0x95: {  	_ =	strace s16  }
0x96: {  	s2 =	sld [smem:$0x3FFC];
	_ =	sdelay $0x3  }
0x97: {  	_ =	strace s2  }
0x98: {  	s2 =	sld [smem:$0x3FFD];
	_ =	sdelay $0x3  }
0x99: {  	_ =	strace s2  }
0x9a: {  	_ =	strace $0x8FFFFFFF  }
0x9b: {  	s17 =	sld [smem:$0x3FDB];
	_ =	sdelay $0x1  }
0x9c: {  	s3 =	simm.s32 $_scs_section_size  }
0x9d: {  	s4 =	simm.s32 $_size__tile_overlayer_lowered;
	s5 =	simm.s32 $_tile_overlayer_lowered  }
0x9e: {  	s20 =	simm.s32 $0x1BFF;
	s19 =	sshll.u32 s5, $0x1;
	s2 =	sadd.s32 s3, s17  }
0x9f: {  	s6 =	simm.s32 $0x0;
	s18 =	sshll.u32 s4, $0x1;
	s4 =	sadd.s32 s19, s2  }
0xa0: {  	[timem:s6], [sflag:s20] =	dma.local [hbm:s4], s18  }
0xa1: {  	_ =	swait.ge [sflag:s20], s18  }
0xa2: {  	s3 =	ssub.s32 $0x0, s18;
	[sflag:s20] =	ssyncset.done $0x0  }
0xa3: {  	[sflag:s20] =	ssyncadd.s32 s3;
	_ =	sdelay $0x1  }
0xa4: {  	s21 =	simm.s32 $0x1B8B  }
0xa5: {  	_ =	swait.ge [sflag:s21], $0x1  }
0xa6: {  	[sflag:s21] =	ssyncset.done $0x0  }
0xa7: {  	s23 =	simm.s32 $0x1B8E;
	s22 =	sld [smem:$0x3FFE];
	[sflag:s21] =	ssyncadd.s32 $0xFFFFFFFF  }
0xa8: {  	s24 =	simm.s32 $execute0_lowered;
	[smem:$0x3FD2] =	sst s23  }
0xa9: {  	s4 =	sshll.u32 s24, $0x1;
	_ =	strace $0x8000004C;
	[dreg:$0x1] =	wrdreg $0xFFFFFFFF  }
0xaa: {  	s25 =	simm.s32 $_size_execute0_lowered;
	s2 =	sadd.s32 s2, s4;
	[dreg:$0x0] =	wrdreg $0x0  }
0xab: {  	s4 =	sshll.u32 s25, $0x1;
	[dreg:$0x2] =	wrdreg s2  }
0xac: {  	[dreg:$0x3] =	wrdreg s4  }
0xad: {  	[dreg:$0x4] =	wrdreg $0xC0  }
0xae: {  	_ =	task [dreg:s6], $0x5FFFF  }
0xaf: {  	[dreg:$0x1] =	wrdreg $0xFFFFFFFF  }
0xb0: {  	[dreg:$0x0] =	wrdreg $0x60  }
0xb1: {  	[dreg:$0x2] =	wrdreg s22  }
0xb2: {  	[dreg:$0x3] =	wrdreg s15  }
0xb3: {  	[dreg:$0x4] =	wrdreg s14  }
0xb4: {  	[dreg:$0x5] =	wrdreg $0x9  }
0xb5: {  	_ =	task.clear_ibuf [dreg:s6], $0x6FFFF;
	_ =	strace $0x9000004C  }
0xb6: {  	s26 =	simm.s32 $0x9;
	_ =	strace $0x8000004E  }
0xb7: {  	_ =	swait.ge [sflag:s26], $0x1  }
0xb8: {  	[sflag:s26] =	ssyncadd.s32 $0xFFFFFFFF  }
0xb9: {  	_ =	strace $0x9000004E  }
0xba: {  	_ =	sfence  }
0xbb: {  	s28 =	sld [smem:$0x0];
	_ =	sdelay $0x1  }
0xbc: {  	s29 =	srdreg.scid  }
0xbd: {  	s30 =	sshll.u32 s29, $0xD;
	s31 =	sshrl.u32 s29, $0x2  }
0xbe: {  	s1 =	sand.u32 $0x1, s29;
	s2 =	sand.u32 $0x4000, s30;
	s0 =	sadd.s32 s31, s28  }
0xbf: {  	s1 =	sor.u32 s2, s1;
	s0 =	sshll.u32 s0, $0x11  }
0xc0: {  	s0 =	sor.u32 s0, s1  }
0xc1: {  	s0 =	sadd.s32 $0x8F2B, s0  }
0xc2: {  	[sflag:s0] =	ssyncadd.remote.s32 $0x1  }
0xc3: {  	_ =	sfence.sel $0xFFFF  }
0xc4: {  	[dreg:$0x0] =	wrdreg $0xFFFFFFFF;
	(pc) =	sbr.abs _section_cstart, $3  }
0xc5: {  	[dreg:$0x1] =	wrdreg $0xFFFFFFFF  }
0xc6: {  	_ =	task.clear_ibuf [dreg:s6], $0x2FFFF;
	_ =	strace $0x9FFFFFFF  }
0xc7: {  	(tm) =	ssettm $0x7FFFFFFF  }
tec
execute0_lowered:
.L_overlay_start_1:
0x0: {  	(tag) =	ssettag $0x1  }
0x1: {  	s1 =	rddreg [dreg:$0x0]  }
0x2: {  	s2 =	rddreg [dreg:$0x1]  }
0x3: {  	s3 =	rddreg [dreg:$0x2]  }
0x4: {  	s0 =	rddreg [dreg:$0x3]  }
0x5: {  	_ =	strace $0x8000004D;
	s5 =	stileid.u32;
	s6 =	simm.s32 $0x3E  }
0x6: {  	s1 =	sadd.s32 $0xA000, s1;
	p0 =	sne.s32 s5, $0x0;
	[sflag:s6] =	ssyncpa.u1 $0x0  }
0x7: {  	s30 =	smin.u32 s5, $0x9;
	s4 =	simm.s32 @!p0 $0x1C3E;
	s7 =	simm.s32 @!p0 $0x0  }
0x8: {  	[spmem:s7], [sflag:s4] =	dma.local @!p0 [hbm:s1], $0x80  }
0x9: {  	s4 =	sadd.s32 s5, s30  }
0xa: {  	p1 =	slt.u32 s5, $0x9;
	s5 =	simm.s32 $0x320;
	s4 =	smul.u32 $0x190, s4  }
0xb: {  	s5 =	simm.s32 @!p1 $0x190  }
0xc: {  	s5 =	sadd.s32 s5, s4  }
0xd: {  	s5 =	smin.u32 s5, $0x2710  }
0xe: {  	s8 =	ssub.s32 s5, s4  }
0xf: {  	p1 =	sgt.s32 s8, $0x0  }
0x10: {  	s8 =	simm.s32 @!p1 $0x0  }
0x11: {  	s9 =	sand.u32 $0xFFF0, s8  }
0x12: {  	s9 =	sshrl.u32 s9, $0x4  }
0x13: {  	s7 =	simm.s32 @!p0 $0x3E;
	s31 =	smul.u32 $0xA3E, s9  }
0x14: {  	_ =	swait.ge @!p0 [sflag:s7], $0x80  }
0x15: {  	[sflag:s7] =	ssyncset.done @!p0 $0x0;
	s9 =	sshrl.u32 s31, $0x10  }
0x16: {  	[sflag:s7] =	ssyncadd.s32 @!p0 $0xFFFFFF80;
	s10 =	smul.u32 $0x190, s9  }
.Ltmp0:
0x17: {  	s11 =	simm.s32 $0x0;
	[bflag:$0x0] =	sbarrier.arrive $0xFFFF;
	(pc) =	sbr.rel .LBB2_1-.Ltmp0, $4  }
0x18: {  	s7 =	simm.s32 $0x2;
	[sflag:s6] =	ssyncpa.u1 $0x1;
	s6 =	simm.s32 $0x1  }
0x19: {  	[sflag:s6] =	ssyncpa.u1 $0x0;
	p1 =	sne.s32 s8, s10;
	s8 =	simm.s32 $0x1  }
0x1a: {  	(ifvalue) =	ssetifvalue $0x400;
	[sflag:s7] =	ssyncpa.u1 $0x0;
	s8 =	simm.s32 @!p1 $0x0  }
0x1b: {  	vm0 =	vmmov $0xffff;
	s10 =	smov.u32 s4;
	s8 =	sadd.s32 s9, s8;
	s9 =	simm.s32 $0x0  }
.LBB2_5:
0x1c: {  	p2 =	sne.s32 s11, s8  }
.Ltmp1:
0x1d: {  	_ = 	snop;
	(pc) =	sbr.rel @!p2 .LBB2_6-.Ltmp1, $4  }
0x1e: {  	_ = 	snop  }
0x1f: {  	s12 =	sadd.s32 $0x190, s10  }
0x20: {  	s10 =	smov.u32 s4;
	s13 =	sadd.s32 $0x1, s11;
	p1 =	slt.s32 s12, s5  }
0x21: {  	s11 =	smov.u32 s13;
	s10 =	smov.u32 @p1 s12  }
.LBB2_1:
0x22: {  	p1 =	sge.u32 s11, s8  }
0x23: {  	s12 =	sxor.u32 @!p1 $0xFFFFFFFF, s11  }
0x24: {  	s12 =	sand.u32 @!p1 $0x1, s12  }
0x25: {  	s12 =	smul.u32 @!p1 $0x190, s12  }
0x26: {  	s13 =	sshrl.u32 @!p1 s10, $0x3  }
0x27: {  	s16 =	sand.u32 @!p1 $0x7, s10;
	s14 =	sadd.s32 @!p1 s2, s13;
	s15 =	sadd.s32 @!p1 $0x40, s12  }
0x28: {  	[tilespmem:s15], [sflag:$0x2] =	stream.linear.gather @!p1 [hbm4b:s14+s16], $0x190, $0x38;
	[tilespmem:$0x680] =	vst v63  }
0x29: {  	s13 =	sadd.s32 @!p1 s3, s13;
	s12 =	sadd.s32 @!p1 $0x360, s12  }
0x2a: {  	[tilespmem:s12], [sflag:$0x2] =	stream.linear.gather @!p1 [hbm4b:s13+s16], $0x190, $0x38;
	[tilespmem:$0x680] =	vst v63  }
0x2b: {  	p1 =	seq.s32 s11, $0x0  }
.Ltmp2:
0x2c: {  	_ = 	snop;
	(pc) =	sbr.rel @p1 .LBB2_5-.Ltmp2, $1  }
0x2d: {  	_ =	sdelay $0x3  }
0x2e: {  	s12 =	sand.u32 $0x1, s11  }
0x2f: {  	_ =	swait.ge [sflag:s7], $0x320;
	p1 =	seq.s32 s12, $0x1;
	s12 =	simm.s32 $0x190  }
0x30: {  	[sflag:s7] =	ssyncset.done $0x0;
	s12 =	simm.s32 @!p1 $0x0  }
0x31: {  	[sflag:s7] =	ssyncadd.s32 $0xFFFFFCE0;
	s14 =	sor.u32 $0x40, s12  }
0x32: {  	v0 =	vld.msk [tilespmem:s14+$0x0 ss:$0x1], $0xffff;
	_ =	sdelay $0x4  }
0x33: {  	v0 =	vmin.u32 v0, $0x400;
	_ =	sdelay $0x3  }
0x34: {  	s13 =	simm.s32 $0x0;
	s12 =	sadd.s32 $0x360, s12;
	s14 =	sadd.s32 $0x10, s14  }
0x35: {  	[spmem:s9] =	stream.indirect_vreg.scatter.add.s32 [tilespmem:s12], [sflag:$0x1], $0x1, v0, vm0, $0x4038;
	[tilespmem:$0x680] =	vst v63  }
.LBB2_3:
0x36: {  	v0 =	vld.msk [tilespmem:s14+$0x0 ss:$0x1], $0xffff;
	s13 =	sadd.s32 $0x10, s13  }
0x37: {  	p1 =	slt.u32 s13, $0x180;
	_ =	sdelay $0x4  }
0x38: {  	v0 =	vmin.u32 v0, $0x400  }
.Ltmp3:
0x39: {  	(pc) =	sbr.rel @p1 .LBB2_3-.Ltmp3, $3  }
0x3a: {  	_ =	sdelay $0x1  }
0x3b: {  	s14 =	sadd.s32 $0x10, s14;
	s12 =	sadd.s32 $0x10, s12  }
0x3c: {  	[spmem:s9] =	stream.indirect_vreg.scatter.add.s32 [tilespmem:s12], [sflag:$0x1], $0x1, v0, vm0, $0x4038;
	[tilespmem:$0x680] =	vst v63  }
.Ltmp4:
0x3d: {  	(pc) =	sbr.rel .LBB2_5-.Ltmp4, $4  }
0x3e: {  	_ = 	snop  }
0x3f: {  	_ =	swait.ge [sflag:s6], $0x190  }
0x40: {  	[sflag:s6] =	ssyncset.done $0x0  }
0x41: {  	[sflag:s6] =	ssyncadd.s32 $0xFFFFFE70  }
.LBB2_6:
0x42: {  	_ =	sfence.sel $0x180000  }
0x43: {  	s2 =	simm.s32 $0x2;
	[bflag:$0x0] =	sbarrier.arrive $0xFFFF  }
0x44: {  	s30 =	simm.s32 $0x1;
	[sflag:s2] =	ssyncpa.u1 $0x1  }
0x45: {  	[sflag:s30] =	ssyncpa.u1 $0x1  }
0x46: {  	_ =	sfence.stream.spmem  }
0x47: {  	s31 =	simm.s32 $0x3D;
	[bflag:$0x0] =	sbarrier.arrive $0xFFFF  }
0x48: {  	s2 =	simm.s32 @p0 $0x3D;
	[sflag:s31] =	ssyncpa.u1 $0x0  }
0x49: {  	[sflag:s2] =	ssyncpa.u1 @p0 $0x1  }
0x4a: {  	[bflag:$0x0] =	sbarrier.arrive @p0 $0xFFFF  }
0x4b: {  	_ =	strace @p0 $0x9000004D  }
0x4c: {  	s3 =	simm.s32 @!p0 $0x1C3D;
	s2 =	simm.s32 @!p0 $0x0;
	[bflag:$0x2] =	sbarrier.arrive @p0 $0xFFFF  }
0x4d: {  	[hbm:s1], [sflag:s3] =	dma.local @!p0 [spmem:s2], $0x80  }
0x4e: {  	s1 =	simm.s32 @!p0 $0x3D  }
0x4f: {  	_ =	swait.ge @!p0 [sflag:s1], $0x80  }
0x50: {  	[sflag:s1] =	ssyncset.done @!p0 $0x0  }
0x51: {  	[sflag:s1] =	ssyncadd.s32 @!p0 $0xFFFFFF80  }
0x52: {  	[sflag:s1] =	ssyncpa.u1 @!p0 $0x1  }
0x53: {  	[bflag:$0x0] =	sbarrier.arrive @!p0 $0xFFFF  }
0x54: {  	_ =	strace @!p0 $0x9000004D  }
0x55: {  	s0 =	sadd.s32 @!p0 $0x100000, s0;
	[bflag:$0x2] =	sbarrier.arrive @!p0 $0xFFFF  }
0x56: {  	[sflag:s0] =	ssyncadd.tile.s32 @!p0 $0x1;
	_ =	shalt  }
.Lfunc_end2:
_tile_overlayer_lowered:
.L_overlay_start_2:
0x57: {  	(tag) =	ssettag $0x2  }
0x58: {  	s0 =	rddreg [dreg:$0x0];
	s2 =	stileid.u32  }
0x59: {  	s1 =	rddreg [dreg:$0x1];
	p0 =	sne.s32 s2, $0x0  }
0x5a: {  	s3 =	rddreg [dreg:$0x2];
	[bflag:$0x3] =	sbarrier.arrive $0xFFFF;
	s2 =	simm.s32 @!p0 $0x1C01  }
0x5b: {  	[timem:s3], [sflag:s2] =	dma.local @!p0 [hbm:s0], s1  }
0x5c: {  	s0 =	simm.s32 @!p0 $0x1  }
0x5d: {  	_ =	swait.ge @!p0 [sflag:s0], s1  }
0x5e: {  	s1 =	ssub.s32 @!p0 $0x0, s1;
	[sflag:s0] =	ssyncset.done @!p0 $0x0  }
0x5f: {  	[sflag:s0] =	ssyncadd.s32 @!p0 s1  }
0x60: {  	[bflag:$0x3] =	sbarrier.arrive $0xFFFF  }
0x61: {  	_ =	shalt  }

// kernel: scatter_offload_async_start
scs
__scs_entry_jumppad:
0x0: {  	(pc) =	sbr.rel $0x88, $3  }
0x1: {  	(tag) =	ssettag $0x0;
	lr =	simm.s32 $0x1  }
0x2: {  	[smem:$0x3F92] =	sst lr;
	_ =	strace $0xD0000000  }
0x3: {  	_ = 	snop  }
0x4: {  	_ = 	snop  }
0x5: {  	_ = 	snop  }
0x6: {  	_ = 	snop  }
0x7: {  	_ = 	snop  }
__scs_overlays_trampoline_lowered:
0x8: {  	[smem:$0x3FA1] =	sst s0  }
0x9: {  	[smem:$0x3FA2] =	sst s1  }
0xa: {  	[smem:$0x3FA3] =	sst s2  }
0xb: {  	[smem:$0x3FA4] =	sst s3  }
0xc: {  	[smem:$0x3FA5] =	sst s4  }
0xd: {  	[smem:$0x3FA6] =	sst s5  }
0xe: {  	[smem:$0x3FA7] =	sst s6  }
0xf: {  	[smem:$0x3FA8] =	sst s7  }
0x10: {  	[smem:$0x3FA9] =	sst s8  }
0x11: {  	[smem:$0x3FAA] =	sst s9;
	s0 =	simm.s32 @!p0 $0x0  }
0x12: {  	s1 =	sld [smem:$0x3F90];
	s0 =	simm.s32 @p0 $0x1  }
0x13: {  	[smem:$0x3FAB] =	sst s0;
	s0 =	simm.s32 @!p1 $0x0  }
0x14: {  	s2 =	sld [smem:$0x3F8F];
	s0 =	simm.s32 @p1 $0x1  }
0x15: {  	[smem:$0x3FAC] =	sst s0;
	s0 =	simm.s32 @!p2 $0x0  }
0x16: {  	s3 =	sld [smem:$0x3FDB];
	s0 =	simm.s32 @p2 $0x1  }
0x17: {  	s4 =	simm.s32 $0x1BF5;
	[smem:$0x3FAE] =	sst s0  }
0x18: {  	s0 =	sld [smem:$0x3F91];
	_ =	swait.ge [sflag:s4], $0x0  }
0x19: {  	s7 =	sld [smem:$0x3F92]  }
0x1a: {  	s8 =	sadd.s32 $0xFFFFE003, lr  }
0x1b: {  	s9 =	sadd.s32 $0xFFFFFEF7, lr;
	s5 =	simm.s32 $0xFFFFFFFF;
	p2 =	slt.u32 s8, $0xFFFFF086  }
0x1c: {  	p1 =	slt.u32 s9, $0xF7A;
	s5 =	simm.s32 @!p2 $0x0  }
0x1d: {  	s5 =	simm.s32 @p1 $0x1;
	p0 =	seq.s32 s7, s2  }
0x1e: {  	s7 =	smul.u32 @!p0 $0xF7A, s2;
	p2 =	seq.s32 @!p0 s5, $0x0  }
0x1f: {  	s9 =	smul.u32 $0xF7A, s1;
	s8 =	simm.s32 @!p0 $0x1BF5;
	p2 =	por !p2, p0  }
0x20: {  	[sflag:s8] =	ssyncset.s32 @!p0 $0xFFFFF086;
	s6 =	sadd.s32 @!p0 s3, s7;
	s7 =	simm.s32 @!p0 $0x108  }
0x21: {  	s3 =	sadd.s32 s3, s9;
	s6 =	sadd.s32 @!p0 $0x88, s6;
	s7 =	simm.s32 @p2 $0x1082  }
0x22: {  	[simem:s7], [sflag:s8] =	dma.local @!p0 [hbm:s6], $0xF7A  }
0x23: {  	s9 =	sor.u32 $0xD0000000, s2;
	s6 =	simm.s32 $0x108;
	_ =	swait.ge @!p0 [sflag:s8], $0x0  }
0x24: {  	s3 =	sadd.s32 $0x88, s3;
	s6 =	simm.s32 @!p1 $0x1082;
	[sflag:s4] =	ssyncset.s32 $0xFFFFF086  }
0x25: {  	[simem:s6], [sflag:s4] =	dma.local [hbm:s3], $0xF7A  }
0x26: {  	[smem:$0x3F92] =	sst s1;
	(tag) =	ssettag s2;
	_ =	strace s9  }
0x27: {  	s1 =	sld [smem:$0x3FA2]  }
0x28: {  	s2 =	sld [smem:$0x3FA3]  }
0x29: {  	s4 =	sld [smem:$0x3FA5]  }
0x2a: {  	p0 =	seq.s32 s5, $0x0;
	s5 =	sld [smem:$0x3FA6]  }
0x2b: {  	s6 =	sld [smem:$0x3FA7]  }
0x2c: {  	s7 =	sld [smem:$0x3FA8]  }
0x2d: {  	s3 =	simm.s32 $0x108;
	s8 =	sld [smem:$0x3FA9]  }
0x2e: {  	s3 =	simm.s32 @!p0 $0x1082;
	s9 =	sld [smem:$0x3FAA]  }
0x2f: {  	lr =	sadd.s32 s0, s3;
	s0 =	sld [smem:$0x3FA1]  }
0x30: {  	s3 =	sld [smem:$0x3FA4]  }
0x31: {  	[smem:$0x3FAD] =	sst s10  }
0x32: {  	s10 =	sld [smem:$0x3FAB];
	_ =	sdelay $0x3  }
0x33: {  	p0 =	seq.s32 s10, $0x1;
	s10 =	sld [smem:$0x3FAD];
	_ =	sdelay $0x3  }
0x34: {  	[smem:$0x3FAD] =	sst s10  }
0x35: {  	s10 =	sld [smem:$0x3FAC];
	_ =	sdelay $0x3  }
0x36: {  	p1 =	seq.s32 s10, $0x1;
	s10 =	sld [smem:$0x3FAD];
	_ =	sdelay $0x3  }
0x37: {  	[smem:$0x3FAD] =	sst s10  }
0x38: {  	s10 =	sld [smem:$0x3FAE]  }
0x39: {  	_ = 	snop;
	(pc) =	sbr.ind lr, $3  }
0x3a: {  	_ = 	snop  }
0x3b: {  	_ = 	snop  }
0x3c: {  	p2 =	seq.s32 s10, $0x1;
	s10 =	sld [smem:$0x3FAD]  }
0x3d: {  	_ =	shalt  }
0x3e: {  	_ =	shalt  }
0x3f: {  	_ =	shalt  }
0x40: {  	_ =	shalt  }
0x41: {  	_ =	shalt  }
0x42: {  	_ =	shalt  }
0x43: {  	_ =	shalt  }
0x44: {  	_ =	shalt  }
0x45: {  	_ =	shalt  }
0x46: {  	_ =	shalt  }
0x47: {  	_ =	shalt  }
0x48: {  	_ =	shalt  }
0x49: {  	_ =	shalt  }
0x4a: {  	_ =	shalt  }
0x4b: {  	_ =	shalt  }
0x4c: {  	_ =	shalt  }
0x4d: {  	_ =	shalt  }
0x4e: {  	_ =	shalt  }
0x4f: {  	_ =	shalt  }
0x50: {  	_ =	shalt  }
0x51: {  	_ =	shalt  }
0x52: {  	_ =	shalt  }
0x53: {  	_ =	shalt  }
0x54: {  	_ =	shalt  }
0x55: {  	_ =	shalt  }
0x56: {  	_ =	shalt  }
0x57: {  	_ =	shalt  }
0x58: {  	_ =	shalt  }
0x59: {  	_ =	shalt  }
0x5a: {  	_ =	shalt  }
0x5b: {  	_ =	shalt  }
0x5c: {  	_ =	shalt  }
0x5d: {  	_ =	shalt  }
0x5e: {  	_ =	shalt  }
0x5f: {  	_ =	shalt  }
0x60: {  	_ =	shalt  }
0x61: {  	_ =	shalt  }
0x62: {  	_ =	shalt  }
0x63: {  	_ =	shalt  }
0x64: {  	_ =	shalt  }
0x65: {  	_ =	shalt  }
0x66: {  	_ =	shalt  }
0x67: {  	_ =	shalt  }
0x68: {  	_ =	shalt  }
0x69: {  	_ =	shalt  }
0x6a: {  	_ =	shalt  }
0x6b: {  	_ =	shalt  }
0x6c: {  	_ =	shalt  }
0x6d: {  	_ =	shalt  }
0x6e: {  	_ =	shalt  }
0x6f: {  	_ =	shalt  }
0x70: {  	_ =	shalt  }
0x71: {  	_ =	shalt  }
0x72: {  	_ =	shalt  }
0x73: {  	_ =	shalt  }
0x74: {  	_ =	shalt  }
0x75: {  	_ =	shalt  }
0x76: {  	_ =	shalt  }
0x77: {  	_ =	shalt  }
0x78: {  	_ =	shalt  }
0x79: {  	_ =	shalt  }
0x7a: {  	_ =	shalt  }
0x7b: {  	_ =	shalt  }
0x7c: {  	_ =	shalt  }
0x7d: {  	_ =	shalt  }
0x7e: {  	_ =	shalt  }
0x7f: {  	_ =	shalt  }
0x80: {  	_ =	shalt  }
0x81: {  	_ =	shalt  }
0x82: {  	_ =	shalt  }
0x83: {  	_ =	shalt  }
0x84: {  	_ =	shalt  }
0x85: {  	_ =	shalt  }
0x86: {  	_ =	shalt  }
0x87: {  	_ =	shalt  }
.Lfunc_end0:
.L_simem_size_0:
called_computation_lowered:
.L_overlay_start_0:
0x88: {  	s2 =	sld [smem:$0x3FD9]  }
0x89: {  	s3 =	sld [smem:$0x3FFE];
	_ =	sdelay $0x1  }
0x8a: {  	s1 =	srdreg.scid  }
0x8b: {  	s0 =	sand.u32 $0x1, s1  }
0x8c: {  	s15 =	sshll.u32 s0, $0xA;
	s2 =	sadd.s32 s3, s2  }
0x8d: {  	s2 =	sadd.s32 s2, s15  }
0x8e: {  	[smem:$0x3FB9] =	sst s2  }
0x8f: {  	_ = 	snop  }
0x90: {  	s2 =	sld [smem:$0x3FD0];
	_ =	sdelay $0x2  }
0x91: {  	s16 =	simm.s32 $0xB;
	s4 =	simm.s32 $0x10  }
0x92: {  	[smem:s4], [sflag:s16] =	dma.local [hbm:s2], $0x1  }
0x93: {  	_ =	swait.eq [sflag:s16], $0x1  }
0x94: {  	[sflag:s16] =	ssyncset.done $0x0  }
0x95: {  	[sflag:s16] =	ssyncadd.s32 $0xFFFFFFFF  }
0x96: {  	s17 =	sld [smem:$0x10];
	(tm) =	ssettm $0x1  }
0x97: {  	s18 =	sld [smem:$0x3FFB];
	_ =	sdelay $0x3  }
0x98: {  	_ =	strace s18  }
0x99: {  	s2 =	sld [smem:$0x3FFC];
	_ =	sdelay $0x3  }
0x9a: {  	_ =	strace s2  }
0x9b: {  	s2 =	sld [smem:$0x3FFD];
	_ =	sdelay $0x3  }
0x9c: {  	_ =	strace s2  }
0x9d: {  	_ =	strace $0x8FFFFFFF  }
0x9e: {  	s19 =	sld [smem:$0x3FDB];
	_ =	sdelay $0x1  }
0x9f: {  	s20 =	simm.s32 $_scs_section_size  }
0xa0: {  	s5 =	simm.s32 $_size__tile_overlayer_lowered;
	s6 =	simm.s32 $_tile_overlayer_lowered  }
0xa1: {  	s7 =	simm.s32 $0x1BFF;
	s21 =	sshll.u32 s6, $0x1;
	s4 =	sadd.s32 s20, s19  }
0xa2: {  	s22 =	simm.s32 $0x0;
	s5 =	sshll.u32 s5, $0x1;
	s6 =	sadd.s32 s21, s4  }
0xa3: {  	[timem:s22], [sflag:s7] =	dma.local [hbm:s6], s5  }
0xa4: {  	_ =	swait.ge [sflag:s7], s5  }
0xa5: {  	s5 =	ssub.s32 $0x0, s5;
	[sflag:s7] =	ssyncset.done $0x0  }
0xa6: {  	[sflag:s7] =	ssyncadd.s32 s5;
	_ =	sdelay $0x1  }
0xa7: {  	s23 =	simm.s32 $0x1B8B  }
0xa8: {  	_ =	swait.ge [sflag:s23], $0x1  }
0xa9: {  	[sflag:s23] =	ssyncset.done $0x0  }
0xaa: {  	[sflag:s23] =	ssyncadd.s32 $0xFFFFFFFF  }
0xab: {  	s5 =	sld [smem:$0x0]  }
0xac: {  	s6 =	sand.u32 $0xFFFFFFFE, s1  }
0xad: {  	p0 =	sne.s32 s1, s6  }
0xae: {  	s6 =	sshll.u32 @p0 s6, $0xE  }
0xaf: {  	s6 =	sadd.s32 @p0 $0x11B8D, s6;
	s7 =	sshll.u32 @p0 s5, $0x11  }
0xb0: {  	s6 =	sor.u32 @p0 s7, s6  }
0xb1: {  	[sflag:s6] =	ssyncadd.remote.s32 @p0 $0x1;
	_ =	sdelay $0x1  }
0xb2: {  	s6 =	simm.s32 @p0 $0x1B8D  }
0xb3: {  	_ =	swait.eq @p0 [sflag:s6], $0x1  }
0xb4: {  	[sflag:s6] =	ssyncadd.s32 @p0 $0xFFFFFFFF  }
0xb5: {  	s7 =	sshll.u32 @!p0 s1, $0xE  }
0xb6: {  	s7 =	sor.u32 @!p0 $0x4000, s7;
	s6 =	simm.s32 @!p0 $0x1B8D  }
0xb7: {  	s8 =	sshll.u32 @!p0 s5, $0x11;
	s7 =	sadd.s32 @!p0 $0x11B8D, s7;
	_ =	swait.eq @!p0 [sflag:s6], $0x1  }
0xb8: {  	[sflag:s6] =	ssyncadd.s32 @!p0 $0xFFFFFFFF;
	s6 =	sor.u32 @!p0 s8, s7  }
0xb9: {  	s25 =	simm.s32 $0x1B8E;
	s24 =	sld [smem:$0x3FFE];
	[sflag:s6] =	ssyncadd.remote.s32 @!p0 $0x1  }
0xba: {  	s26 =	simm.s32 $execute0_lowered;
	[smem:$0x3FD2] =	sst s25  }
0xbb: {  	s7 =	sshll.u32 s26, $0x1;
	_ =	strace $0x80000049;
	[dreg:$0x1] =	wrdreg $0xFFFFFFFF  }
0xbc: {  	s28 =	simm.s32 $_size_execute0_lowered;
	s4 =	sadd.s32 s4, s7;
	[dreg:$0x0] =	wrdreg $0x0  }
0xbd: {  	s7 =	sshll.u32 s28, $0x1;
	[dreg:$0x2] =	wrdreg s4  }
0xbe: {  	[dreg:$0x3] =	wrdreg s7  }
0xbf: {  	[dreg:$0x4] =	wrdreg $0xC0  }
0xc0: {  	_ =	task [dreg:s22], $0x5FFFF  }
0xc1: {  	[dreg:$0x1] =	wrdreg $0xFFFFFFFF  }
0xc2: {  	[dreg:$0x0] =	wrdreg $0x60  }
0xc3: {  	[dreg:$0x2] =	wrdreg s17  }
0xc4: {  	[dreg:$0x3] =	wrdreg s24  }
0xc5: {  	[dreg:$0x4] =	wrdreg s1  }
0xc6: {  	[dreg:$0x5] =	wrdreg s5  }
0xc7: {  	[dreg:$0x6] =	wrdreg $0x9  }
0xc8: {  	_ =	task.clear_ibuf [dreg:s22], $0x7FFFF;
	_ =	strace $0x90000049  }
0xc9: {  	s29 =	simm.s32 $0x9;
	_ =	strace $0x8000004B  }
0xca: {  	_ =	swait.ge [sflag:s29], $0x1  }
0xcb: {  	[sflag:s29] =	ssyncadd.s32 $0xFFFFFFFF  }
0xcc: {  	_ =	strace $0x9000004B  }
0xcd: {  	_ =	sfence  }
0xce: {  	s30 =	sld [smem:$0x0];
	_ =	sdelay $0x2  }
0xcf: {  	s31 =	sshll.u32 s1, $0xD;
	s1 =	sshrl.u32 s1, $0x2  }
0xd0: {  	s4 =	sand.u32 $0x4000, s31;
	s1 =	sadd.s32 s1, s30  }
0xd1: {  	s0 =	sor.u32 s4, s0;
	s1 =	sshll.u32 s1, $0x11  }
0xd2: {  	s0 =	sor.u32 s1, s0  }
0xd3: {  	s0 =	sadd.s32 $0x8F2B, s0  }
0xd4: {  	[sflag:s0] =	ssyncadd.remote.s32 $0x1  }
0xd5: {  	_ =	sfence.sel $0xFFFF  }
0xd6: {  	[dreg:$0x0] =	wrdreg $0xFFFFFFFF;
	(pc) =	sbr.abs _section_cstart, $3  }
0xd7: {  	[dreg:$0x1] =	wrdreg $0xFFFFFFFF  }
0xd8: {  	_ =	task.clear_ibuf [dreg:s22], $0x2FFFF;
	_ =	strace $0x9FFFFFFF  }
0xd9: {  	(tm) =	ssettm $0x7FFFFFFF  }
tec
execute0_lowered:
.L_overlay_start_1:
0x0: {  	(tag) =	ssettag $0x1  }
0x1: {  	s1 =	rddreg [dreg:$0x0]  }
0x2: {  	s2 =	rddreg [dreg:$0x1]  }
0x3: {  	s3 =	rddreg [dreg:$0x2];
	_ =	strace $0x8000004A;
	s0 =	simm.s32 $0x1  }
0x4: {  	v0 =	vimm.s32 $0x0;
	[sflag:s0] =	ssyncpa.u1 $0x0;
	s0 =	simm.s32 $0x108  }
0x5: {  	[tilespmem:s0+$0x70] =	vst v0  }
0x6: {  	[tilespmem:s0+$0x60] =	vst v0  }
0x7: {  	[tilespmem:s0+$0x50] =	vst v0  }
0x8: {  	[tilespmem:s0+$0x40] =	vst v0  }
0x9: {  	[tilespmem:s0+$0x30] =	vst v0  }
0xa: {  	s15 =	sadd.s32 $0xEE00, s2;
	s6 =	sadd.s32 $0xF03A00, s2;
	[tilespmem:s0+$0x20] =	vst v0  }
0xb: {  	s14 =	sadd.s32 $0xEE6000, s2;
	s5 =	sand.u32 $0x1, s3;
	s3 =	simm.s32 $0x40;
	[tilespmem:s0+$0x10] =	vst v0  }
.LBB2_1:
0xc: {  	s3 =	sadd.s32 $0x40, s3;
	[tilespmem:s0+$0x0] =	vst v0;
	s0 =	sadd.s32 $0x80, s0  }
0xd: {  	p0 =	slt.u32 s3, $0x3C40;
	[tilespmem:s0+$0x70] =	vst v0  }
0xe: {  	[tilespmem:s0+$0x60] =	vst v0  }
.Ltmp0:
0xf: {  	[tilespmem:s0+$0x50] =	vst v0;
	(pc) =	sbr.rel @p0 .LBB2_1-.Ltmp0, $4  }
0x10: {  	[tilespmem:s0+$0x40] =	vst v0  }
0x11: {  	[tilespmem:s0+$0x30] =	vst v0  }
0x12: {  	[tilespmem:s0+$0x20] =	vst v0  }
0x13: {  	[tilespmem:s0+$0x10] =	vst v0  }
0x14: {  	s9 =	stileid.u32  }
0x15: {  	s2 =	smul.u32 $0x29, s9  }
0x16: {  	s3 =	smin.u32 s9, $0xB  }
0x17: {  	s2 =	sadd.s32 s3, s2  }
0x18: {  	p0 =	slt.u32 s9, $0xB;
	s7 =	smul.u32 $0xF0, s2;
	s2 =	simm.s32 $0x2760  }
0x19: {  	s2 =	simm.s32 @!p0 $0x2670  }
0x1a: {  	s2 =	sadd.s32 s2, s7  }
0x1b: {  	s8 =	smin.u32 s2, $0x27100  }
0x1c: {  	s2 =	ssub.s32 s8, s7  }
0x1d: {  	p0 =	sgt.s32 s2, $0x0  }
0x1e: {  	s29 =	simm.s32 $0x2;
	s10 =	simm.s32 $0x9;
	s2 =	simm.s32 @!p0 $0x0  }
0x1f: {  	s4 =	simm.s32 $0xA;
	s11 =	simm.s32 $0xB;
	s28 =	smulhi.u32 $0x88888889, s2  }
0x20: {  	[dreg:$0x5] =	wrdreg s5;
	s31 =	smul.u32 $0x4E20, s5;
	s12 =	simm.s32 $0x1  }
0x21: {  	s22 =	simm.s32 $0x0;
	s18 =	simm.s32 $0xC;
	s30 =	sshrl.u32 s28, $0x7  }
0x22: {  	s20 =	simm.s32 $0x0;
	s21 =	simm.s32 $0x0;
	s3 =	smul.u32 $0xF0, s30  }
.Ltmp1:
0x23: {  	[tilespmem:s0+$0x0] =	vst v0;
	v0 =	vimm.s32 $0xFFFFFFFF;
	[sflag:s29] =	ssyncpa.u1 $0x0;
	s16 =	sshll.u32 s9, $0x8;
	(pc) =	sbr.rel .LBB2_3-.Ltmp1, $4  }
0x24: {  	[tilespmem:$0xF208] =	vst v0;
	[sflag:s10] =	ssyncpa.u1 $0x0;
	p0 =	sne.s32 s2, s3;
	s2 =	simm.s32 $0x1  }
0x25: {  	s14 =	sadd.s32 s31, s14;
	[sflag:s4] =	ssyncpa.u1 $0x0;
	s2 =	simm.s32 @!p0 $0x0  }
0x26: {  	s15 =	sadd.s32 s31, s15;
	[sflag:s11] =	ssyncpa.u1 $0x0;
	s13 =	sadd.s32 s2, s30  }
0x27: {  	v0 =	vlaneseq.u32;
	s19 =	smov.u32 s7;
	p0 =	por $0x0, $0x0;
	s17 =	sadd.s32 $0x1, s13  }
.LBB2_18:
0x28: {  	s0 =	sshrl.u32 s31, $0x2  }
.LBB2_20:
0x29: {  	_ =	swait.ge [sflag:s18], s0  }
0x2a: {  	s31 =	ssub.s32 $0x0, s0;
	v1 =	vmov s24;
	vm0 =	veq.s32 v0, $0x0;
	[sflag:s18] =	ssyncset.done $0x0  }
0x2b: {  	vm15 =	veq.s32 v0, $0x2;
	v1 =	vsel vm0, s30, v1;
	[sflag:s18] =	ssyncadd.s32 s31  }
0x2c: {  	v1 =	vsel vm15, s22, v1;
	[sflag:s18] =	ssyncpa.u1 $0x1  }
0x2d: {  	[tilespmem:$0xF208] =	vst v1  }
.LBB2_21:
0x2e: {  	s0 =	sadd.s32 $0xF0, s19  }
0x2f: {  	s2 =	smov.u32 s7;
	p1 =	slt.s32 s0, s8  }
0x30: {  	s2 =	smov.u32 @p1 s0;
	p1 =	sne.s32 s21, s17  }
.Ltmp2:
0x31: {  	_ = 	snop;
	(pc) =	sbr.rel @!p1 .LBB2_22-.Ltmp2, $3  }
0x32: {  	_ =	sdelay $0x1  }
0x33: {  	s22 =	smov.u32 s20;
	s31 =	sadd.s32 $0x1, s21;
	s20 =	smov.u32 s19  }
0x34: {  	p0 =	por !p0, !p0;
	s21 =	smov.u32 s31;
	s19 =	smov.u32 s2  }
.LBB2_3:
0x35: {  	p1 =	sge.u32 s21, s13  }
0x36: {  	s0 =	smulhi.u32 @!p1 $0xAAAAAAAB, s21  }
0x37: {  	s2 =	smov.u32 s19;
	p2 =	sgt.s32 @!p1 s19, $0x27010  }
0x38: {  	s3 =	sshra.s32 @!p1 s19, $0x1F;
	p2 =	por !p2, p1;
	s0 =	sshrl.u32 @!p1 s0, $0x1  }
0x39: {  	s3 =	sand.u32 @!p1 s3, s19;
	s2 =	simm.s32 @p2 $0x27010;
	s0 =	smul.u32 @!p1 $0x3, s0  }
0x3a: {  	s2 =	ssub.s32 @!p1 s2, s3  }
0x3b: {  	s2 =	sadd.s32 @!p1 $0xFFFD8FF0, s2;
	s0 =	ssub.s32 @!p1 s21, s0  }
0x3c: {  	s3 =	sshll.u32 @!p1 s2, $0x2;
	p2 =	sgt.s32 @!p1 s2, $0xEF;
	s0 =	smul.u32 @!p1 $0x3C0, s0  }
0x3d: {  	s4 =	sand.u32 @!p1 $0x7, s19;
	s2 =	ssub.s32 @!p1 $0x3C0, s3;
	p2 =	por !p2, p1  }
0x3e: {  	s3 =	sshrl.u32 @!p1 s19, $0x3;
	s2 =	sshrl.u32 @!p1 s2, $0x2;
	s0 =	sshrl.u32 @!p1 s0, $0x2  }
0x3f: {  	s3 =	sadd.s32 @!p1 s3, s14;
	s2 =	simm.s32 @!p2 $0x0;
	s0 =	sadd.s32 @!p1 $0x10248, s0  }
0x40: {  	[tilespmem:s0], [sflag:$0xA] =	stream.linear.gather @!p1 [hbm4b:s3+s4], s2, $0x38;
	[tilespmem:$0x1F6F8] =	vst v63  }
0x41: {  	s0 =	sadd.s32 $0xFFFFFFFF, s21  }
0x42: {  	p1 =	sge.u32 s0, s13  }
0x43: {  	p2 =	sgt.s32 @!p1 s20, $0x27010  }
0x44: {  	s2 =	smov.u32 s20;
	s3 =	sshra.s32 @!p1 s20, $0x1F;
	p2 =	por !p2, p1  }
0x45: {  	s3 =	sand.u32 @!p1 s3, s20;
	s2 =	simm.s32 @p2 $0x27010  }
0x46: {  	s2 =	ssub.s32 @!p1 s2, s3  }
0x47: {  	s2 =	sadd.s32 @!p1 $0xFFFD8FF0, s2  }
0x48: {  	s4 =	sand.u32 @!p1 $0x1, s0;
	s3 =	sshll.u32 @!p1 s2, $0x2  }
0x49: {  	p2 =	sgt.s32 @!p1 s2, $0xEF;
	s2 =	ssub.s32 @!p1 $0x3C0, s3;
	s3 =	smulhi.u32 @!p1 $0xAAAAAAAB, s0  }
0x4a: {  	s23 =	smul.u32 @!p1 $0x3C0, s4;
	p2 =	por !p2, p1;
	s2 =	sshrl.u32 @!p1 s2, $0x2  }
0x4b: {  	s5 =	simm.s32 @!p1 $0xA;
	s2 =	simm.s32 @!p2 $0x0;
	s3 =	sshrl.u32 @!p1 s3, $0x1  }
0x4c: {  	s23 =	sshrl.u32 @!p1 s23, $0x2;
	_ =	swait.ge @!p1 [sflag:s5], s2;
	s3 =	smul.u32 @!p1 $0x3, s3  }
0x4d: {  	s23 =	sadd.s32 @!p1 $0x10518, s23;
	s24 =	ssub.s32 @!p1 $0x0, s2;
	[sflag:s5] =	ssyncset.done @!p1 $0x0  }
0x4e: {  	[sflag:s5] =	ssyncadd.s32 @!p1 s24;
	s5 =	sshrl.u32 @!p1 s20, $0x3;
	s0 =	ssub.s32 @!p1 s0, s3  }
0x4f: {  	s24 =	sand.u32 @!p1 $0x7, s20;
	s5 =	sadd.s32 @!p1 s5, s15;
	s0 =	smul.u32 @!p1 $0x3C0, s0  }
0x50: {  	[tilespmem:s23], [sflag:$0xB] =	stream.linear.gather @!p1 [hbm4b:s5+s24], s2, $0x38;
	[tilespmem:$0x1F6F8] =	vst v63  }
0x51: {  	s3 =	ssub.s32 @!p1 $0x27100, s20;
	s2 =	smul.u32 @!p1 $0x1E000, s4  }
0x52: {  	p2 =	slt.s32 @!p1 s3, $0xF0  }
0x53: {  	p2 =	por !p2, p1;
	s0 =	sshrl.u32 @!p1 s0, $0x2;
	s2 =	sshrl.u32 @!p1 s2, $0x2  }
0x54: {  	s3 =	simm.s32 @p2 $0xF0;
	s0 =	sadd.s32 @!p1 $0x10248, s0;
	s2 =	sor.u32 @!p1 $0x106F8, s2  }
0x55: {  	[tilespmem:s2], [sflag:$0x9] =	stream.indirect.gather @!p1 [hbm4b:s6+s3], $0x80, s0, s3, $0xb8;
	[tilespmem:$0x1F6F8] =	vst v63  }
0x56: {  	p1 =	slt.u32 s21, $0x2  }
.Ltmp3:
0x57: {  	_ = 	snop;
	(pc) =	sbr.rel @p1 .LBB2_21-.Ltmp3, $1  }
0x58: {  	_ =	sdelay $0x3  }
0x59: {  	p1 =	sgt.s32 s22, $0x27010  }
0x5a: {  	s0 =	smov.u32 s22;
	s2 =	sshra.s32 s22, $0x1F;
	s3 =	ssub.s32 $0x27100, s22  }
0x5b: {  	s0 =	simm.s32 @!p1 $0x27010;
	s2 =	sand.u32 s2, s22;
	p1 =	slt.s32 s3, $0xF0  }
0x5c: {  	s0 =	ssub.s32 s0, s2;
	s3 =	simm.s32 @!p1 $0xF0  }
0x5d: {  	s0 =	sadd.s32 $0xFFFD8FF0, s0;
	s25 =	sshll.u32 s3, $0x7  }
0x5e: {  	s26 =	sshll.u32 s0, $0x2;
	s2 =	sand.u32 $0x3FFFFF80, s25  }
0x5f: {  	p1 =	sgt.s32 s0, $0xEF;
	s29 =	ssub.s32 $0x3C0, s26;
	_ =	swait.ge [sflag:s10], s2  }
0x60: {  	s2 =	ssub.s32 $0x0, s2;
	[sflag:s10] =	ssyncset.done $0x0;
	s0 =	sshrl.u32 s29, $0x2  }
0x61: {  	[sflag:s10] =	ssyncadd.s32 s2;
	s0 =	simm.s32 @p1 $0x0  }
0x62: {  	_ =	swait.ge [sflag:s11], s0  }
0x63: {  	s0 =	ssub.s32 $0x0, s0;
	[sflag:s11] =	ssyncset.done $0x0  }
0x64: {  	[sflag:s11] =	ssyncadd.s32 s0  }
0x65: {  	v1 =	vld [tilespmem:$0xF208];
	_ =	sdelay $0x4  }
0x66: {  	(v2sf) =	vpush v1, $0x0  }
0x67: {  	(v2sf) =	vpush v1, $0x1  }
0x68: {  	(v2sf) =	vpush v1, $0x2;
	_ =	sdelay $0x3  }
0x69: {  	s0 =	sadd.s32 $0xF0, s22  }
0x6a: {  	s2 =	ssub.s32 $0x4E200, s22;
	p1 =	slt.s32 s8, s0  }
0x6b: {  	s0 =	smov.u32 @p1 s8;
	p1 =	sgt.s32 s2, $0x0  }
0x6c: {  	s26 =	ssub.s32 s0, s22;
	s2 =	simm.s32 @!p1 $0x0  }
0x6d: {  	p1 =	slt.s32 s2, s26  }
0x6e: {  	s26 =	smov.u32 @p1 s2  }
0x6f: {  	s25 =	simm.s32 $0x1;
	p1 =	slt.s32 s26, $0x1  }
.Ltmp4:
0x70: {  	s25 =	simm.s32 @!p0 $0x0;
	(pc) =	sbr.rel @p1 .LBB2_8-.Ltmp4, $4  }
0x71: {  	s31 =	smul.u32 $0x3C0, s25  }
0x72: {  	s28 =	spop (v2sf)  }
0x73: {  	s0 =	sshrl.u32 s31, $0x2;
	s30 =	spop (v2sf)  }
0x74: {  	s23 =	sadd.s32 $0x10518, s0;
	s22 =	spop (v2sf)  }
0x75: {  	s0 =	smin.u32 s26, $0x10  }
0x76: {  	v1 =	vmov s0  }
0x77: {  	p2 =	sgt.s32 s26, $0x10;
	vm1 =	vgt.u32 v1, v0  }
.Ltmp5:
0x78: {  	_ = 	snop;
	(pc) =	sbr.rel @!p2 .LBB2_7-.Ltmp5, $2  }
0x79: {  	_ =	sdelay $0x2  }
0x7a: {  	s4 =	simm.s32 $0x10;
	s24 =	sadd.s32 $0xFFFFFFF0, s26;
	s0 =	smov.u32 s23;
	vm0 =	vmmov vm1  }
.LBB2_6:
0x7b: {  	s2 =	smin.u32 s24, $0x10;
	s4 =	sadd.s32 $0x10, s4;
	v1 =	vld.msk [tilespmem:s0+$0x0 ss:$0x1], vm1  }
0x7c: {  	v2 =	vmov s2;
	p2 =	slt.s32 s4, s26  }
0x7d: {  	vm1 =	vgt.u32 v2, v0  }
.Ltmp6:
0x7e: {  	(pc) =	sbr.rel @p2 .LBB2_6-.Ltmp6, $3  }
0x7f: {  	_ =	sdelay $0x1  }
0x80: {  	v1 =	vshll.u32 v1, $0x4  }
0x81: {  	s24 =	sadd.s32 $0xFFFFFFF0, s24;
	[tilespmem:s0+$0x0] =	vst.msk vm0, v1;
	s0 =	sadd.s32 $0x10, s0;
	vm0 =	vmmov vm1  }
.LBB2_7:
0x82: {  	_ =	sdelay $0x4  }
0x83: {  	v1 =	vld.msk [tilespmem:s0+$0x0 ss:$0x1], vm1;
	_ =	sdelay $0x4  }
0x84: {  	v1 =	vshll.u32 v1, $0x4  }
0x85: {  	[tilespmem:s0+$0x0] =	vst.msk vm0, v1  }
.LBB2_8:
0x86: {  	s0 =	sand.u32 $0x1, s21  }
0x87: {  	s0 =	smul.u32 $0xF0, s0  }
0x88: {  	p2 =	sne.s32 s30, $0xFFFFFFFF  }
0x89: {  	v1 =	vld.msk @!p2 [tilespmem:s0+$0x10518], $0x1;
	_ =	sdelay $0x4  }
0x8a: {  	(v2sf) =	vpush @!p2 v1, $0x0;
	_ =	sdelay $0xc  }
.Ltmp7:
0x8b: {  	_ = 	snop;
	(pc) =	sbr.rel @p1 .LBB2_19-.Ltmp7, $4  }
0x8c: {  	_ = 	snop  }
0x8d: {  	s29 =	spop @!p2 (v2sf)  }
0x8e: {  	s22 =	simm.s32 @!p2 $0x0;
	s24 =	smov.u32 s29  }
0x8f: {  	[sflag:s18] =	ssyncpa.u1 $0x0;
	s29 =	smov.u32 @p2 s28;
	s24 =	smov.u32 @p2 s30  }
0x90: {  	v1 =	vld.msk [tilespmem:s23+$0x0], $0x1;
	_ =	sdelay $0x4  }
0x91: {  	(v2sf) =	vpush v1, $0x0;
	_ =	sdelay $0xe  }
0x92: {  	s2 =	smul.u32 $0x1E000, s25;
	s0 =	spop (v2sf)  }
0x93: {  	s26 =	ssub.s32 $0x0, s26;
	p1 =	seq.s32 s29, s0  }
0x94: {  	s30 =	sadd.s32 $0x1, s26;
	s2 =	sshrl.u32 s2, $0x2;
	p2 =	sgt.s32 @!p1 s29, $0x0  }
0x95: {  	s25 =	sor.u32 $0x10738, s2;
	s2 =	smov.u32 s29;
	p2 =	por !p2, p1  }
0x96: {  	s2 =	simm.s32 @p2 $0x0;
	p2 =	seq.s32 s30, $0x0  }
.Ltmp8:
0x97: {  	_ = 	snop;
	(pc) =	sbr.rel @p2 .LBB2_11-.Ltmp8, $4  }
0x98: {  	_ = 	snop  }
0x99: {  	s28 =	simm.s32 $0x0;
	s31 =	sadd.s32 $0x1, s23;
	s2 =	smin.u32 @!p1 s2, $0x270F0  }
0x9a: {  	s4 =	simm.s32 @!p1 $0x1;
	s5 =	simm.s32 @!p1 $0x7988;
	s3 =	sand.u32 @!p1 $0x3FFF8, s2  }
0x9b: {  	s4 =	smov.u32 @p1 s28;
	s2 =	sand.u32 @!p1 $0x7, s2;
	s3 =	sadd.s32 @!p1 s1, s3  }
.LBB2_10:
0x9c: {  	s9 =	smov.u32 s4  }
0x9d: {  	[tilespmem:s5], [sflag:$0x2] =	stream.linear.gather @!p1 [hbm4b:s3+s2], $0x80, $0x38;
	[tilespmem:$0x1F6F8] =	vst v63  }
0x9e: {  	s30 =	sadd.s32 $0x1, s30;
	s2 =	smov.u32 s0;
	v1 =	vld.msk [tilespmem:s31+$0x0], $0x1  }
0x9f: {  	p2 =	seq.s32 s30, $0x0;
	_ =	sdelay $0x3  }
0xa0: {  	(v2sf) =	vpush v1, $0x0;
	_ =	sdelay $0xe  }
0xa1: {  	s0 =	spop (v2sf)  }
0xa2: {  	p1 =	seq.s32 s2, s0  }
0xa3: {  	p3 =	sgt.s32 @!p1 s2, $0x0;
	s3 =	sshll.u32 @!p1 s4, $0x9;
	s4 =	sadd.s32 @!p1 $0x1, s4  }
.Ltmp9:
0xa4: {  	p3 =	por !p3, p1;
	s3 =	sshra.s32 @!p1 s3, $0x2;
	(pc) =	sbr.rel @!p2 .LBB2_10-.Ltmp9, $4  }
0xa5: {  	s4 =	smov.u32 @p1 s9;
	s2 =	simm.s32 @p3 $0x0;
	s5 =	sadd.s32 @!p1 $0x7988, s3  }
0xa6: {  	s2 =	smin.u32 @!p1 s2, $0x270F0  }
0xa7: {  	s3 =	sand.u32 @!p1 $0x3FFF8, s2;
	s2 =	sand.u32 @!p1 $0x7, s2  }
0xa8: {  	s31 =	sadd.s32 $0x1, s31;
	s3 =	sadd.s32 @!p1 s1, s3  }
.LBB2_11:
0xa9: {  	[tilespmem:s5], [sflag:$0x2] =	stream.linear.gather @!p1 [hbm4b:s3+s2], $0x80, $0x38;
	[tilespmem:$0x1F6F8] =	vst v63  }
.Ltmp10:
0xaa: {  	s0 =	sshll.u32 s4, $0x7;
	(pc) =	sbr.rel .LBB2_12-.Ltmp10, $4  }
0xab: {  	s30 =	simm.s32 $0x2;
	s0 =	sand.u32 $0x3FFFFF80, s0  }
0xac: {  	_ =	swait.ge [sflag:s30], s0  }
0xad: {  	s0 =	ssub.s32 $0x0, s0;
	[sflag:s30] =	ssyncset.done $0x0  }
0xae: {  	s31 =	simm.s32 $0x0;
	[sflag:s30] =	ssyncadd.s32 s0  }
.LBB2_13:
0xaf: {  	v1 =	vld [tilespmem:s25+$0xFFFFFFC0];
	_ =	sdelay $0x3  }
0xb0: {  	s0 =	sshra.s32 s0, $0x2  }
0xb1: {  	[tilespmem:s0+$0x108] =	vst.add.f32.msk $0xffff, v1  }
0xb2: {  	v1 =	vld [tilespmem:s25+$0xFFFFFFD0];
	_ =	sdelay $0x4  }
0xb3: {  	[tilespmem:s0+$0x118] =	vst.add.f32.msk $0xffff, v1  }
0xb4: {  	v1 =	vld [tilespmem:s25+$0xFFFFFFE0];
	_ =	sdelay $0x4  }
0xb5: {  	[tilespmem:s0+$0x128] =	vst.add.f32.msk $0xffff, v1  }
0xb6: {  	v1 =	vld [tilespmem:s25+$0xFFFFFFF0];
	_ =	sdelay $0x4  }
0xb7: {  	[tilespmem:s0+$0x138] =	vst.add.f32.msk $0xffff, v1  }
0xb8: {  	v1 =	vld [tilespmem:s25+$0x0];
	_ =	sdelay $0x4  }
0xb9: {  	[tilespmem:s0+$0x148] =	vst.add.f32.msk $0xffff, v1  }
0xba: {  	v1 =	vld [tilespmem:s25+$0x10];
	_ =	sdelay $0x4  }
0xbb: {  	[tilespmem:s0+$0x158] =	vst.add.f32.msk $0xffff, v1  }
0xbc: {  	v1 =	vld [tilespmem:s25+$0x20];
	_ =	sdelay $0x4  }
0xbd: {  	[tilespmem:s0+$0x168] =	vst.add.f32.msk $0xffff, v1  }
0xbe: {  	v1 =	vld [tilespmem:s25+$0x30];
	_ =	sdelay $0x4  }
0xbf: {  	[tilespmem:s0+$0x178] =	vst.add.f32.msk $0xffff, v1  }
.LBB2_17:
0xc0: {  	s26 =	sadd.s32 $0x1, s26  }
0xc1: {  	p1 =	seq.s32 s26, $0x0  }
.Ltmp11:
0xc2: {  	_ = 	snop;
	(pc) =	sbr.rel @p1 .LBB2_18-.Ltmp11, $2  }
0xc3: {  	_ =	sdelay $0x2  }
0xc4: {  	s23 =	sadd.s32 $0x1, s23;
	s25 =	sadd.s32 $0x80, s25;
	s29 =	smov.u32 s30  }
.LBB2_12:
0xc5: {  	v1 =	vld.msk [tilespmem:s23+$0x0], $0x1;
	_ =	sdelay $0x4  }
0xc6: {  	(v2sf) =	vpush v1, $0x0;
	_ =	sdelay $0xe  }
0xc7: {  	s30 =	spop (v2sf)  }
0xc8: {  	p1 =	sne.s32 s29, s30  }
.Ltmp12:
0xc9: {  	_ = 	snop;
	(pc) =	sbr.rel @!p1 .LBB2_13-.Ltmp12, $2  }
0xca: {  	_ =	sdelay $0x2  }
0xcb: {  	s0 =	sshll.u32 s22, $0x9  }
0xcc: {  	p1 =	seq.s32 s29, s24  }
.Ltmp13:
0xcd: {  	_ = 	snop;
	(pc) =	sbr.rel @!p1 .LBB2_15-.Ltmp13, $1  }
0xce: {  	_ =	sdelay $0x3  }
0xcf: {  	s0 =	sshra.s32 s0, $0x2  }
.Ltmp14:
0xd0: {  	s0 =	sadd.s32 $0x108, s0;
	(pc) =	sbr.rel .LBB2_16-.Ltmp14, $4  }
0xd1: {  	[spmem:s16] =	stream.linear.scatter [tilespmem:s0], [sflag:$0x1], $0x80, $0x38;
	[tilespmem:$0x1F6F8] =	vst v63  }
0xd2: {  	_ =	swait.ge [sflag:s12], $0x80  }
0xd3: {  	[sflag:s12] =	ssyncset.done $0x0  }
0xd4: {  	[sflag:s12] =	ssyncadd.s32 $0xFFFFFF80  }
.LBB2_15:
0xd5: {  	s2 =	sshll.u32 s28, $0x9  }
0xd6: {  	s2 =	sshra.s32 s2, $0x2  }
0xd7: {  	v1 =	vld [tilespmem:s2+$0x7988];
	_ =	sdelay $0x3  }
0xd8: {  	s0 =	sshra.s32 s0, $0x2  }
0xd9: {  	[tilespmem:s0+$0x108] =	vst.add.f32.msk $0xffff, v1  }
0xda: {  	v1 =	vld [tilespmem:s2+$0x7998];
	_ =	sdelay $0x4  }
0xdb: {  	[tilespmem:s0+$0x118] =	vst.add.f32.msk $0xffff, v1  }
0xdc: {  	v1 =	vld [tilespmem:s2+$0x79A8];
	_ =	sdelay $0x4  }
0xdd: {  	[tilespmem:s0+$0x128] =	vst.add.f32.msk $0xffff, v1  }
0xde: {  	v1 =	vld [tilespmem:s2+$0x79B8];
	_ =	sdelay $0x4  }
0xdf: {  	[tilespmem:s0+$0x138] =	vst.add.f32.msk $0xffff, v1  }
0xe0: {  	v1 =	vld [tilespmem:s2+$0x79C8];
	_ =	sdelay $0x4  }
0xe1: {  	[tilespmem:s0+$0x148] =	vst.add.f32.msk $0xffff, v1  }
0xe2: {  	v1 =	vld [tilespmem:s2+$0x79D8];
	_ =	sdelay $0x4  }
0xe3: {  	[tilespmem:s0+$0x158] =	vst.add.f32.msk $0xffff, v1  }
0xe4: {  	v1 =	vld [tilespmem:s2+$0x79E8];
	_ =	sdelay $0x4  }
0xe5: {  	[tilespmem:s0+$0x168] =	vst.add.f32.msk $0xffff, v1  }
0xe6: {  	v1 =	vld [tilespmem:s2+$0x79F8];
	_ =	sdelay $0x2  }
0xe7: {  	p1 =	sgt.u32 s29, $0x270F0  }
0xe8: {  	s2 =	sand.u32 @!p1 $0x3FFF8, s29  }
0xe9: {  	s3 =	sadd.s32 $0x108, s0;
	[tilespmem:s0+$0x178] =	vst.add.f32.msk $0xffff, v1;
	s0 =	sadd.s32 @!p1 s1, s2;
	s2 =	sand.u32 @!p1 $0x7, s29  }
0xea: {  	[hbm4b:s0+s2] =	stream.linear.scatter @!p1 [tilespmem:s3], [sflag:$0xC], $0x80, $0x38;
	[tilespmem:$0x1F6F8] =	vst v63  }
0xeb: {  	s0 =	simm.s32 $0x0  }
0xec: {  	s0 =	simm.s32 @!p1 $0x200  }
0xed: {  	s31 =	sadd.s32 s0, s31  }
.LBB2_16:
0xee: {  	s0 =	sadd.s32 $0x1, s22  }
0xef: {  	s2 =	smulhi.u32 $0x88888889, s0;
	_ =	sdelay $0x1  }
0xf0: {  	v1 =	vld [tilespmem:s25+$0xFFFFFFC0];
	s2 =	sshrl.u32 s2, $0x7  }
0xf1: {  	s2 =	smul.u32 $0xF0, s2;
	_ =	sdelay $0x1  }
0xf2: {  	s22 =	ssub.s32 s0, s2  }
0xf3: {  	s0 =	sshll.u32 s22, $0x7  }
0xf4: {  	[tilespmem:s0+$0x108] =	vst v1  }
0xf5: {  	v1 =	vld [tilespmem:s25+$0xFFFFFFD0];
	_ =	sdelay $0x4  }
0xf6: {  	[tilespmem:s0+$0x118] =	vst v1  }
0xf7: {  	v1 =	vld [tilespmem:s25+$0xFFFFFFE0];
	_ =	sdelay $0x4  }
0xf8: {  	[tilespmem:s0+$0x128] =	vst v1  }
0xf9: {  	v1 =	vld [tilespmem:s25+$0xFFFFFFF0];
	_ =	sdelay $0x4  }
0xfa: {  	[tilespmem:s0+$0x138] =	vst v1  }
0xfb: {  	v1 =	vld [tilespmem:s25+$0x0];
	_ =	sdelay $0x4  }
0xfc: {  	[tilespmem:s0+$0x148] =	vst v1  }
0xfd: {  	v1 =	vld [tilespmem:s25+$0x10];
	_ =	sdelay $0x4  }
0xfe: {  	[tilespmem:s0+$0x158] =	vst v1  }
0xff: {  	v1 =	vld [tilespmem:s25+$0x20];
	_ =	sdelay $0x4  }
0x100: {  	[tilespmem:s0+$0x168] =	vst v1  }
0x101: {  	v1 =	vld [tilespmem:s25+$0x30]  }
.Ltmp15:
0x102: {  	_ = 	snop;
	(pc) =	sbr.rel .LBB2_17-.Ltmp15, $2  }
0x103: {  	_ =	sdelay $0x2  }
0x104: {  	s28 =	sadd.s32 $0x1, s28;
	[tilespmem:s0+$0x178] =	vst v1  }
.LBB2_19:
.Ltmp16:
0x105: {  	(pc) =	sbr.rel .LBB2_20-.Ltmp16, $4  }
0x106: {  	_ = 	snop  }
0x107: {  	s0 =	simm.s32 $0x2  }
0x108: {  	_ =	swait.ge [sflag:s0], $0x0  }
0x109: {  	s30 =	smov.u32 s29;
	[sflag:s0] =	ssyncset.done $0x0;
	s0 =	simm.s32 $0x0  }
.LBB2_22:
0x10a: {  	_ =	sfence.sel $0x180000  }
0x10b: {  	s0 =	simm.s32 $0x9;
	[bflag:$0x0] =	sbarrier.arrive $0xFFFF  }
0x10c: {  	s24 =	simm.s32 $0xA;
	[sflag:s0] =	ssyncpa.u1 $0x1  }
0x10d: {  	s25 =	simm.s32 $0xB;
	[sflag:s24] =	ssyncpa.u1 $0x1  }
0x10e: {  	s26 =	simm.s32 $0x2;
	[sflag:s25] =	ssyncpa.u1 $0x1  }
0x10f: {  	[sflag:s26] =	ssyncpa.u1 $0x1  }
0x110: {  	v0 =	vld [tilespmem:$0xF208];
	_ =	sdelay $0x4  }
0x111: {  	(v2sf) =	vpush v0, $0x0  }
0x112: {  	(v2sf) =	vpush v0, $0x1;
	_ =	sdelay $0x1  }
0x113: {  	(v2sf) =	vpush v0, $0x2;
	_ =	sdelay $0xb  }
0x114: {  	s0 =	spop (v2sf)  }
0x115: {  	s2 =	spop (v2sf)  }
0x116: {  	s3 =	smov.u32 s0;
	p0 =	sne.s32 s0, s2  }
0x117: {  	s4 =	spop (v2sf);
	s3 =	simm.s32 @!p0 $0xFFFFFFFF  }
0x118: {  	v2 =	vimm.s32 $0x1;
	v3 =	vlaneseq.u32;
	p0 =	seq.s32 s4, $0xFFFFFFFF;
	v1 =	vmov s3  }
0x119: {  	s16 =	stileid.u32;
	v0 =	vperm.xlane v0, v2;
	p1 =	sne.s32 @!p0 s0, s2;
	v1 =	vperm.xlane v1, v3  }
0x11a: {  	vm0 =	vcmask $0x3F04;
	s6 =	simm.s32 $0xF208;
	s0 =	simm.s32 @!p0 $0x1;
	p1 =	por !p1, p0  }
0x11b: {  	s3 =	sshll.u32 s16, $0x1;
	s2 =	sshll.u32 @!p0 s4, $0x9;
	s0 =	simm.s32 @p1 $0x0;
	v0 =	vsel vm0, v1, v0  }
0x11c: {  	s5 =	sor.u32 $0x1000, s3;
	s2 =	sshra.s32 @!p0 s2, $0x2;
	s0 =	sor.u32 @!p0 s0, s3;
	[tilespmem:$0xF208] =	vst v0  }
0x11d: {  	[spmem:s5] =	stream.linear.scatter [tilespmem:s6], [sflag:$0x1], $0x2, $0x38;
	[tilespmem:$0x1F6F8] =	vst v63  }
0x11e: {  	s2 =	sadd.s32 @!p0 $0x108, s2;
	s0 =	sshll.u32 @!p0 s0, $0x7  }
0x11f: {  	[spmem:s0] =	stream.linear.scatter @!p0 [tilespmem:s2], [sflag:$0x1], $0x80, $0x38;
	[tilespmem:$0x1F6F8] =	vst v63  }
0x120: {  	s0 =	simm.s32 @!p0 $0x82  }
0x121: {  	s28 =	simm.s32 $0x1;
	s0 =	simm.s32 @p0 $0x2  }
0x122: {  	_ =	swait.ge [sflag:s28], s0  }
0x123: {  	s0 =	ssub.s32 $0x0, s0;
	[sflag:s28] =	ssyncset.done $0x0  }
0x124: {  	p0 =	sne.s32 s16, $0x0;
	[sflag:s28] =	ssyncadd.s32 s0  }
.Ltmp17:
0x125: {  	_ =	sfence.stream.spmem;
	(pc) =	sbr.rel @p0 .LBB2_39-.Ltmp17, $4  }
0x126: {  	s29 =	simm.s32 $0x3;
	[bflag:$0x0] =	sbarrier.arrive $0xFFFF  }
0x127: {  	s30 =	simm.s32 $0x4;
	[sflag:s29] =	ssyncpa.u1 $0x1  }
0x128: {  	s31 =	simm.s32 $0x3C;
	[sflag:s30] =	ssyncpa.u1 $0x1  }
0x129: {  	s15 =	rddreg [dreg:$0x5];
	[sflag:s31] =	ssyncpa.u1 $0x1  }
0x12a: {  	_ =	sfence.stream.spmem;
	s0 =	simm.s32 $0x5  }
0x12b: {  	s2 =	simm.s32 $0x1000;
	s3 =	simm.s32 $0xF218;
	[sflag:s0] =	ssyncpa.u1 $0x0  }
0x12c: {  	[tilespmem:s3], [sflag:$0x5] =	stream.linear.gather [spmem:s2], $0x20, $0x38;
	[tilespmem:$0x1F6F8] =	vst v63  }
0x12d: {  	s26 =	simm.s32 $0x0;
	s28 =	simm.s32 $0xF238  }
0x12e: {  	[tilespmem:s28], [sflag:$0x5] =	stream.linear.gather [spmem:s26], $0x1000, $0x38;
	[tilespmem:$0x1F6F8] =	vst v63  }
0x12f: {  	_ =	swait.ge [sflag:s0], $0x1020  }
0x130: {  	[sflag:s0] =	ssyncset.done $0x0  }
0x131: {  	s29 =	simm.s32 $0x0;
	[sflag:s0] =	ssyncadd.s32 $0xFFFFEFE0  }
0x132: {  	v0 =	vld.msk [tilespmem:s29+$0xF218], $0x1;
	_ =	sdelay $0x1  }
0x133: {  	s30 =	simm.s32 $0x1  }
0x134: {  	v1 =	vld.msk [tilespmem:s30+$0xF218], $0x1;
	_ =	sdelay $0x1  }
0x135: {  	(v2sf) =	vpush v0, $0x0;
	_ =	sdelay $0x2  }
0x136: {  	(v2sf) =	vpush v1, $0x0;
	_ =	sdelay $0x2  }
0x137: {  	s31 =	simm.s32 $0x2  }
0x138: {  	v0 =	vld.msk [tilespmem:s31+$0xF218], $0x1;
	_ =	sdelay $0x2  }
0x139: {  	s4 =	simm.s32 $0xFFFFFFFF;
	s5 =	simm.s32 $0xFFFFFFFF;
	s0 =	simm.s32 $0xC  }
.LBB2_24:
0x13a: {  	s2 =	smov.u32 s5;
	s3 =	smov.u32 s4  }
0x13b: {  	s4 =	sshra.s32 s0, $0x2;
	p1 =	sne.s32 s0, $0x7C;
	s0 =	sadd.s32 $0x4, s0;
	(v2sf) =	vpush v0, $0x0  }
0x13c: {  	v0 =	vld.msk [tilespmem:s4+$0xF218], $0x1  }
.Ltmp18:
0x13d: {  	(pc) =	sbr.rel @p1 .LBB2_24-.Ltmp18, $4  }
0x13e: {  	s5 =	spop (v2sf)  }
0x13f: {  	p2 =	sne.s32 s3, $0xFFFFFFFF;
	s4 =	smov.u32 s5  }
0x140: {  	p3 =	seq.s32 s5, $0xFFFFFFFF;
	s4 =	smov.u32 @p2 s3  }
0x141: {  	s5 =	smov.u32 @p3 s2;
	s4 =	smov.u32 @p3 s3  }
0x142: {  	(v2sf) =	vpush v0, $0x0;
	_ =	sdelay $0x8  }
0x143: {  	s0 =	spop (v2sf)  }
0x144: {  	p1 =	sne.s32 s4, $0xFFFFFFFF;
	s2 =	smov.u32 s0  }
0x145: {  	s9 =	simm.s32 $0x6;
	p2 =	seq.s32 s0, $0xFFFFFFFF;
	s2 =	smov.u32 @p1 s4  }
0x146: {  	s6 =	simm.s32 $0x0;
	s2 =	smov.u32 @p2 s4;
	s3 =	spop (v2sf)  }
0x147: {  	s0 =	smov.u32 @p2 s5;
	p1 =	sne.s32 s2, $0xFFFFFFFF;
	s4 =	smov.u32 s3  }
.Ltmp19:
0x148: {  	p2 =	seq.s32 s3, $0xFFFFFFFF;
	s4 =	smov.u32 @p1 s2;
	(pc) =	sbr.rel .LBB2_26-.Ltmp19, $4  }
0x149: {  	s10 =	simm.s32 $0xF188;
	s4 =	smov.u32 @p2 s2;
	s7 =	spop (v2sf)  }
0x14a: {  	s11 =	simm.s32 $0x0;
	p1 =	sne.s32 s4, $0xFFFFFFFF;
	s8 =	smov.u32 s7  }
0x14b: {  	s3 =	smov.u32 @p2 s0;
	p2 =	seq.s32 s7, $0xFFFFFFFF;
	s8 =	smov.u32 @p1 s4  }
0x14c: {  	[sflag:s9] =	ssyncpa.u1 $0x0;
	s7 =	smov.u32 @p2 s3;
	s8 =	smov.u32 @p2 s4  }
.LBB2_32:
0x14d: {  	p1 =	sgt.u32 s12, $0x270F0  }
0x14e: {  	p2 =	seq.s32 @!p1 s12, s8  }
0x14f: {  	p1 =	por p1, p2  }
0x150: {  	p2 =	sne.s32 @!p1 s12, s7  }
0x151: {  	p1 =	por p1, !p2  }
0x152: {  	s0 =	sshll.u32 @p1 s11, $0x9  }
0x153: {  	s0 =	sand.u32 @!p1 $0x3FFF8, s12  }
0x154: {  	s2 =	sand.u32 @!p1 $0x7, s12;
	s0 =	sadd.s32 @!p1 s1, s0  }
0x155: {  	[tilespmem:s10], [sflag:$0x6] =	stream.linear.gather @!p1 [hbm4b:s0+s2], $0x80, $0x38;
	[tilespmem:$0x1F6F8] =	vst v63  }
0x156: {  	_ =	swait.ge @!p1 [sflag:s9], $0x80  }
0x157: {  	[sflag:s9] =	ssyncset.done @!p1 $0x0  }
0x158: {  	[sflag:s9] =	ssyncadd.s32 @!p1 $0xFFFFFF80  }
0x159: {  	v1 =	vld @!p1 [tilespmem:$0xF188];
	_ =	sdelay $0x2  }
0x15a: {  	s0 =	sshll.u32 @!p1 s11, $0x9  }
0x15b: {  	s2 =	sshrl.u32 @!p1 s0, $0x2  }
0x15c: {  	[tilespmem:s2+$0xF238] =	vst.add.f32.msk @!p1 $0xffff, v1  }
0x15d: {  	v1 =	vld @!p1 [tilespmem:$0xF198];
	_ =	sdelay $0x4  }
0x15e: {  	[tilespmem:s2+$0xF248] =	vst.add.f32.msk @!p1 $0xffff, v1  }
0x15f: {  	v1 =	vld @!p1 [tilespmem:$0xF1A8];
	_ =	sdelay $0x4  }
0x160: {  	[tilespmem:s2+$0xF258] =	vst.add.f32.msk @!p1 $0xffff, v1  }
0x161: {  	v1 =	vld @!p1 [tilespmem:$0xF1B8];
	_ =	sdelay $0x4  }
0x162: {  	[tilespmem:s2+$0xF268] =	vst.add.f32.msk @!p1 $0xffff, v1  }
0x163: {  	v1 =	vld @!p1 [tilespmem:$0xF1C8];
	_ =	sdelay $0x4  }
0x164: {  	[tilespmem:s2+$0xF278] =	vst.add.f32.msk @!p1 $0xffff, v1  }
0x165: {  	v1 =	vld @!p1 [tilespmem:$0xF1D8];
	_ =	sdelay $0x4  }
0x166: {  	[tilespmem:s2+$0xF288] =	vst.add.f32.msk @!p1 $0xffff, v1  }
0x167: {  	v1 =	vld @!p1 [tilespmem:$0xF1E8];
	_ =	sdelay $0x4  }
0x168: {  	[tilespmem:s2+$0xF298] =	vst.add.f32.msk @!p1 $0xffff, v1  }
0x169: {  	v1 =	vld @!p1 [tilespmem:$0xF1F8];
	_ =	sdelay $0x4  }
0x16a: {  	[tilespmem:s2+$0xF2A8] =	vst.add.f32.msk @!p1 $0xffff, v1  }
0x16b: {  	s0 =	sshrl.u32 s0, $0x2;
	[tilespmem:s6+$0xF218] =	vst.msk $0x1, v0  }
0x16c: {  	v0 =	vld [tilespmem:s0+$0xF238];
	_ =	sdelay $0x2  }
0x16d: {  	s31 =	sshll.u32 s6, $0x9  }
0x16e: {  	s2 =	sshra.s32 s31, $0x2  }
0x16f: {  	[tilespmem:s2+$0xF238] =	vst v0  }
0x170: {  	v0 =	vld [tilespmem:s0+$0xF248];
	_ =	sdelay $0x4  }
0x171: {  	[tilespmem:s2+$0xF248] =	vst v0  }
0x172: {  	v0 =	vld [tilespmem:s0+$0xF258];
	_ =	sdelay $0x4  }
0x173: {  	[tilespmem:s2+$0xF258] =	vst v0  }
0x174: {  	v0 =	vld [tilespmem:s0+$0xF268];
	_ =	sdelay $0x4  }
0x175: {  	[tilespmem:s2+$0xF268] =	vst v0  }
0x176: {  	v0 =	vld [tilespmem:s0+$0xF278];
	_ =	sdelay $0x4  }
0x177: {  	[tilespmem:s2+$0xF278] =	vst v0  }
0x178: {  	v0 =	vld [tilespmem:s0+$0xF288];
	_ =	sdelay $0x4  }
0x179: {  	[tilespmem:s2+$0xF288] =	vst v0  }
0x17a: {  	v0 =	vld [tilespmem:s0+$0xF298];
	_ =	sdelay $0x4  }
0x17b: {  	[tilespmem:s2+$0xF298] =	vst v0  }
0x17c: {  	v0 =	vld [tilespmem:s0+$0xF2A8];
	_ =	sdelay $0x4  }
0x17d: {  	s6 =	sadd.s32 $0x1, s6;
	[tilespmem:s2+$0xF2A8] =	vst v0  }
.LBB2_33:
0x17e: {  	s11 =	sadd.s32 $0x1, s11  }
0x17f: {  	p1 =	sne.s32 s11, $0x20  }
.Ltmp20:
0x180: {  	_ = 	snop;
	(pc) =	sbr.rel @!p1 .LBB2_34-.Ltmp20, $1  }
0x181: {  	_ =	sdelay $0x3  }
.LBB2_26:
0x182: {  	v0 =	vld.msk [tilespmem:s11+$0xF218], $0x1;
	_ =	sdelay $0x4  }
0x183: {  	(v2sf) =	vpush v0, $0x0;
	_ =	sdelay $0xe  }
0x184: {  	s12 =	spop (v2sf)  }
0x185: {  	p1 =	seq.s32 s12, $0xFFFFFFFF  }
.Ltmp21:
0x186: {  	_ = 	snop;
	(pc) =	sbr.rel @p1 .LBB2_33-.Ltmp21, $1  }
0x187: {  	_ =	sdelay $0x3  }
0x188: {  	p1 =	slt.s32 s6, $0x1  }
.Ltmp22:
0x189: {  	_ = 	snop;
	(pc) =	sbr.rel @p1 .LBB2_32-.Ltmp22, $1  }
0x18a: {  	_ =	sdelay $0x3  }
0x18b: {  	s13 =	simm.s32 $0xF218;
	p1 =	por $0x0, $0x0  }
0x18c: {  	v1 =	vld.msk @!p1 [tilespmem:s13+$0x0], $0x1;
	_ =	sdelay $0x4  }
0x18d: {  	(v2sf) =	vpush @!p1 v1, $0x0;
	_ =	sdelay $0xd  }
0x18e: {  	p3 =	sne.s32 s6, $0x1  }
.Ltmp23:
0x18f: {  	s0 =	spop @!p1 (v2sf);
	(pc) =	sbr.rel @!p3 .LBB2_30-.Ltmp23, $4  }
0x190: {  	p2 =	seq.s32 @!p1 s12, s0  }
0x191: {  	s14 =	simm.s32 $0x0;
	p2 =	por !p2, p1  }
0x192: {  	s2 =	simm.s32 $0xFFFFFFFF;
	s14 =	simm.s32 @p2 $0xFFFFFFFF  }
0x193: {  	s0 =	simm.s32 $0x1;
	s14 =	smov.u32 @p1 s2  }
.LBB2_29:
0x194: {  	s2 =	smov.u32 s14;
	p1 =	sne.s32 s14, $0xFFFFFFFF  }
0x195: {  	s13 =	sadd.s32 $0x1, s13;
	s14 =	smov.u32 s0;
	s0 =	sadd.s32 $0x1, s0  }
0x196: {  	p2 =	sne.s32 s6, s0;
	v1 =	vld.msk @!p1 [tilespmem:s13+$0x0], $0x1;
	_ =	sdelay $0x4  }
0x197: {  	(v2sf) =	vpush @!p1 v1, $0x0;
	_ =	sdelay $0xe  }
.Ltmp24:
0x198: {  	s3 =	spop @!p1 (v2sf);
	(pc) =	sbr.rel @p2 .LBB2_29-.Ltmp24, $4  }
0x199: {  	p3 =	seq.s32 @!p1 s12, s3  }
0x19a: {  	p3 =	por !p3, p1  }
0x19b: {  	s14 =	simm.s32 @p3 $0xFFFFFFFF  }
0x19c: {  	s14 =	smov.u32 @p1 s2  }
.LBB2_30:
0x19d: {  	p1 =	seq.s32 s14, $0xFFFFFFFF  }
.Ltmp25:
0x19e: {  	_ = 	snop;
	(pc) =	sbr.rel @p1 .LBB2_32-.Ltmp25, $1  }
0x19f: {  	_ =	sdelay $0x3  }
0x1a0: {  	s0 =	sshll.u32 s11, $0x7  }
0x1a1: {  	s0 =	sand.u32 $0x3FFFFF80, s0  }
0x1a2: {  	v0 =	vld [tilespmem:s0+$0xF238];
	_ =	sdelay $0x2  }
0x1a3: {  	s2 =	sshll.u32 s14, $0x9  }
0x1a4: {  	s2 =	sshra.s32 s2, $0x2  }
0x1a5: {  	[tilespmem:s2+$0xF238] =	vst.add.f32.msk $0xffff, v0  }
0x1a6: {  	v0 =	vld [tilespmem:s0+$0xF248];
	_ =	sdelay $0x4  }
0x1a7: {  	[tilespmem:s2+$0xF248] =	vst.add.f32.msk $0xffff, v0  }
0x1a8: {  	v0 =	vld [tilespmem:s0+$0xF258];
	_ =	sdelay $0x4  }
0x1a9: {  	[tilespmem:s2+$0xF258] =	vst.add.f32.msk $0xffff, v0  }
0x1aa: {  	v0 =	vld [tilespmem:s0+$0xF268];
	_ =	sdelay $0x4  }
0x1ab: {  	[tilespmem:s2+$0xF268] =	vst.add.f32.msk $0xffff, v0  }
0x1ac: {  	v0 =	vld [tilespmem:s0+$0xF278];
	_ =	sdelay $0x4  }
0x1ad: {  	[tilespmem:s2+$0xF278] =	vst.add.f32.msk $0xffff, v0  }
0x1ae: {  	v0 =	vld [tilespmem:s0+$0xF288];
	_ =	sdelay $0x4  }
0x1af: {  	[tilespmem:s2+$0xF288] =	vst.add.f32.msk $0xffff, v0  }
0x1b0: {  	v0 =	vld [tilespmem:s0+$0xF298];
	_ =	sdelay $0x4  }
0x1b1: {  	[tilespmem:s2+$0xF298] =	vst.add.f32.msk $0xffff, v0  }
0x1b2: {  	v0 =	vld [tilespmem:s0+$0xF2A8]  }
.Ltmp26:
0x1b3: {  	_ = 	snop;
	(pc) =	sbr.rel .LBB2_33-.Ltmp26, $2  }
0x1b4: {  	_ =	sdelay $0x2  }
0x1b5: {  	[tilespmem:s2+$0xF2A8] =	vst.add.f32.msk $0xffff, v0  }
.LBB2_34:
0x1b6: {  	s0 =	simm.s32 $0x6;
	p1 =	seq.s32 s6, $0x0  }
0x1b7: {  	[sflag:s0] =	ssyncpa.u1 $0x1;
	v0 =	vimm.s32 @p1 $0xFFFFFFFF  }
0x1b8: {  	s9 =	sadd.s32 $0xFFFFFFFF, s6;
	[tilespmem:$0x10238] =	vst @p1 v0  }
0x1b9: {  	v0 =	vld.msk @!p1 [tilespmem:s9+$0xF218], $0x1;
	_ =	sdelay $0x1  }
0x1ba: {  	v1 =	vld.msk @!p1 [tilespmem:$0xF218], $0x1;
	_ =	sdelay $0x2  }
0x1bb: {  	p2 =	seq.s32 @!p1 s9, $0x0;
	v0 =	vbroadcast @!p1 v0, $0x0  }
0x1bc: {  	vm0 =	vmmov @!p1 $0x1;
	p2 =	por !p2, p1  }
0x1bd: {  	v1 =	vnsel @!p1 vm0, $0xFFFFFFFF, v1;
	vm0 =	vcmask @!p1 $0x308;
	v0 =	vpsel !p2, $0xFFFFFFFF, v0  }
0x1be: {  	p2 =	sne.s32 @!p1 s8, s7;
	v0 =	vsel @!p1 vm0, v1, v0  }
0x1bf: {  	s0 =	simm.s32 @!p1 $0xF238;
	s2 =	simm.s32 @!p1 $0x0;
	p3 =	por !p2, p1;
	[tilespmem:$0x10238] =	vst @!p1 v0  }
0x1c0: {  	[spmem:s2] =	stream.linear.scatter @!p1 [tilespmem:s0], [sflag:$0x1], $0x80, $0x38;
	[tilespmem:$0x1F6F8] =	vst v63  }
0x1c1: {  	s0 =	sshll.u32 @!p3 s9, $0x9  }
0x1c2: {  	s0 =	sshra.s32 @!p3 s0, $0x2  }
0x1c3: {  	s2 =	simm.s32 @!p3 $0x80;
	s0 =	sadd.s32 @!p3 $0xF238, s0  }
0x1c4: {  	[spmem:s2] =	stream.linear.scatter @!p3 [tilespmem:s0], [sflag:$0x1], $0x80, $0x38;
	[tilespmem:$0x1F6F8] =	vst v63  }
0x1c5: {  	s0 =	simm.s32 @!p3 $0x1  }
0x1c6: {  	_ =	swait.ge @!p3 [sflag:s0], $0x100  }
0x1c7: {  	p1 =	por p2, p1;
	[sflag:s0] =	ssyncset.done @!p3 $0x0  }
0x1c8: {  	[sflag:s0] =	ssyncadd.s32 @!p3 $0xFFFFFF00;
	s0 =	simm.s32 @!p1 $0x1  }
0x1c9: {  	_ =	swait.ge @!p1 [sflag:s0], $0x80  }
0x1ca: {  	s29 =	simm.s32 $0x10238;
	[sflag:s0] =	ssyncset.done @!p1 $0x0  }
0x1cb: {  	s30 =	simm.s32 $0x1000;
	s31 =	simm.s32 $0x1;
	[sflag:s0] =	ssyncadd.s32 @!p1 $0xFFFFFF80  }
0x1cc: {  	[spmem:s30] =	stream.linear.scatter [tilespmem:s29], [sflag:$0x1], $0x10, $0x38;
	[tilespmem:$0x1F6F8] =	vst v63  }
0x1cd: {  	_ =	swait.ge [sflag:s31], $0x10  }
0x1ce: {  	[sflag:s31] =	ssyncset.done $0x0  }
0x1cf: {  	p1 =	seq.s32 s15, $0x0;
	s8 =	rddreg [dreg:$0x2];
	[sflag:s31] =	ssyncadd.s32 $0xFFFFFFF0  }
0x1d0: {  	s2 =	sshll.u32 @p1 s8, $0xE;
	s7 =	rddreg [dreg:$0x3]  }
0x1d1: {  	s0 =	sadd.s32 @p1 $0x15C3C, s2;
	s2 =	sshll.u32 @p1 s7, $0x11  }
0x1d2: {  	_ =	sfence.stream.spmem;
	s0 =	sor.u32 @p1 s2, s0  }
0x1d3: {  	[sflag:s0] =	ssyncadd.remote.s32 @p1 $0x1;
	s0 =	simm.s32 @p1 $0x4  }
0x1d4: {  	s3 =	simm.s32 @!p1 $0x3C;
	s2 =	sand.u32 $0xFFFFFFFE, s8;
	_ =	swait.ge @p1 [sflag:s0], $0x22  }
0x1d5: {  	s4 =	simm.s32 @!p1 $0x0;
	s2 =	sadd.s32 @!p1 $0x4, s2;
	[sflag:s0] =	ssyncset.done @p1 $0x0  }
0x1d6: {  	s5 =	simm.s32 @!p1 $0x100;
	[sflag:s0] =	ssyncadd.s32 @p1 $0xFFFFFFDE;
	s0 =	sshll.u32 @!p1 s2, $0x1A  }
0x1d7: {  	s2 =	sshll.u32 @!p1 s2, $0xD;
	s0 =	sor.u32 @!p1 s0, s7;
	_ =	swait.eq @!p1 [sflag:s3], $0x1  }
0x1d8: {  	s2 =	sor.u32 @!p1 $0x1C04, s2;
	s3 =	simm.s32 @!p1 $0x1C03;
	s0 =	sor.u32 @!p1 $0x80004000, s0  }
0x1d9: {  	[spmem:s5], [sflag:s2] =	dma.general @!p1 [spmem:s4], [sflag:s3], length:$0x20, [dreg:$0x0], stride_count:$0x0, ici_dest:s0, dma_misc:DstOpCode:WRITE  }
0x1da: {  	p2 =	slt.s32 s9, $0x2;
	s4 =	simm.s32 @!p1 $0x200;
	s5 =	simm.s32 @!p1 $0x202  }
0x1db: {  	[spmem:s5], [sflag:s2] =	dma.general @!p1 [spmem:s4], [sflag:s3], length:$0x2, [dreg:$0x0], stride_count:$0x0, ici_dest:s0, dma_misc:DstOpCode:WRITE  }
.Ltmp27:
0x1dc: {  	s0 =	simm.s32 @!p1 $0x3;
	(pc) =	sbr.rel @p2 .LBB2_38-.Ltmp27, $4  }
0x1dd: {  	s2 =	sshll.u32 @!p1 s8, $0xE;
	_ =	swait.ge @!p1 [sflag:s0], $0x22  }
0x1de: {  	s3 =	sshll.u32 @!p1 s7, $0x11;
	s2 =	sadd.s32 @!p1 $0x11C3C, s2;
	[sflag:s0] =	ssyncset.done @!p1 $0x0  }
0x1df: {  	[sflag:s0] =	ssyncadd.s32 @!p1 $0xFFFFFFDE;
	s0 =	sor.u32 @!p1 s3, s2  }
0x1e0: {  	[sflag:s0] =	ssyncadd.remote.s32 @!p1 $0xFFFFFFFF;
	s0 =	simm.s32 $0x0  }
0x1e1: {  	s0 =	simm.s32 $0xF219  }
0x1e2: {  	v0 =	vld.msk [tilespmem:s0+$0x0], $0x1;
	_ =	sdelay $0x4  }
0x1e3: {  	(v2sf) =	vpush v0, $0x0;
	_ =	sdelay $0xb  }
0x1e4: {  	s31 =	sadd.s32 $0xFFFFFFFE, s6  }
0x1e5: {  	s0 =	sadd.s32 $0xFFFFFFFF, s31  }
0x1e6: {  	p2 =	sne.s32 s0, $0x0  }
.Ltmp28:
0x1e7: {  	s2 =	spop (v2sf);
	(pc) =	sbr.rel @!p2 .LBB2_37-.Ltmp28, $4  }
0x1e8: {  	s4 =	simm.s32 $0xF2B8;
	s7 =	simm.s32 $0x0;
	p1 =	sgt.u32 s2, $0x270F0  }
0x1e9: {  	s5 =	simm.s32 $0x0;
	s6 =	simm.s32 $0xF21A;
	s3 =	sand.u32 @!p1 $0x3FFF8, s2  }
0x1ea: {  	s2 =	sand.u32 @!p1 $0x7, s2;
	s7 =	simm.s32 @!p1 $0x200;
	s3 =	sadd.s32 @!p1 s1, s3  }
0x1eb: {  	[hbm4b:s3+s2] =	stream.linear.scatter @!p1 [tilespmem:s4], [sflag:$0x5], $0x80, $0x38;
	[tilespmem:$0x1F6F8] =	vst v63  }
.LBB2_36:
0x1ec: {  	v0 =	vld.msk [tilespmem:s6+$0x0], $0x1;
	s0 =	sadd.s32 $0xFFFFFFFF, s0;
	s5 =	sadd.s32 s5, s7  }
0x1ed: {  	p1 =	sne.s32 s0, $0x0;
	_ =	sdelay $0x3  }
0x1ee: {  	(v2sf) =	vpush v0, $0x0;
	_ =	sdelay $0xe  }
.Ltmp29:
0x1ef: {  	s2 =	spop (v2sf);
	(pc) =	sbr.rel @p1 .LBB2_36-.Ltmp29, $4  }
0x1f0: {  	s7 =	simm.s32 $0x0;
	p2 =	sgt.u32 s2, $0x270F0  }
0x1f1: {  	s4 =	sadd.s32 $0x80, s4;
	s7 =	simm.s32 @!p2 $0x200;
	s3 =	sand.u32 @!p2 $0x3FFF8, s2  }
0x1f2: {  	s6 =	sadd.s32 $0x1, s6;
	s2 =	sand.u32 @!p2 $0x7, s2;
	s3 =	sadd.s32 @!p2 s1, s3  }
0x1f3: {  	[hbm4b:s3+s2] =	stream.linear.scatter @!p2 [tilespmem:s4], [sflag:$0x5], $0x80, $0x38;
	[tilespmem:$0x1F6F8] =	vst v63  }
.LBB2_37:
0x1f4: {  	s0 =	sadd.s32 s5, s7  }
0x1f5: {  	s0 =	sshrl.u32 s0, $0x2  }
.LBB2_38:
0x1f6: {  	s2 =	simm.s32 $0x5  }
0x1f7: {  	_ =	swait.ge [sflag:s2], s0  }
0x1f8: {  	s31 =	ssub.s32 $0x0, s0;
	[sflag:s2] =	ssyncset.done $0x0  }
0x1f9: {  	[sflag:s2] =	ssyncadd.s32 s31  }
0x1fa: {  	[sflag:s2] =	ssyncpa.u1 $0x1  }
.LBB2_39:
0x1fb: {  	s0 =	sor.u32 s15, s16  }
0x1fc: {  	p1 =	sne.s32 s0, $0x0  }
.Ltmp30:
0x1fd: {  	_ = 	snop;
	(pc) =	sbr.rel @p1 .LBB2_54-.Ltmp30, $3  }
0x1fe: {  	_ =	sdelay $0x1  }
0x1ff: {  	[bflag:$0x0] =	sbarrier.arrive $0xFFFF  }
0x200: {  	_ =	sfence  }
0x201: {  	s0 =	simm.s32 $0x7  }
0x202: {  	s2 =	simm.s32 $0x1000;
	s3 =	simm.s32 $0xF218;
	[sflag:s0] =	ssyncpa.u1 $0x0  }
0x203: {  	[tilespmem:s3], [sflag:$0x7] =	stream.linear.gather [spmem:s2], $0x20, $0x38;
	[tilespmem:$0x1F6F8] =	vst v63  }
0x204: {  	s30 =	simm.s32 $0xF238;
	s2 =	simm.s32 $0x0  }
0x205: {  	[tilespmem:s30], [sflag:$0x7] =	stream.linear.gather [spmem:s2], $0x1000, $0x38;
	[tilespmem:$0x1F6F8] =	vst v63  }
.Ltmp31:
0x206: {  	_ = 	snop;
	(pc) =	sbr.rel .LBB2_41-.Ltmp31, $4  }
0x207: {  	_ =	swait.ge [sflag:s0], $0x1020  }
0x208: {  	[sflag:s0] =	ssyncset.done $0x0  }
0x209: {  	s31 =	simm.s32 $0x8;
	[sflag:s0] =	ssyncadd.s32 $0xFFFFEFE0  }
0x20a: {  	s3 =	simm.s32 $0x0;
	[sflag:s31] =	ssyncpa.u1 $0x0  }
.LBB2_47:
0x20b: {  	p1 =	slt.u32 s4, $0x270F1  }
0x20c: {  	s0 =	sand.u32 @p1 $0x3FFF8, s4  }
0x20d: {  	s4 =	sand.u32 @p1 $0x7, s4;
	s5 =	simm.s32 @p1 $0xF188;
	s0 =	sadd.s32 @p1 s1, s0  }
0x20e: {  	[tilespmem:s5], [sflag:$0x8] =	stream.linear.gather @p1 [hbm4b:s0+s4], $0x80, $0x38;
	[tilespmem:$0x1F6F8] =	vst v63  }
0x20f: {  	s0 =	simm.s32 @p1 $0x8  }
0x210: {  	_ =	swait.ge @p1 [sflag:s0], $0x80  }
0x211: {  	[sflag:s0] =	ssyncset.done @p1 $0x0  }
0x212: {  	[sflag:s0] =	ssyncadd.s32 @p1 $0xFFFFFF80  }
0x213: {  	v1 =	vld @p1 [tilespmem:$0xF188];
	_ =	sdelay $0x2  }
0x214: {  	s0 =	sshll.u32 @p1 s3, $0x9  }
0x215: {  	s4 =	sshrl.u32 @p1 s0, $0x2  }
0x216: {  	[tilespmem:s4+$0xF238] =	vst.add.f32.msk @p1 $0xffff, v1  }
0x217: {  	v1 =	vld @p1 [tilespmem:$0xF198];
	_ =	sdelay $0x4  }
0x218: {  	[tilespmem:s4+$0xF248] =	vst.add.f32.msk @p1 $0xffff, v1  }
0x219: {  	v1 =	vld @p1 [tilespmem:$0xF1A8];
	_ =	sdelay $0x4  }
0x21a: {  	[tilespmem:s4+$0xF258] =	vst.add.f32.msk @p1 $0xffff, v1  }
0x21b: {  	v1 =	vld @p1 [tilespmem:$0xF1B8];
	_ =	sdelay $0x4  }
0x21c: {  	[tilespmem:s4+$0xF268] =	vst.add.f32.msk @p1 $0xffff, v1  }
0x21d: {  	v1 =	vld @p1 [tilespmem:$0xF1C8];
	_ =	sdelay $0x4  }
0x21e: {  	[tilespmem:s4+$0xF278] =	vst.add.f32.msk @p1 $0xffff, v1  }
0x21f: {  	v1 =	vld @p1 [tilespmem:$0xF1D8];
	_ =	sdelay $0x4  }
0x220: {  	[tilespmem:s4+$0xF288] =	vst.add.f32.msk @p1 $0xffff, v1  }
0x221: {  	v1 =	vld @p1 [tilespmem:$0xF1E8];
	_ =	sdelay $0x4  }
0x222: {  	[tilespmem:s4+$0xF298] =	vst.add.f32.msk @p1 $0xffff, v1  }
0x223: {  	v1 =	vld @p1 [tilespmem:$0xF1F8];
	_ =	sdelay $0x3  }
0x224: {  	s5 =	sshll.u32 @!p1 s3, $0x9  }
0x225: {  	s5 =	smov.u32 @p1 s0;
	[tilespmem:s4+$0xF2A8] =	vst.add.f32.msk @p1 $0xffff, v1  }
0x226: {  	s0 =	sshrl.u32 s5, $0x2;
	[tilespmem:s2+$0xF218] =	vst.msk $0x1, v0  }
0x227: {  	v0 =	vld [tilespmem:s0+$0xF238];
	_ =	sdelay $0x2  }
0x228: {  	s31 =	sshll.u32 s2, $0x9  }
0x229: {  	s4 =	sshra.s32 s31, $0x2  }
0x22a: {  	[tilespmem:s4+$0xF238] =	vst v0  }
0x22b: {  	v0 =	vld [tilespmem:s0+$0xF248];
	_ =	sdelay $0x4  }
0x22c: {  	[tilespmem:s4+$0xF248] =	vst v0  }
0x22d: {  	v0 =	vld [tilespmem:s0+$0xF258];
	_ =	sdelay $0x4  }
0x22e: {  	[tilespmem:s4+$0xF258] =	vst v0  }
0x22f: {  	v0 =	vld [tilespmem:s0+$0xF268];
	_ =	sdelay $0x4  }
0x230: {  	[tilespmem:s4+$0xF268] =	vst v0  }
0x231: {  	v0 =	vld [tilespmem:s0+$0xF278];
	_ =	sdelay $0x4  }
0x232: {  	[tilespmem:s4+$0xF278] =	vst v0  }
0x233: {  	v0 =	vld [tilespmem:s0+$0xF288];
	_ =	sdelay $0x4  }
0x234: {  	[tilespmem:s4+$0xF288] =	vst v0  }
0x235: {  	v0 =	vld [tilespmem:s0+$0xF298];
	_ =	sdelay $0x4  }
0x236: {  	[tilespmem:s4+$0xF298] =	vst v0  }
0x237: {  	v0 =	vld [tilespmem:s0+$0xF2A8];
	_ =	sdelay $0x4  }
0x238: {  	s2 =	sadd.s32 $0x1, s2;
	[tilespmem:s4+$0xF2A8] =	vst v0  }
.LBB2_48:
0x239: {  	s3 =	sadd.s32 $0x1, s3  }
0x23a: {  	p1 =	sne.s32 s3, $0x20  }
.Ltmp32:
0x23b: {  	_ = 	snop;
	(pc) =	sbr.rel @!p1 .LBB2_49-.Ltmp32, $1  }
0x23c: {  	_ =	sdelay $0x3  }
.LBB2_41:
0x23d: {  	v0 =	vld.msk [tilespmem:s3+$0xF218], $0x1;
	_ =	sdelay $0x4  }
0x23e: {  	(v2sf) =	vpush v0, $0x0;
	_ =	sdelay $0xe  }
0x23f: {  	s4 =	spop (v2sf)  }
0x240: {  	p1 =	seq.s32 s4, $0xFFFFFFFF  }
.Ltmp33:
0x241: {  	_ = 	snop;
	(pc) =	sbr.rel @p1 .LBB2_48-.Ltmp33, $1  }
0x242: {  	_ =	sdelay $0x3  }
0x243: {  	p1 =	slt.s32 s2, $0x1  }
.Ltmp34:
0x244: {  	_ = 	snop;
	(pc) =	sbr.rel @p1 .LBB2_47-.Ltmp34, $1  }
0x245: {  	_ =	sdelay $0x3  }
0x246: {  	s5 =	simm.s32 $0xF218;
	p1 =	por $0x0, $0x0  }
0x247: {  	v1 =	vld.msk @!p1 [tilespmem:s5+$0x0], $0x1;
	_ =	sdelay $0x4  }
0x248: {  	(v2sf) =	vpush @!p1 v1, $0x0;
	_ =	sdelay $0xd  }
0x249: {  	p3 =	sne.s32 s2, $0x1  }
.Ltmp35:
0x24a: {  	s0 =	spop @!p1 (v2sf);
	(pc) =	sbr.rel @!p3 .LBB2_45-.Ltmp35, $4  }
0x24b: {  	p2 =	seq.s32 @!p1 s4, s0  }
0x24c: {  	s6 =	simm.s32 $0x0;
	p2 =	por !p2, p1  }
0x24d: {  	s7 =	simm.s32 $0xFFFFFFFF;
	s6 =	simm.s32 @p2 $0xFFFFFFFF  }
0x24e: {  	s0 =	simm.s32 $0x1;
	s6 =	smov.u32 @p1 s7  }
.LBB2_44:
0x24f: {  	s7 =	smov.u32 s6;
	p1 =	sne.s32 s6, $0xFFFFFFFF  }
0x250: {  	s5 =	sadd.s32 $0x1, s5;
	s6 =	smov.u32 s0;
	s0 =	sadd.s32 $0x1, s0  }
0x251: {  	p2 =	sne.s32 s2, s0;
	v1 =	vld.msk @!p1 [tilespmem:s5+$0x0], $0x1;
	_ =	sdelay $0x4  }
0x252: {  	(v2sf) =	vpush @!p1 v1, $0x0;
	_ =	sdelay $0xe  }
.Ltmp36:
0x253: {  	s8 =	spop @!p1 (v2sf);
	(pc) =	sbr.rel @p2 .LBB2_44-.Ltmp36, $4  }
0x254: {  	p3 =	seq.s32 @!p1 s4, s8  }
0x255: {  	p3 =	por !p3, p1  }
0x256: {  	s6 =	simm.s32 @p3 $0xFFFFFFFF  }
0x257: {  	s6 =	smov.u32 @p1 s7  }
.LBB2_45:
0x258: {  	p1 =	seq.s32 s6, $0xFFFFFFFF  }
.Ltmp37:
0x259: {  	_ = 	snop;
	(pc) =	sbr.rel @p1 .LBB2_47-.Ltmp37, $1  }
0x25a: {  	_ =	sdelay $0x3  }
0x25b: {  	s0 =	sshll.u32 s3, $0x7  }
0x25c: {  	s0 =	sand.u32 $0x3FFFFF80, s0  }
0x25d: {  	v0 =	vld [tilespmem:s0+$0xF238];
	_ =	sdelay $0x2  }
0x25e: {  	s4 =	sshll.u32 s6, $0x9  }
0x25f: {  	s4 =	sshra.s32 s4, $0x2  }
0x260: {  	[tilespmem:s4+$0xF238] =	vst.add.f32.msk $0xffff, v0  }
0x261: {  	v0 =	vld [tilespmem:s0+$0xF248];
	_ =	sdelay $0x4  }
0x262: {  	[tilespmem:s4+$0xF248] =	vst.add.f32.msk $0xffff, v0  }
0x263: {  	v0 =	vld [tilespmem:s0+$0xF258];
	_ =	sdelay $0x4  }
0x264: {  	[tilespmem:s4+$0xF258] =	vst.add.f32.msk $0xffff, v0  }
0x265: {  	v0 =	vld [tilespmem:s0+$0xF268];
	_ =	sdelay $0x4  }
0x266: {  	[tilespmem:s4+$0xF268] =	vst.add.f32.msk $0xffff, v0  }
0x267: {  	v0 =	vld [tilespmem:s0+$0xF278];
	_ =	sdelay $0x4  }
0x268: {  	[tilespmem:s4+$0xF278] =	vst.add.f32.msk $0xffff, v0  }
0x269: {  	v0 =	vld [tilespmem:s0+$0xF288];
	_ =	sdelay $0x4  }
0x26a: {  	[tilespmem:s4+$0xF288] =	vst.add.f32.msk $0xffff, v0  }
0x26b: {  	v0 =	vld [tilespmem:s0+$0xF298];
	_ =	sdelay $0x4  }
0x26c: {  	[tilespmem:s4+$0xF298] =	vst.add.f32.msk $0xffff, v0  }
0x26d: {  	v0 =	vld [tilespmem:s0+$0xF2A8]  }
.Ltmp38:
0x26e: {  	_ = 	snop;
	(pc) =	sbr.rel .LBB2_48-.Ltmp38, $2  }
0x26f: {  	_ =	sdelay $0x2  }
0x270: {  	[tilespmem:s4+$0xF2A8] =	vst.add.f32.msk $0xffff, v0  }
.LBB2_49:
0x271: {  	p1 =	slt.s32 s2, $0x1  }
.Ltmp39:
0x272: {  	_ = 	snop;
	(pc) =	sbr.rel @p1 .LBB2_53-.Ltmp39, $3  }
0x273: {  	_ =	sdelay $0x1  }
0x274: {  	s0 =	simm.s32 $0x8  }
0x275: {  	s3 =	simm.s32 $0x0;
	[sflag:s0] =	ssyncpa.u1 $0x1  }
0x276: {  	s0 =	simm.s32 $0xF218  }
0x277: {  	v0 =	vld.msk [tilespmem:s0+$0x0], $0x1;
	_ =	sdelay $0x4  }
0x278: {  	(v2sf) =	vpush v0, $0x0;
	_ =	sdelay $0xe  }
0x279: {  	s0 =	sadd.s32 $0xFFFFFFFF, s2;
	s5 =	spop (v2sf)  }
0x27a: {  	p2 =	sne.s32 s0, $0x0;
	p1 =	sgt.u32 s5, $0x270F0  }
.Ltmp40:
0x27b: {  	s6 =	sand.u32 @!p1 $0x3FFF8, s5;
	(pc) =	sbr.rel @!p2 .LBB2_52-.Ltmp40, $4  }
0x27c: {  	s4 =	simm.s32 $0xF238;
	s5 =	sand.u32 @!p1 $0x7, s5;
	s2 =	sadd.s32 @!p1 s1, s6  }
0x27d: {  	[hbm4b:s2+s5] =	stream.linear.scatter @!p1 [tilespmem:s4], [sflag:$0x7], $0x80, $0x38;
	[tilespmem:$0x1F6F8] =	vst v63  }
0x27e: {  	s5 =	simm.s32 $0x0  }
0x27f: {  	s2 =	simm.s32 $0xF219;
	s5 =	simm.s32 @!p1 $0x200  }
.LBB2_51:
0x280: {  	v0 =	vld.msk [tilespmem:s2+$0x0], $0x1;
	s0 =	sadd.s32 $0xFFFFFFFF, s0;
	s3 =	sadd.s32 s3, s5  }
0x281: {  	p1 =	sne.s32 s0, $0x0;
	_ =	sdelay $0x3  }
0x282: {  	(v2sf) =	vpush v0, $0x0;
	_ =	sdelay $0xe  }
.Ltmp41:
0x283: {  	s6 =	spop (v2sf);
	(pc) =	sbr.rel @p1 .LBB2_51-.Ltmp41, $4  }
0x284: {  	s5 =	simm.s32 $0x0;
	p2 =	sgt.u32 s6, $0x270F0  }
0x285: {  	s4 =	sadd.s32 $0x80, s4;
	s5 =	simm.s32 @!p2 $0x200;
	s7 =	sand.u32 @!p2 $0x3FFF8, s6  }
0x286: {  	s2 =	sadd.s32 $0x1, s2;
	s6 =	sand.u32 @!p2 $0x7, s6;
	s7 =	sadd.s32 @!p2 s1, s7  }
0x287: {  	[hbm4b:s7+s6] =	stream.linear.scatter @!p2 [tilespmem:s4], [sflag:$0x7], $0x80, $0x38;
	[tilespmem:$0x1F6F8] =	vst v63  }
.LBB2_52:
0x288: {  	s0 =	sadd.s32 s3, s5  }
0x289: {  	s3 =	sshrl.u32 s0, $0x2  }
.LBB2_53:
0x28a: {  	s0 =	simm.s32 $0x7  }
0x28b: {  	_ =	swait.ge [sflag:s0], s3  }
0x28c: {  	s1 =	ssub.s32 $0x0, s3;
	[sflag:s0] =	ssyncset.done $0x0  }
0x28d: {  	[sflag:s0] =	ssyncadd.s32 s1  }
0x28e: {  	[sflag:s0] =	ssyncpa.u1 $0x1  }
.LBB2_54:
0x28f: {  	_ =	sfence;
	s0 =	simm.s32 $0x1  }
0x290: {  	[sflag:s0] =	ssyncpa.u1 $0x1  }
0x291: {  	_ =	strace $0x9000004A  }
0x292: {  	[bflag:$0x2] =	sbarrier.arrive $0xFFFF  }
0x293: {  	s0 =	rddreg [dreg:$0x4]  }
0x294: {  	s0 =	sadd.s32 @!p0 $0x100000, s0  }
0x295: {  	[sflag:s0] =	ssyncadd.tile.s32 @!p0 $0x1;
	_ =	shalt  }
.Lfunc_end2:
_tile_overlayer_lowered:
.L_overlay_start_2:
0x296: {  	(tag) =	ssettag $0x2  }
0x297: {  	s0 =	rddreg [dreg:$0x0];
	s2 =	stileid.u32  }
0x298: {  	s1 =	rddreg [dreg:$0x1];
	p0 =	sne.s32 s2, $0x0  }
0x299: {  	s3 =	rddreg [dreg:$0x2];
	[bflag:$0x3] =	sbarrier.arrive $0xFFFF;
	s2 =	simm.s32 @!p0 $0x1C01  }
0x29a: {  	[timem:s3], [sflag:s2] =	dma.local @!p0 [hbm:s0], s1  }
0x29b: {  	s0 =	simm.s32 @!p0 $0x1  }
0x29c: {  	_ =	swait.ge @!p0 [sflag:s0], s1  }
0x29d: {  	s1 =	ssub.s32 @!p0 $0x0, s1;
	[sflag:s0] =	ssyncset.done @!p0 $0x0  }
0x29e: {  	[sflag:s0] =	ssyncadd.s32 @!p0 s1  }
0x29f: {  	[bflag:$0x3] =	sbarrier.arrive $0xFFFF  }
0x2a0: {  	_ =	shalt  }

</sc_bundles>
